<compile_context>
chip_gen: v7x
topology: tpu7x:2x2x1
jax: 0.10.2.dev20260603
libtpu: 0.0.44.dev20260713+nightly
codegen_flags: <defaults>
</compile_context>

<pallas_src>
import functools

import jax
import jax.numpy as jnp
from jax import lax
from jax.experimental import pallas as pl
from jax.experimental.pallas import tpu as pltpu
from jax.experimental.pallas import tpu_sc as plsc

N = 10000
E = 320000
H = 64
NC = 2
NS = 16
NT = NC * NS
CH = 125
C = 80
NB = 8
KM = CH // NB
TAIL = CH - NB * KM
RPT = N // NS

_mesh = plsc.VectorSubcoreMesh(core_axis_name="c", subcore_axis_name="s",
                               num_cores=NC, num_subcores=NS)


@functools.partial(
    pl.kernel,
    out_type=jax.ShapeDtypeStruct((NC, N, H), jnp.bfloat16),
    mesh=_mesh,
    scratch_types=[
        pltpu.VMEM_SHARED((N, H), jnp.bfloat16),
        pltpu.VMEM((CH, C), jnp.int32),
        pltpu.VMEM((CH, C), jnp.int32),
        pltpu.VMEM((NB, C, H), jnp.bfloat16),
    ] + [pltpu.SemaphoreType.DMA] * (2 * NB),
    compiler_params=pltpu.CompilerParams(use_tc_tiling_on_sc=False),
)
def _segsum(q_hbm, e_hbm, out_hbm, acc, sidx, didx, ring, *sems):
    c = lax.axis_index("c")
    s = lax.axis_index("s")
    wid = c * NS + s
    r0 = s * RPT
    gsem = sems[:NB]
    ssem = sems[NB:]
    def fire_g(b, j):
        pltpu.async_copy(q_hbm.at[sidx.at[j]], ring.at[b], gsem[b])

    def drain_g(b, j):
        pltpu.make_async_copy(q_hbm.at[sidx.at[j]], ring.at[b], gsem[b]).wait()

    def fire_s(b, j):
        pltpu.async_copy(ring.at[b], acc.at[didx.at[j]], ssem[b], add=True)

    def drain_s(b, j):
        pltpu.make_async_copy(ring.at[b], acc.at[didx.at[j]], ssem[b]).wait()

    pltpu.sync_copy(e_hbm.at[0, wid], sidx)
    for b in range(NB):
        fire_g(b, b)
    a1 = pltpu.async_copy(q_hbm.at[pl.ds(r0, RPT)], acc.at[pl.ds(r0, RPT)],
                          ssem[0])
    a2 = pltpu.async_copy(e_hbm.at[1, wid], didx, ssem[1])
    a1.wait()
    a2.wait()
    plsc.subcore_barrier()

    def body(k, carry):
        j = NB * k
        for b in range(NB):
            drain_g(b, j + b)
            fire_s(b, j + b)
        for b in range(NB):
            drain_s(b, j + b)
            pl.when(j + NB + b < CH)(lambda b=b: fire_g(b, j + NB + b))
        return carry

    lax.fori_loop(0, KM, body, 0)
    for i in range(TAIL):
        drain_g(i, NB * KM + i)
        fire_s(i, NB * KM + i)
    for i in range(TAIL):
        drain_s(i, NB * KM + i)
    plsc.subcore_barrier()
    pltpu.sync_copy(acc.at[pl.ds(r0, RPT)], out_hbm.at[c, pl.ds(r0, RPT)])


def _dot(a, b):
    return jnp.dot(a, b, preferred_element_type=jnp.float32)


def _pre_body(x_ref, w_ref, o_ref):
    o_ref[...] = _dot(x_ref[...], w_ref[...]).astype(jnp.bfloat16)


def _pre(x, w):
    m, k = x.shape
    return pl.pallas_call(
        _pre_body,
        out_shape=jax.ShapeDtypeStruct((m, H), jnp.bfloat16),
    )(x, w)


def _post_body(p_ref, q_ref, b1_ref, w2_ref, b2_ref, w1n_ref, o_ref):
    p0 = p_ref[0].astype(jnp.float32)
    p1 = p_ref[1].astype(jnp.float32)
    q = q_ref[...].astype(jnp.float32)
    t = jnp.maximum(p0 + p1 - q + b1_ref[...], 0.0)
    z = _dot(t, w2_ref[...]) + b2_ref[...]
    o_ref[...] = _dot(jnp.maximum(z, 0.0), w1n_ref[...]).astype(jnp.bfloat16)


def _post(p, q, b1, w2, b2, w1n):
    return pl.pallas_call(
        _post_body,
        out_shape=jax.ShapeDtypeStruct((N, H), jnp.bfloat16),
    )(p, q, b1.reshape(1, H), w2, b2.reshape(1, H), w1n)


def _final_body(p_ref, q_ref, b1_ref, w2_ref, b2_ref, o_ref):
    p0 = p_ref[0].astype(jnp.float32)
    p1 = p_ref[1].astype(jnp.float32)
    q = q_ref[...].astype(jnp.float32)
    t = jnp.maximum(p0 + p1 - q + b1_ref[...], 0.0)
    z = _dot(t, w2_ref[...]) + b2_ref[...]
    h = jnp.maximum(z, 0.0)
    o_ref[...] = jnp.sum(h, axis=0, keepdims=True) * (1.0 / N)


def _final(p, q, b1, w2, b2):
    return pl.pallas_call(
        _final_body,
        out_shape=jax.ShapeDtypeStruct((1, H), jnp.float32),
    )(p, q, b1.reshape(1, H), w2, b2.reshape(1, H))


def kernel(feat, edge_index, W1_0, b1_0, W2_0, b2_0, W1_1, b1_1, W2_1, b2_1,
           W1_2, b1_2, W2_2, b2_2):
    e4 = edge_index.reshape(2, NT, CH, C)

    q = _pre(feat, W1_0)
    p = _segsum(q, e4)
    q = _post(p, q, b1_0, W2_0, b2_0, W1_1)
    p = _segsum(q, e4)
    q = _post(p, q, b1_1, W2_1, b2_1, W1_2)
    p = _segsum(q, e4)
    return _final(p, q, b1_2, W2_2, b2_2).reshape(H)

# --- scband reference (transcript-rebuilt; emitter-appended) ---
"""Pipeline reference for scband-ginencoder-70806830841987 (READ-ONLY COPY).

The authoritative reference and input builder live on the scoring server;
editing this copy changes nothing except your own understanding.
"""

import jax, jax.numpy as jnp
import numpy as np

N = 10000
E = 320000
IN_DIM = 128
H = 64

def setup_inputs(seed: int = 0):
    key = jax.random.key(seed)
    ks = jax.random.split(key, 16)
    inp = {}
    inp['feat'] = jax.random.normal(ks[0], (N, IN_DIM), dtype=jnp.float32)
    inp['edge_index'] = jax.random.randint(ks[1], (2, E), 0, N, dtype=jnp.int32)
    dims = [IN_DIM, H, H, H]
    for i in range(3):
        inp['W1_%d' % i] = jax.random.normal(ks[2 + 4 * i], (dims[i], H), dtype=jnp.float32) * 0.05
        inp['b1_%d' % i] = jnp.zeros((H,), dtype=jnp.float32)
        inp['W2_%d' % i] = jax.random.normal(ks[3 + 4 * i], (H, H), dtype=jnp.float32) * 0.05
        inp['b2_%d' % i] = jnp.zeros((H,), dtype=jnp.float32)
    return inp

def reference(feat, edge_index, W1_0, b1_0, W2_0, b2_0, W1_1, b1_1, W2_1, b2_1, W1_2, b1_2, W2_2, b2_2):
    # GINConv (aggregator='sum', eps=0): h' = MLP((1+eps)*h_dst + sum_{src->dst} h_src), then ReLU.
    src = edge_index[0]
    dst = edge_index[1]
    params = [(W1_0, b1_0, W2_0, b2_0), (W1_1, b1_1, W2_1, b2_1), (W1_2, b1_2, W2_2, b2_2)]
    h = feat
    for (W1, b1, W2, b2) in params:
        agg = jax.ops.segment_sum(h[src], dst, num_segments=N)  # scatter-add over dst nodes
        z = h + agg  # (1 + eps) * h + aggregated neighbors, eps = 0
        z = jnp.maximum(z @ W1 + b1, 0.0) @ W2 + b2  # Linear-ReLU-Linear MLP
        h = jnp.maximum(z, 0.0)  # outer ReLU after each conv
    # dgl.mean_nodes over the single graph, then squeeze(0) -> (H,)
    return jnp.mean(h, axis=0)

if __name__ == "__main__":
    import jax
    _d = setup_inputs()
    print(jax.jit(kernel)(*tuple(_d.values())))

</pallas_src>

<mosaic_0001>
#map = affine_map<(d0, d1) -> (0, 0)>
#map1 = affine_map<(d0, d1) -> (0, 0, 0, 0)>
#map2 = affine_map<(d0, d1) -> (0, 0, 0)>
module attributes {stable_mosaic.version = 14 : i64} {
  func.func @_segsum(%arg0: i32, %arg1: i32, %arg2: memref<10000x64xbf16, #tpu.memory_space<hbm>>, %arg3: memref<2x32x125x80xi32, #tpu.memory_space<hbm>>, %arg4: memref<2x10000x64xbf16, #tpu.memory_space<hbm>>, %arg5: memref<10000x64xbf16, #tpu.memory_space<vmem_shared>>, %arg6: memref<125x80xi32, #tpu.memory_space<vmem>>, %arg7: memref<125x80xi32, #tpu.memory_space<vmem>>, %arg8: memref<8x80x64xbf16, #tpu.memory_space<vmem>>, %arg9: memref<!tpu.dma_semaphore, #tpu.memory_space<semaphore_mem>>, %arg10: memref<!tpu.dma_semaphore, #tpu.memory_space<semaphore_mem>>, %arg11: memref<!tpu.dma_semaphore, #tpu.memory_space<semaphore_mem>>, %arg12: memref<!tpu.dma_semaphore, #tpu.memory_space<semaphore_mem>>, %arg13: memref<!tpu.dma_semaphore, #tpu.memory_space<semaphore_mem>>, %arg14: memref<!tpu.dma_semaphore, #tpu.memory_space<semaphore_mem>>, %arg15: memref<!tpu.dma_semaphore, #tpu.memory_space<semaphore_mem>>, %arg16: memref<!tpu.dma_semaphore, #tpu.memory_space<semaphore_mem>>, %arg17: memref<!tpu.dma_semaphore, #tpu.memory_space<semaphore_mem>>, %arg18: memref<!tpu.dma_semaphore, #tpu.memory_space<semaphore_mem>>, %arg19: memref<!tpu.dma_semaphore, #tpu.memory_space<semaphore_mem>>, %arg20: memref<!tpu.dma_semaphore, #tpu.memory_space<semaphore_mem>>, %arg21: memref<!tpu.dma_semaphore, #tpu.memory_space<semaphore_mem>>, %arg22: memref<!tpu.dma_semaphore, #tpu.memory_space<semaphore_mem>>, %arg23: memref<!tpu.dma_semaphore, #tpu.memory_space<semaphore_mem>>, %arg24: memref<!tpu.dma_semaphore, #tpu.memory_space<semaphore_mem>>) attributes {dimension_semantics = [#tpu.dimension_semantics<core_parallel>, #tpu.dimension_semantics<subcore_parallel>], iteration_bounds = array<i64: 2, 16>, scalar_prefetch = 0 : i64, scratch_operands = 20 : i64, tpu.core_type = #tpu.core_type<sc_vector_subcore>, window_params = [{transform_indices = #map}, {transform_indices = #map1}, {transform_indices = #map2}]} {
    %mul3A = arith.constant 16 : i32
    %mul3A_0 = arith.muli %arg0, %mul3A : i32
    %add3A = arith.addi %mul3A_0, %arg1 : i32
    %mul3A_1 = arith.constant 625 : i32
    %mul3A_2 = arith.muli %arg1, %mul3A_1 : i32
    %run_scoped3A = arith.constant 0 : i32
    "tpu.region"() ({
      %run_scoped3A_309 = tpu.sem_alloc : memref<!tpu.dma_semaphore, #tpu.memory_space<semaphore_mem>>
      %dma_start3A_310 = arith.constant 0 : i32
      %dma_start3A_311 = arith.constant 0 : i32
      %dma_start3A_312 = tpu.memref_slice %arg3[%run_scoped3A, %add3A, %dma_start3A_310, %dma_start3A_311] : memref<2x32x125x80xi32, #tpu.memory_space<hbm>> -> memref<1x1x125x80xi32, #tpu.memory_space<hbm>>
      %dma_start3A_313 = tpu.memref_squeeze %dma_start3A_312 : memref<1x1x125x80xi32, #tpu.memory_space<hbm>> -> memref<125x80xi32, #tpu.memory_space<hbm>>
      %dma_start3A_314 = arith.constant 0 : i32
      %dma_start3A_315 = arith.constant 0 : i32
      %dma_start3A_316 = tpu.memref_slice %arg3[%run_scoped3A, %add3A, %dma_start3A_314, %dma_start3A_315] : memref<2x32x125x80xi32, #tpu.memory_space<hbm>> -> memref<1x1x125x80xi32, #tpu.memory_space<hbm>>
      %dma_start3A_317 = tpu.memref_squeeze %dma_start3A_316 : memref<1x1x125x80xi32, #tpu.memory_space<hbm>> -> memref<125x80xi32, #tpu.memory_space<hbm>>
      tpu.enqueue_dma source(%dma_start3A_317 : memref<125x80xi32, #tpu.memory_space<hbm>>) target(%arg6 : memref<125x80xi32, #tpu.memory_space<vmem>>) target_semaphore(%run_scoped3A_309 : memref<!tpu.dma_semaphore, #tpu.memory_space<semaphore_mem>>)
      %dma_wait3A_318 = arith.constant 0 : i32
      %dma_wait3A_319 = arith.constant 0 : i32
      %dma_wait3A_320 = tpu.memref_slice %arg3[%run_scoped3A, %add3A, %dma_wait3A_318, %dma_wait3A_319] : memref<2x32x125x80xi32, #tpu.memory_space<hbm>> -> memref<1x1x125x80xi32, #tpu.memory_space<hbm>>
      %dma_wait3A_321 = tpu.memref_squeeze %dma_wait3A_320 : memref<1x1x125x80xi32, #tpu.memory_space<hbm>> -> memref<125x80xi32, #tpu.memory_space<hbm>>
      %dma_wait3A_322 = arith.constant 0 : i32
      %dma_wait3A_323 = arith.constant 0 : i32
      %dma_wait3A_324 = tpu.memref_slice %arg3[%run_scoped3A, %add3A, %dma_wait3A_322, %dma_wait3A_323] : memref<2x32x125x80xi32, #tpu.memory_space<hbm>> -> memref<1x1x125x80xi32, #tpu.memory_space<hbm>>
      %dma_wait3A_325 = tpu.memref_squeeze %dma_wait3A_324 : memref<1x1x125x80xi32, #tpu.memory_space<hbm>> -> memref<125x80xi32, #tpu.memory_space<hbm>>
      tpu.wait_dma2 semaphore(%run_scoped3A_309 : memref<!tpu.dma_semaphore, #tpu.memory_space<semaphore_mem>>) src(%dma_wait3A_325 : memref<125x80xi32, #tpu.memory_space<hbm>>) dst(%arg6 : memref<125x80xi32, #tpu.memory_space<vmem>>)
      tpu.yield
    }) : () -> ()
    %dma_start3A = arith.constant 0 : i32
    %dma_start3A_3 = arith.constant 0 : i32
    %dma_start3A_4 = arith.constant 0 : i32
    %dma_start3A_5 = arith.constant 0 : i32
    %dma_start3A_6 = tpu.memref_slice %arg8[%dma_start3A_3, %dma_start3A_4, %dma_start3A_5] : memref<8x80x64xbf16, #tpu.memory_space<vmem>> -> memref<1x80x64xbf16, #tpu.memory_space<vmem>>
    %dma_start3A_7 = tpu.memref_squeeze %dma_start3A_6 : memref<1x80x64xbf16, #tpu.memory_space<vmem>> -> memref<80x64xbf16, #tpu.memory_space<vmem>>
    %dma_start3A_8 = arith.constant 0 : i32
    %dma_start3A_9 = tpu.memref_slice %arg6[%dma_start3A, %dma_start3A_8] : memref<125x80xi32, #tpu.memory_space<vmem>> -> memref<1x80xi32, #tpu.memory_space<vmem>>
    %dma_start3A_10 = tpu.memref_squeeze %dma_start3A_9 : memref<1x80xi32, #tpu.memory_space<vmem>> -> memref<80xi32, #tpu.memory_space<vmem>>
    %dma_start3A_11 = arith.constant 0 : i32
    %dma_start3A_12 = arith.constant 0 : i32
    %dma_start3A_13 = tpu.memref_slice %arg2[%dma_start3A_11, %dma_start3A_12] : memref<10000x64xbf16, #tpu.memory_space<hbm>> -> memref<10000x64xbf16, #tpu.memory_space<hbm>>
    tpu.enqueue_indirect_dma source(%dma_start3A_13 : memref<10000x64xbf16, #tpu.memory_space<hbm>>) target(%dma_start3A_7 : memref<80x64xbf16, #tpu.memory_space<vmem>>) offsets(%dma_start3A_10 : memref<80xi32, #tpu.memory_space<vmem>>) semaphore(%arg9 : memref<!tpu.dma_semaphore, #tpu.memory_space<semaphore_mem>>)
    %dma_start3A_14 = arith.constant 1 : i32
    %dma_start3A_15 = arith.constant 1 : i32
    %dma_start3A_16 = arith.constant 0 : i32
    %dma_start3A_17 = arith.constant 0 : i32
    %dma_start3A_18 = tpu.memref_slice %arg8[%dma_start3A_15, %dma_start3A_16, %dma_start3A_17] : memref<8x80x64xbf16, #tpu.memory_space<vmem>> -> memref<1x80x64xbf16, #tpu.memory_space<vmem>>
    %dma_start3A_19 = tpu.memref_squeeze %dma_start3A_18 : memref<1x80x64xbf16, #tpu.memory_space<vmem>> -> memref<80x64xbf16, #tpu.memory_space<vmem>>
    %dma_start3A_20 = arith.constant 0 : i32
    %dma_start3A_21 = tpu.memref_slice %arg6[%dma_start3A_14, %dma_start3A_20] : memref<125x80xi32, #tpu.memory_space<vmem>> -> memref<1x80xi32, #tpu.memory_space<vmem>>
    %dma_start3A_22 = tpu.memref_squeeze %dma_start3A_21 : memref<1x80xi32, #tpu.memory_space<vmem>> -> memref<80xi32, #tpu.memory_space<vmem>>
    %dma_start3A_23 = arith.constant 0 : i32
    %dma_start3A_24 = arith.constant 0 : i32
    %dma_start3A_25 = tpu.memref_slice %arg2[%dma_start3A_23, %dma_start3A_24] : memref<10000x64xbf16, #tpu.memory_space<hbm>> -> memref<10000x64xbf16, #tpu.memory_space<hbm>>
    tpu.enqueue_indirect_dma source(%dma_start3A_25 : memref<10000x64xbf16, #tpu.memory_space<hbm>>) target(%dma_start3A_19 : memref<80x64xbf16, #tpu.memory_space<vmem>>) offsets(%dma_start3A_22 : memref<80xi32, #tpu.memory_space<vmem>>) semaphore(%arg10 : memref<!tpu.dma_semaphore, #tpu.memory_space<semaphore_mem>>)
    %dma_start3A_26 = arith.constant 2 : i32
    %dma_start3A_27 = arith.constant 2 : i32
    %dma_start3A_28 = arith.constant 0 : i32
    %dma_start3A_29 = arith.constant 0 : i32
    %dma_start3A_30 = tpu.memref_slice %arg8[%dma_start3A_27, %dma_start3A_28, %dma_start3A_29] : memref<8x80x64xbf16, #tpu.memory_space<vmem>> -> memref<1x80x64xbf16, #tpu.memory_space<vmem>>
    %dma_start3A_31 = tpu.memref_squeeze %dma_start3A_30 : memref<1x80x64xbf16, #tpu.memory_space<vmem>> -> memref<80x64xbf16, #tpu.memory_space<vmem>>
    %dma_start3A_32 = arith.constant 0 : i32
    %dma_start3A_33 = tpu.memref_slice %arg6[%dma_start3A_26, %dma_start3A_32] : memref<125x80xi32, #tpu.memory_space<vmem>> -> memref<1x80xi32, #tpu.memory_space<vmem>>
    %dma_start3A_34 = tpu.memref_squeeze %dma_start3A_33 : memref<1x80xi32, #tpu.memory_space<vmem>> -> memref<80xi32, #tpu.memory_space<vmem>>
    %dma_start3A_35 = arith.constant 0 : i32
    %dma_start3A_36 = arith.constant 0 : i32
    %dma_start3A_37 = tpu.memref_slice %arg2[%dma_start3A_35, %dma_start3A_36] : memref<10000x64xbf16, #tpu.memory_space<hbm>> -> memref<10000x64xbf16, #tpu.memory_space<hbm>>
    tpu.enqueue_indirect_dma source(%dma_start3A_37 : memref<10000x64xbf16, #tpu.memory_space<hbm>>) target(%dma_start3A_31 : memref<80x64xbf16, #tpu.memory_space<vmem>>) offsets(%dma_start3A_34 : memref<80xi32, #tpu.memory_space<vmem>>) semaphore(%arg11 : memref<!tpu.dma_semaphore, #tpu.memory_space<semaphore_mem>>)
    %dma_start3A_38 = arith.constant 3 : i32
    %dma_start3A_39 = arith.constant 3 : i32
    %dma_start3A_40 = arith.constant 0 : i32
    %dma_start3A_41 = arith.constant 0 : i32
    %dma_start3A_42 = tpu.memref_slice %arg8[%dma_start3A_39, %dma_start3A_40, %dma_start3A_41] : memref<8x80x64xbf16, #tpu.memory_space<vmem>> -> memref<1x80x64xbf16, #tpu.memory_space<vmem>>
    %dma_start3A_43 = tpu.memref_squeeze %dma_start3A_42 : memref<1x80x64xbf16, #tpu.memory_space<vmem>> -> memref<80x64xbf16, #tpu.memory_space<vmem>>
    %dma_start3A_44 = arith.constant 0 : i32
    %dma_start3A_45 = tpu.memref_slice %arg6[%dma_start3A_38, %dma_start3A_44] : memref<125x80xi32, #tpu.memory_space<vmem>> -> memref<1x80xi32, #tpu.memory_space<vmem>>
    %dma_start3A_46 = tpu.memref_squeeze %dma_start3A_45 : memref<1x80xi32, #tpu.memory_space<vmem>> -> memref<80xi32, #tpu.memory_space<vmem>>
    %dma_start3A_47 = arith.constant 0 : i32
    %dma_start3A_48 = arith.constant 0 : i32
    %dma_start3A_49 = tpu.memref_slice %arg2[%dma_start3A_47, %dma_start3A_48] : memref<10000x64xbf16, #tpu.memory_space<hbm>> -> memref<10000x64xbf16, #tpu.memory_space<hbm>>
    tpu.enqueue_indirect_dma source(%dma_start3A_49 : memref<10000x64xbf16, #tpu.memory_space<hbm>>) target(%dma_start3A_43 : memref<80x64xbf16, #tpu.memory_space<vmem>>) offsets(%dma_start3A_46 : memref<80xi32, #tpu.memory_space<vmem>>) semaphore(%arg12 : memref<!tpu.dma_semaphore, #tpu.memory_space<semaphore_mem>>)
    %dma_start3A_50 = arith.constant 4 : i32
    %dma_start3A_51 = arith.constant 4 : i32
    %dma_start3A_52 = arith.constant 0 : i32
    %dma_start3A_53 = arith.constant 0 : i32
    %dma_start3A_54 = tpu.memref_slice %arg8[%dma_start3A_51, %dma_start3A_52, %dma_start3A_53] : memref<8x80x64xbf16, #tpu.memory_space<vmem>> -> memref<1x80x64xbf16, #tpu.memory_space<vmem>>
    %dma_start3A_55 = tpu.memref_squeeze %dma_start3A_54 : memref<1x80x64xbf16, #tpu.memory_space<vmem>> -> memref<80x64xbf16, #tpu.memory_space<vmem>>
    %dma_start3A_56 = arith.constant 0 : i32
    %dma_start3A_57 = tpu.memref_slice %arg6[%dma_start3A_50, %dma_start3A_56] : memref<125x80xi32, #tpu.memory_space<vmem>> -> memref<1x80xi32, #tpu.memory_space<vmem>>
    %dma_start3A_58 = tpu.memref_squeeze %dma_start3A_57 : memref<1x80xi32, #tpu.memory_space<vmem>> -> memref<80xi32, #tpu.memory_space<vmem>>
    %dma_start3A_59 = arith.constant 0 : i32
    %dma_start3A_60 = arith.constant 0 : i32
    %dma_start3A_61 = tpu.memref_slice %arg2[%dma_start3A_59, %dma_start3A_60] : memref<10000x64xbf16, #tpu.memory_space<hbm>> -> memref<10000x64xbf16, #tpu.memory_space<hbm>>
    tpu.enqueue_indirect_dma source(%dma_start3A_61 : memref<10000x64xbf16, #tpu.memory_space<hbm>>) target(%dma_start3A_55 : memref<80x64xbf16, #tpu.memory_space<vmem>>) offsets(%dma_start3A_58 : memref<80xi32, #tpu.memory_space<vmem>>) semaphore(%arg13 : memref<!tpu.dma_semaphore, #tpu.memory_space<semaphore_mem>>)
    %dma_start3A_62 = arith.constant 5 : i32
    %dma_start3A_63 = arith.constant 5 : i32
    %dma_start3A_64 = arith.constant 0 : i32
    %dma_start3A_65 = arith.constant 0 : i32
    %dma_start3A_66 = tpu.memref_slice %arg8[%dma_start3A_63, %dma_start3A_64, %dma_start3A_65] : memref<8x80x64xbf16, #tpu.memory_space<vmem>> -> memref<1x80x64xbf16, #tpu.memory_space<vmem>>
    %dma_start3A_67 = tpu.memref_squeeze %dma_start3A_66 : memref<1x80x64xbf16, #tpu.memory_space<vmem>> -> memref<80x64xbf16, #tpu.memory_space<vmem>>
    %dma_start3A_68 = arith.constant 0 : i32
    %dma_start3A_69 = tpu.memref_slice %arg6[%dma_start3A_62, %dma_start3A_68] : memref<125x80xi32, #tpu.memory_space<vmem>> -> memref<1x80xi32, #tpu.memory_space<vmem>>
    %dma_start3A_70 = tpu.memref_squeeze %dma_start3A_69 : memref<1x80xi32, #tpu.memory_space<vmem>> -> memref<80xi32, #tpu.memory_space<vmem>>
    %dma_start3A_71 = arith.constant 0 : i32
    %dma_start3A_72 = arith.constant 0 : i32
    %dma_start3A_73 = tpu.memref_slice %arg2[%dma_start3A_71, %dma_start3A_72] : memref<10000x64xbf16, #tpu.memory_space<hbm>> -> memref<10000x64xbf16, #tpu.memory_space<hbm>>
    tpu.enqueue_indirect_dma source(%dma_start3A_73 : memref<10000x64xbf16, #tpu.memory_space<hbm>>) target(%dma_start3A_67 : memref<80x64xbf16, #tpu.memory_space<vmem>>) offsets(%dma_start3A_70 : memref<80xi32, #tpu.memory_space<vmem>>) semaphore(%arg14 : memref<!tpu.dma_semaphore, #tpu.memory_space<semaphore_mem>>)
    %dma_start3A_74 = arith.constant 6 : i32
    %dma_start3A_75 = arith.constant 6 : i32
    %dma_start3A_76 = arith.constant 0 : i32
    %dma_start3A_77 = arith.constant 0 : i32
    %dma_start3A_78 = tpu.memref_slice %arg8[%dma_start3A_75, %dma_start3A_76, %dma_start3A_77] : memref<8x80x64xbf16, #tpu.memory_space<vmem>> -> memref<1x80x64xbf16, #tpu.memory_space<vmem>>
    %dma_start3A_79 = tpu.memref_squeeze %dma_start3A_78 : memref<1x80x64xbf16, #tpu.memory_space<vmem>> -> memref<80x64xbf16, #tpu.memory_space<vmem>>
    %dma_start3A_80 = arith.constant 0 : i32
    %dma_start3A_81 = tpu.memref_slice %arg6[%dma_start3A_74, %dma_start3A_80] : memref<125x80xi32, #tpu.memory_space<vmem>> -> memref<1x80xi32, #tpu.memory_space<vmem>>
    %dma_start3A_82 = tpu.memref_squeeze %dma_start3A_81 : memref<1x80xi32, #tpu.memory_space<vmem>> -> memref<80xi32, #tpu.memory_space<vmem>>
    %dma_start3A_83 = arith.constant 0 : i32
    %dma_start3A_84 = arith.constant 0 : i32
    %dma_start3A_85 = tpu.memref_slice %arg2[%dma_start3A_83, %dma_start3A_84] : memref<10000x64xbf16, #tpu.memory_space<hbm>> -> memref<10000x64xbf16, #tpu.memory_space<hbm>>
    tpu.enqueue_indirect_dma source(%dma_start3A_85 : memref<10000x64xbf16, #tpu.memory_space<hbm>>) target(%dma_start3A_79 : memref<80x64xbf16, #tpu.memory_space<vmem>>) offsets(%dma_start3A_82 : memref<80xi32, #tpu.memory_space<vmem>>) semaphore(%arg15 : memref<!tpu.dma_semaphore, #tpu.memory_space<semaphore_mem>>)
    %dma_start3A_86 = arith.constant 7 : i32
    %dma_start3A_87 = arith.constant 7 : i32
    %dma_start3A_88 = arith.constant 0 : i32
    %dma_start3A_89 = arith.constant 0 : i32
    %dma_start3A_90 = tpu.memref_slice %arg8[%dma_start3A_87, %dma_start3A_88, %dma_start3A_89] : memref<8x80x64xbf16, #tpu.memory_space<vmem>> -> memref<1x80x64xbf16, #tpu.memory_space<vmem>>
    %dma_start3A_91 = tpu.memref_squeeze %dma_start3A_90 : memref<1x80x64xbf16, #tpu.memory_space<vmem>> -> memref<80x64xbf16, #tpu.memory_space<vmem>>
    %dma_start3A_92 = arith.constant 0 : i32
    %dma_start3A_93 = tpu.memref_slice %arg6[%dma_start3A_86, %dma_start3A_92] : memref<125x80xi32, #tpu.memory_space<vmem>> -> memref<1x80xi32, #tpu.memory_space<vmem>>
    %dma_start3A_94 = tpu.memref_squeeze %dma_start3A_93 : memref<1x80xi32, #tpu.memory_space<vmem>> -> memref<80xi32, #tpu.memory_space<vmem>>
    %dma_start3A_95 = arith.constant 0 : i32
    %dma_start3A_96 = arith.constant 0 : i32
    %dma_start3A_97 = tpu.memref_slice %arg2[%dma_start3A_95, %dma_start3A_96] : memref<10000x64xbf16, #tpu.memory_space<hbm>> -> memref<10000x64xbf16, #tpu.memory_space<hbm>>
    tpu.enqueue_indirect_dma source(%dma_start3A_97 : memref<10000x64xbf16, #tpu.memory_space<hbm>>) target(%dma_start3A_91 : memref<80x64xbf16, #tpu.memory_space<vmem>>) offsets(%dma_start3A_94 : memref<80xi32, #tpu.memory_space<vmem>>) semaphore(%arg16 : memref<!tpu.dma_semaphore, #tpu.memory_space<semaphore_mem>>)
    %dma_start3A_98 = arith.constant 0 : i32
    %dma_start3A_99 = tpu.memref_slice %arg5[%mul3A_2, %dma_start3A_98] : memref<10000x64xbf16, #tpu.memory_space<vmem_shared>> -> memref<625x64xbf16, #tpu.memory_space<vmem_shared>>
    %dma_start3A_100 = arith.constant 0 : i32
    %dma_start3A_101 = tpu.memref_slice %arg2[%mul3A_2, %dma_start3A_100] : memref<10000x64xbf16, #tpu.memory_space<hbm>> -> memref<625x64xbf16, #tpu.memory_space<hbm>>
    tpu.enqueue_dma source(%dma_start3A_101 : memref<625x64xbf16, #tpu.memory_space<hbm>>) target(%dma_start3A_99 : memref<625x64xbf16, #tpu.memory_space<vmem_shared>>) target_semaphore(%arg17 : memref<!tpu.dma_semaphore, #tpu.memory_space<semaphore_mem>>)
    %dma_start3A_102 = arith.constant 1 : i32
    %dma_start3A_103 = arith.constant 0 : i32
    %dma_start3A_104 = arith.constant 0 : i32
    %dma_start3A_105 = tpu.memref_slice %arg3[%dma_start3A_102, %add3A, %dma_start3A_103, %dma_start3A_104] : memref<2x32x125x80xi32, #tpu.memory_space<hbm>> -> memref<1x1x125x80xi32, #tpu.memory_space<hbm>>
    %dma_start3A_106 = tpu.memref_squeeze %dma_start3A_105 : memref<1x1x125x80xi32, #tpu.memory_space<hbm>> -> memref<125x80xi32, #tpu.memory_space<hbm>>
    %dma_start3A_107 = arith.constant 0 : i32
    %dma_start3A_108 = arith.constant 0 : i32
    %dma_start3A_109 = tpu.memref_slice %arg3[%dma_start3A_102, %add3A, %dma_start3A_107, %dma_start3A_108] : memref<2x32x125x80xi32, #tpu.memory_space<hbm>> -> memref<1x1x125x80xi32, #tpu.memory_space<hbm>>
    %dma_start3A_110 = tpu.memref_squeeze %dma_start3A_109 : memref<1x1x125x80xi32, #tpu.memory_space<hbm>> -> memref<125x80xi32, #tpu.memory_space<hbm>>
    tpu.enqueue_dma source(%dma_start3A_110 : memref<125x80xi32, #tpu.memory_space<hbm>>) target(%arg7 : memref<125x80xi32, #tpu.memory_space<vmem>>) target_semaphore(%arg18 : memref<!tpu.dma_semaphore, #tpu.memory_space<semaphore_mem>>)
    %dma_wait3A = arith.constant 0 : i32
    %dma_wait3A_111 = tpu.memref_slice %arg5[%mul3A_2, %dma_wait3A] : memref<10000x64xbf16, #tpu.memory_space<vmem_shared>> -> memref<625x64xbf16, #tpu.memory_space<vmem_shared>>
    %dma_wait3A_112 = arith.constant 0 : i32
    %dma_wait3A_113 = tpu.memref_slice %arg2[%mul3A_2, %dma_wait3A_112] : memref<10000x64xbf16, #tpu.memory_space<hbm>> -> memref<625x64xbf16, #tpu.memory_space<hbm>>
    tpu.wait_dma2 semaphore(%arg17 : memref<!tpu.dma_semaphore, #tpu.memory_space<semaphore_mem>>) src(%dma_wait3A_113 : memref<625x64xbf16, #tpu.memory_space<hbm>>) dst(%dma_wait3A_111 : memref<625x64xbf16, #tpu.memory_space<vmem_shared>>)
    %dma_wait3A_114 = arith.constant 1 : i32
    %dma_wait3A_115 = arith.constant 0 : i32
    %dma_wait3A_116 = arith.constant 0 : i32
    %dma_wait3A_117 = tpu.memref_slice %arg3[%dma_wait3A_114, %add3A, %dma_wait3A_115, %dma_wait3A_116] : memref<2x32x125x80xi32, #tpu.memory_space<hbm>> -> memref<1x1x125x80xi32, #tpu.memory_space<hbm>>
    %dma_wait3A_118 = tpu.memref_squeeze %dma_wait3A_117 : memref<1x1x125x80xi32, #tpu.memory_space<hbm>> -> memref<125x80xi32, #tpu.memory_space<hbm>>
    %dma_wait3A_119 = arith.constant 0 : i32
    %dma_wait3A_120 = arith.constant 0 : i32
    %dma_wait3A_121 = tpu.memref_slice %arg3[%dma_wait3A_114, %add3A, %dma_wait3A_119, %dma_wait3A_120] : memref<2x32x125x80xi32, #tpu.memory_space<hbm>> -> memref<1x1x125x80xi32, #tpu.memory_space<hbm>>
    %dma_wait3A_122 = tpu.memref_squeeze %dma_wait3A_121 : memref<1x1x125x80xi32, #tpu.memory_space<hbm>> -> memref<125x80xi32, #tpu.memory_space<hbm>>
    tpu.wait_dma2 semaphore(%arg18 : memref<!tpu.dma_semaphore, #tpu.memory_space<semaphore_mem>>) src(%dma_wait3A_122 : memref<125x80xi32, #tpu.memory_space<hbm>>) dst(%arg7 : memref<125x80xi32, #tpu.memory_space<vmem>>)
    %barrier3A = arith.constant 0 : index
    tpu.barrier barrier_id(%barrier3A)
    %scan3A = arith.constant 0 : i32
    %scan3A_123 = arith.constant 0 : i32
    %scan3A_124 = arith.constant 15 : i32
    %scan3A_125 = arith.addi %scan3A_123, %scan3A_124 : i32
    %scan3A_126 = arith.constant 1 : i32
    scf.for %scan3A_309 = %scan3A_123 to %scan3A_125 step %scan3A_126  : i32 {
      %mul3A_310 = arith.constant 8 : i32
      %mul3A_311 = arith.muli %mul3A_310, %scan3A_309 : i32
      %add3A_312 = arith.constant 0 : i32
      %add3A_313 = arith.addi %mul3A_311, %add3A_312 : i32
      %dma_wait3A_314 = arith.constant 0 : i32
      %dma_wait3A_315 = arith.constant 0 : i32
      %dma_wait3A_316 = arith.constant 0 : i32
      %dma_wait3A_317 = tpu.memref_slice %arg8[%dma_wait3A_314, %dma_wait3A_315, %dma_wait3A_316] : memref<8x80x64xbf16, #tpu.memory_space<vmem>> -> memref<1x80x64xbf16, #tpu.memory_space<vmem>>
      %dma_wait3A_318 = tpu.memref_squeeze %dma_wait3A_317 : memref<1x80x64xbf16, #tpu.memory_space<vmem>> -> memref<80x64xbf16, #tpu.memory_space<vmem>>
      %dma_wait3A_319 = arith.constant 0 : i32
      %dma_wait3A_320 = tpu.memref_slice %arg6[%add3A_313, %dma_wait3A_319] : memref<125x80xi32, #tpu.memory_space<vmem>> -> memref<1x80xi32, #tpu.memory_space<vmem>>
      %dma_wait3A_321 = tpu.memref_squeeze %dma_wait3A_320 : memref<1x80xi32, #tpu.memory_space<vmem>> -> memref<80xi32, #tpu.memory_space<vmem>>
      %dma_wait3A_322 = arith.constant 0 : i32
      %dma_wait3A_323 = arith.constant 0 : i32
      %dma_wait3A_324 = tpu.memref_slice %arg2[%dma_wait3A_322, %dma_wait3A_323] : memref<10000x64xbf16, #tpu.memory_space<hbm>> -> memref<10000x64xbf16, #tpu.memory_space<hbm>>
      tpu.wait_indirect_dma semaphore(%arg9 : memref<!tpu.dma_semaphore, #tpu.memory_space<semaphore_mem>>) src(%dma_wait3A_324 : memref<10000x64xbf16, #tpu.memory_space<hbm>>) dst(%dma_wait3A_318 : memref<80x64xbf16, #tpu.memory_space<vmem>>)
      %add3A_325 = arith.constant 0 : i32
      %add3A_326 = arith.addi %mul3A_311, %add3A_325 : i32
      %dma_start3A_327 = arith.constant 0 : i32
      %dma_start3A_328 = arith.constant 0 : i32
      %dma_start3A_329 = arith.constant 0 : i32
      %dma_start3A_330 = tpu.memref_slice %arg8[%dma_start3A_327, %dma_start3A_328, %dma_start3A_329] : memref<8x80x64xbf16, #tpu.memory_space<vmem>> -> memref<1x80x64xbf16, #tpu.memory_space<vmem>>
      %dma_start3A_331 = tpu.memref_squeeze %dma_start3A_330 : memref<1x80x64xbf16, #tpu.memory_space<vmem>> -> memref<80x64xbf16, #tpu.memory_space<vmem>>
      %dma_start3A_332 = arith.constant 0 : i32
      %dma_start3A_333 = tpu.memref_slice %arg7[%add3A_326, %dma_start3A_332] : memref<125x80xi32, #tpu.memory_space<vmem>> -> memref<1x80xi32, #tpu.memory_space<vmem>>
      %dma_start3A_334 = tpu.memref_squeeze %dma_start3A_333 : memref<1x80xi32, #tpu.memory_space<vmem>> -> memref<80xi32, #tpu.memory_space<vmem>>
      %dma_start3A_335 = arith.constant 0 : i32
      %dma_start3A_336 = arith.constant 0 : i32
      %dma_start3A_337 = tpu.memref_slice %arg5[%dma_start3A_335, %dma_start3A_336] : memref<10000x64xbf16, #tpu.memory_space<vmem_shared>> -> memref<10000x64xbf16, #tpu.memory_space<vmem_shared>>
      tpu.enqueue_indirect_dma source(%dma_start3A_331 : memref<80x64xbf16, #tpu.memory_space<vmem>>) target(%dma_start3A_337 : memref<10000x64xbf16, #tpu.memory_space<vmem_shared>>) offsets(%dma_start3A_334 : memref<80xi32, #tpu.memory_space<vmem>>) semaphore(%arg17 : memref<!tpu.dma_semaphore, #tpu.memory_space<semaphore_mem>>) {add = true}
      %add3A_338 = arith.constant 1 : i32
      %add3A_339 = arith.addi %mul3A_311, %add3A_338 : i32
      %dma_wait3A_340 = arith.constant 1 : i32
      %dma_wait3A_341 = arith.constant 0 : i32
      %dma_wait3A_342 = arith.constant 0 : i32
      %dma_wait3A_343 = tpu.memref_slice %arg8[%dma_wait3A_340, %dma_wait3A_341, %dma_wait3A_342] : memref<8x80x64xbf16, #tpu.memory_space<vmem>> -> memref<1x80x64xbf16, #tpu.memory_space<vmem>>
      %dma_wait3A_344 = tpu.memref_squeeze %dma_wait3A_343 : memref<1x80x64xbf16, #tpu.memory_space<vmem>> -> memref<80x64xbf16, #tpu.memory_space<vmem>>
      %dma_wait3A_345 = arith.constant 0 : i32
      %dma_wait3A_346 = tpu.memref_slice %arg6[%add3A_339, %dma_wait3A_345] : memref<125x80xi32, #tpu.memory_space<vmem>> -> memref<1x80xi32, #tpu.memory_space<vmem>>
      %dma_wait3A_347 = tpu.memref_squeeze %dma_wait3A_346 : memref<1x80xi32, #tpu.memory_space<vmem>> -> memref<80xi32, #tpu.memory_space<vmem>>
      %dma_wait3A_348 = arith.constant 0 : i32
      %dma_wait3A_349 = arith.constant 0 : i32
      %dma_wait3A_350 = tpu.memref_slice %arg2[%dma_wait3A_348, %dma_wait3A_349] : memref<10000x64xbf16, #tpu.memory_space<hbm>> -> memref<10000x64xbf16, #tpu.memory_space<hbm>>
      tpu.wait_indirect_dma semaphore(%arg10 : memref<!tpu.dma_semaphore, #tpu.memory_space<semaphore_mem>>) src(%dma_wait3A_350 : memref<10000x64xbf16, #tpu.memory_space<hbm>>) dst(%dma_wait3A_344 : memref<80x64xbf16, #tpu.memory_space<vmem>>)
      %add3A_351 = arith.constant 1 : i32
      %add3A_352 = arith.addi %mul3A_311, %add3A_351 : i32
      %dma_start3A_353 = arith.constant 1 : i32
      %dma_start3A_354 = arith.constant 0 : i32
      %dma_start3A_355 = arith.constant 0 : i32
      %dma_start3A_356 = tpu.memref_slice %arg8[%dma_start3A_353, %dma_start3A_354, %dma_start3A_355] : memref<8x80x64xbf16, #tpu.memory_space<vmem>> -> memref<1x80x64xbf16, #tpu.memory_space<vmem>>
      %dma_start3A_357 = tpu.memref_squeeze %dma_start3A_356 : memref<1x80x64xbf16, #tpu.memory_space<vmem>> -> memref<80x64xbf16, #tpu.memory_space<vmem>>
      %dma_start3A_358 = arith.constant 0 : i32
      %dma_start3A_359 = tpu.memref_slice %arg7[%add3A_352, %dma_start3A_358] : memref<125x80xi32, #tpu.memory_space<vmem>> -> memref<1x80xi32, #tpu.memory_space<vmem>>
      %dma_start3A_360 = tpu.memref_squeeze %dma_start3A_359 : memref<1x80xi32, #tpu.memory_space<vmem>> -> memref<80xi32, #tpu.memory_space<vmem>>
      %dma_start3A_361 = arith.constant 0 : i32
      %dma_start3A_362 = arith.constant 0 : i32
      %dma_start3A_363 = tpu.memref_slice %arg5[%dma_start3A_361, %dma_start3A_362] : memref<10000x64xbf16, #tpu.memory_space<vmem_shared>> -> memref<10000x64xbf16, #tpu.memory_space<vmem_shared>>
      tpu.enqueue_indirect_dma source(%dma_start3A_357 : memref<80x64xbf16, #tpu.memory_space<vmem>>) target(%dma_start3A_363 : memref<10000x64xbf16, #tpu.memory_space<vmem_shared>>) offsets(%dma_start3A_360 : memref<80xi32, #tpu.memory_space<vmem>>) semaphore(%arg18 : memref<!tpu.dma_semaphore, #tpu.memory_space<semaphore_mem>>) {add = true}
      %add3A_364 = arith.constant 2 : i32
      %add3A_365 = arith.addi %mul3A_311, %add3A_364 : i32
      %dma_wait3A_366 = arith.constant 2 : i32
      %dma_wait3A_367 = arith.constant 0 : i32
      %dma_wait3A_368 = arith.constant 0 : i32
      %dma_wait3A_369 = tpu.memref_slice %arg8[%dma_wait3A_366, %dma_wait3A_367, %dma_wait3A_368] : memref<8x80x64xbf16, #tpu.memory_space<vmem>> -> memref<1x80x64xbf16, #tpu.memory_space<vmem>>
      %dma_wait3A_370 = tpu.memref_squeeze %dma_wait3A_369 : memref<1x80x64xbf16, #tpu.memory_space<vmem>> -> memref<80x64xbf16, #tpu.memory_space<vmem>>
      %dma_wait3A_371 = arith.constant 0 : i32
      %dma_wait3A_372 = tpu.memref_slice %arg6[%add3A_365, %dma_wait3A_371] : memref<125x80xi32, #tpu.memory_space<vmem>> -> memref<1x80xi32, #tpu.memory_space<vmem>>
      %dma_wait3A_373 = tpu.memref_squeeze %dma_wait3A_372 : memref<1x80xi32, #tpu.memory_space<vmem>> -> memref<80xi32, #tpu.memory_space<vmem>>
      %dma_wait3A_374 = arith.constant 0 : i32
      %dma_wait3A_375 = arith.constant 0 : i32
      %dma_wait3A_376 = tpu.memref_slice %arg2[%dma_wait3A_374, %dma_wait3A_375] : memref<10000x64xbf16, #tpu.memory_space<hbm>> -> memref<10000x64xbf16, #tpu.memory_space<hbm>>
      tpu.wait_indirect_dma semaphore(%arg11 : memref<!tpu.dma_semaphore, #tpu.memory_space<semaphore_mem>>) src(%dma_wait3A_376 : memref<10000x64xbf16, #tpu.memory_space<hbm>>) dst(%dma_wait3A_370 : memref<80x64xbf16, #tpu.memory_space<vmem>>)
      %add3A_377 = arith.constant 2 : i32
      %add3A_378 = arith.addi %mul3A_311, %add3A_377 : i32
      %dma_start3A_379 = arith.constant 2 : i32
      %dma_start3A_380 = arith.constant 0 : i32
      %dma_start3A_381 = arith.constant 0 : i32
      %dma_start3A_382 = tpu.memref_slice %arg8[%dma_start3A_379, %dma_start3A_380, %dma_start3A_381] : memref<8x80x64xbf16, #tpu.memory_space<vmem>> -> memref<1x80x64xbf16, #tpu.memory_space<vmem>>
      %dma_start3A_383 = tpu.memref_squeeze %dma_start3A_382 : memref<1x80x64xbf16, #tpu.memory_space<vmem>> -> memref<80x64xbf16, #tpu.memory_space<vmem>>
      %dma_start3A_384 = arith.constant 0 : i32
      %dma_start3A_385 = tpu.memref_slice %arg7[%add3A_378, %dma_start3A_384] : memref<125x80xi32, #tpu.memory_space<vmem>> -> memref<1x80xi32, #tpu.memory_space<vmem>>
      %dma_start3A_386 = tpu.memref_squeeze %dma_start3A_385 : memref<1x80xi32, #tpu.memory_space<vmem>> -> memref<80xi32, #tpu.memory_space<vmem>>
      %dma_start3A_387 = arith.constant 0 : i32
      %dma_start3A_388 = arith.constant 0 : i32
      %dma_start3A_389 = tpu.memref_slice %arg5[%dma_start3A_387, %dma_start3A_388] : memref<10000x64xbf16, #tpu.memory_space<vmem_shared>> -> memref<10000x64xbf16, #tpu.memory_space<vmem_shared>>
      tpu.enqueue_indirect_dma source(%dma_start3A_383 : memref<80x64xbf16, #tpu.memory_space<vmem>>) target(%dma_start3A_389 : memref<10000x64xbf16, #tpu.memory_space<vmem_shared>>) offsets(%dma_start3A_386 : memref<80xi32, #tpu.memory_space<vmem>>) semaphore(%arg19 : memref<!tpu.dma_semaphore, #tpu.memory_space<semaphore_mem>>) {add = true}
      %add3A_390 = arith.constant 3 : i32
      %add3A_391 = arith.addi %mul3A_311, %add3A_390 : i32
      %dma_wait3A_392 = arith.constant 3 : i32
      %dma_wait3A_393 = arith.constant 0 : i32
      %dma_wait3A_394 = arith.constant 0 : i32
      %dma_wait3A_395 = tpu.memref_slice %arg8[%dma_wait3A_392, %dma_wait3A_393, %dma_wait3A_394] : memref<8x80x64xbf16, #tpu.memory_space<vmem>> -> memref<1x80x64xbf16, #tpu.memory_space<vmem>>
      %dma_wait3A_396 = tpu.memref_squeeze %dma_wait3A_395 : memref<1x80x64xbf16, #tpu.memory_space<vmem>> -> memref<80x64xbf16, #tpu.memory_space<vmem>>
      %dma_wait3A_397 = arith.constant 0 : i32
      %dma_wait3A_398 = tpu.memref_slice %arg6[%add3A_391, %dma_wait3A_397] : memref<125x80xi32, #tpu.memory_space<vmem>> -> memref<1x80xi32, #tpu.memory_space<vmem>>
      %dma_wait3A_399 = tpu.memref_squeeze %dma_wait3A_398 : memref<1x80xi32, #tpu.memory_space<vmem>> -> memref<80xi32, #tpu.memory_space<vmem>>
      %dma_wait3A_400 = arith.constant 0 : i32
      %dma_wait3A_401 = arith.constant 0 : i32
      %dma_wait3A_402 = tpu.memref_slice %arg2[%dma_wait3A_400, %dma_wait3A_401] : memref<10000x64xbf16, #tpu.memory_space<hbm>> -> memref<10000x64xbf16, #tpu.memory_space<hbm>>
      tpu.wait_indirect_dma semaphore(%arg12 : memref<!tpu.dma_semaphore, #tpu.memory_space<semaphore_mem>>) src(%dma_wait3A_402 : memref<10000x64xbf16, #tpu.memory_space<hbm>>) dst(%dma_wait3A_396 : memref<80x64xbf16, #tpu.memory_space<vmem>>)
      %add3A_403 = arith.constant 3 : i32
      %add3A_404 = arith.addi %mul3A_311, %add3A_403 : i32
      %dma_start3A_405 = arith.constant 3 : i32
      %dma_start3A_406 = arith.constant 0 : i32
      %dma_start3A_407 = arith.constant 0 : i32
      %dma_start3A_408 = tpu.memref_slice %arg8[%dma_start3A_405, %dma_start3A_406, %dma_start3A_407] : memref<8x80x64xbf16, #tpu.memory_space<vmem>> -> memref<1x80x64xbf16, #tpu.memory_space<vmem>>
      %dma_start3A_409 = tpu.memref_squeeze %dma_start3A_408 : memref<1x80x64xbf16, #tpu.memory_space<vmem>> -> memref<80x64xbf16, #tpu.memory_space<vmem>>
      %dma_start3A_410 = arith.constant 0 : i32
      %dma_start3A_411 = tpu.memref_slice %arg7[%add3A_404, %dma_start3A_410] : memref<125x80xi32, #tpu.memory_space<vmem>> -> memref<1x80xi32, #tpu.memory_space<vmem>>
      %dma_start3A_412 = tpu.memref_squeeze %dma_start3A_411 : memref<1x80xi32, #tpu.memory_space<vmem>> -> memref<80xi32, #tpu.memory_space<vmem>>
      %dma_start3A_413 = arith.constant 0 : i32
      %dma_start3A_414 = arith.constant 0 : i32
      %dma_start3A_415 = tpu.memref_slice %arg5[%dma_start3A_413, %dma_start3A_414] : memref<10000x64xbf16, #tpu.memory_space<vmem_shared>> -> memref<10000x64xbf16, #tpu.memory_space<vmem_shared>>
      tpu.enqueue_indirect_dma source(%dma_start3A_409 : memref<80x64xbf16, #tpu.memory_space<vmem>>) target(%dma_start3A_415 : memref<10000x64xbf16, #tpu.memory_space<vmem_shared>>) offsets(%dma_start3A_412 : memref<80xi32, #tpu.memory_space<vmem>>) semaphore(%arg20 : memref<!tpu.dma_semaphore, #tpu.memory_space<semaphore_mem>>) {add = true}
      %add3A_416 = arith.constant 4 : i32
      %add3A_417 = arith.addi %mul3A_311, %add3A_416 : i32
      %dma_wait3A_418 = arith.constant 4 : i32
      %dma_wait3A_419 = arith.constant 0 : i32
      %dma_wait3A_420 = arith.constant 0 : i32
      %dma_wait3A_421 = tpu.memref_slice %arg8[%dma_wait3A_418, %dma_wait3A_419, %dma_wait3A_420] : memref<8x80x64xbf16, #tpu.memory_space<vmem>> -> memref<1x80x64xbf16, #tpu.memory_space<vmem>>
      %dma_wait3A_422 = tpu.memref_squeeze %dma_wait3A_421 : memref<1x80x64xbf16, #tpu.memory_space<vmem>> -> memref<80x64xbf16, #tpu.memory_space<vmem>>
      %dma_wait3A_423 = arith.constant 0 : i32
      %dma_wait3A_424 = tpu.memref_slice %arg6[%add3A_417, %dma_wait3A_423] : memref<125x80xi32, #tpu.memory_space<vmem>> -> memref<1x80xi32, #tpu.memory_space<vmem>>
      %dma_wait3A_425 = tpu.memref_squeeze %dma_wait3A_424 : memref<1x80xi32, #tpu.memory_space<vmem>> -> memref<80xi32, #tpu.memory_space<vmem>>
      %dma_wait3A_426 = arith.constant 0 : i32
      %dma_wait3A_427 = arith.constant 0 : i32
      %dma_wait3A_428 = tpu.memref_slice %arg2[%dma_wait3A_426, %dma_wait3A_427] : memref<10000x64xbf16, #tpu.memory_space<hbm>> -> memref<10000x64xbf16, #tpu.memory_space<hbm>>
      tpu.wait_indirect_dma semaphore(%arg13 : memref<!tpu.dma_semaphore, #tpu.memory_space<semaphore_mem>>) src(%dma_wait3A_428 : memref<10000x64xbf16, #tpu.memory_space<hbm>>) dst(%dma_wait3A_422 : memref<80x64xbf16, #tpu.memory_space<vmem>>)
      %add3A_429 = arith.constant 4 : i32
      %add3A_430 = arith.addi %mul3A_311, %add3A_429 : i32
      %dma_start3A_431 = arith.constant 4 : i32
      %dma_start3A_432 = arith.constant 0 : i32
      %dma_start3A_433 = arith.constant 0 : i32
      %dma_start3A_434 = tpu.memref_slice %arg8[%dma_start3A_431, %dma_start3A_432, %dma_start3A_433] : memref<8x80x64xbf16, #tpu.memory_space<vmem>> -> memref<1x80x64xbf16, #tpu.memory_space<vmem>>
      %dma_start3A_435 = tpu.memref_squeeze %dma_start3A_434 : memref<1x80x64xbf16, #tpu.memory_space<vmem>> -> memref<80x64xbf16, #tpu.memory_space<vmem>>
      %dma_start3A_436 = arith.constant 0 : i32
      %dma_start3A_437 = tpu.memref_slice %arg7[%add3A_430, %dma_start3A_436] : memref<125x80xi32, #tpu.memory_space<vmem>> -> memref<1x80xi32, #tpu.memory_space<vmem>>
      %dma_start3A_438 = tpu.memref_squeeze %dma_start3A_437 : memref<1x80xi32, #tpu.memory_space<vmem>> -> memref<80xi32, #tpu.memory_space<vmem>>
      %dma_start3A_439 = arith.constant 0 : i32
      %dma_start3A_440 = arith.constant 0 : i32
      %dma_start3A_441 = tpu.memref_slice %arg5[%dma_start3A_439, %dma_start3A_440] : memref<10000x64xbf16, #tpu.memory_space<vmem_shared>> -> memref<10000x64xbf16, #tpu.memory_space<vmem_shared>>
      tpu.enqueue_indirect_dma source(%dma_start3A_435 : memref<80x64xbf16, #tpu.memory_space<vmem>>) target(%dma_start3A_441 : memref<10000x64xbf16, #tpu.memory_space<vmem_shared>>) offsets(%dma_start3A_438 : memref<80xi32, #tpu.memory_space<vmem>>) semaphore(%arg21 : memref<!tpu.dma_semaphore, #tpu.memory_space<semaphore_mem>>) {add = true}
      %add3A_442 = arith.constant 5 : i32
      %add3A_443 = arith.addi %mul3A_311, %add3A_442 : i32
      %dma_wait3A_444 = arith.constant 5 : i32
      %dma_wait3A_445 = arith.constant 0 : i32
      %dma_wait3A_446 = arith.constant 0 : i32
      %dma_wait3A_447 = tpu.memref_slice %arg8[%dma_wait3A_444, %dma_wait3A_445, %dma_wait3A_446] : memref<8x80x64xbf16, #tpu.memory_space<vmem>> -> memref<1x80x64xbf16, #tpu.memory_space<vmem>>
      %dma_wait3A_448 = tpu.memref_squeeze %dma_wait3A_447 : memref<1x80x64xbf16, #tpu.memory_space<vmem>> -> memref<80x64xbf16, #tpu.memory_space<vmem>>
      %dma_wait3A_449 = arith.constant 0 : i32
      %dma_wait3A_450 = tpu.memref_slice %arg6[%add3A_443, %dma_wait3A_449] : memref<125x80xi32, #tpu.memory_space<vmem>> -> memref<1x80xi32, #tpu.memory_space<vmem>>
      %dma_wait3A_451 = tpu.memref_squeeze %dma_wait3A_450 : memref<1x80xi32, #tpu.memory_space<vmem>> -> memref<80xi32, #tpu.memory_space<vmem>>
      %dma_wait3A_452 = arith.constant 0 : i32
      %dma_wait3A_453 = arith.constant 0 : i32
      %dma_wait3A_454 = tpu.memref_slice %arg2[%dma_wait3A_452, %dma_wait3A_453] : memref<10000x64xbf16, #tpu.memory_space<hbm>> -> memref<10000x64xbf16, #tpu.memory_space<hbm>>
      tpu.wait_indirect_dma semaphore(%arg14 : memref<!tpu.dma_semaphore, #tpu.memory_space<semaphore_mem>>) src(%dma_wait3A_454 : memref<10000x64xbf16, #tpu.memory_space<hbm>>) dst(%dma_wait3A_448 : memref<80x64xbf16, #tpu.memory_space<vmem>>)
      %add3A_455 = arith.constant 5 : i32
      %add3A_456 = arith.addi %mul3A_311, %add3A_455 : i32
      %dma_start3A_457 = arith.constant 5 : i32
      %dma_start3A_458 = arith.constant 0 : i32
      %dma_start3A_459 = arith.constant 0 : i32
      %dma_start3A_460 = tpu.memref_slice %arg8[%dma_start3A_457, %dma_start3A_458, %dma_start3A_459] : memref<8x80x64xbf16, #tpu.memory_space<vmem>> -> memref<1x80x64xbf16, #tpu.memory_space<vmem>>
      %dma_start3A_461 = tpu.memref_squeeze %dma_start3A_460 : memref<1x80x64xbf16, #tpu.memory_space<vmem>> -> memref<80x64xbf16, #tpu.memory_space<vmem>>
      %dma_start3A_462 = arith.constant 0 : i32
      %dma_start3A_463 = tpu.memref_slice %arg7[%add3A_456, %dma_start3A_462] : memref<125x80xi32, #tpu.memory_space<vmem>> -> memref<1x80xi32, #tpu.memory_space<vmem>>
      %dma_start3A_464 = tpu.memref_squeeze %dma_start3A_463 : memref<1x80xi32, #tpu.memory_space<vmem>> -> memref<80xi32, #tpu.memory_space<vmem>>
      %dma_start3A_465 = arith.constant 0 : i32
      %dma_start3A_466 = arith.constant 0 : i32
      %dma_start3A_467 = tpu.memref_slice %arg5[%dma_start3A_465, %dma_start3A_466] : memref<10000x64xbf16, #tpu.memory_space<vmem_shared>> -> memref<10000x64xbf16, #tpu.memory_space<vmem_shared>>
      tpu.enqueue_indirect_dma source(%dma_start3A_461 : memref<80x64xbf16, #tpu.memory_space<vmem>>) target(%dma_start3A_467 : memref<10000x64xbf16, #tpu.memory_space<vmem_shared>>) offsets(%dma_start3A_464 : memref<80xi32, #tpu.memory_space<vmem>>) semaphore(%arg22 : memref<!tpu.dma_semaphore, #tpu.memory_space<semaphore_mem>>) {add = true}
      %add3A_468 = arith.constant 6 : i32
      %add3A_469 = arith.addi %mul3A_311, %add3A_468 : i32
      %dma_wait3A_470 = arith.constant 6 : i32
      %dma_wait3A_471 = arith.constant 0 : i32
      %dma_wait3A_472 = arith.constant 0 : i32
      %dma_wait3A_473 = tpu.memref_slice %arg8[%dma_wait3A_470, %dma_wait3A_471, %dma_wait3A_472] : memref<8x80x64xbf16, #tpu.memory_space<vmem>> -> memref<1x80x64xbf16, #tpu.memory_space<vmem>>
      %dma_wait3A_474 = tpu.memref_squeeze %dma_wait3A_473 : memref<1x80x64xbf16, #tpu.memory_space<vmem>> -> memref<80x64xbf16, #tpu.memory_space<vmem>>
      %dma_wait3A_475 = arith.constant 0 : i32
      %dma_wait3A_476 = tpu.memref_slice %arg6[%add3A_469, %dma_wait3A_475] : memref<125x80xi32, #tpu.memory_space<vmem>> -> memref<1x80xi32, #tpu.memory_space<vmem>>
      %dma_wait3A_477 = tpu.memref_squeeze %dma_wait3A_476 : memref<1x80xi32, #tpu.memory_space<vmem>> -> memref<80xi32, #tpu.memory_space<vmem>>
      %dma_wait3A_478 = arith.constant 0 : i32
      %dma_wait3A_479 = arith.constant 0 : i32
      %dma_wait3A_480 = tpu.memref_slice %arg2[%dma_wait3A_478, %dma_wait3A_479] : memref<10000x64xbf16, #tpu.memory_space<hbm>> -> memref<10000x64xbf16, #tpu.memory_space<hbm>>
      tpu.wait_indirect_dma semaphore(%arg15 : memref<!tpu.dma_semaphore, #tpu.memory_space<semaphore_mem>>) src(%dma_wait3A_480 : memref<10000x64xbf16, #tpu.memory_space<hbm>>) dst(%dma_wait3A_474 : memref<80x64xbf16, #tpu.memory_space<vmem>>)
      %add3A_481 = arith.constant 6 : i32
      %add3A_482 = arith.addi %mul3A_311, %add3A_481 : i32
      %dma_start3A_483 = arith.constant 6 : i32
      %dma_start3A_484 = arith.constant 0 : i32
      %dma_start3A_485 = arith.constant 0 : i32
      %dma_start3A_486 = tpu.memref_slice %arg8[%dma_start3A_483, %dma_start3A_484, %dma_start3A_485] : memref<8x80x64xbf16, #tpu.memory_space<vmem>> -> memref<1x80x64xbf16, #tpu.memory_space<vmem>>
      %dma_start3A_487 = tpu.memref_squeeze %dma_start3A_486 : memref<1x80x64xbf16, #tpu.memory_space<vmem>> -> memref<80x64xbf16, #tpu.memory_space<vmem>>
      %dma_start3A_488 = arith.constant 0 : i32
      %dma_start3A_489 = tpu.memref_slice %arg7[%add3A_482, %dma_start3A_488] : memref<125x80xi32, #tpu.memory_space<vmem>> -> memref<1x80xi32, #tpu.memory_space<vmem>>
      %dma_start3A_490 = tpu.memref_squeeze %dma_start3A_489 : memref<1x80xi32, #tpu.memory_space<vmem>> -> memref<80xi32, #tpu.memory_space<vmem>>
      %dma_start3A_491 = arith.constant 0 : i32
      %dma_start3A_492 = arith.constant 0 : i32
      %dma_start3A_493 = tpu.memref_slice %arg5[%dma_start3A_491, %dma_start3A_492] : memref<10000x64xbf16, #tpu.memory_space<vmem_shared>> -> memref<10000x64xbf16, #tpu.memory_space<vmem_shared>>
      tpu.enqueue_indirect_dma source(%dma_start3A_487 : memref<80x64xbf16, #tpu.memory_space<vmem>>) target(%dma_start3A_493 : memref<10000x64xbf16, #tpu.memory_space<vmem_shared>>) offsets(%dma_start3A_490 : memref<80xi32, #tpu.memory_space<vmem>>) semaphore(%arg23 : memref<!tpu.dma_semaphore, #tpu.memory_space<semaphore_mem>>) {add = true}
      %add3A_494 = arith.constant 7 : i32
      %add3A_495 = arith.addi %mul3A_311, %add3A_494 : i32
      %dma_wait3A_496 = arith.constant 7 : i32
      %dma_wait3A_497 = arith.constant 0 : i32
      %dma_wait3A_498 = arith.constant 0 : i32
      %dma_wait3A_499 = tpu.memref_slice %arg8[%dma_wait3A_496, %dma_wait3A_497, %dma_wait3A_498] : memref<8x80x64xbf16, #tpu.memory_space<vmem>> -> memref<1x80x64xbf16, #tpu.memory_space<vmem>>
      %dma_wait3A_500 = tpu.memref_squeeze %dma_wait3A_499 : memref<1x80x64xbf16, #tpu.memory_space<vmem>> -> memref<80x64xbf16, #tpu.memory_space<vmem>>
      %dma_wait3A_501 = arith.constant 0 : i32
      %dma_wait3A_502 = tpu.memref_slice %arg6[%add3A_495, %dma_wait3A_501] : memref<125x80xi32, #tpu.memory_space<vmem>> -> memref<1x80xi32, #tpu.memory_space<vmem>>
      %dma_wait3A_503 = tpu.memref_squeeze %dma_wait3A_502 : memref<1x80xi32, #tpu.memory_space<vmem>> -> memref<80xi32, #tpu.memory_space<vmem>>
      %dma_wait3A_504 = arith.constant 0 : i32
      %dma_wait3A_505 = arith.constant 0 : i32
      %dma_wait3A_506 = tpu.memref_slice %arg2[%dma_wait3A_504, %dma_wait3A_505] : memref<10000x64xbf16, #tpu.memory_space<hbm>> -> memref<10000x64xbf16, #tpu.memory_space<hbm>>
      tpu.wait_indirect_dma semaphore(%arg16 : memref<!tpu.dma_semaphore, #tpu.memory_space<semaphore_mem>>) src(%dma_wait3A_506 : memref<10000x64xbf16, #tpu.memory_space<hbm>>) dst(%dma_wait3A_500 : memref<80x64xbf16, #tpu.memory_space<vmem>>)
      %add3A_507 = arith.constant 7 : i32
      %add3A_508 = arith.addi %mul3A_311, %add3A_507 : i32
      %dma_start3A_509 = arith.constant 7 : i32
      %dma_start3A_510 = arith.constant 0 : i32
      %dma_start3A_511 = arith.constant 0 : i32
      %dma_start3A_512 = tpu.memref_slice %arg8[%dma_start3A_509, %dma_start3A_510, %dma_start3A_511] : memref<8x80x64xbf16, #tpu.memory_space<vmem>> -> memref<1x80x64xbf16, #tpu.memory_space<vmem>>
      %dma_start3A_513 = tpu.memref_squeeze %dma_start3A_512 : memref<1x80x64xbf16, #tpu.memory_space<vmem>> -> memref<80x64xbf16, #tpu.memory_space<vmem>>
      %dma_start3A_514 = arith.constant 0 : i32
      %dma_start3A_515 = tpu.memref_slice %arg7[%add3A_508, %dma_start3A_514] : memref<125x80xi32, #tpu.memory_space<vmem>> -> memref<1x80xi32, #tpu.memory_space<vmem>>
      %dma_start3A_516 = tpu.memref_squeeze %dma_start3A_515 : memref<1x80xi32, #tpu.memory_space<vmem>> -> memref<80xi32, #tpu.memory_space<vmem>>
      %dma_start3A_517 = arith.constant 0 : i32
      %dma_start3A_518 = arith.constant 0 : i32
      %dma_start3A_519 = tpu.memref_slice %arg5[%dma_start3A_517, %dma_start3A_518] : memref<10000x64xbf16, #tpu.memory_space<vmem_shared>> -> memref<10000x64xbf16, #tpu.memory_space<vmem_shared>>
      tpu.enqueue_indirect_dma source(%dma_start3A_513 : memref<80x64xbf16, #tpu.memory_space<vmem>>) target(%dma_start3A_519 : memref<10000x64xbf16, #tpu.memory_space<vmem_shared>>) offsets(%dma_start3A_516 : memref<80xi32, #tpu.memory_space<vmem>>) semaphore(%arg24 : memref<!tpu.dma_semaphore, #tpu.memory_space<semaphore_mem>>) {add = true}
      %add3A_520 = arith.constant 0 : i32
      %add3A_521 = arith.addi %mul3A_311, %add3A_520 : i32
      %dma_wait3A_522 = arith.constant 0 : i32
      %dma_wait3A_523 = arith.constant 0 : i32
      %dma_wait3A_524 = arith.constant 0 : i32
      %dma_wait3A_525 = tpu.memref_slice %arg8[%dma_wait3A_522, %dma_wait3A_523, %dma_wait3A_524] : memref<8x80x64xbf16, #tpu.memory_space<vmem>> -> memref<1x80x64xbf16, #tpu.memory_space<vmem>>
      %dma_wait3A_526 = tpu.memref_squeeze %dma_wait3A_525 : memref<1x80x64xbf16, #tpu.memory_space<vmem>> -> memref<80x64xbf16, #tpu.memory_space<vmem>>
      %dma_wait3A_527 = arith.constant 0 : i32
      %dma_wait3A_528 = tpu.memref_slice %arg7[%add3A_521, %dma_wait3A_527] : memref<125x80xi32, #tpu.memory_space<vmem>> -> memref<1x80xi32, #tpu.memory_space<vmem>>
      %dma_wait3A_529 = tpu.memref_squeeze %dma_wait3A_528 : memref<1x80xi32, #tpu.memory_space<vmem>> -> memref<80xi32, #tpu.memory_space<vmem>>
      %dma_wait3A_530 = arith.constant 0 : i32
      %dma_wait3A_531 = arith.constant 0 : i32
      %dma_wait3A_532 = tpu.memref_slice %arg5[%dma_wait3A_530, %dma_wait3A_531] : memref<10000x64xbf16, #tpu.memory_space<vmem_shared>> -> memref<10000x64xbf16, #tpu.memory_space<vmem_shared>>
      tpu.wait_indirect_dma semaphore(%arg17 : memref<!tpu.dma_semaphore, #tpu.memory_space<semaphore_mem>>) src(%dma_wait3A_526 : memref<80x64xbf16, #tpu.memory_space<vmem>>) dst(%dma_wait3A_532 : memref<10000x64xbf16, #tpu.memory_space<vmem_shared>>)
      %add3A_533 = arith.constant 8 : i32
      %add3A_534 = arith.addi %mul3A_311, %add3A_533 : i32
      %add3A_535 = arith.constant 0 : i32
      %add3A_536 = arith.addi %add3A_534, %add3A_535 : i32
      %lt3A = arith.constant 125 : i32
      %lt3A_537 = arith.cmpi slt, %add3A_536, %lt3A : i32
      %convert_element_type3A = arith.extui %lt3A_537 : i1 to i32
      %cond3A = arith.constant 0 : i32
      %cond3A_538 = arith.cmpi ne, %convert_element_type3A, %cond3A : i32
      scf.if %cond3A_538 {
        %add3A_693 = arith.constant 8 : i32
        %add3A_694 = arith.addi %mul3A_311, %add3A_693 : i32
        %add3A_695 = arith.constant 0 : i32
        %add3A_696 = arith.addi %add3A_694, %add3A_695 : i32
        %dma_start3A_697 = arith.constant 0 : i32
        %dma_start3A_698 = arith.constant 0 : i32
        %dma_start3A_699 = arith.constant 0 : i32
        %dma_start3A_700 = tpu.memref_slice %arg8[%dma_start3A_697, %dma_start3A_698, %dma_start3A_699] : memref<8x80x64xbf16, #tpu.memory_space<vmem>> -> memref<1x80x64xbf16, #tpu.memory_space<vmem>>
        %dma_start3A_701 = tpu.memref_squeeze %dma_start3A_700 : memref<1x80x64xbf16, #tpu.memory_space<vmem>> -> memref<80x64xbf16, #tpu.memory_space<vmem>>
        %dma_start3A_702 = arith.constant 0 : i32
        %dma_start3A_703 = tpu.memref_slice %arg6[%add3A_696, %dma_start3A_702] : memref<125x80xi32, #tpu.memory_space<vmem>> -> memref<1x80xi32, #tpu.memory_space<vmem>>
        %dma_start3A_704 = tpu.memref_squeeze %dma_start3A_703 : memref<1x80xi32, #tpu.memory_space<vmem>> -> memref<80xi32, #tpu.memory_space<vmem>>
        %dma_start3A_705 = arith.constant 0 : i32
        %dma_start3A_706 = arith.constant 0 : i32
        %dma_start3A_707 = tpu.memref_slice %arg2[%dma_start3A_705, %dma_start3A_706] : memref<10000x64xbf16, #tpu.memory_space<hbm>> -> memref<10000x64xbf16, #tpu.memory_space<hbm>>
        tpu.enqueue_indirect_dma source(%dma_start3A_707 : memref<10000x64xbf16, #tpu.memory_space<hbm>>) target(%dma_start3A_701 : memref<80x64xbf16, #tpu.memory_space<vmem>>) offsets(%dma_start3A_704 : memref<80xi32, #tpu.memory_space<vmem>>) semaphore(%arg9 : memref<!tpu.dma_semaphore, #tpu.memory_space<semaphore_mem>>)
      } else {
      }
      %add3A_539 = arith.constant 1 : i32
      %add3A_540 = arith.addi %mul3A_311, %add3A_539 : i32
      %dma_wait3A_541 = arith.constant 1 : i32
      %dma_wait3A_542 = arith.constant 0 : i32
      %dma_wait3A_543 = arith.constant 0 : i32
      %dma_wait3A_544 = tpu.memref_slice %arg8[%dma_wait3A_541, %dma_wait3A_542, %dma_wait3A_543] : memref<8x80x64xbf16, #tpu.memory_space<vmem>> -> memref<1x80x64xbf16, #tpu.memory_space<vmem>>
      %dma_wait3A_545 = tpu.memref_squeeze %dma_wait3A_544 : memref<1x80x64xbf16, #tpu.memory_space<vmem>> -> memref<80x64xbf16, #tpu.memory_space<vmem>>
      %dma_wait3A_546 = arith.constant 0 : i32
      %dma_wait3A_547 = tpu.memref_slice %arg7[%add3A_540, %dma_wait3A_546] : memref<125x80xi32, #tpu.memory_space<vmem>> -> memref<1x80xi32, #tpu.memory_space<vmem>>
      %dma_wait3A_548 = tpu.memref_squeeze %dma_wait3A_547 : memref<1x80xi32, #tpu.memory_space<vmem>> -> memref<80xi32, #tpu.memory_space<vmem>>
      %dma_wait3A_549 = arith.constant 0 : i32
      %dma_wait3A_550 = arith.constant 0 : i32
      %dma_wait3A_551 = tpu.memref_slice %arg5[%dma_wait3A_549, %dma_wait3A_550] : memref<10000x64xbf16, #tpu.memory_space<vmem_shared>> -> memref<10000x64xbf16, #tpu.memory_space<vmem_shared>>
      tpu.wait_indirect_dma semaphore(%arg18 : memref<!tpu.dma_semaphore, #tpu.memory_space<semaphore_mem>>) src(%dma_wait3A_545 : memref<80x64xbf16, #tpu.memory_space<vmem>>) dst(%dma_wait3A_551 : memref<10000x64xbf16, #tpu.memory_space<vmem_shared>>)
      %add3A_552 = arith.constant 8 : i32
      %add3A_553 = arith.addi %mul3A_311, %add3A_552 : i32
      %add3A_554 = arith.constant 1 : i32
      %add3A_555 = arith.addi %add3A_553, %add3A_554 : i32
      %lt3A_556 = arith.constant 125 : i32
      %lt3A_557 = arith.cmpi slt, %add3A_555, %lt3A_556 : i32
      %convert_element_type3A_558 = arith.extui %lt3A_557 : i1 to i32
      %cond3A_559 = arith.constant 0 : i32
      %cond3A_560 = arith.cmpi ne, %convert_element_type3A_558, %cond3A_559 : i32
      scf.if %cond3A_560 {
        %add3A_693 = arith.constant 8 : i32
        %add3A_694 = arith.addi %mul3A_311, %add3A_693 : i32
        %add3A_695 = arith.constant 1 : i32
        %add3A_696 = arith.addi %add3A_694, %add3A_695 : i32
        %dma_start3A_697 = arith.constant 1 : i32
        %dma_start3A_698 = arith.constant 0 : i32
        %dma_start3A_699 = arith.constant 0 : i32
        %dma_start3A_700 = tpu.memref_slice %arg8[%dma_start3A_697, %dma_start3A_698, %dma_start3A_699] : memref<8x80x64xbf16, #tpu.memory_space<vmem>> -> memref<1x80x64xbf16, #tpu.memory_space<vmem>>
        %dma_start3A_701 = tpu.memref_squeeze %dma_start3A_700 : memref<1x80x64xbf16, #tpu.memory_space<vmem>> -> memref<80x64xbf16, #tpu.memory_space<vmem>>
        %dma_start3A_702 = arith.constant 0 : i32
        %dma_start3A_703 = tpu.memref_slice %arg6[%add3A_696, %dma_start3A_702] : memref<125x80xi32, #tpu.memory_space<vmem>> -> memref<1x80xi32, #tpu.memory_space<vmem>>
        %dma_start3A_704 = tpu.memref_squeeze %dma_start3A_703 : memref<1x80xi32, #tpu.memory_space<vmem>> -> memref<80xi32, #tpu.memory_space<vmem>>
        %dma_start3A_705 = arith.constant 0 : i32
        %dma_start3A_706 = arith.constant 0 : i32
        %dma_start3A_707 = tpu.memref_slice %arg2[%dma_start3A_705, %dma_start3A_706] : memref<10000x64xbf16, #tpu.memory_space<hbm>> -> memref<10000x64xbf16, #tpu.memory_space<hbm>>
        tpu.enqueue_indirect_dma source(%dma_start3A_707 : memref<10000x64xbf16, #tpu.memory_space<hbm>>) target(%dma_start3A_701 : memref<80x64xbf16, #tpu.memory_space<vmem>>) offsets(%dma_start3A_704 : memref<80xi32, #tpu.memory_space<vmem>>) semaphore(%arg10 : memref<!tpu.dma_semaphore, #tpu.memory_space<semaphore_mem>>)
      } else {
      }
      %add3A_561 = arith.constant 2 : i32
      %add3A_562 = arith.addi %mul3A_311, %add3A_561 : i32
      %dma_wait3A_563 = arith.constant 2 : i32
      %dma_wait3A_564 = arith.constant 0 : i32
      %dma_wait3A_565 = arith.constant 0 : i32
      %dma_wait3A_566 = tpu.memref_slice %arg8[%dma_wait3A_563, %dma_wait3A_564, %dma_wait3A_565] : memref<8x80x64xbf16, #tpu.memory_space<vmem>> -> memref<1x80x64xbf16, #tpu.memory_space<vmem>>
      %dma_wait3A_567 = tpu.memref_squeeze %dma_wait3A_566 : memref<1x80x64xbf16, #tpu.memory_space<vmem>> -> memref<80x64xbf16, #tpu.memory_space<vmem>>
      %dma_wait3A_568 = arith.constant 0 : i32
      %dma_wait3A_569 = tpu.memref_slice %arg7[%add3A_562, %dma_wait3A_568] : memref<125x80xi32, #tpu.memory_space<vmem>> -> memref<1x80xi32, #tpu.memory_space<vmem>>
      %dma_wait3A_570 = tpu.memref_squeeze %dma_wait3A_569 : memref<1x80xi32, #tpu.memory_space<vmem>> -> memref<80xi32, #tpu.memory_space<vmem>>
      %dma_wait3A_571 = arith.constant 0 : i32
      %dma_wait3A_572 = arith.constant 0 : i32
      %dma_wait3A_573 = tpu.memref_slice %arg5[%dma_wait3A_571, %dma_wait3A_572] : memref<10000x64xbf16, #tpu.memory_space<vmem_shared>> -> memref<10000x64xbf16, #tpu.memory_space<vmem_shared>>
      tpu.wait_indirect_dma semaphore(%arg19 : memref<!tpu.dma_semaphore, #tpu.memory_space<semaphore_mem>>) src(%dma_wait3A_567 : memref<80x64xbf16, #tpu.memory_space<vmem>>) dst(%dma_wait3A_573 : memref<10000x64xbf16, #tpu.memory_space<vmem_shared>>)
      %add3A_574 = arith.constant 8 : i32
      %add3A_575 = arith.addi %mul3A_311, %add3A_574 : i32
      %add3A_576 = arith.constant 2 : i32
      %add3A_577 = arith.addi %add3A_575, %add3A_576 : i32
      %lt3A_578 = arith.constant 125 : i32
      %lt3A_579 = arith.cmpi slt, %add3A_577, %lt3A_578 : i32
      %convert_element_type3A_580 = arith.extui %lt3A_579 : i1 to i32
      %cond3A_581 = arith.constant 0 : i32
      %cond3A_582 = arith.cmpi ne, %convert_element_type3A_580, %cond3A_581 : i32
      scf.if %cond3A_582 {
        %add3A_693 = arith.constant 8 : i32
        %add3A_694 = arith.addi %mul3A_311, %add3A_693 : i32
        %add3A_695 = arith.constant 2 : i32
        %add3A_696 = arith.addi %add3A_694, %add3A_695 : i32
        %dma_start3A_697 = arith.constant 2 : i32
        %dma_start3A_698 = arith.constant 0 : i32
        %dma_start3A_699 = arith.constant 0 : i32
        %dma_start3A_700 = tpu.memref_slice %arg8[%dma_start3A_697, %dma_start3A_698, %dma_start3A_699] : memref<8x80x64xbf16, #tpu.memory_space<vmem>> -> memref<1x80x64xbf16, #tpu.memory_space<vmem>>
        %dma_start3A_701 = tpu.memref_squeeze %dma_start3A_700 : memref<1x80x64xbf16, #tpu.memory_space<vmem>> -> memref<80x64xbf16, #tpu.memory_space<vmem>>
        %dma_start3A_702 = arith.constant 0 : i32
        %dma_start3A_703 = tpu.memref_slice %arg6[%add3A_696, %dma_start3A_702] : memref<125x80xi32, #tpu.memory_space<vmem>> -> memref<1x80xi32, #tpu.memory_space<vmem>>
        %dma_start3A_704 = tpu.memref_squeeze %dma_start3A_703 : memref<1x80xi32, #tpu.memory_space<vmem>> -> memref<80xi32, #tpu.memory_space<vmem>>
        %dma_start3A_705 = arith.constant 0 : i32
        %dma_start3A_706 = arith.constant 0 : i32
        %dma_start3A_707 = tpu.memref_slice %arg2[%dma_start3A_705, %dma_start3A_706] : memref<10000x64xbf16, #tpu.memory_space<hbm>> -> memref<10000x64xbf16, #tpu.memory_space<hbm>>
        tpu.enqueue_indirect_dma source(%dma_start3A_707 : memref<10000x64xbf16, #tpu.memory_space<hbm>>) target(%dma_start3A_701 : memref<80x64xbf16, #tpu.memory_space<vmem>>) offsets(%dma_start3A_704 : memref<80xi32, #tpu.memory_space<vmem>>) semaphore(%arg11 : memref<!tpu.dma_semaphore, #tpu.memory_space<semaphore_mem>>)
      } else {
      }
      %add3A_583 = arith.constant 3 : i32
      %add3A_584 = arith.addi %mul3A_311, %add3A_583 : i32
      %dma_wait3A_585 = arith.constant 3 : i32
      %dma_wait3A_586 = arith.constant 0 : i32
      %dma_wait3A_587 = arith.constant 0 : i32
      %dma_wait3A_588 = tpu.memref_slice %arg8[%dma_wait3A_585, %dma_wait3A_586, %dma_wait3A_587] : memref<8x80x64xbf16, #tpu.memory_space<vmem>> -> memref<1x80x64xbf16, #tpu.memory_space<vmem>>
      %dma_wait3A_589 = tpu.memref_squeeze %dma_wait3A_588 : memref<1x80x64xbf16, #tpu.memory_space<vmem>> -> memref<80x64xbf16, #tpu.memory_space<vmem>>
      %dma_wait3A_590 = arith.constant 0 : i32
      %dma_wait3A_591 = tpu.memref_slice %arg7[%add3A_584, %dma_wait3A_590] : memref<125x80xi32, #tpu.memory_space<vmem>> -> memref<1x80xi32, #tpu.memory_space<vmem>>
      %dma_wait3A_592 = tpu.memref_squeeze %dma_wait3A_591 : memref<1x80xi32, #tpu.memory_space<vmem>> -> memref<80xi32, #tpu.memory_space<vmem>>
      %dma_wait3A_593 = arith.constant 0 : i32
      %dma_wait3A_594 = arith.constant 0 : i32
      %dma_wait3A_595 = tpu.memref_slice %arg5[%dma_wait3A_593, %dma_wait3A_594] : memref<10000x64xbf16, #tpu.memory_space<vmem_shared>> -> memref<10000x64xbf16, #tpu.memory_space<vmem_shared>>
      tpu.wait_indirect_dma semaphore(%arg20 : memref<!tpu.dma_semaphore, #tpu.memory_space<semaphore_mem>>) src(%dma_wait3A_589 : memref<80x64xbf16, #tpu.memory_space<vmem>>) dst(%dma_wait3A_595 : memref<10000x64xbf16, #tpu.memory_space<vmem_shared>>)
      %add3A_596 = arith.constant 8 : i32
      %add3A_597 = arith.addi %mul3A_311, %add3A_596 : i32
      %add3A_598 = arith.constant 3 : i32
      %add3A_599 = arith.addi %add3A_597, %add3A_598 : i32
      %lt3A_600 = arith.constant 125 : i32
      %lt3A_601 = arith.cmpi slt, %add3A_599, %lt3A_600 : i32
      %convert_element_type3A_602 = arith.extui %lt3A_601 : i1 to i32
      %cond3A_603 = arith.constant 0 : i32
      %cond3A_604 = arith.cmpi ne, %convert_element_type3A_602, %cond3A_603 : i32
      scf.if %cond3A_604 {
        %add3A_693 = arith.constant 8 : i32
        %add3A_694 = arith.addi %mul3A_311, %add3A_693 : i32
        %add3A_695 = arith.constant 3 : i32
        %add3A_696 = arith.addi %add3A_694, %add3A_695 : i32
        %dma_start3A_697 = arith.constant 3 : i32
        %dma_start3A_698 = arith.constant 0 : i32
        %dma_start3A_699 = arith.constant 0 : i32
        %dma_start3A_700 = tpu.memref_slice %arg8[%dma_start3A_697, %dma_start3A_698, %dma_start3A_699] : memref<8x80x64xbf16, #tpu.memory_space<vmem>> -> memref<1x80x64xbf16, #tpu.memory_space<vmem>>
        %dma_start3A_701 = tpu.memref_squeeze %dma_start3A_700 : memref<1x80x64xbf16, #tpu.memory_space<vmem>> -> memref<80x64xbf16, #tpu.memory_space<vmem>>
        %dma_start3A_702 = arith.constant 0 : i32
        %dma_start3A_703 = tpu.memref_slice %arg6[%add3A_696, %dma_start3A_702] : memref<125x80xi32, #tpu.memory_space<vmem>> -> memref<1x80xi32, #tpu.memory_space<vmem>>
        %dma_start3A_704 = tpu.memref_squeeze %dma_start3A_703 : memref<1x80xi32, #tpu.memory_space<vmem>> -> memref<80xi32, #tpu.memory_space<vmem>>
        %dma_start3A_705 = arith.constant 0 : i32
        %dma_start3A_706 = arith.constant 0 : i32
        %dma_start3A_707 = tpu.memref_slice %arg2[%dma_start3A_705, %dma_start3A_706] : memref<10000x64xbf16, #tpu.memory_space<hbm>> -> memref<10000x64xbf16, #tpu.memory_space<hbm>>
        tpu.enqueue_indirect_dma source(%dma_start3A_707 : memref<10000x64xbf16, #tpu.memory_space<hbm>>) target(%dma_start3A_701 : memref<80x64xbf16, #tpu.memory_space<vmem>>) offsets(%dma_start3A_704 : memref<80xi32, #tpu.memory_space<vmem>>) semaphore(%arg12 : memref<!tpu.dma_semaphore, #tpu.memory_space<semaphore_mem>>)
      } else {
      }
      %add3A_605 = arith.constant 4 : i32
      %add3A_606 = arith.addi %mul3A_311, %add3A_605 : i32
      %dma_wait3A_607 = arith.constant 4 : i32
      %dma_wait3A_608 = arith.constant 0 : i32
      %dma_wait3A_609 = arith.constant 0 : i32
      %dma_wait3A_610 = tpu.memref_slice %arg8[%dma_wait3A_607, %dma_wait3A_608, %dma_wait3A_609] : memref<8x80x64xbf16, #tpu.memory_space<vmem>> -> memref<1x80x64xbf16, #tpu.memory_space<vmem>>
      %dma_wait3A_611 = tpu.memref_squeeze %dma_wait3A_610 : memref<1x80x64xbf16, #tpu.memory_space<vmem>> -> memref<80x64xbf16, #tpu.memory_space<vmem>>
      %dma_wait3A_612 = arith.constant 0 : i32
      %dma_wait3A_613 = tpu.memref_slice %arg7[%add3A_606, %dma_wait3A_612] : memref<125x80xi32, #tpu.memory_space<vmem>> -> memref<1x80xi32, #tpu.memory_space<vmem>>
      %dma_wait3A_614 = tpu.memref_squeeze %dma_wait3A_613 : memref<1x80xi32, #tpu.memory_space<vmem>> -> memref<80xi32, #tpu.memory_space<vmem>>
      %dma_wait3A_615 = arith.constant 0 : i32
      %dma_wait3A_616 = arith.constant 0 : i32
      %dma_wait3A_617 = tpu.memref_slice %arg5[%dma_wait3A_615, %dma_wait3A_616] : memref<10000x64xbf16, #tpu.memory_space<vmem_shared>> -> memref<10000x64xbf16, #tpu.memory_space<vmem_shared>>
      tpu.wait_indirect_dma semaphore(%arg21 : memref<!tpu.dma_semaphore, #tpu.memory_space<semaphore_mem>>) src(%dma_wait3A_611 : memref<80x64xbf16, #tpu.memory_space<vmem>>) dst(%dma_wait3A_617 : memref<10000x64xbf16, #tpu.memory_space<vmem_shared>>)
      %add3A_618 = arith.constant 8 : i32
      %add3A_619 = arith.addi %mul3A_311, %add3A_618 : i32
      %add3A_620 = arith.constant 4 : i32
      %add3A_621 = arith.addi %add3A_619, %add3A_620 : i32
      %lt3A_622 = arith.constant 125 : i32
      %lt3A_623 = arith.cmpi slt, %add3A_621, %lt3A_622 : i32
      %convert_element_type3A_624 = arith.extui %lt3A_623 : i1 to i32
      %cond3A_625 = arith.constant 0 : i32
      %cond3A_626 = arith.cmpi ne, %convert_element_type3A_624, %cond3A_625 : i32
      scf.if %cond3A_626 {
        %add3A_693 = arith.constant 8 : i32
        %add3A_694 = arith.addi %mul3A_311, %add3A_693 : i32
        %add3A_695 = arith.constant 4 : i32
        %add3A_696 = arith.addi %add3A_694, %add3A_695 : i32
        %dma_start3A_697 = arith.constant 4 : i32
        %dma_start3A_698 = arith.constant 0 : i32
        %dma_start3A_699 = arith.constant 0 : i32
        %dma_start3A_700 = tpu.memref_slice %arg8[%dma_start3A_697, %dma_start3A_698, %dma_start3A_699] : memref<8x80x64xbf16, #tpu.memory_space<vmem>> -> memref<1x80x64xbf16, #tpu.memory_space<vmem>>
        %dma_start3A_701 = tpu.memref_squeeze %dma_start3A_700 : memref<1x80x64xbf16, #tpu.memory_space<vmem>> -> memref<80x64xbf16, #tpu.memory_space<vmem>>
        %dma_start3A_702 = arith.constant 0 : i32
        %dma_start3A_703 = tpu.memref_slice %arg6[%add3A_696, %dma_start3A_702] : memref<125x80xi32, #tpu.memory_space<vmem>> -> memref<1x80xi32, #tpu.memory_space<vmem>>
        %dma_start3A_704 = tpu.memref_squeeze %dma_start3A_703 : memref<1x80xi32, #tpu.memory_space<vmem>> -> memref<80xi32, #tpu.memory_space<vmem>>
        %dma_start3A_705 = arith.constant 0 : i32
        %dma_start3A_706 = arith.constant 0 : i32
        %dma_start3A_707 = tpu.memref_slice %arg2[%dma_start3A_705, %dma_start3A_706] : memref<10000x64xbf16, #tpu.memory_space<hbm>> -> memref<10000x64xbf16, #tpu.memory_space<hbm>>
        tpu.enqueue_indirect_dma source(%dma_start3A_707 : memref<10000x64xbf16, #tpu.memory_space<hbm>>) target(%dma_start3A_701 : memref<80x64xbf16, #tpu.memory_space<vmem>>) offsets(%dma_start3A_704 : memref<80xi32, #tpu.memory_space<vmem>>) semaphore(%arg13 : memref<!tpu.dma_semaphore, #tpu.memory_space<semaphore_mem>>)
      } else {
      }
      %add3A_627 = arith.constant 5 : i32
      %add3A_628 = arith.addi %mul3A_311, %add3A_627 : i32
      %dma_wait3A_629 = arith.constant 5 : i32
      %dma_wait3A_630 = arith.constant 0 : i32
      %dma_wait3A_631 = arith.constant 0 : i32
      %dma_wait3A_632 = tpu.memref_slice %arg8[%dma_wait3A_629, %dma_wait3A_630, %dma_wait3A_631] : memref<8x80x64xbf16, #tpu.memory_space<vmem>> -> memref<1x80x64xbf16, #tpu.memory_space<vmem>>
      %dma_wait3A_633 = tpu.memref_squeeze %dma_wait3A_632 : memref<1x80x64xbf16, #tpu.memory_space<vmem>> -> memref<80x64xbf16, #tpu.memory_space<vmem>>
      %dma_wait3A_634 = arith.constant 0 : i32
      %dma_wait3A_635 = tpu.memref_slice %arg7[%add3A_628, %dma_wait3A_634] : memref<125x80xi32, #tpu.memory_space<vmem>> -> memref<1x80xi32, #tpu.memory_space<vmem>>
      %dma_wait3A_636 = tpu.memref_squeeze %dma_wait3A_635 : memref<1x80xi32, #tpu.memory_space<vmem>> -> memref<80xi32, #tpu.memory_space<vmem>>
      %dma_wait3A_637 = arith.constant 0 : i32
      %dma_wait3A_638 = arith.constant 0 : i32
      %dma_wait3A_639 = tpu.memref_slice %arg5[%dma_wait3A_637, %dma_wait3A_638] : memref<10000x64xbf16, #tpu.memory_space<vmem_shared>> -> memref<10000x64xbf16, #tpu.memory_space<vmem_shared>>
      tpu.wait_indirect_dma semaphore(%arg22 : memref<!tpu.dma_semaphore, #tpu.memory_space<semaphore_mem>>) src(%dma_wait3A_633 : memref<80x64xbf16, #tpu.memory_space<vmem>>) dst(%dma_wait3A_639 : memref<10000x64xbf16, #tpu.memory_space<vmem_shared>>)
      %add3A_640 = arith.constant 8 : i32
      %add3A_641 = arith.addi %mul3A_311, %add3A_640 : i32
      %add3A_642 = arith.constant 5 : i32
      %add3A_643 = arith.addi %add3A_641, %add3A_642 : i32
      %lt3A_644 = arith.constant 125 : i32
      %lt3A_645 = arith.cmpi slt, %add3A_643, %lt3A_644 : i32
      %convert_element_type3A_646 = arith.extui %lt3A_645 : i1 to i32
      %cond3A_647 = arith.constant 0 : i32
      %cond3A_648 = arith.cmpi ne, %convert_element_type3A_646, %cond3A_647 : i32
      scf.if %cond3A_648 {
        %add3A_693 = arith.constant 8 : i32
        %add3A_694 = arith.addi %mul3A_311, %add3A_693 : i32
        %add3A_695 = arith.constant 5 : i32
        %add3A_696 = arith.addi %add3A_694, %add3A_695 : i32
        %dma_start3A_697 = arith.constant 5 : i32
        %dma_start3A_698 = arith.constant 0 : i32
        %dma_start3A_699 = arith.constant 0 : i32
        %dma_start3A_700 = tpu.memref_slice %arg8[%dma_start3A_697, %dma_start3A_698, %dma_start3A_699] : memref<8x80x64xbf16, #tpu.memory_space<vmem>> -> memref<1x80x64xbf16, #tpu.memory_space<vmem>>
        %dma_start3A_701 = tpu.memref_squeeze %dma_start3A_700 : memref<1x80x64xbf16, #tpu.memory_space<vmem>> -> memref<80x64xbf16, #tpu.memory_space<vmem>>
        %dma_start3A_702 = arith.constant 0 : i32
        %dma_start3A_703 = tpu.memref_slice %arg6[%add3A_696, %dma_start3A_702] : memref<125x80xi32, #tpu.memory_space<vmem>> -> memref<1x80xi32, #tpu.memory_space<vmem>>
        %dma_start3A_704 = tpu.memref_squeeze %dma_start3A_703 : memref<1x80xi32, #tpu.memory_space<vmem>> -> memref<80xi32, #tpu.memory_space<vmem>>
        %dma_start3A_705 = arith.constant 0 : i32
        %dma_start3A_706 = arith.constant 0 : i32
        %dma_start3A_707 = tpu.memref_slice %arg2[%dma_start3A_705, %dma_start3A_706] : memref<10000x64xbf16, #tpu.memory_space<hbm>> -> memref<10000x64xbf16, #tpu.memory_space<hbm>>
        tpu.enqueue_indirect_dma source(%dma_start3A_707 : memref<10000x64xbf16, #tpu.memory_space<hbm>>) target(%dma_start3A_701 : memref<80x64xbf16, #tpu.memory_space<vmem>>) offsets(%dma_start3A_704 : memref<80xi32, #tpu.memory_space<vmem>>) semaphore(%arg14 : memref<!tpu.dma_semaphore, #tpu.memory_space<semaphore_mem>>)
      } else {
      }
      %add3A_649 = arith.constant 6 : i32
      %add3A_650 = arith.addi %mul3A_311, %add3A_649 : i32
      %dma_wait3A_651 = arith.constant 6 : i32
      %dma_wait3A_652 = arith.constant 0 : i32
      %dma_wait3A_653 = arith.constant 0 : i32
      %dma_wait3A_654 = tpu.memref_slice %arg8[%dma_wait3A_651, %dma_wait3A_652, %dma_wait3A_653] : memref<8x80x64xbf16, #tpu.memory_space<vmem>> -> memref<1x80x64xbf16, #tpu.memory_space<vmem>>
      %dma_wait3A_655 = tpu.memref_squeeze %dma_wait3A_654 : memref<1x80x64xbf16, #tpu.memory_space<vmem>> -> memref<80x64xbf16, #tpu.memory_space<vmem>>
      %dma_wait3A_656 = arith.constant 0 : i32
      %dma_wait3A_657 = tpu.memref_slice %arg7[%add3A_650, %dma_wait3A_656] : memref<125x80xi32, #tpu.memory_space<vmem>> -> memref<1x80xi32, #tpu.memory_space<vmem>>
      %dma_wait3A_658 = tpu.memref_squeeze %dma_wait3A_657 : memref<1x80xi32, #tpu.memory_space<vmem>> -> memref<80xi32, #tpu.memory_space<vmem>>
      %dma_wait3A_659 = arith.constant 0 : i32
      %dma_wait3A_660 = arith.constant 0 : i32
      %dma_wait3A_661 = tpu.memref_slice %arg5[%dma_wait3A_659, %dma_wait3A_660] : memref<10000x64xbf16, #tpu.memory_space<vmem_shared>> -> memref<10000x64xbf16, #tpu.memory_space<vmem_shared>>
      tpu.wait_indirect_dma semaphore(%arg23 : memref<!tpu.dma_semaphore, #tpu.memory_space<semaphore_mem>>) src(%dma_wait3A_655 : memref<80x64xbf16, #tpu.memory_space<vmem>>) dst(%dma_wait3A_661 : memref<10000x64xbf16, #tpu.memory_space<vmem_shared>>)
      %add3A_662 = arith.constant 8 : i32
      %add3A_663 = arith.addi %mul3A_311, %add3A_662 : i32
      %add3A_664 = arith.constant 6 : i32
      %add3A_665 = arith.addi %add3A_663, %add3A_664 : i32
      %lt3A_666 = arith.constant 125 : i32
      %lt3A_667 = arith.cmpi slt, %add3A_665, %lt3A_666 : i32
      %convert_element_type3A_668 = arith.extui %lt3A_667 : i1 to i32
      %cond3A_669 = arith.constant 0 : i32
      %cond3A_670 = arith.cmpi ne, %convert_element_type3A_668, %cond3A_669 : i32
      scf.if %cond3A_670 {
        %add3A_693 = arith.constant 8 : i32
        %add3A_694 = arith.addi %mul3A_311, %add3A_693 : i32
        %add3A_695 = arith.constant 6 : i32
        %add3A_696 = arith.addi %add3A_694, %add3A_695 : i32
        %dma_start3A_697 = arith.constant 6 : i32
        %dma_start3A_698 = arith.constant 0 : i32
        %dma_start3A_699 = arith.constant 0 : i32
        %dma_start3A_700 = tpu.memref_slice %arg8[%dma_start3A_697, %dma_start3A_698, %dma_start3A_699] : memref<8x80x64xbf16, #tpu.memory_space<vmem>> -> memref<1x80x64xbf16, #tpu.memory_space<vmem>>
        %dma_start3A_701 = tpu.memref_squeeze %dma_start3A_700 : memref<1x80x64xbf16, #tpu.memory_space<vmem>> -> memref<80x64xbf16, #tpu.memory_space<vmem>>
        %dma_start3A_702 = arith.constant 0 : i32
        %dma_start3A_703 = tpu.memref_slice %arg6[%add3A_696, %dma_start3A_702] : memref<125x80xi32, #tpu.memory_space<vmem>> -> memref<1x80xi32, #tpu.memory_space<vmem>>
        %dma_start3A_704 = tpu.memref_squeeze %dma_start3A_703 : memref<1x80xi32, #tpu.memory_space<vmem>> -> memref<80xi32, #tpu.memory_space<vmem>>
        %dma_start3A_705 = arith.constant 0 : i32
        %dma_start3A_706 = arith.constant 0 : i32
        %dma_start3A_707 = tpu.memref_slice %arg2[%dma_start3A_705, %dma_start3A_706] : memref<10000x64xbf16, #tpu.memory_space<hbm>> -> memref<10000x64xbf16, #tpu.memory_space<hbm>>
        tpu.enqueue_indirect_dma source(%dma_start3A_707 : memref<10000x64xbf16, #tpu.memory_space<hbm>>) target(%dma_start3A_701 : memref<80x64xbf16, #tpu.memory_space<vmem>>) offsets(%dma_start3A_704 : memref<80xi32, #tpu.memory_space<vmem>>) semaphore(%arg15 : memref<!tpu.dma_semaphore, #tpu.memory_space<semaphore_mem>>)
      } else {
      }
      %add3A_671 = arith.constant 7 : i32
      %add3A_672 = arith.addi %mul3A_311, %add3A_671 : i32
      %dma_wait3A_673 = arith.constant 7 : i32
      %dma_wait3A_674 = arith.constant 0 : i32
      %dma_wait3A_675 = arith.constant 0 : i32
      %dma_wait3A_676 = tpu.memref_slice %arg8[%dma_wait3A_673, %dma_wait3A_674, %dma_wait3A_675] : memref<8x80x64xbf16, #tpu.memory_space<vmem>> -> memref<1x80x64xbf16, #tpu.memory_space<vmem>>
      %dma_wait3A_677 = tpu.memref_squeeze %dma_wait3A_676 : memref<1x80x64xbf16, #tpu.memory_space<vmem>> -> memref<80x64xbf16, #tpu.memory_space<vmem>>
      %dma_wait3A_678 = arith.constant 0 : i32
      %dma_wait3A_679 = tpu.memref_slice %arg7[%add3A_672, %dma_wait3A_678] : memref<125x80xi32, #tpu.memory_space<vmem>> -> memref<1x80xi32, #tpu.memory_space<vmem>>
      %dma_wait3A_680 = tpu.memref_squeeze %dma_wait3A_679 : memref<1x80xi32, #tpu.memory_space<vmem>> -> memref<80xi32, #tpu.memory_space<vmem>>
      %dma_wait3A_681 = arith.constant 0 : i32
      %dma_wait3A_682 = arith.constant 0 : i32
      %dma_wait3A_683 = tpu.memref_slice %arg5[%dma_wait3A_681, %dma_wait3A_682] : memref<10000x64xbf16, #tpu.memory_space<vmem_shared>> -> memref<10000x64xbf16, #tpu.memory_space<vmem_shared>>
      tpu.wait_indirect_dma semaphore(%arg24 : memref<!tpu.dma_semaphore, #tpu.memory_space<semaphore_mem>>) src(%dma_wait3A_677 : memref<80x64xbf16, #tpu.memory_space<vmem>>) dst(%dma_wait3A_683 : memref<10000x64xbf16, #tpu.memory_space<vmem_shared>>)
      %add3A_684 = arith.constant 8 : i32
      %add3A_685 = arith.addi %mul3A_311, %add3A_684 : i32
      %add3A_686 = arith.constant 7 : i32
      %add3A_687 = arith.addi %add3A_685, %add3A_686 : i32
      %lt3A_688 = arith.constant 125 : i32
      %lt3A_689 = arith.cmpi slt, %add3A_687, %lt3A_688 : i32
      %convert_element_type3A_690 = arith.extui %lt3A_689 : i1 to i32
      %cond3A_691 = arith.constant 0 : i32
      %cond3A_692 = arith.cmpi ne, %convert_element_type3A_690, %cond3A_691 : i32
      scf.if %cond3A_692 {
        %add3A_693 = arith.constant 8 : i32
        %add3A_694 = arith.addi %mul3A_311, %add3A_693 : i32
        %add3A_695 = arith.constant 7 : i32
        %add3A_696 = arith.addi %add3A_694, %add3A_695 : i32
        %dma_start3A_697 = arith.constant 7 : i32
        %dma_start3A_698 = arith.constant 0 : i32
        %dma_start3A_699 = arith.constant 0 : i32
        %dma_start3A_700 = tpu.memref_slice %arg8[%dma_start3A_697, %dma_start3A_698, %dma_start3A_699] : memref<8x80x64xbf16, #tpu.memory_space<vmem>> -> memref<1x80x64xbf16, #tpu.memory_space<vmem>>
        %dma_start3A_701 = tpu.memref_squeeze %dma_start3A_700 : memref<1x80x64xbf16, #tpu.memory_space<vmem>> -> memref<80x64xbf16, #tpu.memory_space<vmem>>
        %dma_start3A_702 = arith.constant 0 : i32
        %dma_start3A_703 = tpu.memref_slice %arg6[%add3A_696, %dma_start3A_702] : memref<125x80xi32, #tpu.memory_space<vmem>> -> memref<1x80xi32, #tpu.memory_space<vmem>>
        %dma_start3A_704 = tpu.memref_squeeze %dma_start3A_703 : memref<1x80xi32, #tpu.memory_space<vmem>> -> memref<80xi32, #tpu.memory_space<vmem>>
        %dma_start3A_705 = arith.constant 0 : i32
        %dma_start3A_706 = arith.constant 0 : i32
        %dma_start3A_707 = tpu.memref_slice %arg2[%dma_start3A_705, %dma_start3A_706] : memref<10000x64xbf16, #tpu.memory_space<hbm>> -> memref<10000x64xbf16, #tpu.memory_space<hbm>>
        tpu.enqueue_indirect_dma source(%dma_start3A_707 : memref<10000x64xbf16, #tpu.memory_space<hbm>>) target(%dma_start3A_701 : memref<80x64xbf16, #tpu.memory_space<vmem>>) offsets(%dma_start3A_704 : memref<80xi32, #tpu.memory_space<vmem>>) semaphore(%arg16 : memref<!tpu.dma_semaphore, #tpu.memory_space<semaphore_mem>>)
      } else {
      }
    }
    %scan3A_127 = arith.constant 15 : i32
    %dma_wait3A_128 = arith.constant 120 : i32
    %dma_wait3A_129 = arith.constant 0 : i32
    %dma_wait3A_130 = arith.constant 0 : i32
    %dma_wait3A_131 = arith.constant 0 : i32
    %dma_wait3A_132 = tpu.memref_slice %arg8[%dma_wait3A_129, %dma_wait3A_130, %dma_wait3A_131] : memref<8x80x64xbf16, #tpu.memory_space<vmem>> -> memref<1x80x64xbf16, #tpu.memory_space<vmem>>
    %dma_wait3A_133 = tpu.memref_squeeze %dma_wait3A_132 : memref<1x80x64xbf16, #tpu.memory_space<vmem>> -> memref<80x64xbf16, #tpu.memory_space<vmem>>
    %dma_wait3A_134 = arith.constant 0 : i32
    %dma_wait3A_135 = tpu.memref_slice %arg6[%dma_wait3A_128, %dma_wait3A_134] : memref<125x80xi32, #tpu.memory_space<vmem>> -> memref<1x80xi32, #tpu.memory_space<vmem>>
    %dma_wait3A_136 = tpu.memref_squeeze %dma_wait3A_135 : memref<1x80xi32, #tpu.memory_space<vmem>> -> memref<80xi32, #tpu.memory_space<vmem>>
    %dma_wait3A_137 = arith.constant 0 : i32
    %dma_wait3A_138 = arith.constant 0 : i32
    %dma_wait3A_139 = tpu.memref_slice %arg2[%dma_wait3A_137, %dma_wait3A_138] : memref<10000x64xbf16, #tpu.memory_space<hbm>> -> memref<10000x64xbf16, #tpu.memory_space<hbm>>
    tpu.wait_indirect_dma semaphore(%arg9 : memref<!tpu.dma_semaphore, #tpu.memory_space<semaphore_mem>>) src(%dma_wait3A_139 : memref<10000x64xbf16, #tpu.memory_space<hbm>>) dst(%dma_wait3A_133 : memref<80x64xbf16, #tpu.memory_space<vmem>>)
    %dma_start3A_140 = arith.constant 0 : i32
    %dma_start3A_141 = arith.constant 120 : i32
    %dma_start3A_142 = arith.constant 0 : i32
    %dma_start3A_143 = arith.constant 0 : i32
    %dma_start3A_144 = tpu.memref_slice %arg8[%dma_start3A_140, %dma_start3A_142, %dma_start3A_143] : memref<8x80x64xbf16, #tpu.memory_space<vmem>> -> memref<1x80x64xbf16, #tpu.memory_space<vmem>>
    %dma_start3A_145 = tpu.memref_squeeze %dma_start3A_144 : memref<1x80x64xbf16, #tpu.memory_space<vmem>> -> memref<80x64xbf16, #tpu.memory_space<vmem>>
    %dma_start3A_146 = arith.constant 0 : i32
    %dma_start3A_147 = tpu.memref_slice %arg7[%dma_start3A_141, %dma_start3A_146] : memref<125x80xi32, #tpu.memory_space<vmem>> -> memref<1x80xi32, #tpu.memory_space<vmem>>
    %dma_start3A_148 = tpu.memref_squeeze %dma_start3A_147 : memref<1x80xi32, #tpu.memory_space<vmem>> -> memref<80xi32, #tpu.memory_space<vmem>>
    %dma_start3A_149 = arith.constant 0 : i32
    %dma_start3A_150 = arith.constant 0 : i32
    %dma_start3A_151 = tpu.memref_slice %arg5[%dma_start3A_149, %dma_start3A_150] : memref<10000x64xbf16, #tpu.memory_space<vmem_shared>> -> memref<10000x64xbf16, #tpu.memory_space<vmem_shared>>
    tpu.enqueue_indirect_dma source(%dma_start3A_145 : memref<80x64xbf16, #tpu.memory_space<vmem>>) target(%dma_start3A_151 : memref<10000x64xbf16, #tpu.memory_space<vmem_shared>>) offsets(%dma_start3A_148 : memref<80xi32, #tpu.memory_space<vmem>>) semaphore(%arg17 : memref<!tpu.dma_semaphore, #tpu.memory_space<semaphore_mem>>) {add = true}
    %dma_wait3A_152 = arith.constant 121 : i32
    %dma_wait3A_153 = arith.constant 1 : i32
    %dma_wait3A_154 = arith.constant 0 : i32
    %dma_wait3A_155 = arith.constant 0 : i32
    %dma_wait3A_156 = tpu.memref_slice %arg8[%dma_wait3A_153, %dma_wait3A_154, %dma_wait3A_155] : memref<8x80x64xbf16, #tpu.memory_space<vmem>> -> memref<1x80x64xbf16, #tpu.memory_space<vmem>>
    %dma_wait3A_157 = tpu.memref_squeeze %dma_wait3A_156 : memref<1x80x64xbf16, #tpu.memory_space<vmem>> -> memref<80x64xbf16, #tpu.memory_space<vmem>>
    %dma_wait3A_158 = arith.constant 0 : i32
    %dma_wait3A_159 = tpu.memref_slice %arg6[%dma_wait3A_152, %dma_wait3A_158] : memref<125x80xi32, #tpu.memory_space<vmem>> -> memref<1x80xi32, #tpu.memory_space<vmem>>
    %dma_wait3A_160 = tpu.memref_squeeze %dma_wait3A_159 : memref<1x80xi32, #tpu.memory_space<vmem>> -> memref<80xi32, #tpu.memory_space<vmem>>
    %dma_wait3A_161 = arith.constant 0 : i32
    %dma_wait3A_162 = arith.constant 0 : i32
    %dma_wait3A_163 = tpu.memref_slice %arg2[%dma_wait3A_161, %dma_wait3A_162] : memref<10000x64xbf16, #tpu.memory_space<hbm>> -> memref<10000x64xbf16, #tpu.memory_space<hbm>>
    tpu.wait_indirect_dma semaphore(%arg10 : memref<!tpu.dma_semaphore, #tpu.memory_space<semaphore_mem>>) src(%dma_wait3A_163 : memref<10000x64xbf16, #tpu.memory_space<hbm>>) dst(%dma_wait3A_157 : memref<80x64xbf16, #tpu.memory_space<vmem>>)
    %dma_start3A_164 = arith.constant 1 : i32
    %dma_start3A_165 = arith.constant 121 : i32
    %dma_start3A_166 = arith.constant 0 : i32
    %dma_start3A_167 = arith.constant 0 : i32
    %dma_start3A_168 = tpu.memref_slice %arg8[%dma_start3A_164, %dma_start3A_166, %dma_start3A_167] : memref<8x80x64xbf16, #tpu.memory_space<vmem>> -> memref<1x80x64xbf16, #tpu.memory_space<vmem>>
    %dma_start3A_169 = tpu.memref_squeeze %dma_start3A_168 : memref<1x80x64xbf16, #tpu.memory_space<vmem>> -> memref<80x64xbf16, #tpu.memory_space<vmem>>
    %dma_start3A_170 = arith.constant 0 : i32
    %dma_start3A_171 = tpu.memref_slice %arg7[%dma_start3A_165, %dma_start3A_170] : memref<125x80xi32, #tpu.memory_space<vmem>> -> memref<1x80xi32, #tpu.memory_space<vmem>>
    %dma_start3A_172 = tpu.memref_squeeze %dma_start3A_171 : memref<1x80xi32, #tpu.memory_space<vmem>> -> memref<80xi32, #tpu.memory_space<vmem>>
    %dma_start3A_173 = arith.constant 0 : i32
    %dma_start3A_174 = arith.constant 0 : i32
    %dma_start3A_175 = tpu.memref_slice %arg5[%dma_start3A_173, %dma_start3A_174] : memref<10000x64xbf16, #tpu.memory_space<vmem_shared>> -> memref<10000x64xbf16, #tpu.memory_space<vmem_shared>>
    tpu.enqueue_indirect_dma source(%dma_start3A_169 : memref<80x64xbf16, #tpu.memory_space<vmem>>) target(%dma_start3A_175 : memref<10000x64xbf16, #tpu.memory_space<vmem_shared>>) offsets(%dma_start3A_172 : memref<80xi32, #tpu.memory_space<vmem>>) semaphore(%arg18 : memref<!tpu.dma_semaphore, #tpu.memory_space<semaphore_mem>>) {add = true}
    %dma_wait3A_176 = arith.constant 122 : i32
    %dma_wait3A_177 = arith.constant 2 : i32
    %dma_wait3A_178 = arith.constant 0 : i32
    %dma_wait3A_179 = arith.constant 0 : i32
    %dma_wait3A_180 = tpu.memref_slice %arg8[%dma_wait3A_177, %dma_wait3A_178, %dma_wait3A_179] : memref<8x80x64xbf16, #tpu.memory_space<vmem>> -> memref<1x80x64xbf16, #tpu.memory_space<vmem>>
    %dma_wait3A_181 = tpu.memref_squeeze %dma_wait3A_180 : memref<1x80x64xbf16, #tpu.memory_space<vmem>> -> memref<80x64xbf16, #tpu.memory_space<vmem>>
    %dma_wait3A_182 = arith.constant 0 : i32
    %dma_wait3A_183 = tpu.memref_slice %arg6[%dma_wait3A_176, %dma_wait3A_182] : memref<125x80xi32, #tpu.memory_space<vmem>> -> memref<1x80xi32, #tpu.memory_space<vmem>>
    %dma_wait3A_184 = tpu.memref_squeeze %dma_wait3A_183 : memref<1x80xi32, #tpu.memory_space<vmem>> -> memref<80xi32, #tpu.memory_space<vmem>>
    %dma_wait3A_185 = arith.constant 0 : i32
    %dma_wait3A_186 = arith.constant 0 : i32
    %dma_wait3A_187 = tpu.memref_slice %arg2[%dma_wait3A_185, %dma_wait3A_186] : memref<10000x64xbf16, #tpu.memory_space<hbm>> -> memref<10000x64xbf16, #tpu.memory_space<hbm>>
    tpu.wait_indirect_dma semaphore(%arg11 : memref<!tpu.dma_semaphore, #tpu.memory_space<semaphore_mem>>) src(%dma_wait3A_187 : memref<10000x64xbf16, #tpu.memory_space<hbm>>) dst(%dma_wait3A_181 : memref<80x64xbf16, #tpu.memory_space<vmem>>)
    %dma_start3A_188 = arith.constant 2 : i32
    %dma_start3A_189 = arith.constant 122 : i32
    %dma_start3A_190 = arith.constant 0 : i32
    %dma_start3A_191 = arith.constant 0 : i32
    %dma_start3A_192 = tpu.memref_slice %arg8[%dma_start3A_188, %dma_start3A_190, %dma_start3A_191] : memref<8x80x64xbf16, #tpu.memory_space<vmem>> -> memref<1x80x64xbf16, #tpu.memory_space<vmem>>
    %dma_start3A_193 = tpu.memref_squeeze %dma_start3A_192 : memref<1x80x64xbf16, #tpu.memory_space<vmem>> -> memref<80x64xbf16, #tpu.memory_space<vmem>>
    %dma_start3A_194 = arith.constant 0 : i32
    %dma_start3A_195 = tpu.memref_slice %arg7[%dma_start3A_189, %dma_start3A_194] : memref<125x80xi32, #tpu.memory_space<vmem>> -> memref<1x80xi32, #tpu.memory_space<vmem>>
    %dma_start3A_196 = tpu.memref_squeeze %dma_start3A_195 : memref<1x80xi32, #tpu.memory_space<vmem>> -> memref<80xi32, #tpu.memory_space<vmem>>
    %dma_start3A_197 = arith.constant 0 : i32
    %dma_start3A_198 = arith.constant 0 : i32
    %dma_start3A_199 = tpu.memref_slice %arg5[%dma_start3A_197, %dma_start3A_198] : memref<10000x64xbf16, #tpu.memory_space<vmem_shared>> -> memref<10000x64xbf16, #tpu.memory_space<vmem_shared>>
    tpu.enqueue_indirect_dma source(%dma_start3A_193 : memref<80x64xbf16, #tpu.memory_space<vmem>>) target(%dma_start3A_199 : memref<10000x64xbf16, #tpu.memory_space<vmem_shared>>) offsets(%dma_start3A_196 : memref<80xi32, #tpu.memory_space<vmem>>) semaphore(%arg19 : memref<!tpu.dma_semaphore, #tpu.memory_space<semaphore_mem>>) {add = true}
    %dma_wait3A_200 = arith.constant 123 : i32
    %dma_wait3A_201 = arith.constant 3 : i32
    %dma_wait3A_202 = arith.constant 0 : i32
    %dma_wait3A_203 = arith.constant 0 : i32
    %dma_wait3A_204 = tpu.memref_slice %arg8[%dma_wait3A_201, %dma_wait3A_202, %dma_wait3A_203] : memref<8x80x64xbf16, #tpu.memory_space<vmem>> -> memref<1x80x64xbf16, #tpu.memory_space<vmem>>
    %dma_wait3A_205 = tpu.memref_squeeze %dma_wait3A_204 : memref<1x80x64xbf16, #tpu.memory_space<vmem>> -> memref<80x64xbf16, #tpu.memory_space<vmem>>
    %dma_wait3A_206 = arith.constant 0 : i32
    %dma_wait3A_207 = tpu.memref_slice %arg6[%dma_wait3A_200, %dma_wait3A_206] : memref<125x80xi32, #tpu.memory_space<vmem>> -> memref<1x80xi32, #tpu.memory_space<vmem>>
    %dma_wait3A_208 = tpu.memref_squeeze %dma_wait3A_207 : memref<1x80xi32, #tpu.memory_space<vmem>> -> memref<80xi32, #tpu.memory_space<vmem>>
    %dma_wait3A_209 = arith.constant 0 : i32
    %dma_wait3A_210 = arith.constant 0 : i32
    %dma_wait3A_211 = tpu.memref_slice %arg2[%dma_wait3A_209, %dma_wait3A_210] : memref<10000x64xbf16, #tpu.memory_space<hbm>> -> memref<10000x64xbf16, #tpu.memory_space<hbm>>
    tpu.wait_indirect_dma semaphore(%arg12 : memref<!tpu.dma_semaphore, #tpu.memory_space<semaphore_mem>>) src(%dma_wait3A_211 : memref<10000x64xbf16, #tpu.memory_space<hbm>>) dst(%dma_wait3A_205 : memref<80x64xbf16, #tpu.memory_space<vmem>>)
    %dma_start3A_212 = arith.constant 3 : i32
    %dma_start3A_213 = arith.constant 123 : i32
    %dma_start3A_214 = arith.constant 0 : i32
    %dma_start3A_215 = arith.constant 0 : i32
    %dma_start3A_216 = tpu.memref_slice %arg8[%dma_start3A_212, %dma_start3A_214, %dma_start3A_215] : memref<8x80x64xbf16, #tpu.memory_space<vmem>> -> memref<1x80x64xbf16, #tpu.memory_space<vmem>>
    %dma_start3A_217 = tpu.memref_squeeze %dma_start3A_216 : memref<1x80x64xbf16, #tpu.memory_space<vmem>> -> memref<80x64xbf16, #tpu.memory_space<vmem>>
    %dma_start3A_218 = arith.constant 0 : i32
    %dma_start3A_219 = tpu.memref_slice %arg7[%dma_start3A_213, %dma_start3A_218] : memref<125x80xi32, #tpu.memory_space<vmem>> -> memref<1x80xi32, #tpu.memory_space<vmem>>
    %dma_start3A_220 = tpu.memref_squeeze %dma_start3A_219 : memref<1x80xi32, #tpu.memory_space<vmem>> -> memref<80xi32, #tpu.memory_space<vmem>>
    %dma_start3A_221 = arith.constant 0 : i32
    %dma_start3A_222 = arith.constant 0 : i32
    %dma_start3A_223 = tpu.memref_slice %arg5[%dma_start3A_221, %dma_start3A_222] : memref<10000x64xbf16, #tpu.memory_space<vmem_shared>> -> memref<10000x64xbf16, #tpu.memory_space<vmem_shared>>
    tpu.enqueue_indirect_dma source(%dma_start3A_217 : memref<80x64xbf16, #tpu.memory_space<vmem>>) target(%dma_start3A_223 : memref<10000x64xbf16, #tpu.memory_space<vmem_shared>>) offsets(%dma_start3A_220 : memref<80xi32, #tpu.memory_space<vmem>>) semaphore(%arg20 : memref<!tpu.dma_semaphore, #tpu.memory_space<semaphore_mem>>) {add = true}
    %dma_wait3A_224 = arith.constant 124 : i32
    %dma_wait3A_225 = arith.constant 4 : i32
    %dma_wait3A_226 = arith.constant 0 : i32
    %dma_wait3A_227 = arith.constant 0 : i32
    %dma_wait3A_228 = tpu.memref_slice %arg8[%dma_wait3A_225, %dma_wait3A_226, %dma_wait3A_227] : memref<8x80x64xbf16, #tpu.memory_space<vmem>> -> memref<1x80x64xbf16, #tpu.memory_space<vmem>>
    %dma_wait3A_229 = tpu.memref_squeeze %dma_wait3A_228 : memref<1x80x64xbf16, #tpu.memory_space<vmem>> -> memref<80x64xbf16, #tpu.memory_space<vmem>>
    %dma_wait3A_230 = arith.constant 0 : i32
    %dma_wait3A_231 = tpu.memref_slice %arg6[%dma_wait3A_224, %dma_wait3A_230] : memref<125x80xi32, #tpu.memory_space<vmem>> -> memref<1x80xi32, #tpu.memory_space<vmem>>
    %dma_wait3A_232 = tpu.memref_squeeze %dma_wait3A_231 : memref<1x80xi32, #tpu.memory_space<vmem>> -> memref<80xi32, #tpu.memory_space<vmem>>
    %dma_wait3A_233 = arith.constant 0 : i32
    %dma_wait3A_234 = arith.constant 0 : i32
    %dma_wait3A_235 = tpu.memref_slice %arg2[%dma_wait3A_233, %dma_wait3A_234] : memref<10000x64xbf16, #tpu.memory_space<hbm>> -> memref<10000x64xbf16, #tpu.memory_space<hbm>>
    tpu.wait_indirect_dma semaphore(%arg13 : memref<!tpu.dma_semaphore, #tpu.memory_space<semaphore_mem>>) src(%dma_wait3A_235 : memref<10000x64xbf16, #tpu.memory_space<hbm>>) dst(%dma_wait3A_229 : memref<80x64xbf16, #tpu.memory_space<vmem>>)
    %dma_start3A_236 = arith.constant 4 : i32
    %dma_start3A_237 = arith.constant 124 : i32
    %dma_start3A_238 = arith.constant 0 : i32
    %dma_start3A_239 = arith.constant 0 : i32
    %dma_start3A_240 = tpu.memref_slice %arg8[%dma_start3A_236, %dma_start3A_238, %dma_start3A_239] : memref<8x80x64xbf16, #tpu.memory_space<vmem>> -> memref<1x80x64xbf16, #tpu.memory_space<vmem>>
    %dma_start3A_241 = tpu.memref_squeeze %dma_start3A_240 : memref<1x80x64xbf16, #tpu.memory_space<vmem>> -> memref<80x64xbf16, #tpu.memory_space<vmem>>
    %dma_start3A_242 = arith.constant 0 : i32
    %dma_start3A_243 = tpu.memref_slice %arg7[%dma_start3A_237, %dma_start3A_242] : memref<125x80xi32, #tpu.memory_space<vmem>> -> memref<1x80xi32, #tpu.memory_space<vmem>>
    %dma_start3A_244 = tpu.memref_squeeze %dma_start3A_243 : memref<1x80xi32, #tpu.memory_space<vmem>> -> memref<80xi32, #tpu.memory_space<vmem>>
    %dma_start3A_245 = arith.constant 0 : i32
    %dma_start3A_246 = arith.constant 0 : i32
    %dma_start3A_247 = tpu.memref_slice %arg5[%dma_start3A_245, %dma_start3A_246] : memref<10000x64xbf16, #tpu.memory_space<vmem_shared>> -> memref<10000x64xbf16, #tpu.memory_space<vmem_shared>>
    tpu.enqueue_indirect_dma source(%dma_start3A_241 : memref<80x64xbf16, #tpu.memory_space<vmem>>) target(%dma_start3A_247 : memref<10000x64xbf16, #tpu.memory_space<vmem_shared>>) offsets(%dma_start3A_244 : memref<80xi32, #tpu.memory_space<vmem>>) semaphore(%arg21 : memref<!tpu.dma_semaphore, #tpu.memory_space<semaphore_mem>>) {add = true}
    %dma_wait3A_248 = arith.constant 0 : i32
    %dma_wait3A_249 = arith.constant 120 : i32
    %dma_wait3A_250 = arith.constant 0 : i32
    %dma_wait3A_251 = arith.constant 0 : i32
    %dma_wait3A_252 = tpu.memref_slice %arg8[%dma_wait3A_248, %dma_wait3A_250, %dma_wait3A_251] : memref<8x80x64xbf16, #tpu.memory_space<vmem>> -> memref<1x80x64xbf16, #tpu.memory_space<vmem>>
    %dma_wait3A_253 = tpu.memref_squeeze %dma_wait3A_252 : memref<1x80x64xbf16, #tpu.memory_space<vmem>> -> memref<80x64xbf16, #tpu.memory_space<vmem>>
    %dma_wait3A_254 = arith.constant 0 : i32
    %dma_wait3A_255 = tpu.memref_slice %arg7[%dma_wait3A_249, %dma_wait3A_254] : memref<125x80xi32, #tpu.memory_space<vmem>> -> memref<1x80xi32, #tpu.memory_space<vmem>>
    %dma_wait3A_256 = tpu.memref_squeeze %dma_wait3A_255 : memref<1x80xi32, #tpu.memory_space<vmem>> -> memref<80xi32, #tpu.memory_space<vmem>>
    %dma_wait3A_257 = arith.constant 0 : i32
    %dma_wait3A_258 = arith.constant 0 : i32
    %dma_wait3A_259 = tpu.memref_slice %arg5[%dma_wait3A_257, %dma_wait3A_258] : memref<10000x64xbf16, #tpu.memory_space<vmem_shared>> -> memref<10000x64xbf16, #tpu.memory_space<vmem_shared>>
    tpu.wait_indirect_dma semaphore(%arg17 : memref<!tpu.dma_semaphore, #tpu.memory_space<semaphore_mem>>) src(%dma_wait3A_253 : memref<80x64xbf16, #tpu.memory_space<vmem>>) dst(%dma_wait3A_259 : memref<10000x64xbf16, #tpu.memory_space<vmem_shared>>)
    %dma_wait3A_260 = arith.constant 1 : i32
    %dma_wait3A_261 = arith.constant 121 : i32
    %dma_wait3A_262 = arith.constant 0 : i32
    %dma_wait3A_263 = arith.constant 0 : i32
    %dma_wait3A_264 = tpu.memref_slice %arg8[%dma_wait3A_260, %dma_wait3A_262, %dma_wait3A_263] : memref<8x80x64xbf16, #tpu.memory_space<vmem>> -> memref<1x80x64xbf16, #tpu.memory_space<vmem>>
    %dma_wait3A_265 = tpu.memref_squeeze %dma_wait3A_264 : memref<1x80x64xbf16, #tpu.memory_space<vmem>> -> memref<80x64xbf16, #tpu.memory_space<vmem>>
    %dma_wait3A_266 = arith.constant 0 : i32
    %dma_wait3A_267 = tpu.memref_slice %arg7[%dma_wait3A_261, %dma_wait3A_266] : memref<125x80xi32, #tpu.memory_space<vmem>> -> memref<1x80xi32, #tpu.memory_space<vmem>>
    %dma_wait3A_268 = tpu.memref_squeeze %dma_wait3A_267 : memref<1x80xi32, #tpu.memory_space<vmem>> -> memref<80xi32, #tpu.memory_space<vmem>>
    %dma_wait3A_269 = arith.constant 0 : i32
    %dma_wait3A_270 = arith.constant 0 : i32
    %dma_wait3A_271 = tpu.memref_slice %arg5[%dma_wait3A_269, %dma_wait3A_270] : memref<10000x64xbf16, #tpu.memory_space<vmem_shared>> -> memref<10000x64xbf16, #tpu.memory_space<vmem_shared>>
    tpu.wait_indirect_dma semaphore(%arg18 : memref<!tpu.dma_semaphore, #tpu.memory_space<semaphore_mem>>) src(%dma_wait3A_265 : memref<80x64xbf16, #tpu.memory_space<vmem>>) dst(%dma_wait3A_271 : memref<10000x64xbf16, #tpu.memory_space<vmem_shared>>)
    %dma_wait3A_272 = arith.constant 2 : i32
    %dma_wait3A_273 = arith.constant 122 : i32
    %dma_wait3A_274 = arith.constant 0 : i32
    %dma_wait3A_275 = arith.constant 0 : i32
    %dma_wait3A_276 = tpu.memref_slice %arg8[%dma_wait3A_272, %dma_wait3A_274, %dma_wait3A_275] : memref<8x80x64xbf16, #tpu.memory_space<vmem>> -> memref<1x80x64xbf16, #tpu.memory_space<vmem>>
    %dma_wait3A_277 = tpu.memref_squeeze %dma_wait3A_276 : memref<1x80x64xbf16, #tpu.memory_space<vmem>> -> memref<80x64xbf16, #tpu.memory_space<vmem>>
    %dma_wait3A_278 = arith.constant 0 : i32
    %dma_wait3A_279 = tpu.memref_slice %arg7[%dma_wait3A_273, %dma_wait3A_278] : memref<125x80xi32, #tpu.memory_space<vmem>> -> memref<1x80xi32, #tpu.memory_space<vmem>>
    %dma_wait3A_280 = tpu.memref_squeeze %dma_wait3A_279 : memref<1x80xi32, #tpu.memory_space<vmem>> -> memref<80xi32, #tpu.memory_space<vmem>>
    %dma_wait3A_281 = arith.constant 0 : i32
    %dma_wait3A_282 = arith.constant 0 : i32
    %dma_wait3A_283 = tpu.memref_slice %arg5[%dma_wait3A_281, %dma_wait3A_282] : memref<10000x64xbf16, #tpu.memory_space<vmem_shared>> -> memref<10000x64xbf16, #tpu.memory_space<vmem_shared>>
    tpu.wait_indirect_dma semaphore(%arg19 : memref<!tpu.dma_semaphore, #tpu.memory_space<semaphore_mem>>) src(%dma_wait3A_277 : memref<80x64xbf16, #tpu.memory_space<vmem>>) dst(%dma_wait3A_283 : memref<10000x64xbf16, #tpu.memory_space<vmem_shared>>)
    %dma_wait3A_284 = arith.constant 3 : i32
    %dma_wait3A_285 = arith.constant 123 : i32
    %dma_wait3A_286 = arith.constant 0 : i32
    %dma_wait3A_287 = arith.constant 0 : i32
    %dma_wait3A_288 = tpu.memref_slice %arg8[%dma_wait3A_284, %dma_wait3A_286, %dma_wait3A_287] : memref<8x80x64xbf16, #tpu.memory_space<vmem>> -> memref<1x80x64xbf16, #tpu.memory_space<vmem>>
    %dma_wait3A_289 = tpu.memref_squeeze %dma_wait3A_288 : memref<1x80x64xbf16, #tpu.memory_space<vmem>> -> memref<80x64xbf16, #tpu.memory_space<vmem>>
    %dma_wait3A_290 = arith.constant 0 : i32
    %dma_wait3A_291 = tpu.memref_slice %arg7[%dma_wait3A_285, %dma_wait3A_290] : memref<125x80xi32, #tpu.memory_space<vmem>> -> memref<1x80xi32, #tpu.memory_space<vmem>>
    %dma_wait3A_292 = tpu.memref_squeeze %dma_wait3A_291 : memref<1x80xi32, #tpu.memory_space<vmem>> -> memref<80xi32, #tpu.memory_space<vmem>>
    %dma_wait3A_293 = arith.constant 0 : i32
    %dma_wait3A_294 = arith.constant 0 : i32
    %dma_wait3A_295 = tpu.memref_slice %arg5[%dma_wait3A_293, %dma_wait3A_294] : memref<10000x64xbf16, #tpu.memory_space<vmem_shared>> -> memref<10000x64xbf16, #tpu.memory_space<vmem_shared>>
    tpu.wait_indirect_dma semaphore(%arg20 : memref<!tpu.dma_semaphore, #tpu.memory_space<semaphore_mem>>) src(%dma_wait3A_289 : memref<80x64xbf16, #tpu.memory_space<vmem>>) dst(%dma_wait3A_295 : memref<10000x64xbf16, #tpu.memory_space<vmem_shared>>)
    %dma_wait3A_296 = arith.constant 4 : i32
    %dma_wait3A_297 = arith.constant 124 : i32
    %dma_wait3A_298 = arith.constant 0 : i32
    %dma_wait3A_299 = arith.constant 0 : i32
    %dma_wait3A_300 = tpu.memref_slice %arg8[%dma_wait3A_296, %dma_wait3A_298, %dma_wait3A_299] : memref<8x80x64xbf16, #tpu.memory_space<vmem>> -> memref<1x80x64xbf16, #tpu.memory_space<vmem>>
    %dma_wait3A_301 = tpu.memref_squeeze %dma_wait3A_300 : memref<1x80x64xbf16, #tpu.memory_space<vmem>> -> memref<80x64xbf16, #tpu.memory_space<vmem>>
    %dma_wait3A_302 = arith.constant 0 : i32
    %dma_wait3A_303 = tpu.memref_slice %arg7[%dma_wait3A_297, %dma_wait3A_302] : memref<125x80xi32, #tpu.memory_space<vmem>> -> memref<1x80xi32, #tpu.memory_space<vmem>>
    %dma_wait3A_304 = tpu.memref_squeeze %dma_wait3A_303 : memref<1x80xi32, #tpu.memory_space<vmem>> -> memref<80xi32, #tpu.memory_space<vmem>>
    %dma_wait3A_305 = arith.constant 0 : i32
    %dma_wait3A_306 = arith.constant 0 : i32
    %dma_wait3A_307 = tpu.memref_slice %arg5[%dma_wait3A_305, %dma_wait3A_306] : memref<10000x64xbf16, #tpu.memory_space<vmem_shared>> -> memref<10000x64xbf16, #tpu.memory_space<vmem_shared>>
    tpu.wait_indirect_dma semaphore(%arg21 : memref<!tpu.dma_semaphore, #tpu.memory_space<semaphore_mem>>) src(%dma_wait3A_301 : memref<80x64xbf16, #tpu.memory_space<vmem>>) dst(%dma_wait3A_307 : memref<10000x64xbf16, #tpu.memory_space<vmem_shared>>)
    %barrier3A_308 = arith.constant 0 : index
    tpu.barrier barrier_id(%barrier3A_308)
    "tpu.region"() ({
      %run_scoped3A_309 = tpu.sem_alloc : memref<!tpu.dma_semaphore, #tpu.memory_space<semaphore_mem>>
      %dma_start3A_310 = arith.constant 0 : i32
      %dma_start3A_311 = tpu.memref_slice %arg4[%arg0, %mul3A_2, %dma_start3A_310] : memref<2x10000x64xbf16, #tpu.memory_space<hbm>> -> memref<1x625x64xbf16, #tpu.memory_space<hbm>>
      %dma_start3A_312 = tpu.memref_squeeze %dma_start3A_311 : memref<1x625x64xbf16, #tpu.memory_space<hbm>> -> memref<625x64xbf16, #tpu.memory_space<hbm>>
      %dma_start3A_313 = arith.constant 0 : i32
      %dma_start3A_314 = tpu.memref_slice %arg5[%mul3A_2, %dma_start3A_313] : memref<10000x64xbf16, #tpu.memory_space<vmem_shared>> -> memref<625x64xbf16, #tpu.memory_space<vmem_shared>>
      tpu.enqueue_dma source(%dma_start3A_314 : memref<625x64xbf16, #tpu.memory_space<vmem_shared>>) target(%dma_start3A_312 : memref<625x64xbf16, #tpu.memory_space<hbm>>) target_semaphore(%run_scoped3A_309 : memref<!tpu.dma_semaphore, #tpu.memory_space<semaphore_mem>>)
      %dma_wait3A_315 = arith.constant 0 : i32
      %dma_wait3A_316 = tpu.memref_slice %arg4[%arg0, %mul3A_2, %dma_wait3A_315] : memref<2x10000x64xbf16, #tpu.memory_space<hbm>> -> memref<1x625x64xbf16, #tpu.memory_space<hbm>>
      %dma_wait3A_317 = tpu.memref_squeeze %dma_wait3A_316 : memref<1x625x64xbf16, #tpu.memory_space<hbm>> -> memref<625x64xbf16, #tpu.memory_space<hbm>>
      %dma_wait3A_318 = arith.constant 0 : i32
      %dma_wait3A_319 = tpu.memref_slice %arg5[%mul3A_2, %dma_wait3A_318] : memref<10000x64xbf16, #tpu.memory_space<vmem_shared>> -> memref<625x64xbf16, #tpu.memory_space<vmem_shared>>
      tpu.wait_dma2 semaphore(%run_scoped3A_309 : memref<!tpu.dma_semaphore, #tpu.memory_space<semaphore_mem>>) src(%dma_wait3A_319 : memref<625x64xbf16, #tpu.memory_space<vmem_shared>>) dst(%dma_wait3A_317 : memref<625x64xbf16, #tpu.memory_space<hbm>>)
      tpu.yield
    }) : () -> ()
    return
  }
}

#map = affine_map<(d0, d1) -> (0, 0)>
#map1 = affine_map<(d0, d1) -> (0, 0, 0, 0)>
#map2 = affine_map<(d0, d1) -> (0, 0, 0)>
module attributes {stable_mosaic.version = 14 : i64} {
  func.func @_segsum(%arg0: i32, %arg1: i32, %arg2: memref<10000x64xbf16, #tpu.memory_space<hbm>>, %arg3: memref<2x32x125x80xi32, #tpu.memory_space<hbm>>, %arg4: memref<2x10000x64xbf16, #tpu.memory_space<hbm>>, %arg5: memref<10000x64xbf16, #tpu.memory_space<vmem_shared>>, %arg6: memref<125x80xi32, #tpu.memory_space<vmem>>, %arg7: memref<125x80xi32, #tpu.memory_space<vmem>>, %arg8: memref<8x80x64xbf16, #tpu.memory_space<vmem>>, %arg9: memref<!tpu.dma_semaphore, #tpu.memory_space<semaphore_mem>>, %arg10: memref<!tpu.dma_semaphore, #tpu.memory_space<semaphore_mem>>, %arg11: memref<!tpu.dma_semaphore, #tpu.memory_space<semaphore_mem>>, %arg12: memref<!tpu.dma_semaphore, #tpu.memory_space<semaphore_mem>>, %arg13: memref<!tpu.dma_semaphore, #tpu.memory_space<semaphore_mem>>, %arg14: memref<!tpu.dma_semaphore, #tpu.memory_space<semaphore_mem>>, %arg15: memref<!tpu.dma_semaphore, #tpu.memory_space<semaphore_mem>>, %arg16: memref<!tpu.dma_semaphore, #tpu.memory_space<semaphore_mem>>, %arg17: memref<!tpu.dma_semaphore, #tpu.memory_space<semaphore_mem>>, %arg18: memref<!tpu.dma_semaphore, #tpu.memory_space<semaphore_mem>>, %arg19: memref<!tpu.dma_semaphore, #tpu.memory_space<semaphore_mem>>, %arg20: memref<!tpu.dma_semaphore, #tpu.memory_space<semaphore_mem>>, %arg21: memref<!tpu.dma_semaphore, #tpu.memory_space<semaphore_mem>>, %arg22: memref<!tpu.dma_semaphore, #tpu.memory_space<semaphore_mem>>, %arg23: memref<!tpu.dma_semaphore, #tpu.memory_space<semaphore_mem>>, %arg24: memref<!tpu.dma_semaphore, #tpu.memory_space<semaphore_mem>>) attributes {dimension_semantics = [#tpu.dimension_semantics<core_parallel>, #tpu.dimension_semantics<subcore_parallel>], iteration_bounds = array<i64: 2, 16>, scalar_prefetch = 0 : i64, scratch_operands = 20 : i64, tpu.core_type = #tpu.core_type<sc_vector_subcore>, window_params = [{transform_indices = #map}, {transform_indices = #map1}, {transform_indices = #map2}]} {
    %mul3A = arith.constant 16 : i32
    %mul3A_0 = arith.muli %arg0, %mul3A : i32
    %add3A = arith.addi %mul3A_0, %arg1 : i32
    %mul3A_1 = arith.constant 625 : i32
    %mul3A_2 = arith.muli %arg1, %mul3A_1 : i32
    %run_scoped3A = arith.constant 0 : i32
    "tpu.region"() ({
      %run_scoped3A_309 = tpu.sem_alloc : memref<!tpu.dma_semaphore, #tpu.memory_space<semaphore_mem>>
      %dma_start3A_310 = arith.constant 0 : i32
      %dma_start3A_311 = arith.constant 0 : i32
      %dma_start3A_312 = tpu.memref_slice %arg3[%run_scoped3A, %add3A, %dma_start3A_310, %dma_start3A_311] : memref<2x32x125x80xi32, #tpu.memory_space<hbm>> -> memref<1x1x125x80xi32, #tpu.memory_space<hbm>>
      %dma_start3A_313 = tpu.memref_squeeze %dma_start3A_312 : memref<1x1x125x80xi32, #tpu.memory_space<hbm>> -> memref<125x80xi32, #tpu.memory_space<hbm>>
      %dma_start3A_314 = arith.constant 0 : i32
      %dma_start3A_315 = arith.constant 0 : i32
      %dma_start3A_316 = tpu.memref_slice %arg3[%run_scoped3A, %add3A, %dma_start3A_314, %dma_start3A_315] : memref<2x32x125x80xi32, #tpu.memory_space<hbm>> -> memref<1x1x125x80xi32, #tpu.memory_space<hbm>>
      %dma_start3A_317 = tpu.memref_squeeze %dma_start3A_316 : memref<1x1x125x80xi32, #tpu.memory_space<hbm>> -> memref<125x80xi32, #tpu.memory_space<hbm>>
      tpu.enqueue_dma source(%dma_start3A_317 : memref<125x80xi32, #tpu.memory_space<hbm>>) target(%arg6 : memref<125x80xi32, #tpu.memory_space<vmem>>) target_semaphore(%run_scoped3A_309 : memref<!tpu.dma_semaphore, #tpu.memory_space<semaphore_mem>>)
      %dma_wait3A_318 = arith.constant 0 : i32
      %dma_wait3A_319 = arith.constant 0 : i32
      %dma_wait3A_320 = tpu.memref_slice %arg3[%run_scoped3A, %add3A, %dma_wait3A_318, %dma_wait3A_319] : memref<2x32x125x80xi32, #tpu.memory_space<hbm>> -> memref<1x1x125x80xi32, #tpu.memory_space<hbm>>
      %dma_wait3A_321 = tpu.memref_squeeze %dma_wait3A_320 : memref<1x1x125x80xi32, #tpu.memory_space<hbm>> -> memref<125x80xi32, #tpu.memory_space<hbm>>
      %dma_wait3A_322 = arith.constant 0 : i32
      %dma_wait3A_323 = arith.constant 0 : i32
      %dma_wait3A_324 = tpu.memref_slice %arg3[%run_scoped3A, %add3A, %dma_wait3A_322, %dma_wait3A_323] : memref<2x32x125x80xi32, #tpu.memory_space<hbm>> -> memref<1x1x125x80xi32, #tpu.memory_space<hbm>>
      %dma_wait3A_325 = tpu.memref_squeeze %dma_wait3A_324 : memref<1x1x125x80xi32, #tpu.memory_space<hbm>> -> memref<125x80xi32, #tpu.memory_space<hbm>>
      tpu.wait_dma2 semaphore(%run_scoped3A_309 : memref<!tpu.dma_semaphore, #tpu.memory_space<semaphore_mem>>) src(%dma_wait3A_325 : memref<125x80xi32, #tpu.memory_space<hbm>>) dst(%arg6 : memref<125x80xi32, #tpu.memory_space<vmem>>)
      tpu.yield
    }) : () -> ()
    %dma_start3A = arith.constant 0 : i32
    %dma_start3A_3 = arith.constant 0 : i32
    %dma_start3A_4 = arith.constant 0 : i32
    %dma_start3A_5 = arith.constant 0 : i32
    %dma_start3A_6 = tpu.memref_slice %arg8[%dma_start3A_3, %dma_start3A_4, %dma_start3A_5] : memref<8x80x64xbf16, #tpu.memory_space<vmem>> -> memref<1x80x64xbf16, #tpu.memory_space<vmem>>
    %dma_start3A_7 = tpu.memref_squeeze %dma_start3A_6 : memref<1x80x64xbf16, #tpu.memory_space<vmem>> -> memref<80x64xbf16, #tpu.memory_space<vmem>>
    %dma_start3A_8 = arith.constant 0 : i32
    %dma_start3A_9 = tpu.memref_slice %arg6[%dma_start3A, %dma_start3A_8] : memref<125x80xi32, #tpu.memory_space<vmem>> -> memref<1x80xi32, #tpu.memory_space<vmem>>
    %dma_start3A_10 = tpu.memref_squeeze %dma_start3A_9 : memref<1x80xi32, #tpu.memory_space<vmem>> -> memref<80xi32, #tpu.memory_space<vmem>>
    %dma_start3A_11 = arith.constant 0 : i32
    %dma_start3A_12 = arith.constant 0 : i32
    %dma_start3A_13 = tpu.memref_slice %arg2[%dma_start3A_11, %dma_start3A_12] : memref<10000x64xbf16, #tpu.memory_space<hbm>> -> memref<10000x64xbf16, #tpu.memory_space<hbm>>
    tpu.enqueue_indirect_dma source(%dma_start3A_13 : memref<10000x64xbf16, #tpu.memory_space<hbm>>) target(%dma_start3A_7 : memref<80x64xbf16, #tpu.memory_space<vmem>>) offsets(%dma_start3A_10 : memref<80xi32, #tpu.memory_space<vmem>>) semaphore(%arg9 : memref<!tpu.dma_semaphore, #tpu.memory_space<semaphore_mem>>)
    %dma_start3A_14 = arith.constant 1 : i32
    %dma_start3A_15 = arith.constant 1 : i32
    %dma_start3A_16 = arith.constant 0 : i32
    %dma_start3A_17 = arith.constant 0 : i32
    %dma_start3A_18 = tpu.memref_slice %arg8[%dma_start3A_15, %dma_start3A_16, %dma_start3A_17] : memref<8x80x64xbf16, #tpu.memory_space<vmem>> -> memref<1x80x64xbf16, #tpu.memory_space<vmem>>
    %dma_start3A_19 = tpu.memref_squeeze %dma_start3A_18 : memref<1x80x64xbf16, #tpu.memory_space<vmem>> -> memref<80x64xbf16, #tpu.memory_space<vmem>>
    %dma_start3A_20 = arith.constant 0 : i32
    %dma_start3A_21 = tpu.memref_slice %arg6[%dma_start3A_14, %dma_start3A_20] : memref<125x80xi32, #tpu.memory_space<vmem>> -> memref<1x80xi32, #tpu.memory_space<vmem>>
    %dma_start3A_22 = tpu.memref_squeeze %dma_start3A_21 : memref<1x80xi32, #tpu.memory_space<vmem>> -> memref<80xi32, #tpu.memory_space<vmem>>
    %dma_start3A_23 = arith.constant 0 : i32
    %dma_start3A_24 = arith.constant 0 : i32
    %dma_start3A_25 = tpu.memref_slice %arg2[%dma_start3A_23, %dma_start3A_24] : memref<10000x64xbf16, #tpu.memory_space<hbm>> -> memref<10000x64xbf16, #tpu.memory_space<hbm>>
    tpu.enqueue_indirect_dma source(%dma_start3A_25 : memref<10000x64xbf16, #tpu.memory_space<hbm>>) target(%dma_start3A_19 : memref<80x64xbf16, #tpu.memory_space<vmem>>) offsets(%dma_start3A_22 : memref<80xi32, #tpu.memory_space<vmem>>) semaphore(%arg10 : memref<!tpu.dma_semaphore, #tpu.memory_space<semaphore_mem>>)
    %dma_start3A_26 = arith.constant 2 : i32
    %dma_start3A_27 = arith.constant 2 : i32
    %dma_start3A_28 = arith.constant 0 : i32
    %dma_start3A_29 = arith.constant 0 : i32
    %dma_start3A_30 = tpu.memref_slice %arg8[%dma_start3A_27, %dma_start3A_28, %dma_start3A_29] : memref<8x80x64xbf16, #tpu.memory_space<vmem>> -> memref<1x80x64xbf16, #tpu.memory_space<vmem>>
    %dma_start3A_31 = tpu.memref_squeeze %dma_start3A_30 : memref<1x80x64xbf16, #tpu.memory_space<vmem>> -> memref<80x64xbf16, #tpu.memory_space<vmem>>
    %dma_start3A_32 = arith.constant 0 : i32
    %dma_start3A_33 = tpu.memref_slice %arg6[%dma_start3A_26, %dma_start3A_32] : memref<125x80xi32, #tpu.memory_space<vmem>> -> memref<1x80xi32, #tpu.memory_space<vmem>>
    %dma_start3A_34 = tpu.memref_squeeze %dma_start3A_33 : memref<1x80xi32, #tpu.memory_space<vmem>> -> memref<80xi32, #tpu.memory_space<vmem>>
    %dma_start3A_35 = arith.constant 0 : i32
    %dma_start3A_36 = arith.constant 0 : i32
    %dma_start3A_37 = tpu.memref_slice %arg2[%dma_start3A_35, %dma_start3A_36] : memref<10000x64xbf16, #tpu.memory_space<hbm>> -> memref<10000x64xbf16, #tpu.memory_space<hbm>>
    tpu.enqueue_indirect_dma source(%dma_start3A_37 : memref<10000x64xbf16, #tpu.memory_space<hbm>>) target(%dma_start3A_31 : memref<80x64xbf16, #tpu.memory_space<vmem>>) offsets(%dma_start3A_34 : memref<80xi32, #tpu.memory_space<vmem>>) semaphore(%arg11 : memref<!tpu.dma_semaphore, #tpu.memory_space<semaphore_mem>>)
    %dma_start3A_38 = arith.constant 3 : i32
    %dma_start3A_39 = arith.constant 3 : i32
    %dma_start3A_40 = arith.constant 0 : i32
    %dma_start3A_41 = arith.constant 0 : i32
    %dma_start3A_42 = tpu.memref_slice %arg8[%dma_start3A_39, %dma_start3A_40, %dma_start3A_41] : memref<8x80x64xbf16, #tpu.memory_space<vmem>> -> memref<1x80x64xbf16, #tpu.memory_space<vmem>>
    %dma_start3A_43 = tpu.memref_squeeze %dma_start3A_42 : memref<1x80x64xbf16, #tpu.memory_space<vmem>> -> memref<80x64xbf16, #tpu.memory_space<vmem>>
    %dma_start3A_44 = arith.constant 0 : i32
    %dma_start3A_45 = tpu.memref_slice %arg6[%dma_start3A_38, %dma_start3A_44] : memref<125x80xi32, #tpu.memory_space<vmem>> -> memref<1x80xi32, #tpu.memory_space<vmem>>
    %dma_start3A_46 = tpu.memref_squeeze %dma_start3A_45 : memref<1x80xi32, #tpu.memory_space<vmem>> -> memref<80xi32, #tpu.memory_space<vmem>>
    %dma_start3A_47 = arith.constant 0 : i32
    %dma_start3A_48 = arith.constant 0 : i32
    %dma_start3A_49 = tpu.memref_slice %arg2[%dma_start3A_47, %dma_start3A_48] : memref<10000x64xbf16, #tpu.memory_space<hbm>> -> memref<10000x64xbf16, #tpu.memory_space<hbm>>
    tpu.enqueue_indirect_dma source(%dma_start3A_49 : memref<10000x64xbf16, #tpu.memory_space<hbm>>) target(%dma_start3A_43 : memref<80x64xbf16, #tpu.memory_space<vmem>>) offsets(%dma_start3A_46 : memref<80xi32, #tpu.memory_space<vmem>>) semaphore(%arg12 : memref<!tpu.dma_semaphore, #tpu.memory_space<semaphore_mem>>)
    %dma_start3A_50 = arith.constant 4 : i32
    %dma_start3A_51 = arith.constant 4 : i32
    %dma_start3A_52 = arith.constant 0 : i32
    %dma_start3A_53 = arith.constant 0 : i32
    %dma_start3A_54 = tpu.memref_slice %arg8[%dma_start3A_51, %dma_start3A_52, %dma_start3A_53] : memref<8x80x64xbf16, #tpu.memory_space<vmem>> -> memref<1x80x64xbf16, #tpu.memory_space<vmem>>
    %dma_start3A_55 = tpu.memref_squeeze %dma_start3A_54 : memref<1x80x64xbf16, #tpu.memory_space<vmem>> -> memref<80x64xbf16, #tpu.memory_space<vmem>>
    %dma_start3A_56 = arith.constant 0 : i32
    %dma_start3A_57 = tpu.memref_slice %arg6[%dma_start3A_50, %dma_start3A_56] : memref<125x80xi32, #tpu.memory_space<vmem>> -> memref<1x80xi32, #tpu.memory_space<vmem>>
    %dma_start3A_58 = tpu.memref_squeeze %dma_start3A_57 : memref<1x80xi32, #tpu.memory_space<vmem>> -> memref<80xi32, #tpu.memory_space<vmem>>
    %dma_start3A_59 = arith.constant 0 : i32
    %dma_start3A_60 = arith.constant 0 : i32
    %dma_start3A_61 = tpu.memref_slice %arg2[%dma_start3A_59, %dma_start3A_60] : memref<10000x64xbf16, #tpu.memory_space<hbm>> -> memref<10000x64xbf16, #tpu.memory_space<hbm>>
    tpu.enqueue_indirect_dma source(%dma_start3A_61 : memref<10000x64xbf16, #tpu.memory_space<hbm>>) target(%dma_start3A_55 : memref<80x64xbf16, #tpu.memory_space<vmem>>) offsets(%dma_start3A_58 : memref<80xi32, #tpu.memory_space<vmem>>) semaphore(%arg13 : memref<!tpu.dma_semaphore, #tpu.memory_space<semaphore_mem>>)
    %dma_start3A_62 = arith.constant 5 : i32
    %dma_start3A_63 = arith.constant 5 : i32
    %dma_start3A_64 = arith.constant 0 : i32
    %dma_start3A_65 = arith.constant 0 : i32
    %dma_start3A_66 = tpu.memref_slice %arg8[%dma_start3A_63, %dma_start3A_64, %dma_start3A_65] : memref<8x80x64xbf16, #tpu.memory_space<vmem>> -> memref<1x80x64xbf16, #tpu.memory_space<vmem>>
    %dma_start3A_67 = tpu.memref_squeeze %dma_start3A_66 : memref<1x80x64xbf16, #tpu.memory_space<vmem>> -> memref<80x64xbf16, #tpu.memory_space<vmem>>
    %dma_start3A_68 = arith.constant 0 : i32
    %dma_start3A_69 = tpu.memref_slice %arg6[%dma_start3A_62, %dma_start3A_68] : memref<125x80xi32, #tpu.memory_space<vmem>> -> memref<1x80xi32, #tpu.memory_space<vmem>>
    %dma_start3A_70 = tpu.memref_squeeze %dma_start3A_69 : memref<1x80xi32, #tpu.memory_space<vmem>> -> memref<80xi32, #tpu.memory_space<vmem>>
    %dma_start3A_71 = arith.constant 0 : i32
    %dma_start3A_72 = arith.constant 0 : i32
    %dma_start3A_73 = tpu.memref_slice %arg2[%dma_start3A_71, %dma_start3A_72] : memref<10000x64xbf16, #tpu.memory_space<hbm>> -> memref<10000x64xbf16, #tpu.memory_space<hbm>>
    tpu.enqueue_indirect_dma source(%dma_start3A_73 : memref<10000x64xbf16, #tpu.memory_space<hbm>>) target(%dma_start3A_67 : memref<80x64xbf16, #tpu.memory_space<vmem>>) offsets(%dma_start3A_70 : memref<80xi32, #tpu.memory_space<vmem>>) semaphore(%arg14 : memref<!tpu.dma_semaphore, #tpu.memory_space<semaphore_mem>>)
    %dma_start3A_74 = arith.constant 6 : i32
    %dma_start3A_75 = arith.constant 6 : i32
    %dma_start3A_76 = arith.constant 0 : i32
    %dma_start3A_77 = arith.constant 0 : i32
    %dma_start3A_78 = tpu.memref_slice %arg8[%dma_start3A_75, %dma_start3A_76, %dma_start3A_77] : memref<8x80x64xbf16, #tpu.memory_space<vmem>> -> memref<1x80x64xbf16, #tpu.memory_space<vmem>>
    %dma_start3A_79 = tpu.memref_squeeze %dma_start3A_78 : memref<1x80x64xbf16, #tpu.memory_space<vmem>> -> memref<80x64xbf16, #tpu.memory_space<vmem>>
    %dma_start3A_80 = arith.constant 0 : i32
    %dma_start3A_81 = tpu.memref_slice %arg6[%dma_start3A_74, %dma_start3A_80] : memref<125x80xi32, #tpu.memory_space<vmem>> -> memref<1x80xi32, #tpu.memory_space<vmem>>
    %dma_start3A_82 = tpu.memref_squeeze %dma_start3A_81 : memref<1x80xi32, #tpu.memory_space<vmem>> -> memref<80xi32, #tpu.memory_space<vmem>>
    %dma_start3A_83 = arith.constant 0 : i32
    %dma_start3A_84 = arith.constant 0 : i32
    %dma_start3A_85 = tpu.memref_slice %arg2[%dma_start3A_83, %dma_start3A_84] : memref<10000x64xbf16, #tpu.memory_space<hbm>> -> memref<10000x64xbf16, #tpu.memory_space<hbm>>
    tpu.enqueue_indirect_dma source(%dma_start3A_85 : memref<10000x64xbf16, #tpu.memory_space<hbm>>) target(%dma_start3A_79 : memref<80x64xbf16, #tpu.memory_space<vmem>>) offsets(%dma_start3A_82 : memref<80xi32, #tpu.memory_space<vmem>>) semaphore(%arg15 : memref<!tpu.dma_semaphore, #tpu.memory_space<semaphore_mem>>)
    %dma_start3A_86 = arith.constant 7 : i32
    %dma_start3A_87 = arith.constant 7 : i32
    %dma_start3A_88 = arith.constant 0 : i32
    %dma_start3A_89 = arith.constant 0 : i32
    %dma_start3A_90 = tpu.memref_slice %arg8[%dma_start3A_87, %dma_start3A_88, %dma_start3A_89] : memref<8x80x64xbf16, #tpu.memory_space<vmem>> -> memref<1x80x64xbf16, #tpu.memory_space<vmem>>
    %dma_start3A_91 = tpu.memref_squeeze %dma_start3A_90 : memref<1x80x64xbf16, #tpu.memory_space<vmem>> -> memref<80x64xbf16, #tpu.memory_space<vmem>>
    %dma_start3A_92 = arith.constant 0 : i32
    %dma_start3A_93 = tpu.memref_slice %arg6[%dma_start3A_86, %dma_start3A_92] : memref<125x80xi32, #tpu.memory_space<vmem>> -> memref<1x80xi32, #tpu.memory_space<vmem>>
    %dma_start3A_94 = tpu.memref_squeeze %dma_start3A_93 : memref<1x80xi32, #tpu.memory_space<vmem>> -> memref<80xi32, #tpu.memory_space<vmem>>
    %dma_start3A_95 = arith.constant 0 : i32
    %dma_start3A_96 = arith.constant 0 : i32
    %dma_start3A_97 = tpu.memref_slice %arg2[%dma_start3A_95, %dma_start3A_96] : memref<10000x64xbf16, #tpu.memory_space<hbm>> -> memref<10000x64xbf16, #tpu.memory_space<hbm>>
    tpu.enqueue_indirect_dma source(%dma_start3A_97 : memref<10000x64xbf16, #tpu.memory_space<hbm>>) target(%dma_start3A_91 : memref<80x64xbf16, #tpu.memory_space<vmem>>) offsets(%dma_start3A_94 : memref<80xi32, #tpu.memory_space<vmem>>) semaphore(%arg16 : memref<!tpu.dma_semaphore, #tpu.memory_space<semaphore_mem>>)
    %dma_start3A_98 = arith.constant 0 : i32
    %dma_start3A_99 = tpu.memref_slice %arg5[%mul3A_2, %dma_start3A_98] : memref<10000x64xbf16, #tpu.memory_space<vmem_shared>> -> memref<625x64xbf16, #tpu.memory_space<vmem_shared>>
    %dma_start3A_100 = arith.constant 0 : i32
    %dma_start3A_101 = tpu.memref_slice %arg2[%mul3A_2, %dma_start3A_100] : memref<10000x64xbf16, #tpu.memory_space<hbm>> -> memref<625x64xbf16, #tpu.memory_space<hbm>>
    tpu.enqueue_dma source(%dma_start3A_101 : memref<625x64xbf16, #tpu.memory_space<hbm>>) target(%dma_start3A_99 : memref<625x64xbf16, #tpu.memory_space<vmem_shared>>) target_semaphore(%arg17 : memref<!tpu.dma_semaphore, #tpu.memory_space<semaphore_mem>>)
    %dma_start3A_102 = arith.constant 1 : i32
    %dma_start3A_103 = arith.constant 0 : i32
    %dma_start3A_104 = arith.constant 0 : i32
    %dma_start3A_105 = tpu.memref_slice %arg3[%dma_start3A_102, %add3A, %dma_start3A_103, %dma_start3A_104] : memref<2x32x125x80xi32, #tpu.memory_space<hbm>> -> memref<1x1x125x80xi32, #tpu.memory_space<hbm>>
    %dma_start3A_106 = tpu.memref_squeeze %dma_start3A_105 : memref<1x1x125x80xi32, #tpu.memory_space<hbm>> -> memref<125x80xi32, #tpu.memory_space<hbm>>
    %dma_start3A_107 = arith.constant 0 : i32
    %dma_start3A_108 = arith.constant 0 : i32
    %dma_start3A_109 = tpu.memref_slice %arg3[%dma_start3A_102, %add3A, %dma_start3A_107, %dma_start3A_108] : memref<2x32x125x80xi32, #tpu.memory_space<hbm>> -> memref<1x1x125x80xi32, #tpu.memory_space<hbm>>
    %dma_start3A_110 = tpu.memref_squeeze %dma_start3A_109 : memref<1x1x125x80xi32, #tpu.memory_space<hbm>> -> memref<125x80xi32, #tpu.memory_space<hbm>>
    tpu.enqueue_dma source(%dma_start3A_110 : memref<125x80xi32, #tpu.memory_space<hbm>>) target(%arg7 : memref<125x80xi32, #tpu.memory_space<vmem>>) target_semaphore(%arg18 : memref<!tpu.dma_semaphore, #tpu.memory_space<semaphore_mem>>)
    %dma_wait3A = arith.constant 0 : i32
    %dma_wait3A_111 = tpu.memref_slice %arg5[%mul3A_2, %dma_wait3A] : memref<10000x64xbf16, #tpu.memory_space<vmem_shared>> -> memref<625x64xbf16, #tpu.memory_space<vmem_shared>>
    %dma_wait3A_112 = arith.constant 0 : i32
    %dma_wait3A_113 = tpu.memref_slice %arg2[%mul3A_2, %dma_wait3A_112] : memref<10000x64xbf16, #tpu.memory_space<hbm>> -> memref<625x64xbf16, #tpu.memory_space<hbm>>
    tpu.wait_dma2 semaphore(%arg17 : memref<!tpu.dma_semaphore, #tpu.memory_space<semaphore_mem>>) src(%dma_wait3A_113 : memref<625x64xbf16, #tpu.memory_space<hbm>>) dst(%dma_wait3A_111 : memref<625x64xbf16, #tpu.memory_space<vmem_shared>>)
    %dma_wait3A_114 = arith.constant 1 : i32
    %dma_wait3A_115 = arith.constant 0 : i32
    %dma_wait3A_116 = arith.constant 0 : i32
    %dma_wait3A_117 = tpu.memref_slice %arg3[%dma_wait3A_114, %add3A, %dma_wait3A_115, %dma_wait3A_116] : memref<2x32x125x80xi32, #tpu.memory_space<hbm>> -> memref<1x1x125x80xi32, #tpu.memory_space<hbm>>
    %dma_wait3A_118 = tpu.memref_squeeze %dma_wait3A_117 : memref<1x1x125x80xi32, #tpu.memory_space<hbm>> -> memref<125x80xi32, #tpu.memory_space<hbm>>
    %dma_wait3A_119 = arith.constant 0 : i32
    %dma_wait3A_120 = arith.constant 0 : i32
    %dma_wait3A_121 = tpu.memref_slice %arg3[%dma_wait3A_114, %add3A, %dma_wait3A_119, %dma_wait3A_120] : memref<2x32x125x80xi32, #tpu.memory_space<hbm>> -> memref<1x1x125x80xi32, #tpu.memory_space<hbm>>
    %dma_wait3A_122 = tpu.memref_squeeze %dma_wait3A_121 : memref<1x1x125x80xi32, #tpu.memory_space<hbm>> -> memref<125x80xi32, #tpu.memory_space<hbm>>
    tpu.wait_dma2 semaphore(%arg18 : memref<!tpu.dma_semaphore, #tpu.memory_space<semaphore_mem>>) src(%dma_wait3A_122 : memref<125x80xi32, #tpu.memory_space<hbm>>) dst(%arg7 : memref<125x80xi32, #tpu.memory_space<vmem>>)
    %barrier3A = arith.constant 0 : index
    tpu.barrier barrier_id(%barrier3A)
    %scan3A = arith.constant 0 : i32
    %scan3A_123 = arith.constant 0 : i32
    %scan3A_124 = arith.constant 15 : i32
    %scan3A_125 = arith.addi %scan3A_123, %scan3A_124 : i32
    %scan3A_126 = arith.constant 1 : i32
    scf.for %scan3A_309 = %scan3A_123 to %scan3A_125 step %scan3A_126  : i32 {
      %mul3A_310 = arith.constant 8 : i32
      %mul3A_311 = arith.muli %mul3A_310, %scan3A_309 : i32
      %add3A_312 = arith.constant 0 : i32
      %add3A_313 = arith.addi %mul3A_311, %add3A_312 : i32
      %dma_wait3A_314 = arith.constant 0 : i32
      %dma_wait3A_315 = arith.constant 0 : i32
      %dma_wait3A_316 = arith.constant 0 : i32
      %dma_wait3A_317 = tpu.memref_slice %arg8[%dma_wait3A_314, %dma_wait3A_315, %dma_wait3A_316] : memref<8x80x64xbf16, #tpu.memory_space<vmem>> -> memref<1x80x64xbf16, #tpu.memory_space<vmem>>
      %dma_wait3A_318 = tpu.memref_squeeze %dma_wait3A_317 : memref<1x80x64xbf16, #tpu.memory_space<vmem>> -> memref<80x64xbf16, #tpu.memory_space<vmem>>
      %dma_wait3A_319 = arith.constant 0 : i32
      %dma_wait3A_320 = tpu.memref_slice %arg6[%add3A_313, %dma_wait3A_319] : memref<125x80xi32, #tpu.memory_space<vmem>> -> memref<1x80xi32, #tpu.memory_space<vmem>>
      %dma_wait3A_321 = tpu.memref_squeeze %dma_wait3A_320 : memref<1x80xi32, #tpu.memory_space<vmem>> -> memref<80xi32, #tpu.memory_space<vmem>>
      %dma_wait3A_322 = arith.constant 0 : i32
      %dma_wait3A_323 = arith.constant 0 : i32
      %dma_wait3A_324 = tpu.memref_slice %arg2[%dma_wait3A_322, %dma_wait3A_323] : memref<10000x64xbf16, #tpu.memory_space<hbm>> -> memref<10000x64xbf16, #tpu.memory_space<hbm>>
      tpu.wait_indirect_dma semaphore(%arg9 : memref<!tpu.dma_semaphore, #tpu.memory_space<semaphore_mem>>) src(%dma_wait3A_324 : memref<10000x64xbf16, #tpu.memory_space<hbm>>) dst(%dma_wait3A_318 : memref<80x64xbf16, #tpu.memory_space<vmem>>)
      %add3A_325 = arith.constant 0 : i32
      %add3A_326 = arith.addi %mul3A_311, %add3A_325 : i32
      %dma_start3A_327 = arith.constant 0 : i32
      %dma_start3A_328 = arith.constant 0 : i32
      %dma_start3A_329 = arith.constant 0 : i32
      %dma_start3A_330 = tpu.memref_slice %arg8[%dma_start3A_327, %dma_start3A_328, %dma_start3A_329] : memref<8x80x64xbf16, #tpu.memory_space<vmem>> -> memref<1x80x64xbf16, #tpu.memory_space<vmem>>
      %dma_start3A_331 = tpu.memref_squeeze %dma_start3A_330 : memref<1x80x64xbf16, #tpu.memory_space<vmem>> -> memref<80x64xbf16, #tpu.memory_space<vmem>>
      %dma_start3A_332 = arith.constant 0 : i32
      %dma_start3A_333 = tpu.memref_slice %arg7[%add3A_326, %dma_start3A_332] : memref<125x80xi32, #tpu.memory_space<vmem>> -> memref<1x80xi32, #tpu.memory_space<vmem>>
      %dma_start3A_334 = tpu.memref_squeeze %dma_start3A_333 : memref<1x80xi32, #tpu.memory_space<vmem>> -> memref<80xi32, #tpu.memory_space<vmem>>
      %dma_start3A_335 = arith.constant 0 : i32
      %dma_start3A_336 = arith.constant 0 : i32
      %dma_start3A_337 = tpu.memref_slice %arg5[%dma_start3A_335, %dma_start3A_336] : memref<10000x64xbf16, #tpu.memory_space<vmem_shared>> -> memref<10000x64xbf16, #tpu.memory_space<vmem_shared>>
      tpu.enqueue_indirect_dma source(%dma_start3A_331 : memref<80x64xbf16, #tpu.memory_space<vmem>>) target(%dma_start3A_337 : memref<10000x64xbf16, #tpu.memory_space<vmem_shared>>) offsets(%dma_start3A_334 : memref<80xi32, #tpu.memory_space<vmem>>) semaphore(%arg17 : memref<!tpu.dma_semaphore, #tpu.memory_space<semaphore_mem>>) {add = true}
      %add3A_338 = arith.constant 1 : i32
      %add3A_339 = arith.addi %mul3A_311, %add3A_338 : i32
      %dma_wait3A_340 = arith.constant 1 : i32
      %dma_wait3A_341 = arith.constant 0 : i32
      %dma_wait3A_342 = arith.constant 0 : i32
      %dma_wait3A_343 = tpu.memref_slice %arg8[%dma_wait3A_340, %dma_wait3A_341, %dma_wait3A_342] : memref<8x80x64xbf16, #tpu.memory_space<vmem>> -> memref<1x80x64xbf16, #tpu.memory_space<vmem>>
      %dma_wait3A_344 = tpu.memref_squeeze %dma_wait3A_343 : memref<1x80x64xbf16, #tpu.memory_space<vmem>> -> memref<80x64xbf16, #tpu.memory_space<vmem>>
      %dma_wait3A_345 = arith.constant 0 : i32
      %dma_wait3A_346 = tpu.memref_slice %arg6[%add3A_339, %dma_wait3A_345] : memref<125x80xi32, #tpu.memory_space<vmem>> -> memref<1x80xi32, #tpu.memory_space<vmem>>
      %dma_wait3A_347 = tpu.memref_squeeze %dma_wait3A_346 : memref<1x80xi32, #tpu.memory_space<vmem>> -> memref<80xi32, #tpu.memory_space<vmem>>
      %dma_wait3A_348 = arith.constant 0 : i32
      %dma_wait3A_349 = arith.constant 0 : i32
      %dma_wait3A_350 = tpu.memref_slice %arg2[%dma_wait3A_348, %dma_wait3A_349] : memref<10000x64xbf16, #tpu.memory_space<hbm>> -> memref<10000x64xbf16, #tpu.memory_space<hbm>>
      tpu.wait_indirect_dma semaphore(%arg10 : memref<!tpu.dma_semaphore, #tpu.memory_space<semaphore_mem>>) src(%dma_wait3A_350 : memref<10000x64xbf16, #tpu.memory_space<hbm>>) dst(%dma_wait3A_344 : memref<80x64xbf16, #tpu.memory_space<vmem>>)
      %add3A_351 = arith.constant 1 : i32
      %add3A_352 = arith.addi %mul3A_311, %add3A_351 : i32
      %dma_start3A_353 = arith.constant 1 : i32
      %dma_start3A_354 = arith.constant 0 : i32
      %dma_start3A_355 = arith.constant 0 : i32
      %dma_start3A_356 = tpu.memref_slice %arg8[%dma_start3A_353, %dma_start3A_354, %dma_start3A_355] : memref<8x80x64xbf16, #tpu.memory_space<vmem>> -> memref<1x80x64xbf16, #tpu.memory_space<vmem>>
      %dma_start3A_357 = tpu.memref_squeeze %dma_start3A_356 : memref<1x80x64xbf16, #tpu.memory_space<vmem>> -> memref<80x64xbf16, #tpu.memory_space<vmem>>
      %dma_start3A_358 = arith.constant 0 : i32
      %dma_start3A_359 = tpu.memref_slice %arg7[%add3A_352, %dma_start3A_358] : memref<125x80xi32, #tpu.memory_space<vmem>> -> memref<1x80xi32, #tpu.memory_space<vmem>>
      %dma_start3A_360 = tpu.memref_squeeze %dma_start3A_359 : memref<1x80xi32, #tpu.memory_space<vmem>> -> memref<80xi32, #tpu.memory_space<vmem>>
      %dma_start3A_361 = arith.constant 0 : i32
      %dma_start3A_362 = arith.constant 0 : i32
      %dma_start3A_363 = tpu.memref_slice %arg5[%dma_start3A_361, %dma_start3A_362] : memref<10000x64xbf16, #tpu.memory_space<vmem_shared>> -> memref<10000x64xbf16, #tpu.memory_space<vmem_shared>>
      tpu.enqueue_indirect_dma source(%dma_start3A_357 : memref<80x64xbf16, #tpu.memory_space<vmem>>) target(%dma_start3A_363 : memref<10000x64xbf16, #tpu.memory_space<vmem_shared>>) offsets(%dma_start3A_360 : memref<80xi32, #tpu.memory_space<vmem>>) semaphore(%arg18 : memref<!tpu.dma_semaphore, #tpu.memory_space<semaphore_mem>>) {add = true}
      %add3A_364 = arith.constant 2 : i32
      %add3A_365 = arith.addi %mul3A_311, %add3A_364 : i32
      %dma_wait3A_366 = arith.constant 2 : i32
      %dma_wait3A_367 = arith.constant 0 : i32
      %dma_wait3A_368 = arith.constant 0 : i32
      %dma_wait3A_369 = tpu.memref_slice %arg8[%dma_wait3A_366, %dma_wait3A_367, %dma_wait3A_368] : memref<8x80x64xbf16, #tpu.memory_space<vmem>> -> memref<1x80x64xbf16, #tpu.memory_space<vmem>>
      %dma_wait3A_370 = tpu.memref_squeeze %dma_wait3A_369 : memref<1x80x64xbf16, #tpu.memory_space<vmem>> -> memref<80x64xbf16, #tpu.memory_space<vmem>>
      %dma_wait3A_371 = arith.constant 0 : i32
      %dma_wait3A_372 = tpu.memref_slice %arg6[%add3A_365, %dma_wait3A_371] : memref<125x80xi32, #tpu.memory_space<vmem>> -> memref<1x80xi32, #tpu.memory_space<vmem>>
      %dma_wait3A_373 = tpu.memref_squeeze %dma_wait3A_372 : memref<1x80xi32, #tpu.memory_space<vmem>> -> memref<80xi32, #tpu.memory_space<vmem>>
      %dma_wait3A_374 = arith.constant 0 : i32
      %dma_wait3A_375 = arith.constant 0 : i32
      %dma_wait3A_376 = tpu.memref_slice %arg2[%dma_wait3A_374, %dma_wait3A_375] : memref<10000x64xbf16, #tpu.memory_space<hbm>> -> memref<10000x64xbf16, #tpu.memory_space<hbm>>
      tpu.wait_indirect_dma semaphore(%arg11 : memref<!tpu.dma_semaphore, #tpu.memory_space<semaphore_mem>>) src(%dma_wait3A_376 : memref<10000x64xbf16, #tpu.memory_space<hbm>>) dst(%dma_wait3A_370 : memref<80x64xbf16, #tpu.memory_space<vmem>>)
      %add3A_377 = arith.constant 2 : i32
      %add3A_378 = arith.addi %mul3A_311, %add3A_377 : i32
      %dma_start3A_379 = arith.constant 2 : i32
      %dma_start3A_380 = arith.constant 0 : i32
      %dma_start3A_381 = arith.constant 0 : i32
      %dma_start3A_382 = tpu.memref_slice %arg8[%dma_start3A_379, %dma_start3A_380, %dma_start3A_381] : memref<8x80x64xbf16, #tpu.memory_space<vmem>> -> memref<1x80x64xbf16, #tpu.memory_space<vmem>>
      %dma_start3A_383 = tpu.memref_squeeze %dma_start3A_382 : memref<1x80x64xbf16, #tpu.memory_space<vmem>> -> memref<80x64xbf16, #tpu.memory_space<vmem>>
      %dma_start3A_384 = arith.constant 0 : i32
      %dma_start3A_385 = tpu.memref_slice %arg7[%add3A_378, %dma_start3A_384] : memref<125x80xi32, #tpu.memory_space<vmem>> -> memref<1x80xi32, #tpu.memory_space<vmem>>
      %dma_start3A_386 = tpu.memref_squeeze %dma_start3A_385 : memref<1x80xi32, #tpu.memory_space<vmem>> -> memref<80xi32, #tpu.memory_space<vmem>>
      %dma_start3A_387 = arith.constant 0 : i32
      %dma_start3A_388 = arith.constant 0 : i32
      %dma_start3A_389 = tpu.memref_slice %arg5[%dma_start3A_387, %dma_start3A_388] : memref<10000x64xbf16, #tpu.memory_space<vmem_shared>> -> memref<10000x64xbf16, #tpu.memory_space<vmem_shared>>
      tpu.enqueue_indirect_dma source(%dma_start3A_383 : memref<80x64xbf16, #tpu.memory_space<vmem>>) target(%dma_start3A_389 : memref<10000x64xbf16, #tpu.memory_space<vmem_shared>>) offsets(%dma_start3A_386 : memref<80xi32, #tpu.memory_space<vmem>>) semaphore(%arg19 : memref<!tpu.dma_semaphore, #tpu.memory_space<semaphore_mem>>) {add = true}
      %add3A_390 = arith.constant 3 : i32
      %add3A_391 = arith.addi %mul3A_311, %add3A_390 : i32
      %dma_wait3A_392 = arith.constant 3 : i32
      %dma_wait3A_393 = arith.constant 0 : i32
      %dma_wait3A_394 = arith.constant 0 : i32
      %dma_wait3A_395 = tpu.memref_slice %arg8[%dma_wait3A_392, %dma_wait3A_393, %dma_wait3A_394] : memref<8x80x64xbf16, #tpu.memory_space<vmem>> -> memref<1x80x64xbf16, #tpu.memory_space<vmem>>
      %dma_wait3A_396 = tpu.memref_squeeze %dma_wait3A_395 : memref<1x80x64xbf16, #tpu.memory_space<vmem>> -> memref<80x64xbf16, #tpu.memory_space<vmem>>
      %dma_wait3A_397 = arith.constant 0 : i32
      %dma_wait3A_398 = tpu.memref_slice %arg6[%add3A_391, %dma_wait3A_397] : memref<125x80xi32, #tpu.memory_space<vmem>> -> memref<1x80xi32, #tpu.memory_space<vmem>>
      %dma_wait3A_399 = tpu.memref_squeeze %dma_wait3A_398 : memref<1x80xi32, #tpu.memory_space<vmem>> -> memref<80xi32, #tpu.memory_space<vmem>>
      %dma_wait3A_400 = arith.constant 0 : i32
      %dma_wait3A_401 = arith.constant 0 : i32
      %dma_wait3A_402 = tpu.memref_slice %arg2[%dma_wait3A_400, %dma_wait3A_401] : memref<10000x64xbf16, #tpu.memory_space<hbm>> -> memref<10000x64xbf16, #tpu.memory_space<hbm>>
      tpu.wait_indirect_dma semaphore(%arg12 : memref<!tpu.dma_semaphore, #tpu.memory_space<semaphore_mem>>) src(%dma_wait3A_402 : memref<10000x64xbf16, #tpu.memory_space<hbm>>) dst(%dma_wait3A_396 : memref<80x64xbf16, #tpu.memory_space<vmem>>)
      %add3A_403 = arith.constant 3 : i32
      %add3A_404 = arith.addi %mul3A_311, %add3A_403 : i32
      %dma_start3A_405 = arith.constant 3 : i32
      %dma_start3A_406 = arith.constant 0 : i32
      %dma_start3A_407 = arith.constant 0 : i32
      %dma_start3A_408 = tpu.memref_slice %arg8[%dma_start3A_405, %dma_start3A_406, %dma_start3A_407] : memref<8x80x64xbf16, #tpu.memory_space<vmem>> -> memref<1x80x64xbf16, #tpu.memory_space<vmem>>
      %dma_start3A_409 = tpu.memref_squeeze %dma_start3A_408 : memref<1x80x64xbf16, #tpu.memory_space<vmem>> -> memref<80x64xbf16, #tpu.memory_space<vmem>>
      %dma_start3A_410 = arith.constant 0 : i32
      %dma_start3A_411 = tpu.memref_slice %arg7[%add3A_404, %dma_start3A_410] : memref<125x80xi32, #tpu.memory_space<vmem>> -> memref<1x80xi32, #tpu.memory_space<vmem>>
      %dma_start3A_412 = tpu.memref_squeeze %dma_start3A_411 : memref<1x80xi32, #tpu.memory_space<vmem>> -> memref<80xi32, #tpu.memory_space<vmem>>
      %dma_start3A_413 = arith.constant 0 : i32
      %dma_start3A_414 = arith.constant 0 : i32
      %dma_start3A_415 = tpu.memref_slice %arg5[%dma_start3A_413, %dma_start3A_414] : memref<10000x64xbf16, #tpu.memory_space<vmem_shared>> -> memref<10000x64xbf16, #tpu.memory_space<vmem_shared>>
      tpu.enqueue_indirect_dma source(%dma_start3A_409 : memref<80x64xbf16, #tpu.memory_space<vmem>>) target(%dma_start3A_415 : memref<10000x64xbf16, #tpu.memory_space<vmem_shared>>) offsets(%dma_start3A_412 : memref<80xi32, #tpu.memory_space<vmem>>) semaphore(%arg20 : memref<!tpu.dma_semaphore, #tpu.memory_space<semaphore_mem>>) {add = true}
      %add3A_416 = arith.constant 4 : i32
      %add3A_417 = arith.addi %mul3A_311, %add3A_416 : i32
      %dma_wait3A_418 = arith.constant 4 : i32
      %dma_wait3A_419 = arith.constant 0 : i32
      %dma_wait3A_420 = arith.constant 0 : i32
      %dma_wait3A_421 = tpu.memref_slice %arg8[%dma_wait3A_418, %dma_wait3A_419, %dma_wait3A_420] : memref<8x80x64xbf16, #tpu.memory_space<vmem>> -> memref<1x80x64xbf16, #tpu.memory_space<vmem>>
      %dma_wait3A_422 = tpu.memref_squeeze %dma_wait3A_421 : memref<1x80x64xbf16, #tpu.memory_space<vmem>> -> memref<80x64xbf16, #tpu.memory_space<vmem>>
      %dma_wait3A_423 = arith.constant 0 : i32
      %dma_wait3A_424 = tpu.memref_slice %arg6[%add3A_417, %dma_wait3A_423] : memref<125x80xi32, #tpu.memory_space<vmem>> -> memref<1x80xi32, #tpu.memory_space<vmem>>
      %dma_wait3A_425 = tpu.memref_squeeze %dma_wait3A_424 : memref<1x80xi32, #tpu.memory_space<vmem>> -> memref<80xi32, #tpu.memory_space<vmem>>
      %dma_wait3A_426 = arith.constant 0 : i32
      %dma_wait3A_427 = arith.constant 0 : i32
      %dma_wait3A_428 = tpu.memref_slice %arg2[%dma_wait3A_426, %dma_wait3A_427] : memref<10000x64xbf16, #tpu.memory_space<hbm>> -> memref<10000x64xbf16, #tpu.memory_space<hbm>>
      tpu.wait_indirect_dma semaphore(%arg13 : memref<!tpu.dma_semaphore, #tpu.memory_space<semaphore_mem>>) src(%dma_wait3A_428 : memref<10000x64xbf16, #tpu.memory_space<hbm>>) dst(%dma_wait3A_422 : memref<80x64xbf16, #tpu.memory_space<vmem>>)
      %add3A_429 = arith.constant 4 : i32
      %add3A_430 = arith.addi %mul3A_311, %add3A_429 : i32
      %dma_start3A_431 = arith.constant 4 : i32
      %dma_start3A_432 = arith.constant 0 : i32
      %dma_start3A_433 = arith.constant 0 : i32
      %dma_start3A_434 = tpu.memref_slice %arg8[%dma_start3A_431, %dma_start3A_432, %dma_start3A_433] : memref<8x80x64xbf16, #tpu.memory_space<vmem>> -> memref<1x80x64xbf16, #tpu.memory_space<vmem>>
      %dma_start3A_435 = tpu.memref_squeeze %dma_start3A_434 : memref<1x80x64xbf16, #tpu.memory_space<vmem>> -> memref<80x64xbf16, #tpu.memory_space<vmem>>
      %dma_start3A_436 = arith.constant 0 : i32
      %dma_start3A_437 = tpu.memref_slice %arg7[%add3A_430, %dma_start3A_436] : memref<125x80xi32, #tpu.memory_space<vmem>> -> memref<1x80xi32, #tpu.memory_space<vmem>>
      %dma_start3A_438 = tpu.memref_squeeze %dma_start3A_437 : memref<1x80xi32, #tpu.memory_space<vmem>> -> memref<80xi32, #tpu.memory_space<vmem>>
      %dma_start3A_439 = arith.constant 0 : i32
      %dma_start3A_440 = arith.constant 0 : i32
      %dma_start3A_441 = tpu.memref_slice %arg5[%dma_start3A_439, %dma_start3A_440] : memref<10000x64xbf16, #tpu.memory_space<vmem_shared>> -> memref<10000x64xbf16, #tpu.memory_space<vmem_shared>>
      tpu.enqueue_indirect_dma source(%dma_start3A_435 : memref<80x64xbf16, #tpu.memory_space<vmem>>) target(%dma_start3A_441 : memref<10000x64xbf16, #tpu.memory_space<vmem_shared>>) offsets(%dma_start3A_438 : memref<80xi32, #tpu.memory_space<vmem>>) semaphore(%arg21 : memref<!tpu.dma_semaphore, #tpu.memory_space<semaphore_mem>>) {add = true}
      %add3A_442 = arith.constant 5 : i32
      %add3A_443 = arith.addi %mul3A_311, %add3A_442 : i32
      %dma_wait3A_444 = arith.constant 5 : i32
      %dma_wait3A_445 = arith.constant 0 : i32
      %dma_wait3A_446 = arith.constant 0 : i32
      %dma_wait3A_447 = tpu.memref_slice %arg8[%dma_wait3A_444, %dma_wait3A_445, %dma_wait3A_446] : memref<8x80x64xbf16, #tpu.memory_space<vmem>> -> memref<1x80x64xbf16, #tpu.memory_space<vmem>>
      %dma_wait3A_448 = tpu.memref_squeeze %dma_wait3A_447 : memref<1x80x64xbf16, #tpu.memory_space<vmem>> -> memref<80x64xbf16, #tpu.memory_space<vmem>>
      %dma_wait3A_449 = arith.constant 0 : i32
      %dma_wait3A_450 = tpu.memref_slice %arg6[%add3A_443, %dma_wait3A_449] : memref<125x80xi32, #tpu.memory_space<vmem>> -> memref<1x80xi32, #tpu.memory_space<vmem>>
      %dma_wait3A_451 = tpu.memref_squeeze %dma_wait3A_450 : memref<1x80xi32, #tpu.memory_space<vmem>> -> memref<80xi32, #tpu.memory_space<vmem>>
      %dma_wait3A_452 = arith.constant 0 : i32
      %dma_wait3A_453 = arith.constant 0 : i32
      %dma_wait3A_454 = tpu.memref_slice %arg2[%dma_wait3A_452, %dma_wait3A_453] : memref<10000x64xbf16, #tpu.memory_space<hbm>> -> memref<10000x64xbf16, #tpu.memory_space<hbm>>
      tpu.wait_indirect_dma semaphore(%arg14 : memref<!tpu.dma_semaphore, #tpu.memory_space<semaphore_mem>>) src(%dma_wait3A_454 : memref<10000x64xbf16, #tpu.memory_space<hbm>>) dst(%dma_wait3A_448 : memref<80x64xbf16, #tpu.memory_space<vmem>>)
      %add3A_455 = arith.constant 5 : i32
      %add3A_456 = arith.addi %mul3A_311, %add3A_455 : i32
      %dma_start3A_457 = arith.constant 5 : i32
      %dma_start3A_458 = arith.constant 0 : i32
      %dma_start3A_459 = arith.constant 0 : i32
      %dma_start3A_460 = tpu.memref_slice %arg8[%dma_start3A_457, %dma_start3A_458, %dma_start3A_459] : memref<8x80x64xbf16, #tpu.memory_space<vmem>> -> memref<1x80x64xbf16, #tpu.memory_space<vmem>>
      %dma_start3A_461 = tpu.memref_squeeze %dma_start3A_460 : memref<1x80x64xbf16, #tpu.memory_space<vmem>> -> memref<80x64xbf16, #tpu.memory_space<vmem>>
      %dma_start3A_462 = arith.constant 0 : i32
      %dma_start3A_463 = tpu.memref_slice %arg7[%add3A_456, %dma_start3A_462] : memref<125x80xi32, #tpu.memory_space<vmem>> -> memref<1x80xi32, #tpu.memory_space<vmem>>
      %dma_start3A_464 = tpu.memref_squeeze %dma_start3A_463 : memref<1x80xi32, #tpu.memory_space<vmem>> -> memref<80xi32, #tpu.memory_space<vmem>>
      %dma_start3A_465 = arith.constant 0 : i32
      %dma_start3A_466 = arith.constant 0 : i32
      %dma_start3A_467 = tpu.memref_slice %arg5[%dma_start3A_465, %dma_start3A_466] : memref<10000x64xbf16, #tpu.memory_space<vmem_shared>> -> memref<10000x64xbf16, #tpu.memory_space<vmem_shared>>
      tpu.enqueue_indirect_dma source(%dma_start3A_461 : memref<80x64xbf16, #tpu.memory_space<vmem>>) target(%dma_start3A_467 : memref<10000x64xbf16, #tpu.memory_space<vmem_shared>>) offsets(%dma_start3A_464 : memref<80xi32, #tpu.memory_space<vmem>>) semaphore(%arg22 : memref<!tpu.dma_semaphore, #tpu.memory_space<semaphore_mem>>) {add = true}
      %add3A_468 = arith.constant 6 : i32
      %add3A_469 = arith.addi %mul3A_311, %add3A_468 : i32
      %dma_wait3A_470 = arith.constant 6 : i32
      %dma_wait3A_471 = arith.constant 0 : i32
      %dma_wait3A_472 = arith.constant 0 : i32
      %dma_wait3A_473 = tpu.memref_slice %arg8[%dma_wait3A_470, %dma_wait3A_471, %dma_wait3A_472] : memref<8x80x64xbf16, #tpu.memory_space<vmem>> -> memref<1x80x64xbf16, #tpu.memory_space<vmem>>
      %dma_wait3A_474 = tpu.memref_squeeze %dma_wait3A_473 : memref<1x80x64xbf16, #tpu.memory_space<vmem>> -> memref<80x64xbf16, #tpu.memory_space<vmem>>
      %dma_wait3A_475 = arith.constant 0 : i32
      %dma_wait3A_476 = tpu.memref_slice %arg6[%add3A_469, %dma_wait3A_475] : memref<125x80xi32, #tpu.memory_space<vmem>> -> memref<1x80xi32, #tpu.memory_space<vmem>>
      %dma_wait3A_477 = tpu.memref_squeeze %dma_wait3A_476 : memref<1x80xi32, #tpu.memory_space<vmem>> -> memref<80xi32, #tpu.memory_space<vmem>>
      %dma_wait3A_478 = arith.constant 0 : i32
      %dma_wait3A_479 = arith.constant 0 : i32
      %dma_wait3A_480 = tpu.memref_slice %arg2[%dma_wait3A_478, %dma_wait3A_479] : memref<10000x64xbf16, #tpu.memory_space<hbm>> -> memref<10000x64xbf16, #tpu.memory_space<hbm>>
      tpu.wait_indirect_dma semaphore(%arg15 : memref<!tpu.dma_semaphore, #tpu.memory_space<semaphore_mem>>) src(%dma_wait3A_480 : memref<10000x64xbf16, #tpu.memory_space<hbm>>) dst(%dma_wait3A_474 : memref<80x64xbf16, #tpu.memory_space<vmem>>)
      %add3A_481 = arith.constant 6 : i32
      %add3A_482 = arith.addi %mul3A_311, %add3A_481 : i32
      %dma_start3A_483 = arith.constant 6 : i32
      %dma_start3A_484 = arith.constant 0 : i32
      %dma_start3A_485 = arith.constant 0 : i32
      %dma_start3A_486 = tpu.memref_slice %arg8[%dma_start3A_483, %dma_start3A_484, %dma_start3A_485] : memref<8x80x64xbf16, #tpu.memory_space<vmem>> -> memref<1x80x64xbf16, #tpu.memory_space<vmem>>
      %dma_start3A_487 = tpu.memref_squeeze %dma_start3A_486 : memref<1x80x64xbf16, #tpu.memory_space<vmem>> -> memref<80x64xbf16, #tpu.memory_space<vmem>>
      %dma_start3A_488 = arith.constant 0 : i32
      %dma_start3A_489 = tpu.memref_slice %arg7[%add3A_482, %dma_start3A_488] : memref<125x80xi32, #tpu.memory_space<vmem>> -> memref<1x80xi32, #tpu.memory_space<vmem>>
      %dma_start3A_490 = tpu.memref_squeeze %dma_start3A_489 : memref<1x80xi32, #tpu.memory_space<vmem>> -> memref<80xi32, #tpu.memory_space<vmem>>
      %dma_start3A_491 = arith.constant 0 : i32
      %dma_start3A_492 = arith.constant 0 : i32
      %dma_start3A_493 = tpu.memref_slice %arg5[%dma_start3A_491, %dma_start3A_492] : memref<10000x64xbf16, #tpu.memory_space<vmem_shared>> -> memref<10000x64xbf16, #tpu.memory_space<vmem_shared>>
      tpu.enqueue_indirect_dma source(%dma_start3A_487 : memref<80x64xbf16, #tpu.memory_space<vmem>>) target(%dma_start3A_493 : memref<10000x64xbf16, #tpu.memory_space<vmem_shared>>) offsets(%dma_start3A_490 : memref<80xi32, #tpu.memory_space<vmem>>) semaphore(%arg23 : memref<!tpu.dma_semaphore, #tpu.memory_space<semaphore_mem>>) {add = true}
      %add3A_494 = arith.constant 7 : i32
      %add3A_495 = arith.addi %mul3A_311, %add3A_494 : i32
      %dma_wait3A_496 = arith.constant 7 : i32
      %dma_wait3A_497 = arith.constant 0 : i32
      %dma_wait3A_498 = arith.constant 0 : i32
      %dma_wait3A_499 = tpu.memref_slice %arg8[%dma_wait3A_496, %dma_wait3A_497, %dma_wait3A_498] : memref<8x80x64xbf16, #tpu.memory_space<vmem>> -> memref<1x80x64xbf16, #tpu.memory_space<vmem>>
      %dma_wait3A_500 = tpu.memref_squeeze %dma_wait3A_499 : memref<1x80x64xbf16, #tpu.memory_space<vmem>> -> memref<80x64xbf16, #tpu.memory_space<vmem>>
      %dma_wait3A_501 = arith.constant 0 : i32
      %dma_wait3A_502 = tpu.memref_slice %arg6[%add3A_495, %dma_wait3A_501] : memref<125x80xi32, #tpu.memory_space<vmem>> -> memref<1x80xi32, #tpu.memory_space<vmem>>
      %dma_wait3A_503 = tpu.memref_squeeze %dma_wait3A_502 : memref<1x80xi32, #tpu.memory_space<vmem>> -> memref<80xi32, #tpu.memory_space<vmem>>
      %dma_wait3A_504 = arith.constant 0 : i32
      %dma_wait3A_505 = arith.constant 0 : i32
      %dma_wait3A_506 = tpu.memref_slice %arg2[%dma_wait3A_504, %dma_wait3A_505] : memref<10000x64xbf16, #tpu.memory_space<hbm>> -> memref<10000x64xbf16, #tpu.memory_space<hbm>>
      tpu.wait_indirect_dma semaphore(%arg16 : memref<!tpu.dma_semaphore, #tpu.memory_space<semaphore_mem>>) src(%dma_wait3A_506 : memref<10000x64xbf16, #tpu.memory_space<hbm>>) dst(%dma_wait3A_500 : memref<80x64xbf16, #tpu.memory_space<vmem>>)
      %add3A_507 = arith.constant 7 : i32
      %add3A_508 = arith.addi %mul3A_311, %add3A_507 : i32
      %dma_start3A_509 = arith.constant 7 : i32
      %dma_start3A_510 = arith.constant 0 : i32
      %dma_start3A_511 = arith.constant 0 : i32
      %dma_start3A_512 = tpu.memref_slice %arg8[%dma_start3A_509, %dma_start3A_510, %dma_start3A_511] : memref<8x80x64xbf16, #tpu.memory_space<vmem>> -> memref<1x80x64xbf16, #tpu.memory_space<vmem>>
      %dma_start3A_513 = tpu.memref_squeeze %dma_start3A_512 : memref<1x80x64xbf16, #tpu.memory_space<vmem>> -> memref<80x64xbf16, #tpu.memory_space<vmem>>
      %dma_start3A_514 = arith.constant 0 : i32
      %dma_start3A_515 = tpu.memref_slice %arg7[%add3A_508, %dma_start3A_514] : memref<125x80xi32, #tpu.memory_space<vmem>> -> memref<1x80xi32, #tpu.memory_space<vmem>>
      %dma_start3A_516 = tpu.memref_squeeze %dma_start3A_515 : memref<1x80xi32, #tpu.memory_space<vmem>> -> memref<80xi32, #tpu.memory_space<vmem>>
      %dma_start3A_517 = arith.constant 0 : i32
      %dma_start3A_518 = arith.constant 0 : i32
      %dma_start3A_519 = tpu.memref_slice %arg5[%dma_start3A_517, %dma_start3A_518] : memref<10000x64xbf16, #tpu.memory_space<vmem_shared>> -> memref<10000x64xbf16, #tpu.memory_space<vmem_shared>>
      tpu.enqueue_indirect_dma source(%dma_start3A_513 : memref<80x64xbf16, #tpu.memory_space<vmem>>) target(%dma_start3A_519 : memref<10000x64xbf16, #tpu.memory_space<vmem_shared>>) offsets(%dma_start3A_516 : memref<80xi32, #tpu.memory_space<vmem>>) semaphore(%arg24 : memref<!tpu.dma_semaphore, #tpu.memory_space<semaphore_mem>>) {add = true}
      %add3A_520 = arith.constant 0 : i32
      %add3A_521 = arith.addi %mul3A_311, %add3A_520 : i32
      %dma_wait3A_522 = arith.constant 0 : i32
      %dma_wait3A_523 = arith.constant 0 : i32
      %dma_wait3A_524 = arith.constant 0 : i32
      %dma_wait3A_525 = tpu.memref_slice %arg8[%dma_wait3A_522, %dma_wait3A_523, %dma_wait3A_524] : memref<8x80x64xbf16, #tpu.memory_space<vmem>> -> memref<1x80x64xbf16, #tpu.memory_space<vmem>>
      %dma_wait3A_526 = tpu.memref_squeeze %dma_wait3A_525 : memref<1x80x64xbf16, #tpu.memory_space<vmem>> -> memref<80x64xbf16, #tpu.memory_space<vmem>>
      %dma_wait3A_527 = arith.constant 0 : i32
      %dma_wait3A_528 = tpu.memref_slice %arg7[%add3A_521, %dma_wait3A_527] : memref<125x80xi32, #tpu.memory_space<vmem>> -> memref<1x80xi32, #tpu.memory_space<vmem>>
      %dma_wait3A_529 = tpu.memref_squeeze %dma_wait3A_528 : memref<1x80xi32, #tpu.memory_space<vmem>> -> memref<80xi32, #tpu.memory_space<vmem>>
      %dma_wait3A_530 = arith.constant 0 : i32
      %dma_wait3A_531 = arith.constant 0 : i32
      %dma_wait3A_532 = tpu.memref_slice %arg5[%dma_wait3A_530, %dma_wait3A_531] : memref<10000x64xbf16, #tpu.memory_space<vmem_shared>> -> memref<10000x64xbf16, #tpu.memory_space<vmem_shared>>
      tpu.wait_indirect_dma semaphore(%arg17 : memref<!tpu.dma_semaphore, #tpu.memory_space<semaphore_mem>>) src(%dma_wait3A_526 : memref<80x64xbf16, #tpu.memory_space<vmem>>) dst(%dma_wait3A_532 : memref<10000x64xbf16, #tpu.memory_space<vmem_shared>>)
      %add3A_533 = arith.constant 8 : i32
      %add3A_534 = arith.addi %mul3A_311, %add3A_533 : i32
      %add3A_535 = arith.constant 0 : i32
      %add3A_536 = arith.addi %add3A_534, %add3A_535 : i32
      %lt3A = arith.constant 125 : i32
      %lt3A_537 = arith.cmpi slt, %add3A_536, %lt3A : i32
      %convert_element_type3A = arith.extui %lt3A_537 : i1 to i32
      %cond3A = arith.constant 0 : i32
      %cond3A_538 = arith.cmpi ne, %convert_element_type3A, %cond3A : i32
      scf.if %cond3A_538 {
        %add3A_693 = arith.constant 8 : i32
        %add3A_694 = arith.addi %mul3A_311, %add3A_693 : i32
        %add3A_695 = arith.constant 0 : i32
        %add3A_696 = arith.addi %add3A_694, %add3A_695 : i32
        %dma_start3A_697 = arith.constant 0 : i32
        %dma_start3A_698 = arith.constant 0 : i32
        %dma_start3A_699 = arith.constant 0 : i32
        %dma_start3A_700 = tpu.memref_slice %arg8[%dma_start3A_697, %dma_start3A_698, %dma_start3A_699] : memref<8x80x64xbf16, #tpu.memory_space<vmem>> -> memref<1x80x64xbf16, #tpu.memory_space<vmem>>
        %dma_start3A_701 = tpu.memref_squeeze %dma_start3A_700 : memref<1x80x64xbf16, #tpu.memory_space<vmem>> -> memref<80x64xbf16, #tpu.memory_space<vmem>>
        %dma_start3A_702 = arith.constant 0 : i32
        %dma_start3A_703 = tpu.memref_slice %arg6[%add3A_696, %dma_start3A_702] : memref<125x80xi32, #tpu.memory_space<vmem>> -> memref<1x80xi32, #tpu.memory_space<vmem>>
        %dma_start3A_704 = tpu.memref_squeeze %dma_start3A_703 : memref<1x80xi32, #tpu.memory_space<vmem>> -> memref<80xi32, #tpu.memory_space<vmem>>
        %dma_start3A_705 = arith.constant 0 : i32
        %dma_start3A_706 = arith.constant 0 : i32
        %dma_start3A_707 = tpu.memref_slice %arg2[%dma_start3A_705, %dma_start3A_706] : memref<10000x64xbf16, #tpu.memory_space<hbm>> -> memref<10000x64xbf16, #tpu.memory_space<hbm>>
        tpu.enqueue_indirect_dma source(%dma_start3A_707 : memref<10000x64xbf16, #tpu.memory_space<hbm>>) target(%dma_start3A_701 : memref<80x64xbf16, #tpu.memory_space<vmem>>) offsets(%dma_start3A_704 : memref<80xi32, #tpu.memory_space<vmem>>) semaphore(%arg9 : memref<!tpu.dma_semaphore, #tpu.memory_space<semaphore_mem>>)
      } else {
      }
      %add3A_539 = arith.constant 1 : i32
      %add3A_540 = arith.addi %mul3A_311, %add3A_539 : i32
      %dma_wait3A_541 = arith.constant 1 : i32
      %dma_wait3A_542 = arith.constant 0 : i32
      %dma_wait3A_543 = arith.constant 0 : i32
      %dma_wait3A_544 = tpu.memref_slice %arg8[%dma_wait3A_541, %dma_wait3A_542, %dma_wait3A_543] : memref<8x80x64xbf16, #tpu.memory_space<vmem>> -> memref<1x80x64xbf16, #tpu.memory_space<vmem>>
      %dma_wait3A_545 = tpu.memref_squeeze %dma_wait3A_544 : memref<1x80x64xbf16, #tpu.memory_space<vmem>> -> memref<80x64xbf16, #tpu.memory_space<vmem>>
      %dma_wait3A_546 = arith.constant 0 : i32
      %dma_wait3A_547 = tpu.memref_slice %arg7[%add3A_540, %dma_wait3A_546] : memref<125x80xi32, #tpu.memory_space<vmem>> -> memref<1x80xi32, #tpu.memory_space<vmem>>
      %dma_wait3A_548 = tpu.memref_squeeze %dma_wait3A_547 : memref<1x80xi32, #tpu.memory_space<vmem>> -> memref<80xi32, #tpu.memory_space<vmem>>
      %dma_wait3A_549 = arith.constant 0 : i32
      %dma_wait3A_550 = arith.constant 0 : i32
      %dma_wait3A_551 = tpu.memref_slice %arg5[%dma_wait3A_549, %dma_wait3A_550] : memref<10000x64xbf16, #tpu.memory_space<vmem_shared>> -> memref<10000x64xbf16, #tpu.memory_space<vmem_shared>>
      tpu.wait_indirect_dma semaphore(%arg18 : memref<!tpu.dma_semaphore, #tpu.memory_space<semaphore_mem>>) src(%dma_wait3A_545 : memref<80x64xbf16, #tpu.memory_space<vmem>>) dst(%dma_wait3A_551 : memref<10000x64xbf16, #tpu.memory_space<vmem_shared>>)
      %add3A_552 = arith.constant 8 : i32
      %add3A_553 = arith.addi %mul3A_311, %add3A_552 : i32
      %add3A_554 = arith.constant 1 : i32
      %add3A_555 = arith.addi %add3A_553, %add3A_554 : i32
      %lt3A_556 = arith.constant 125 : i32
      %lt3A_557 = arith.cmpi slt, %add3A_555, %lt3A_556 : i32
      %convert_element_type3A_558 = arith.extui %lt3A_557 : i1 to i32
      %cond3A_559 = arith.constant 0 : i32
      %cond3A_560 = arith.cmpi ne, %convert_element_type3A_558, %cond3A_559 : i32
      scf.if %cond3A_560 {
        %add3A_693 = arith.constant 8 : i32
        %add3A_694 = arith.addi %mul3A_311, %add3A_693 : i32
        %add3A_695 = arith.constant 1 : i32
        %add3A_696 = arith.addi %add3A_694, %add3A_695 : i32
        %dma_start3A_697 = arith.constant 1 : i32
        %dma_start3A_698 = arith.constant 0 : i32
        %dma_start3A_699 = arith.constant 0 : i32
        %dma_start3A_700 = tpu.memref_slice %arg8[%dma_start3A_697, %dma_start3A_698, %dma_start3A_699] : memref<8x80x64xbf16, #tpu.memory_space<vmem>> -> memref<1x80x64xbf16, #tpu.memory_space<vmem>>
        %dma_start3A_701 = tpu.memref_squeeze %dma_start3A_700 : memref<1x80x64xbf16, #tpu.memory_space<vmem>> -> memref<80x64xbf16, #tpu.memory_space<vmem>>
        %dma_start3A_702 = arith.constant 0 : i32
        %dma_start3A_703 = tpu.memref_slice %arg6[%add3A_696, %dma_start3A_702] : memref<125x80xi32, #tpu.memory_space<vmem>> -> memref<1x80xi32, #tpu.memory_space<vmem>>
        %dma_start3A_704 = tpu.memref_squeeze %dma_start3A_703 : memref<1x80xi32, #tpu.memory_space<vmem>> -> memref<80xi32, #tpu.memory_space<vmem>>
        %dma_start3A_705 = arith.constant 0 : i32
        %dma_start3A_706 = arith.constant 0 : i32
        %dma_start3A_707 = tpu.memref_slice %arg2[%dma_start3A_705, %dma_start3A_706] : memref<10000x64xbf16, #tpu.memory_space<hbm>> -> memref<10000x64xbf16, #tpu.memory_space<hbm>>
        tpu.enqueue_indirect_dma source(%dma_start3A_707 : memref<10000x64xbf16, #tpu.memory_space<hbm>>) target(%dma_start3A_701 : memref<80x64xbf16, #tpu.memory_space<vmem>>) offsets(%dma_start3A_704 : memref<80xi32, #tpu.memory_space<vmem>>) semaphore(%arg10 : memref<!tpu.dma_semaphore, #tpu.memory_space<semaphore_mem>>)
      } else {
      }
      %add3A_561 = arith.constant 2 : i32
      %add3A_562 = arith.addi %mul3A_311, %add3A_561 : i32
      %dma_wait3A_563 = arith.constant 2 : i32
      %dma_wait3A_564 = arith.constant 0 : i32
      %dma_wait3A_565 = arith.constant 0 : i32
      %dma_wait3A_566 = tpu.memref_slice %arg8[%dma_wait3A_563, %dma_wait3A_564, %dma_wait3A_565] : memref<8x80x64xbf16, #tpu.memory_space<vmem>> -> memref<1x80x64xbf16, #tpu.memory_space<vmem>>
      %dma_wait3A_567 = tpu.memref_squeeze %dma_wait3A_566 : memref<1x80x64xbf16, #tpu.memory_space<vmem>> -> memref<80x64xbf16, #tpu.memory_space<vmem>>
      %dma_wait3A_568 = arith.constant 0 : i32
      %dma_wait3A_569 = tpu.memref_slice %arg7[%add3A_562, %dma_wait3A_568] : memref<125x80xi32, #tpu.memory_space<vmem>> -> memref<1x80xi32, #tpu.memory_space<vmem>>
      %dma_wait3A_570 = tpu.memref_squeeze %dma_wait3A_569 : memref<1x80xi32, #tpu.memory_space<vmem>> -> memref<80xi32, #tpu.memory_space<vmem>>
      %dma_wait3A_571 = arith.constant 0 : i32
      %dma_wait3A_572 = arith.constant 0 : i32
      %dma_wait3A_573 = tpu.memref_slice %arg5[%dma_wait3A_571, %dma_wait3A_572] : memref<10000x64xbf16, #tpu.memory_space<vmem_shared>> -> memref<10000x64xbf16, #tpu.memory_space<vmem_shared>>
      tpu.wait_indirect_dma semaphore(%arg19 : memref<!tpu.dma_semaphore, #tpu.memory_space<semaphore_mem>>) src(%dma_wait3A_567 : memref<80x64xbf16, #tpu.memory_space<vmem>>) dst(%dma_wait3A_573 : memref<10000x64xbf16, #tpu.memory_space<vmem_shared>>)
      %add3A_574 = arith.constant 8 : i32
      %add3A_575 = arith.addi %mul3A_311, %add3A_574 : i32
      %add3A_576 = arith.constant 2 : i32
      %add3A_577 = arith.addi %add3A_575, %add3A_576 : i32
      %lt3A_578 = arith.constant 125 : i32
      %lt3A_579 = arith.cmpi slt, %add3A_577, %lt3A_578 : i32
      %convert_element_type3A_580 = arith.extui %lt3A_579 : i1 to i32
      %cond3A_581 = arith.constant 0 : i32
      %cond3A_582 = arith.cmpi ne, %convert_element_type3A_580, %cond3A_581 : i32
      scf.if %cond3A_582 {
        %add3A_693 = arith.constant 8 : i32
        %add3A_694 = arith.addi %mul3A_311, %add3A_693 : i32
        %add3A_695 = arith.constant 2 : i32
        %add3A_696 = arith.addi %add3A_694, %add3A_695 : i32
        %dma_start3A_697 = arith.constant 2 : i32
        %dma_start3A_698 = arith.constant 0 : i32
        %dma_start3A_699 = arith.constant 0 : i32
        %dma_start3A_700 = tpu.memref_slice %arg8[%dma_start3A_697, %dma_start3A_698, %dma_start3A_699] : memref<8x80x64xbf16, #tpu.memory_space<vmem>> -> memref<1x80x64xbf16, #tpu.memory_space<vmem>>
        %dma_start3A_701 = tpu.memref_squeeze %dma_start3A_700 : memref<1x80x64xbf16, #tpu.memory_space<vmem>> -> memref<80x64xbf16, #tpu.memory_space<vmem>>
        %dma_start3A_702 = arith.constant 0 : i32
        %dma_start3A_703 = tpu.memref_slice %arg6[%add3A_696, %dma_start3A_702] : memref<125x80xi32, #tpu.memory_space<vmem>> -> memref<1x80xi32, #tpu.memory_space<vmem>>
        %dma_start3A_704 = tpu.memref_squeeze %dma_start3A_703 : memref<1x80xi32, #tpu.memory_space<vmem>> -> memref<80xi32, #tpu.memory_space<vmem>>
        %dma_start3A_705 = arith.constant 0 : i32
        %dma_start3A_706 = arith.constant 0 : i32
        %dma_start3A_707 = tpu.memref_slice %arg2[%dma_start3A_705, %dma_start3A_706] : memref<10000x64xbf16, #tpu.memory_space<hbm>> -> memref<10000x64xbf16, #tpu.memory_space<hbm>>
        tpu.enqueue_indirect_dma source(%dma_start3A_707 : memref<10000x64xbf16, #tpu.memory_space<hbm>>) target(%dma_start3A_701 : memref<80x64xbf16, #tpu.memory_space<vmem>>) offsets(%dma_start3A_704 : memref<80xi32, #tpu.memory_space<vmem>>) semaphore(%arg11 : memref<!tpu.dma_semaphore, #tpu.memory_space<semaphore_mem>>)
      } else {
      }
      %add3A_583 = arith.constant 3 : i32
      %add3A_584 = arith.addi %mul3A_311, %add3A_583 : i32
      %dma_wait3A_585 = arith.constant 3 : i32
      %dma_wait3A_586 = arith.constant 0 : i32
      %dma_wait3A_587 = arith.constant 0 : i32
      %dma_wait3A_588 = tpu.memref_slice %arg8[%dma_wait3A_585, %dma_wait3A_586, %dma_wait3A_587] : memref<8x80x64xbf16, #tpu.memory_space<vmem>> -> memref<1x80x64xbf16, #tpu.memory_space<vmem>>
      %dma_wait3A_589 = tpu.memref_squeeze %dma_wait3A_588 : memref<1x80x64xbf16, #tpu.memory_space<vmem>> -> memref<80x64xbf16, #tpu.memory_space<vmem>>
      %dma_wait3A_590 = arith.constant 0 : i32
      %dma_wait3A_591 = tpu.memref_slice %arg7[%add3A_584, %dma_wait3A_590] : memref<125x80xi32, #tpu.memory_space<vmem>> -> memref<1x80xi32, #tpu.memory_space<vmem>>
      %dma_wait3A_592 = tpu.memref_squeeze %dma_wait3A_591 : memref<1x80xi32, #tpu.memory_space<vmem>> -> memref<80xi32, #tpu.memory_space<vmem>>
      %dma_wait3A_593 = arith.constant 0 : i32
      %dma_wait3A_594 = arith.constant 0 : i32
      %dma_wait3A_595 = tpu.memref_slice %arg5[%dma_wait3A_593, %dma_wait3A_594] : memref<10000x64xbf16, #tpu.memory_space<vmem_shared>> -> memref<10000x64xbf16, #tpu.memory_space<vmem_shared>>
      tpu.wait_indirect_dma semaphore(%arg20 : memref<!tpu.dma_semaphore, #tpu.memory_space<semaphore_mem>>) src(%dma_wait3A_589 : memref<80x64xbf16, #tpu.memory_space<vmem>>) dst(%dma_wait3A_595 : memref<10000x64xbf16, #tpu.memory_space<vmem_shared>>)
      %add3A_596 = arith.constant 8 : i32
      %add3A_597 = arith.addi %mul3A_311, %add3A_596 : i32
      %add3A_598 = arith.constant 3 : i32
      %add3A_599 = arith.addi %add3A_597, %add3A_598 : i32
      %lt3A_600 = arith.constant 125 : i32
      %lt3A_601 = arith.cmpi slt, %add3A_599, %lt3A_600 : i32
      %convert_element_type3A_602 = arith.extui %lt3A_601 : i1 to i32
      %cond3A_603 = arith.constant 0 : i32
      %cond3A_604 = arith.cmpi ne, %convert_element_type3A_602, %cond3A_603 : i32
      scf.if %cond3A_604 {
        %add3A_693 = arith.constant 8 : i32
        %add3A_694 = arith.addi %mul3A_311, %add3A_693 : i32
        %add3A_695 = arith.constant 3 : i32
        %add3A_696 = arith.addi %add3A_694, %add3A_695 : i32
        %dma_start3A_697 = arith.constant 3 : i32
        %dma_start3A_698 = arith.constant 0 : i32
        %dma_start3A_699 = arith.constant 0 : i32
        %dma_start3A_700 = tpu.memref_slice %arg8[%dma_start3A_697, %dma_start3A_698, %dma_start3A_699] : memref<8x80x64xbf16, #tpu.memory_space<vmem>> -> memref<1x80x64xbf16, #tpu.memory_space<vmem>>
        %dma_start3A_701 = tpu.memref_squeeze %dma_start3A_700 : memref<1x80x64xbf16, #tpu.memory_space<vmem>> -> memref<80x64xbf16, #tpu.memory_space<vmem>>
        %dma_start3A_702 = arith.constant 0 : i32
        %dma_start3A_703 = tpu.memref_slice %arg6[%add3A_696, %dma_start3A_702] : memref<125x80xi32, #tpu.memory_space<vmem>> -> memref<1x80xi32, #tpu.memory_space<vmem>>
        %dma_start3A_704 = tpu.memref_squeeze %dma_start3A_703 : memref<1x80xi32, #tpu.memory_space<vmem>> -> memref<80xi32, #tpu.memory_space<vmem>>
        %dma_start3A_705 = arith.constant 0 : i32
        %dma_start3A_706 = arith.constant 0 : i32
        %dma_start3A_707 = tpu.memref_slice %arg2[%dma_start3A_705, %dma_start3A_706] : memref<10000x64xbf16, #tpu.memory_space<hbm>> -> memref<10000x64xbf16, #tpu.memory_space<hbm>>
        tpu.enqueue_indirect_dma source(%dma_start3A_707 : memref<10000x64xbf16, #tpu.memory_space<hbm>>) target(%dma_start3A_701 : memref<80x64xbf16, #tpu.memory_space<vmem>>) offsets(%dma_start3A_704 : memref<80xi32, #tpu.memory_space<vmem>>) semaphore(%arg12 : memref<!tpu.dma_semaphore, #tpu.memory_space<semaphore_mem>>)
      } else {
      }
      %add3A_605 = arith.constant 4 : i32
      %add3A_606 = arith.addi %mul3A_311, %add3A_605 : i32
      %dma_wait3A_607 = arith.constant 4 : i32
      %dma_wait3A_608 = arith.constant 0 : i32
      %dma_wait3A_609 = arith.constant 0 : i32
      %dma_wait3A_610 = tpu.memref_slice %arg8[%dma_wait3A_607, %dma_wait3A_608, %dma_wait3A_609] : memref<8x80x64xbf16, #tpu.memory_space<vmem>> -> memref<1x80x64xbf16, #tpu.memory_space<vmem>>
      %dma_wait3A_611 = tpu.memref_squeeze %dma_wait3A_610 : memref<1x80x64xbf16, #tpu.memory_space<vmem>> -> memref<80x64xbf16, #tpu.memory_space<vmem>>
      %dma_wait3A_612 = arith.constant 0 : i32
      %dma_wait3A_613 = tpu.memref_slice %arg7[%add3A_606, %dma_wait3A_612] : memref<125x80xi32, #tpu.memory_space<vmem>> -> memref<1x80xi32, #tpu.memory_space<vmem>>
      %dma_wait3A_614 = tpu.memref_squeeze %dma_wait3A_613 : memref<1x80xi32, #tpu.memory_space<vmem>> -> memref<80xi32, #tpu.memory_space<vmem>>
      %dma_wait3A_615 = arith.constant 0 : i32
      %dma_wait3A_616 = arith.constant 0 : i32
      %dma_wait3A_617 = tpu.memref_slice %arg5[%dma_wait3A_615, %dma_wait3A_616] : memref<10000x64xbf16, #tpu.memory_space<vmem_shared>> -> memref<10000x64xbf16, #tpu.memory_space<vmem_shared>>
      tpu.wait_indirect_dma semaphore(%arg21 : memref<!tpu.dma_semaphore, #tpu.memory_space<semaphore_mem>>) src(%dma_wait3A_611 : memref<80x64xbf16, #tpu.memory_space<vmem>>) dst(%dma_wait3A_617 : memref<10000x64xbf16, #tpu.memory_space<vmem_shared>>)
      %add3A_618 = arith.constant 8 : i32
      %add3A_619 = arith.addi %mul3A_311, %add3A_618 : i32
      %add3A_620 = arith.constant 4 : i32
      %add3A_621 = arith.addi %add3A_619, %add3A_620 : i32
      %lt3A_622 = arith.constant 125 : i32
      %lt3A_623 = arith.cmpi slt, %add3A_621, %lt3A_622 : i32
      %convert_element_type3A_624 = arith.extui %lt3A_623 : i1 to i32
      %cond3A_625 = arith.constant 0 : i32
      %cond3A_626 = arith.cmpi ne, %convert_element_type3A_624, %cond3A_625 : i32
      scf.if %cond3A_626 {
        %add3A_693 = arith.constant 8 : i32
        %add3A_694 = arith.addi %mul3A_311, %add3A_693 : i32
        %add3A_695 = arith.constant 4 : i32
        %add3A_696 = arith.addi %add3A_694, %add3A_695 : i32
        %dma_start3A_697 = arith.constant 4 : i32
        %dma_start3A_698 = arith.constant 0 : i32
        %dma_start3A_699 = arith.constant 0 : i32
        %dma_start3A_700 = tpu.memref_slice %arg8[%dma_start3A_697, %dma_start3A_698, %dma_start3A_699] : memref<8x80x64xbf16, #tpu.memory_space<vmem>> -> memref<1x80x64xbf16, #tpu.memory_space<vmem>>
        %dma_start3A_701 = tpu.memref_squeeze %dma_start3A_700 : memref<1x80x64xbf16, #tpu.memory_space<vmem>> -> memref<80x64xbf16, #tpu.memory_space<vmem>>
        %dma_start3A_702 = arith.constant 0 : i32
        %dma_start3A_703 = tpu.memref_slice %arg6[%add3A_696, %dma_start3A_702] : memref<125x80xi32, #tpu.memory_space<vmem>> -> memref<1x80xi32, #tpu.memory_space<vmem>>
        %dma_start3A_704 = tpu.memref_squeeze %dma_start3A_703 : memref<1x80xi32, #tpu.memory_space<vmem>> -> memref<80xi32, #tpu.memory_space<vmem>>
        %dma_start3A_705 = arith.constant 0 : i32
        %dma_start3A_706 = arith.constant 0 : i32
        %dma_start3A_707 = tpu.memref_slice %arg2[%dma_start3A_705, %dma_start3A_706] : memref<10000x64xbf16, #tpu.memory_space<hbm>> -> memref<10000x64xbf16, #tpu.memory_space<hbm>>
        tpu.enqueue_indirect_dma source(%dma_start3A_707 : memref<10000x64xbf16, #tpu.memory_space<hbm>>) target(%dma_start3A_701 : memref<80x64xbf16, #tpu.memory_space<vmem>>) offsets(%dma_start3A_704 : memref<80xi32, #tpu.memory_space<vmem>>) semaphore(%arg13 : memref<!tpu.dma_semaphore, #tpu.memory_space<semaphore_mem>>)
      } else {
      }
      %add3A_627 = arith.constant 5 : i32
      %add3A_628 = arith.addi %mul3A_311, %add3A_627 : i32
      %dma_wait3A_629 = arith.constant 5 : i32
      %dma_wait3A_630 = arith.constant 0 : i32
      %dma_wait3A_631 = arith.constant 0 : i32
      %dma_wait3A_632 = tpu.memref_slice %arg8[%dma_wait3A_629, %dma_wait3A_630, %dma_wait3A_631] : memref<8x80x64xbf16, #tpu.memory_space<vmem>> -> memref<1x80x64xbf16, #tpu.memory_space<vmem>>
      %dma_wait3A_633 = tpu.memref_squeeze %dma_wait3A_632 : memref<1x80x64xbf16, #tpu.memory_space<vmem>> -> memref<80x64xbf16, #tpu.memory_space<vmem>>
      %dma_wait3A_634 = arith.constant 0 : i32
      %dma_wait3A_635 = tpu.memref_slice %arg7[%add3A_628, %dma_wait3A_634] : memref<125x80xi32, #tpu.memory_space<vmem>> -> memref<1x80xi32, #tpu.memory_space<vmem>>
      %dma_wait3A_636 = tpu.memref_squeeze %dma_wait3A_635 : memref<1x80xi32, #tpu.memory_space<vmem>> -> memref<80xi32, #tpu.memory_space<vmem>>
      %dma_wait3A_637 = arith.constant 0 : i32
      %dma_wait3A_638 = arith.constant 0 : i32
      %dma_wait3A_639 = tpu.memref_slice %arg5[%dma_wait3A_637, %dma_wait3A_638] : memref<10000x64xbf16, #tpu.memory_space<vmem_shared>> -> memref<10000x64xbf16, #tpu.memory_space<vmem_shared>>
      tpu.wait_indirect_dma semaphore(%arg22 : memref<!tpu.dma_semaphore, #tpu.memory_space<semaphore_mem>>) src(%dma_wait3A_633 : memref<80x64xbf16, #tpu.memory_space<vmem>>) dst(%dma_wait3A_639 : memref<10000x64xbf16, #tpu.memory_space<vmem_shared>>)
      %add3A_640 = arith.constant 8 : i32
      %add3A_641 = arith.addi %mul3A_311, %add3A_640 : i32
      %add3A_642 = arith.constant 5 : i32
      %add3A_643 = arith.addi %add3A_641, %add3A_642 : i32
      %lt3A_644 = arith.constant 125 : i32
      %lt3A_645 = arith.cmpi slt, %add3A_643, %lt3A_644 : i32
      %convert_element_type3A_646 = arith.extui %lt3A_645 : i1 to i32
      %cond3A_647 = arith.constant 0 : i32
      %cond3A_648 = arith.cmpi ne, %convert_element_type3A_646, %cond3A_647 : i32
      scf.if %cond3A_648 {
        %add3A_693 = arith.constant 8 : i32
        %add3A_694 = arith.addi %mul3A_311, %add3A_693 : i32
        %add3A_695 = arith.constant 5 : i32
        %add3A_696 = arith.addi %add3A_694, %add3A_695 : i32
        %dma_start3A_697 = arith.constant 5 : i32
        %dma_start3A_698 = arith.constant 0 : i32
        %dma_start3A_699 = arith.constant 0 : i32
        %dma_start3A_700 = tpu.memref_slice %arg8[%dma_start3A_697, %dma_start3A_698, %dma_start3A_699] : memref<8x80x64xbf16, #tpu.memory_space<vmem>> -> memref<1x80x64xbf16, #tpu.memory_space<vmem>>
        %dma_start3A_701 = tpu.memref_squeeze %dma_start3A_700 : memref<1x80x64xbf16, #tpu.memory_space<vmem>> -> memref<80x64xbf16, #tpu.memory_space<vmem>>
        %dma_start3A_702 = arith.constant 0 : i32
        %dma_start3A_703 = tpu.memref_slice %arg6[%add3A_696, %dma_start3A_702] : memref<125x80xi32, #tpu.memory_space<vmem>> -> memref<1x80xi32, #tpu.memory_space<vmem>>
        %dma_start3A_704 = tpu.memref_squeeze %dma_start3A_703 : memref<1x80xi32, #tpu.memory_space<vmem>> -> memref<80xi32, #tpu.memory_space<vmem>>
        %dma_start3A_705 = arith.constant 0 : i32
        %dma_start3A_706 = arith.constant 0 : i32
        %dma_start3A_707 = tpu.memref_slice %arg2[%dma_start3A_705, %dma_start3A_706] : memref<10000x64xbf16, #tpu.memory_space<hbm>> -> memref<10000x64xbf16, #tpu.memory_space<hbm>>
        tpu.enqueue_indirect_dma source(%dma_start3A_707 : memref<10000x64xbf16, #tpu.memory_space<hbm>>) target(%dma_start3A_701 : memref<80x64xbf16, #tpu.memory_space<vmem>>) offsets(%dma_start3A_704 : memref<80xi32, #tpu.memory_space<vmem>>) semaphore(%arg14 : memref<!tpu.dma_semaphore, #tpu.memory_space<semaphore_mem>>)
      } else {
      }
      %add3A_649 = arith.constant 6 : i32
      %add3A_650 = arith.addi %mul3A_311, %add3A_649 : i32
      %dma_wait3A_651 = arith.constant 6 : i32
      %dma_wait3A_652 = arith.constant 0 : i32
      %dma_wait3A_653 = arith.constant 0 : i32
      %dma_wait3A_654 = tpu.memref_slice %arg8[%dma_wait3A_651, %dma_wait3A_652, %dma_wait3A_653] : memref<8x80x64xbf16, #tpu.memory_space<vmem>> -> memref<1x80x64xbf16, #tpu.memory_space<vmem>>
      %dma_wait3A_655 = tpu.memref_squeeze %dma_wait3A_654 : memref<1x80x64xbf16, #tpu.memory_space<vmem>> -> memref<80x64xbf16, #tpu.memory_space<vmem>>
      %dma_wait3A_656 = arith.constant 0 : i32
      %dma_wait3A_657 = tpu.memref_slice %arg7[%add3A_650, %dma_wait3A_656] : memref<125x80xi32, #tpu.memory_space<vmem>> -> memref<1x80xi32, #tpu.memory_space<vmem>>
      %dma_wait3A_658 = tpu.memref_squeeze %dma_wait3A_657 : memref<1x80xi32, #tpu.memory_space<vmem>> -> memref<80xi32, #tpu.memory_space<vmem>>
      %dma_wait3A_659 = arith.constant 0 : i32
      %dma_wait3A_660 = arith.constant 0 : i32
      %dma_wait3A_661 = tpu.memref_slice %arg5[%dma_wait3A_659, %dma_wait3A_660] : memref<10000x64xbf16, #tpu.memory_space<vmem_shared>> -> memref<10000x64xbf16, #tpu.memory_space<vmem_shared>>
      tpu.wait_indirect_dma semaphore(%arg23 : memref<!tpu.dma_semaphore, #tpu.memory_space<semaphore_mem>>) src(%dma_wait3A_655 : memref<80x64xbf16, #tpu.memory_space<vmem>>) dst(%dma_wait3A_661 : memref<10000x64xbf16, #tpu.memory_space<vmem_shared>>)
      %add3A_662 = arith.constant 8 : i32
      %add3A_663 = arith.addi %mul3A_311, %add3A_662 : i32
      %add3A_664 = arith.constant 6 : i32
      %add3A_665 = arith.addi %add3A_663, %add3A_664 : i32
      %lt3A_666 = arith.constant 125 : i32
      %lt3A_667 = arith.cmpi slt, %add3A_665, %lt3A_666 : i32
      %convert_element_type3A_668 = arith.extui %lt3A_667 : i1 to i32
      %cond3A_669 = arith.constant 0 : i32
      %cond3A_670 = arith.cmpi ne, %convert_element_type3A_668, %cond3A_669 : i32
      scf.if %cond3A_670 {
        %add3A_693 = arith.constant 8 : i32
        %add3A_694 = arith.addi %mul3A_311, %add3A_693 : i32
        %add3A_695 = arith.constant 6 : i32
        %add3A_696 = arith.addi %add3A_694, %add3A_695 : i32
        %dma_start3A_697 = arith.constant 6 : i32
        %dma_start3A_698 = arith.constant 0 : i32
        %dma_start3A_699 = arith.constant 0 : i32
        %dma_start3A_700 = tpu.memref_slice %arg8[%dma_start3A_697, %dma_start3A_698, %dma_start3A_699] : memref<8x80x64xbf16, #tpu.memory_space<vmem>> -> memref<1x80x64xbf16, #tpu.memory_space<vmem>>
        %dma_start3A_701 = tpu.memref_squeeze %dma_start3A_700 : memref<1x80x64xbf16, #tpu.memory_space<vmem>> -> memref<80x64xbf16, #tpu.memory_space<vmem>>
        %dma_start3A_702 = arith.constant 0 : i32
        %dma_start3A_703 = tpu.memref_slice %arg6[%add3A_696, %dma_start3A_702] : memref<125x80xi32, #tpu.memory_space<vmem>> -> memref<1x80xi32, #tpu.memory_space<vmem>>
        %dma_start3A_704 = tpu.memref_squeeze %dma_start3A_703 : memref<1x80xi32, #tpu.memory_space<vmem>> -> memref<80xi32, #tpu.memory_space<vmem>>
        %dma_start3A_705 = arith.constant 0 : i32
        %dma_start3A_706 = arith.constant 0 : i32
        %dma_start3A_707 = tpu.memref_slice %arg2[%dma_start3A_705, %dma_start3A_706] : memref<10000x64xbf16, #tpu.memory_space<hbm>> -> memref<10000x64xbf16, #tpu.memory_space<hbm>>
        tpu.enqueue_indirect_dma source(%dma_start3A_707 : memref<10000x64xbf16, #tpu.memory_space<hbm>>) target(%dma_start3A_701 : memref<80x64xbf16, #tpu.memory_space<vmem>>) offsets(%dma_start3A_704 : memref<80xi32, #tpu.memory_space<vmem>>) semaphore(%arg15 : memref<!tpu.dma_semaphore, #tpu.memory_space<semaphore_mem>>)
      } else {
      }
      %add3A_671 = arith.constant 7 : i32
      %add3A_672 = arith.addi %mul3A_311, %add3A_671 : i32
      %dma_wait3A_673 = arith.constant 7 : i32
      %dma_wait3A_674 = arith.constant 0 : i32
      %dma_wait3A_675 = arith.constant 0 : i32
      %dma_wait3A_676 = tpu.memref_slice %arg8[%dma_wait3A_673, %dma_wait3A_674, %dma_wait3A_675] : memref<8x80x64xbf16, #tpu.memory_space<vmem>> -> memref<1x80x64xbf16, #tpu.memory_space<vmem>>
      %dma_wait3A_677 = tpu.memref_squeeze %dma_wait3A_676 : memref<1x80x64xbf16, #tpu.memory_space<vmem>> -> memref<80x64xbf16, #tpu.memory_space<vmem>>
      %dma_wait3A_678 = arith.constant 0 : i32
      %dma_wait3A_679 = tpu.memref_slice %arg7[%add3A_672, %dma_wait3A_678] : memref<125x80xi32, #tpu.memory_space<vmem>> -> memref<1x80xi32, #tpu.memory_space<vmem>>
      %dma_wait3A_680 = tpu.memref_squeeze %dma_wait3A_679 : memref<1x80xi32, #tpu.memory_space<vmem>> -> memref<80xi32, #tpu.memory_space<vmem>>
      %dma_wait3A_681 = arith.constant 0 : i32
      %dma_wait3A_682 = arith.constant 0 : i32
      %dma_wait3A_683 = tpu.memref_slice %arg5[%dma_wait3A_681, %dma_wait3A_682] : memref<10000x64xbf16, #tpu.memory_space<vmem_shared>> -> memref<10000x64xbf16, #tpu.memory_space<vmem_shared>>
      tpu.wait_indirect_dma semaphore(%arg24 : memref<!tpu.dma_semaphore, #tpu.memory_space<semaphore_mem>>) src(%dma_wait3A_677 : memref<80x64xbf16, #tpu.memory_space<vmem>>) dst(%dma_wait3A_683 : memref<10000x64xbf16, #tpu.memory_space<vmem_shared>>)
      %add3A_684 = arith.constant 8 : i32
      %add3A_685 = arith.addi %mul3A_311, %add3A_684 : i32
      %add3A_686 = arith.constant 7 : i32
      %add3A_687 = arith.addi %add3A_685, %add3A_686 : i32
      %lt3A_688 = arith.constant 125 : i32
      %lt3A_689 = arith.cmpi slt, %add3A_687, %lt3A_688 : i32
      %convert_element_type3A_690 = arith.extui %lt3A_689 : i1 to i32
      %cond3A_691 = arith.constant 0 : i32
      %cond3A_692 = arith.cmpi ne, %convert_element_type3A_690, %cond3A_691 : i32
      scf.if %cond3A_692 {
        %add3A_693 = arith.constant 8 : i32
        %add3A_694 = arith.addi %mul3A_311, %add3A_693 : i32
        %add3A_695 = arith.constant 7 : i32
        %add3A_696 = arith.addi %add3A_694, %add3A_695 : i32
        %dma_start3A_697 = arith.constant 7 : i32
        %dma_start3A_698 = arith.constant 0 : i32
        %dma_start3A_699 = arith.constant 0 : i32
        %dma_start3A_700 = tpu.memref_slice %arg8[%dma_start3A_697, %dma_start3A_698, %dma_start3A_699] : memref<8x80x64xbf16, #tpu.memory_space<vmem>> -> memref<1x80x64xbf16, #tpu.memory_space<vmem>>
        %dma_start3A_701 = tpu.memref_squeeze %dma_start3A_700 : memref<1x80x64xbf16, #tpu.memory_space<vmem>> -> memref<80x64xbf16, #tpu.memory_space<vmem>>
        %dma_start3A_702 = arith.constant 0 : i32
        %dma_start3A_703 = tpu.memref_slice %arg6[%add3A_696, %dma_start3A_702] : memref<125x80xi32, #tpu.memory_space<vmem>> -> memref<1x80xi32, #tpu.memory_space<vmem>>
        %dma_start3A_704 = tpu.memref_squeeze %dma_start3A_703 : memref<1x80xi32, #tpu.memory_space<vmem>> -> memref<80xi32, #tpu.memory_space<vmem>>
        %dma_start3A_705 = arith.constant 0 : i32
        %dma_start3A_706 = arith.constant 0 : i32
        %dma_start3A_707 = tpu.memref_slice %arg2[%dma_start3A_705, %dma_start3A_706] : memref<10000x64xbf16, #tpu.memory_space<hbm>> -> memref<10000x64xbf16, #tpu.memory_space<hbm>>
        tpu.enqueue_indirect_dma source(%dma_start3A_707 : memref<10000x64xbf16, #tpu.memory_space<hbm>>) target(%dma_start3A_701 : memref<80x64xbf16, #tpu.memory_space<vmem>>) offsets(%dma_start3A_704 : memref<80xi32, #tpu.memory_space<vmem>>) semaphore(%arg16 : memref<!tpu.dma_semaphore, #tpu.memory_space<semaphore_mem>>)
      } else {
      }
    }
    %scan3A_127 = arith.constant 15 : i32
    %dma_wait3A_128 = arith.constant 120 : i32
    %dma_wait3A_129 = arith.constant 0 : i32
    %dma_wait3A_130 = arith.constant 0 : i32
    %dma_wait3A_131 = arith.constant 0 : i32
    %dma_wait3A_132 = tpu.memref_slice %arg8[%dma_wait3A_129, %dma_wait3A_130, %dma_wait3A_131] : memref<8x80x64xbf16, #tpu.memory_space<vmem>> -> memref<1x80x64xbf16, #tpu.memory_space<vmem>>
    %dma_wait3A_133 = tpu.memref_squeeze %dma_wait3A_132 : memref<1x80x64xbf16, #tpu.memory_space<vmem>> -> memref<80x64xbf16, #tpu.memory_space<vmem>>
    %dma_wait3A_134 = arith.constant 0 : i32
    %dma_wait3A_135 = tpu.memref_slice %arg6[%dma_wait3A_128, %dma_wait3A_134] : memref<125x80xi32, #tpu.memory_space<vmem>> -> memref<1x80xi32, #tpu.memory_space<vmem>>
    %dma_wait3A_136 = tpu.memref_squeeze %dma_wait3A_135 : memref<1x80xi32, #tpu.memory_space<vmem>> -> memref<80xi32, #tpu.memory_space<vmem>>
    %dma_wait3A_137 = arith.constant 0 : i32
    %dma_wait3A_138 = arith.constant 0 : i32
    %dma_wait3A_139 = tpu.memref_slice %arg2[%dma_wait3A_137, %dma_wait3A_138] : memref<10000x64xbf16, #tpu.memory_space<hbm>> -> memref<10000x64xbf16, #tpu.memory_space<hbm>>
    tpu.wait_indirect_dma semaphore(%arg9 : memref<!tpu.dma_semaphore, #tpu.memory_space<semaphore_mem>>) src(%dma_wait3A_139 : memref<10000x64xbf16, #tpu.memory_space<hbm>>) dst(%dma_wait3A_133 : memref<80x64xbf16, #tpu.memory_space<vmem>>)
    %dma_start3A_140 = arith.constant 0 : i32
    %dma_start3A_141 = arith.constant 120 : i32
    %dma_start3A_142 = arith.constant 0 : i32
    %dma_start3A_143 = arith.constant 0 : i32
    %dma_start3A_144 = tpu.memref_slice %arg8[%dma_start3A_140, %dma_start3A_142, %dma_start3A_143] : memref<8x80x64xbf16, #tpu.memory_space<vmem>> -> memref<1x80x64xbf16, #tpu.memory_space<vmem>>
    %dma_start3A_145 = tpu.memref_squeeze %dma_start3A_144 : memref<1x80x64xbf16, #tpu.memory_space<vmem>> -> memref<80x64xbf16, #tpu.memory_space<vmem>>
    %dma_start3A_146 = arith.constant 0 : i32
    %dma_start3A_147 = tpu.memref_slice %arg7[%dma_start3A_141, %dma_start3A_146] : memref<125x80xi32, #tpu.memory_space<vmem>> -> memref<1x80xi32, #tpu.memory_space<vmem>>
    %dma_start3A_148 = tpu.memref_squeeze %dma_start3A_147 : memref<1x80xi32, #tpu.memory_space<vmem>> -> memref<80xi32, #tpu.memory_space<vmem>>
    %dma_start3A_149 = arith.constant 0 : i32
    %dma_start3A_150 = arith.constant 0 : i32
    %dma_start3A_151 = tpu.memref_slice %arg5[%dma_start3A_149, %dma_start3A_150] : memref<10000x64xbf16, #tpu.memory_space<vmem_shared>> -> memref<10000x64xbf16, #tpu.memory_space<vmem_shared>>
    tpu.enqueue_indirect_dma source(%dma_start3A_145 : memref<80x64xbf16, #tpu.memory_space<vmem>>) target(%dma_start3A_151 : memref<10000x64xbf16, #tpu.memory_space<vmem_shared>>) offsets(%dma_start3A_148 : memref<80xi32, #tpu.memory_space<vmem>>) semaphore(%arg17 : memref<!tpu.dma_semaphore, #tpu.memory_space<semaphore_mem>>) {add = true}
    %dma_wait3A_152 = arith.constant 121 : i32
    %dma_wait3A_153 = arith.constant 1 : i32
    %dma_wait3A_154 = arith.constant 0 : i32
    %dma_wait3A_155 = arith.constant 0 : i32
    %dma_wait3A_156 = tpu.memref_slice %arg8[%dma_wait3A_153, %dma_wait3A_154, %dma_wait3A_155] : memref<8x80x64xbf16, #tpu.memory_space<vmem>> -> memref<1x80x64xbf16, #tpu.memory_space<vmem>>
    %dma_wait3A_157 = tpu.memref_squeeze %dma_wait3A_156 : memref<1x80x64xbf16, #tpu.memory_space<vmem>> -> memref<80x64xbf16, #tpu.memory_space<vmem>>
    %dma_wait3A_158 = arith.constant 0 : i32
    %dma_wait3A_159 = tpu.memref_slice %arg6[%dma_wait3A_152, %dma_wait3A_158] : memref<125x80xi32, #tpu.memory_space<vmem>> -> memref<1x80xi32, #tpu.memory_space<vmem>>
    %dma_wait3A_160 = tpu.memref_squeeze %dma_wait3A_159 : memref<1x80xi32, #tpu.memory_space<vmem>> -> memref<80xi32, #tpu.memory_space<vmem>>
    %dma_wait3A_161 = arith.constant 0 : i32
    %dma_wait3A_162 = arith.constant 0 : i32
    %dma_wait3A_163 = tpu.memref_slice %arg2[%dma_wait3A_161, %dma_wait3A_162] : memref<10000x64xbf16, #tpu.memory_space<hbm>> -> memref<10000x64xbf16, #tpu.memory_space<hbm>>
    tpu.wait_indirect_dma semaphore(%arg10 : memref<!tpu.dma_semaphore, #tpu.memory_space<semaphore_mem>>) src(%dma_wait3A_163 : memref<10000x64xbf16, #tpu.memory_space<hbm>>) dst(%dma_wait3A_157 : memref<80x64xbf16, #tpu.memory_space<vmem>>)
    %dma_start3A_164 = arith.constant 1 : i32
    %dma_start3A_165 = arith.constant 121 : i32
    %dma_start3A_166 = arith.constant 0 : i32
    %dma_start3A_167 = arith.constant 0 : i32
    %dma_start3A_168 = tpu.memref_slice %arg8[%dma_start3A_164, %dma_start3A_166, %dma_start3A_167] : memref<8x80x64xbf16, #tpu.memory_space<vmem>> -> memref<1x80x64xbf16, #tpu.memory_space<vmem>>
    %dma_start3A_169 = tpu.memref_squeeze %dma_start3A_168 : memref<1x80x64xbf16, #tpu.memory_space<vmem>> -> memref<80x64xbf16, #tpu.memory_space<vmem>>
    %dma_start3A_170 = arith.constant 0 : i32
    %dma_start3A_171 = tpu.memref_slice %arg7[%dma_start3A_165, %dma_start3A_170] : memref<125x80xi32, #tpu.memory_space<vmem>> -> memref<1x80xi32, #tpu.memory_space<vmem>>
    %dma_start3A_172 = tpu.memref_squeeze %dma_start3A_171 : memref<1x80xi32, #tpu.memory_space<vmem>> -> memref<80xi32, #tpu.memory_space<vmem>>
    %dma_start3A_173 = arith.constant 0 : i32
    %dma_start3A_174 = arith.constant 0 : i32
    %dma_start3A_175 = tpu.memref_slice %arg5[%dma_start3A_173, %dma_start3A_174] : memref<10000x64xbf16, #tpu.memory_space<vmem_shared>> -> memref<10000x64xbf16, #tpu.memory_space<vmem_shared>>
    tpu.enqueue_indirect_dma source(%dma_start3A_169 : memref<80x64xbf16, #tpu.memory_space<vmem>>) target(%dma_start3A_175 : memref<10000x64xbf16, #tpu.memory_space<vmem_shared>>) offsets(%dma_start3A_172 : memref<80xi32, #tpu.memory_space<vmem>>) semaphore(%arg18 : memref<!tpu.dma_semaphore, #tpu.memory_space<semaphore_mem>>) {add = true}
    %dma_wait3A_176 = arith.constant 122 : i32
    %dma_wait3A_177 = arith.constant 2 : i32
    %dma_wait3A_178 = arith.constant 0 : i32
    %dma_wait3A_179 = arith.constant 0 : i32
    %dma_wait3A_180 = tpu.memref_slice %arg8[%dma_wait3A_177, %dma_wait3A_178, %dma_wait3A_179] : memref<8x80x64xbf16, #tpu.memory_space<vmem>> -> memref<1x80x64xbf16, #tpu.memory_space<vmem>>
    %dma_wait3A_181 = tpu.memref_squeeze %dma_wait3A_180 : memref<1x80x64xbf16, #tpu.memory_space<vmem>> -> memref<80x64xbf16, #tpu.memory_space<vmem>>
    %dma_wait3A_182 = arith.constant 0 : i32
    %dma_wait3A_183 = tpu.memref_slice %arg6[%dma_wait3A_176, %dma_wait3A_182] : memref<125x80xi32, #tpu.memory_space<vmem>> -> memref<1x80xi32, #tpu.memory_space<vmem>>
    %dma_wait3A_184 = tpu.memref_squeeze %dma_wait3A_183 : memref<1x80xi32, #tpu.memory_space<vmem>> -> memref<80xi32, #tpu.memory_space<vmem>>
    %dma_wait3A_185 = arith.constant 0 : i32
    %dma_wait3A_186 = arith.constant 0 : i32
    %dma_wait3A_187 = tpu.memref_slice %arg2[%dma_wait3A_185, %dma_wait3A_186] : memref<10000x64xbf16, #tpu.memory_space<hbm>> -> memref<10000x64xbf16, #tpu.memory_space<hbm>>
    tpu.wait_indirect_dma semaphore(%arg11 : memref<!tpu.dma_semaphore, #tpu.memory_space<semaphore_mem>>) src(%dma_wait3A_187 : memref<10000x64xbf16, #tpu.memory_space<hbm>>) dst(%dma_wait3A_181 : memref<80x64xbf16, #tpu.memory_space<vmem>>)
    %dma_start3A_188 = arith.constant 2 : i32
    %dma_start3A_189 = arith.constant 122 : i32
    %dma_start3A_190 = arith.constant 0 : i32
    %dma_start3A_191 = arith.constant 0 : i32
    %dma_start3A_192 = tpu.memref_slice %arg8[%dma_start3A_188, %dma_start3A_190, %dma_start3A_191] : memref<8x80x64xbf16, #tpu.memory_space<vmem>> -> memref<1x80x64xbf16, #tpu.memory_space<vmem>>
    %dma_start3A_193 = tpu.memref_squeeze %dma_start3A_192 : memref<1x80x64xbf16, #tpu.memory_space<vmem>> -> memref<80x64xbf16, #tpu.memory_space<vmem>>
    %dma_start3A_194 = arith.constant 0 : i32
    %dma_start3A_195 = tpu.memref_slice %arg7[%dma_start3A_189, %dma_start3A_194] : memref<125x80xi32, #tpu.memory_space<vmem>> -> memref<1x80xi32, #tpu.memory_space<vmem>>
    %dma_start3A_196 = tpu.memref_squeeze %dma_start3A_195 : memref<1x80xi32, #tpu.memory_space<vmem>> -> memref<80xi32, #tpu.memory_space<vmem>>
    %dma_start3A_197 = arith.constant 0 : i32
    %dma_start3A_198 = arith.constant 0 : i32
    %dma_start3A_199 = tpu.memref_slice %arg5[%dma_start3A_197, %dma_start3A_198] : memref<10000x64xbf16, #tpu.memory_space<vmem_shared>> -> memref<10000x64xbf16, #tpu.memory_space<vmem_shared>>
    tpu.enqueue_indirect_dma source(%dma_start3A_193 : memref<80x64xbf16, #tpu.memory_space<vmem>>) target(%dma_start3A_199 : memref<10000x64xbf16, #tpu.memory_space<vmem_shared>>) offsets(%dma_start3A_196 : memref<80xi32, #tpu.memory_space<vmem>>) semaphore(%arg19 : memref<!tpu.dma_semaphore, #tpu.memory_space<semaphore_mem>>) {add = true}
    %dma_wait3A_200 = arith.constant 123 : i32
    %dma_wait3A_201 = arith.constant 3 : i32
    %dma_wait3A_202 = arith.constant 0 : i32
    %dma_wait3A_203 = arith.constant 0 : i32
    %dma_wait3A_204 = tpu.memref_slice %arg8[%dma_wait3A_201, %dma_wait3A_202, %dma_wait3A_203] : memref<8x80x64xbf16, #tpu.memory_space<vmem>> -> memref<1x80x64xbf16, #tpu.memory_space<vmem>>
    %dma_wait3A_205 = tpu.memref_squeeze %dma_wait3A_204 : memref<1x80x64xbf16, #tpu.memory_space<vmem>> -> memref<80x64xbf16, #tpu.memory_space<vmem>>
    %dma_wait3A_206 = arith.constant 0 : i32
    %dma_wait3A_207 = tpu.memref_slice %arg6[%dma_wait3A_200, %dma_wait3A_206] : memref<125x80xi32, #tpu.memory_space<vmem>> -> memref<1x80xi32, #tpu.memory_space<vmem>>
    %dma_wait3A_208 = tpu.memref_squeeze %dma_wait3A_207 : memref<1x80xi32, #tpu.memory_space<vmem>> -> memref<80xi32, #tpu.memory_space<vmem>>
    %dma_wait3A_209 = arith.constant 0 : i32
    %dma_wait3A_210 = arith.constant 0 : i32
    %dma_wait3A_211 = tpu.memref_slice %arg2[%dma_wait3A_209, %dma_wait3A_210] : memref<10000x64xbf16, #tpu.memory_space<hbm>> -> memref<10000x64xbf16, #tpu.memory_space<hbm>>
    tpu.wait_indirect_dma semaphore(%arg12 : memref<!tpu.dma_semaphore, #tpu.memory_space<semaphore_mem>>) src(%dma_wait3A_211 : memref<10000x64xbf16, #tpu.memory_space<hbm>>) dst(%dma_wait3A_205 : memref<80x64xbf16, #tpu.memory_space<vmem>>)
    %dma_start3A_212 = arith.constant 3 : i32
    %dma_start3A_213 = arith.constant 123 : i32
    %dma_start3A_214 = arith.constant 0 : i32
    %dma_start3A_215 = arith.constant 0 : i32
    %dma_start3A_216 = tpu.memref_slice %arg8[%dma_start3A_212, %dma_start3A_214, %dma_start3A_215] : memref<8x80x64xbf16, #tpu.memory_space<vmem>> -> memref<1x80x64xbf16, #tpu.memory_space<vmem>>
    %dma_start3A_217 = tpu.memref_squeeze %dma_start3A_216 : memref<1x80x64xbf16, #tpu.memory_space<vmem>> -> memref<80x64xbf16, #tpu.memory_space<vmem>>
    %dma_start3A_218 = arith.constant 0 : i32
    %dma_start3A_219 = tpu.memref_slice %arg7[%dma_start3A_213, %dma_start3A_218] : memref<125x80xi32, #tpu.memory_space<vmem>> -> memref<1x80xi32, #tpu.memory_space<vmem>>
    %dma_start3A_220 = tpu.memref_squeeze %dma_start3A_219 : memref<1x80xi32, #tpu.memory_space<vmem>> -> memref<80xi32, #tpu.memory_space<vmem>>
    %dma_start3A_221 = arith.constant 0 : i32
    %dma_start3A_222 = arith.constant 0 : i32
    %dma_start3A_223 = tpu.memref_slice %arg5[%dma_start3A_221, %dma_start3A_222] : memref<10000x64xbf16, #tpu.memory_space<vmem_shared>> -> memref<10000x64xbf16, #tpu.memory_space<vmem_shared>>
    tpu.enqueue_indirect_dma source(%dma_start3A_217 : memref<80x64xbf16, #tpu.memory_space<vmem>>) target(%dma_start3A_223 : memref<10000x64xbf16, #tpu.memory_space<vmem_shared>>) offsets(%dma_start3A_220 : memref<80xi32, #tpu.memory_space<vmem>>) semaphore(%arg20 : memref<!tpu.dma_semaphore, #tpu.memory_space<semaphore_mem>>) {add = true}
    %dma_wait3A_224 = arith.constant 124 : i32
    %dma_wait3A_225 = arith.constant 4 : i32
    %dma_wait3A_226 = arith.constant 0 : i32
    %dma_wait3A_227 = arith.constant 0 : i32
    %dma_wait3A_228 = tpu.memref_slice %arg8[%dma_wait3A_225, %dma_wait3A_226, %dma_wait3A_227] : memref<8x80x64xbf16, #tpu.memory_space<vmem>> -> memref<1x80x64xbf16, #tpu.memory_space<vmem>>
    %dma_wait3A_229 = tpu.memref_squeeze %dma_wait3A_228 : memref<1x80x64xbf16, #tpu.memory_space<vmem>> -> memref<80x64xbf16, #tpu.memory_space<vmem>>
    %dma_wait3A_230 = arith.constant 0 : i32
    %dma_wait3A_231 = tpu.memref_slice %arg6[%dma_wait3A_224, %dma_wait3A_230] : memref<125x80xi32, #tpu.memory_space<vmem>> -> memref<1x80xi32, #tpu.memory_space<vmem>>
    %dma_wait3A_232 = tpu.memref_squeeze %dma_wait3A_231 : memref<1x80xi32, #tpu.memory_space<vmem>> -> memref<80xi32, #tpu.memory_space<vmem>>
    %dma_wait3A_233 = arith.constant 0 : i32
    %dma_wait3A_234 = arith.constant 0 : i32
    %dma_wait3A_235 = tpu.memref_slice %arg2[%dma_wait3A_233, %dma_wait3A_234] : memref<10000x64xbf16, #tpu.memory_space<hbm>> -> memref<10000x64xbf16, #tpu.memory_space<hbm>>
    tpu.wait_indirect_dma semaphore(%arg13 : memref<!tpu.dma_semaphore, #tpu.memory_space<semaphore_mem>>) src(%dma_wait3A_235 : memref<10000x64xbf16, #tpu.memory_space<hbm>>) dst(%dma_wait3A_229 : memref<80x64xbf16, #tpu.memory_space<vmem>>)
    %dma_start3A_236 = arith.constant 4 : i32
    %dma_start3A_237 = arith.constant 124 : i32
    %dma_start3A_238 = arith.constant 0 : i32
    %dma_start3A_239 = arith.constant 0 : i32
    %dma_start3A_240 = tpu.memref_slice %arg8[%dma_start3A_236, %dma_start3A_238, %dma_start3A_239] : memref<8x80x64xbf16, #tpu.memory_space<vmem>> -> memref<1x80x64xbf16, #tpu.memory_space<vmem>>
    %dma_start3A_241 = tpu.memref_squeeze %dma_start3A_240 : memref<1x80x64xbf16, #tpu.memory_space<vmem>> -> memref<80x64xbf16, #tpu.memory_space<vmem>>
    %dma_start3A_242 = arith.constant 0 : i32
    %dma_start3A_243 = tpu.memref_slice %arg7[%dma_start3A_237, %dma_start3A_242] : memref<125x80xi32, #tpu.memory_space<vmem>> -> memref<1x80xi32, #tpu.memory_space<vmem>>
    %dma_start3A_244 = tpu.memref_squeeze %dma_start3A_243 : memref<1x80xi32, #tpu.memory_space<vmem>> -> memref<80xi32, #tpu.memory_space<vmem>>
    %dma_start3A_245 = arith.constant 0 : i32
    %dma_start3A_246 = arith.constant 0 : i32
    %dma_start3A_247 = tpu.memref_slice %arg5[%dma_start3A_245, %dma_start3A_246] : memref<10000x64xbf16, #tpu.memory_space<vmem_shared>> -> memref<10000x64xbf16, #tpu.memory_space<vmem_shared>>
    tpu.enqueue_indirect_dma source(%dma_start3A_241 : memref<80x64xbf16, #tpu.memory_space<vmem>>) target(%dma_start3A_247 : memref<10000x64xbf16, #tpu.memory_space<vmem_shared>>) offsets(%dma_start3A_244 : memref<80xi32, #tpu.memory_space<vmem>>) semaphore(%arg21 : memref<!tpu.dma_semaphore, #tpu.memory_space<semaphore_mem>>) {add = true}
    %dma_wait3A_248 = arith.constant 0 : i32
    %dma_wait3A_249 = arith.constant 120 : i32
    %dma_wait3A_250 = arith.constant 0 : i32
    %dma_wait3A_251 = arith.constant 0 : i32
    %dma_wait3A_252 = tpu.memref_slice %arg8[%dma_wait3A_248, %dma_wait3A_250, %dma_wait3A_251] : memref<8x80x64xbf16, #tpu.memory_space<vmem>> -> memref<1x80x64xbf16, #tpu.memory_space<vmem>>
    %dma_wait3A_253 = tpu.memref_squeeze %dma_wait3A_252 : memref<1x80x64xbf16, #tpu.memory_space<vmem>> -> memref<80x64xbf16, #tpu.memory_space<vmem>>
    %dma_wait3A_254 = arith.constant 0 : i32
    %dma_wait3A_255 = tpu.memref_slice %arg7[%dma_wait3A_249, %dma_wait3A_254] : memref<125x80xi32, #tpu.memory_space<vmem>> -> memref<1x80xi32, #tpu.memory_space<vmem>>
    %dma_wait3A_256 = tpu.memref_squeeze %dma_wait3A_255 : memref<1x80xi32, #tpu.memory_space<vmem>> -> memref<80xi32, #tpu.memory_space<vmem>>
    %dma_wait3A_257 = arith.constant 0 : i32
    %dma_wait3A_258 = arith.constant 0 : i32
    %dma_wait3A_259 = tpu.memref_slice %arg5[%dma_wait3A_257, %dma_wait3A_258] : memref<10000x64xbf16, #tpu.memory_space<vmem_shared>> -> memref<10000x64xbf16, #tpu.memory_space<vmem_shared>>
    tpu.wait_indirect_dma semaphore(%arg17 : memref<!tpu.dma_semaphore, #tpu.memory_space<semaphore_mem>>) src(%dma_wait3A_253 : memref<80x64xbf16, #tpu.memory_space<vmem>>) dst(%dma_wait3A_259 : memref<10000x64xbf16, #tpu.memory_space<vmem_shared>>)
    %dma_wait3A_260 = arith.constant 1 : i32
    %dma_wait3A_261 = arith.constant 121 : i32
    %dma_wait3A_262 = arith.constant 0 : i32
    %dma_wait3A_263 = arith.constant 0 : i32
    %dma_wait3A_264 = tpu.memref_slice %arg8[%dma_wait3A_260, %dma_wait3A_262, %dma_wait3A_263] : memref<8x80x64xbf16, #tpu.memory_space<vmem>> -> memref<1x80x64xbf16, #tpu.memory_space<vmem>>
    %dma_wait3A_265 = tpu.memref_squeeze %dma_wait3A_264 : memref<1x80x64xbf16, #tpu.memory_space<vmem>> -> memref<80x64xbf16, #tpu.memory_space<vmem>>
    %dma_wait3A_266 = arith.constant 0 : i32
    %dma_wait3A_267 = tpu.memref_slice %arg7[%dma_wait3A_261, %dma_wait3A_266] : memref<125x80xi32, #tpu.memory_space<vmem>> -> memref<1x80xi32, #tpu.memory_space<vmem>>
    %dma_wait3A_268 = tpu.memref_squeeze %dma_wait3A_267 : memref<1x80xi32, #tpu.memory_space<vmem>> -> memref<80xi32, #tpu.memory_space<vmem>>
    %dma_wait3A_269 = arith.constant 0 : i32
    %dma_wait3A_270 = arith.constant 0 : i32
    %dma_wait3A_271 = tpu.memref_slice %arg5[%dma_wait3A_269, %dma_wait3A_270] : memref<10000x64xbf16, #tpu.memory_space<vmem_shared>> -> memref<10000x64xbf16, #tpu.memory_space<vmem_shared>>
    tpu.wait_indirect_dma semaphore(%arg18 : memref<!tpu.dma_semaphore, #tpu.memory_space<semaphore_mem>>) src(%dma_wait3A_265 : memref<80x64xbf16, #tpu.memory_space<vmem>>) dst(%dma_wait3A_271 : memref<10000x64xbf16, #tpu.memory_space<vmem_shared>>)
    %dma_wait3A_272 = arith.constant 2 : i32
    %dma_wait3A_273 = arith.constant 122 : i32
    %dma_wait3A_274 = arith.constant 0 : i32
    %dma_wait3A_275 = arith.constant 0 : i32
    %dma_wait3A_276 = tpu.memref_slice %arg8[%dma_wait3A_272, %dma_wait3A_274, %dma_wait3A_275] : memref<8x80x64xbf16, #tpu.memory_space<vmem>> -> memref<1x80x64xbf16, #tpu.memory_space<vmem>>
    %dma_wait3A_277 = tpu.memref_squeeze %dma_wait3A_276 : memref<1x80x64xbf16, #tpu.memory_space<vmem>> -> memref<80x64xbf16, #tpu.memory_space<vmem>>
    %dma_wait3A_278 = arith.constant 0 : i32
    %dma_wait3A_279 = tpu.memref_slice %arg7[%dma_wait3A_273, %dma_wait3A_278] : memref<125x80xi32, #tpu.memory_space<vmem>> -> memref<1x80xi32, #tpu.memory_space<vmem>>
    %dma_wait3A_280 = tpu.memref_squeeze %dma_wait3A_279 : memref<1x80xi32, #tpu.memory_space<vmem>> -> memref<80xi32, #tpu.memory_space<vmem>>
    %dma_wait3A_281 = arith.constant 0 : i32
    %dma_wait3A_282 = arith.constant 0 : i32
    %dma_wait3A_283 = tpu.memref_slice %arg5[%dma_wait3A_281, %dma_wait3A_282] : memref<10000x64xbf16, #tpu.memory_space<vmem_shared>> -> memref<10000x64xbf16, #tpu.memory_space<vmem_shared>>
    tpu.wait_indirect_dma semaphore(%arg19 : memref<!tpu.dma_semaphore, #tpu.memory_space<semaphore_mem>>) src(%dma_wait3A_277 : memref<80x64xbf16, #tpu.memory_space<vmem>>) dst(%dma_wait3A_283 : memref<10000x64xbf16, #tpu.memory_space<vmem_shared>>)
    %dma_wait3A_284 = arith.constant 3 : i32
    %dma_wait3A_285 = arith.constant 123 : i32
    %dma_wait3A_286 = arith.constant 0 : i32
    %dma_wait3A_287 = arith.constant 0 : i32
    %dma_wait3A_288 = tpu.memref_slice %arg8[%dma_wait3A_284, %dma_wait3A_286, %dma_wait3A_287] : memref<8x80x64xbf16, #tpu.memory_space<vmem>> -> memref<1x80x64xbf16, #tpu.memory_space<vmem>>
    %dma_wait3A_289 = tpu.memref_squeeze %dma_wait3A_288 : memref<1x80x64xbf16, #tpu.memory_space<vmem>> -> memref<80x64xbf16, #tpu.memory_space<vmem>>
    %dma_wait3A_290 = arith.constant 0 : i32
    %dma_wait3A_291 = tpu.memref_slice %arg7[%dma_wait3A_285, %dma_wait3A_290] : memref<125x80xi32, #tpu.memory_space<vmem>> -> memref<1x80xi32, #tpu.memory_space<vmem>>
    %dma_wait3A_292 = tpu.memref_squeeze %dma_wait3A_291 : memref<1x80xi32, #tpu.memory_space<vmem>> -> memref<80xi32, #tpu.memory_space<vmem>>
    %dma_wait3A_293 = arith.constant 0 : i32
    %dma_wait3A_294 = arith.constant 0 : i32
    %dma_wait3A_295 = tpu.memref_slice %arg5[%dma_wait3A_293, %dma_wait3A_294] : memref<10000x64xbf16, #tpu.memory_space<vmem_shared>> -> memref<10000x64xbf16, #tpu.memory_space<vmem_shared>>
    tpu.wait_indirect_dma semaphore(%arg20 : memref<!tpu.dma_semaphore, #tpu.memory_space<semaphore_mem>>) src(%dma_wait3A_289 : memref<80x64xbf16, #tpu.memory_space<vmem>>) dst(%dma_wait3A_295 : memref<10000x64xbf16, #tpu.memory_space<vmem_shared>>)
    %dma_wait3A_296 = arith.constant 4 : i32
    %dma_wait3A_297 = arith.constant 124 : i32
    %dma_wait3A_298 = arith.constant 0 : i32
    %dma_wait3A_299 = arith.constant 0 : i32
    %dma_wait3A_300 = tpu.memref_slice %arg8[%dma_wait3A_296, %dma_wait3A_298, %dma_wait3A_299] : memref<8x80x64xbf16, #tpu.memory_space<vmem>> -> memref<1x80x64xbf16, #tpu.memory_space<vmem>>
    %dma_wait3A_301 = tpu.memref_squeeze %dma_wait3A_300 : memref<1x80x64xbf16, #tpu.memory_space<vmem>> -> memref<80x64xbf16, #tpu.memory_space<vmem>>
    %dma_wait3A_302 = arith.constant 0 : i32
    %dma_wait3A_303 = tpu.memref_slice %arg7[%dma_wait3A_297, %dma_wait3A_302] : memref<125x80xi32, #tpu.memory_space<vmem>> -> memref<1x80xi32, #tpu.memory_space<vmem>>
    %dma_wait3A_304 = tpu.memref_squeeze %dma_wait3A_303 : memref<1x80xi32, #tpu.memory_space<vmem>> -> memref<80xi32, #tpu.memory_space<vmem>>
    %dma_wait3A_305 = arith.constant 0 : i32
    %dma_wait3A_306 = arith.constant 0 : i32
    %dma_wait3A_307 = tpu.memref_slice %arg5[%dma_wait3A_305, %dma_wait3A_306] : memref<10000x64xbf16, #tpu.memory_space<vmem_shared>> -> memref<10000x64xbf16, #tpu.memory_space<vmem_shared>>
    tpu.wait_indirect_dma semaphore(%arg21 : memref<!tpu.dma_semaphore, #tpu.memory_space<semaphore_mem>>) src(%dma_wait3A_301 : memref<80x64xbf16, #tpu.memory_space<vmem>>) dst(%dma_wait3A_307 : memref<10000x64xbf16, #tpu.memory_space<vmem_shared>>)
    %barrier3A_308 = arith.constant 0 : index
    tpu.barrier barrier_id(%barrier3A_308)
    "tpu.region"() ({
      %run_scoped3A_309 = tpu.sem_alloc : memref<!tpu.dma_semaphore, #tpu.memory_space<semaphore_mem>>
      %dma_start3A_310 = arith.constant 0 : i32
      %dma_start3A_311 = tpu.memref_slice %arg4[%arg0, %mul3A_2, %dma_start3A_310] : memref<2x10000x64xbf16, #tpu.memory_space<hbm>> -> memref<1x625x64xbf16, #tpu.memory_space<hbm>>
      %dma_start3A_312 = tpu.memref_squeeze %dma_start3A_311 : memref<1x625x64xbf16, #tpu.memory_space<hbm>> -> memref<625x64xbf16, #tpu.memory_space<hbm>>
      %dma_start3A_313 = arith.constant 0 : i32
      %dma_start3A_314 = tpu.memref_slice %arg5[%mul3A_2, %dma_start3A_313] : memref<10000x64xbf16, #tpu.memory_space<vmem_shared>> -> memref<625x64xbf16, #tpu.memory_space<vmem_shared>>
      tpu.enqueue_dma source(%dma_start3A_314 : memref<625x64xbf16, #tpu.memory_space<vmem_shared>>) target(%dma_start3A_312 : memref<625x64xbf16, #tpu.memory_space<hbm>>) target_semaphore(%run_scoped3A_309 : memref<!tpu.dma_semaphore, #tpu.memory_space<semaphore_mem>>)
      %dma_wait3A_315 = arith.constant 0 : i32
      %dma_wait3A_316 = tpu.memref_slice %arg4[%arg0, %mul3A_2, %dma_wait3A_315] : memref<2x10000x64xbf16, #tpu.memory_space<hbm>> -> memref<1x625x64xbf16, #tpu.memory_space<hbm>>
      %dma_wait3A_317 = tpu.memref_squeeze %dma_wait3A_316 : memref<1x625x64xbf16, #tpu.memory_space<hbm>> -> memref<625x64xbf16, #tpu.memory_space<hbm>>
      %dma_wait3A_318 = arith.constant 0 : i32
      %dma_wait3A_319 = tpu.memref_slice %arg5[%mul3A_2, %dma_wait3A_318] : memref<10000x64xbf16, #tpu.memory_space<vmem_shared>> -> memref<625x64xbf16, #tpu.memory_space<vmem_shared>>
      tpu.wait_dma2 semaphore(%run_scoped3A_309 : memref<!tpu.dma_semaphore, #tpu.memory_space<semaphore_mem>>) src(%dma_wait3A_319 : memref<625x64xbf16, #tpu.memory_space<vmem_shared>>) dst(%dma_wait3A_317 : memref<625x64xbf16, #tpu.memory_space<hbm>>)
      tpu.yield
    }) : () -> ()
    return
  }
}

#map = affine_map<(d0, d1) -> (0, 0)>
#map1 = affine_map<(d0, d1) -> (0, 0, 0, 0)>
#map2 = affine_map<(d0, d1) -> (0, 0, 0)>
module attributes {stable_mosaic.version = 14 : i64} {
  func.func @_segsum(%arg0: i32, %arg1: i32, %arg2: memref<10000x64xbf16, #tpu.memory_space<hbm>>, %arg3: memref<2x32x125x80xi32, #tpu.memory_space<hbm>>, %arg4: memref<2x10000x64xbf16, #tpu.memory_space<hbm>>, %arg5: memref<10000x64xbf16, #tpu.memory_space<vmem_shared>>, %arg6: memref<125x80xi32, #tpu.memory_space<vmem>>, %arg7: memref<125x80xi32, #tpu.memory_space<vmem>>, %arg8: memref<8x80x64xbf16, #tpu.memory_space<vmem>>, %arg9: memref<!tpu.dma_semaphore, #tpu.memory_space<semaphore_mem>>, %arg10: memref<!tpu.dma_semaphore, #tpu.memory_space<semaphore_mem>>, %arg11: memref<!tpu.dma_semaphore, #tpu.memory_space<semaphore_mem>>, %arg12: memref<!tpu.dma_semaphore, #tpu.memory_space<semaphore_mem>>, %arg13: memref<!tpu.dma_semaphore, #tpu.memory_space<semaphore_mem>>, %arg14: memref<!tpu.dma_semaphore, #tpu.memory_space<semaphore_mem>>, %arg15: memref<!tpu.dma_semaphore, #tpu.memory_space<semaphore_mem>>, %arg16: memref<!tpu.dma_semaphore, #tpu.memory_space<semaphore_mem>>, %arg17: memref<!tpu.dma_semaphore, #tpu.memory_space<semaphore_mem>>, %arg18: memref<!tpu.dma_semaphore, #tpu.memory_space<semaphore_mem>>, %arg19: memref<!tpu.dma_semaphore, #tpu.memory_space<semaphore_mem>>, %arg20: memref<!tpu.dma_semaphore, #tpu.memory_space<semaphore_mem>>, %arg21: memref<!tpu.dma_semaphore, #tpu.memory_space<semaphore_mem>>, %arg22: memref<!tpu.dma_semaphore, #tpu.memory_space<semaphore_mem>>, %arg23: memref<!tpu.dma_semaphore, #tpu.memory_space<semaphore_mem>>, %arg24: memref<!tpu.dma_semaphore, #tpu.memory_space<semaphore_mem>>) attributes {dimension_semantics = [#tpu.dimension_semantics<core_parallel>, #tpu.dimension_semantics<subcore_parallel>], iteration_bounds = array<i64: 2, 16>, scalar_prefetch = 0 : i64, scratch_operands = 20 : i64, tpu.core_type = #tpu.core_type<sc_vector_subcore>, window_params = [{transform_indices = #map}, {transform_indices = #map1}, {transform_indices = #map2}]} {
    %mul3A = arith.constant 16 : i32
    %mul3A_0 = arith.muli %arg0, %mul3A : i32
    %add3A = arith.addi %mul3A_0, %arg1 : i32
    %mul3A_1 = arith.constant 625 : i32
    %mul3A_2 = arith.muli %arg1, %mul3A_1 : i32
    %run_scoped3A = arith.constant 0 : i32
    "tpu.region"() ({
      %run_scoped3A_309 = tpu.sem_alloc : memref<!tpu.dma_semaphore, #tpu.memory_space<semaphore_mem>>
      %dma_start3A_310 = arith.constant 0 : i32
      %dma_start3A_311 = arith.constant 0 : i32
      %dma_start3A_312 = tpu.memref_slice %arg3[%run_scoped3A, %add3A, %dma_start3A_310, %dma_start3A_311] : memref<2x32x125x80xi32, #tpu.memory_space<hbm>> -> memref<1x1x125x80xi32, #tpu.memory_space<hbm>>
      %dma_start3A_313 = tpu.memref_squeeze %dma_start3A_312 : memref<1x1x125x80xi32, #tpu.memory_space<hbm>> -> memref<125x80xi32, #tpu.memory_space<hbm>>
      %dma_start3A_314 = arith.constant 0 : i32
      %dma_start3A_315 = arith.constant 0 : i32
      %dma_start3A_316 = tpu.memref_slice %arg3[%run_scoped3A, %add3A, %dma_start3A_314, %dma_start3A_315] : memref<2x32x125x80xi32, #tpu.memory_space<hbm>> -> memref<1x1x125x80xi32, #tpu.memory_space<hbm>>
      %dma_start3A_317 = tpu.memref_squeeze %dma_start3A_316 : memref<1x1x125x80xi32, #tpu.memory_space<hbm>> -> memref<125x80xi32, #tpu.memory_space<hbm>>
      tpu.enqueue_dma source(%dma_start3A_317 : memref<125x80xi32, #tpu.memory_space<hbm>>) target(%arg6 : memref<125x80xi32, #tpu.memory_space<vmem>>) target_semaphore(%run_scoped3A_309 : memref<!tpu.dma_semaphore, #tpu.memory_space<semaphore_mem>>)
      %dma_wait3A_318 = arith.constant 0 : i32
      %dma_wait3A_319 = arith.constant 0 : i32
      %dma_wait3A_320 = tpu.memref_slice %arg3[%run_scoped3A, %add3A, %dma_wait3A_318, %dma_wait3A_319] : memref<2x32x125x80xi32, #tpu.memory_space<hbm>> -> memref<1x1x125x80xi32, #tpu.memory_space<hbm>>
      %dma_wait3A_321 = tpu.memref_squeeze %dma_wait3A_320 : memref<1x1x125x80xi32, #tpu.memory_space<hbm>> -> memref<125x80xi32, #tpu.memory_space<hbm>>
      %dma_wait3A_322 = arith.constant 0 : i32
      %dma_wait3A_323 = arith.constant 0 : i32
      %dma_wait3A_324 = tpu.memref_slice %arg3[%run_scoped3A, %add3A, %dma_wait3A_322, %dma_wait3A_323] : memref<2x32x125x80xi32, #tpu.memory_space<hbm>> -> memref<1x1x125x80xi32, #tpu.memory_space<hbm>>
      %dma_wait3A_325 = tpu.memref_squeeze %dma_wait3A_324 : memref<1x1x125x80xi32, #tpu.memory_space<hbm>> -> memref<125x80xi32, #tpu.memory_space<hbm>>
      tpu.wait_dma2 semaphore(%run_scoped3A_309 : memref<!tpu.dma_semaphore, #tpu.memory_space<semaphore_mem>>) src(%dma_wait3A_325 : memref<125x80xi32, #tpu.memory_space<hbm>>) dst(%arg6 : memref<125x80xi32, #tpu.memory_space<vmem>>)
      tpu.yield
    }) : () -> ()
    %dma_start3A = arith.constant 0 : i32
    %dma_start3A_3 = arith.constant 0 : i32
    %dma_start3A_4 = arith.constant 0 : i32
    %dma_start3A_5 = arith.constant 0 : i32
    %dma_start3A_6 = tpu.memref_slice %arg8[%dma_start3A_3, %dma_start3A_4, %dma_start3A_5] : memref<8x80x64xbf16, #tpu.memory_space<vmem>> -> memref<1x80x64xbf16, #tpu.memory_space<vmem>>
    %dma_start3A_7 = tpu.memref_squeeze %dma_start3A_6 : memref<1x80x64xbf16, #tpu.memory_space<vmem>> -> memref<80x64xbf16, #tpu.memory_space<vmem>>
    %dma_start3A_8 = arith.constant 0 : i32
    %dma_start3A_9 = tpu.memref_slice %arg6[%dma_start3A, %dma_start3A_8] : memref<125x80xi32, #tpu.memory_space<vmem>> -> memref<1x80xi32, #tpu.memory_space<vmem>>
    %dma_start3A_10 = tpu.memref_squeeze %dma_start3A_9 : memref<1x80xi32, #tpu.memory_space<vmem>> -> memref<80xi32, #tpu.memory_space<vmem>>
    %dma_start3A_11 = arith.constant 0 : i32
    %dma_start3A_12 = arith.constant 0 : i32
    %dma_start3A_13 = tpu.memref_slice %arg2[%dma_start3A_11, %dma_start3A_12] : memref<10000x64xbf16, #tpu.memory_space<hbm>> -> memref<10000x64xbf16, #tpu.memory_space<hbm>>
    tpu.enqueue_indirect_dma source(%dma_start3A_13 : memref<10000x64xbf16, #tpu.memory_space<hbm>>) target(%dma_start3A_7 : memref<80x64xbf16, #tpu.memory_space<vmem>>) offsets(%dma_start3A_10 : memref<80xi32, #tpu.memory_space<vmem>>) semaphore(%arg9 : memref<!tpu.dma_semaphore, #tpu.memory_space<semaphore_mem>>)
    %dma_start3A_14 = arith.constant 1 : i32
    %dma_start3A_15 = arith.constant 1 : i32
    %dma_start3A_16 = arith.constant 0 : i32
    %dma_start3A_17 = arith.constant 0 : i32
    %dma_start3A_18 = tpu.memref_slice %arg8[%dma_start3A_15, %dma_start3A_16, %dma_start3A_17] : memref<8x80x64xbf16, #tpu.memory_space<vmem>> -> memref<1x80x64xbf16, #tpu.memory_space<vmem>>
    %dma_start3A_19 = tpu.memref_squeeze %dma_start3A_18 : memref<1x80x64xbf16, #tpu.memory_space<vmem>> -> memref<80x64xbf16, #tpu.memory_space<vmem>>
    %dma_start3A_20 = arith.constant 0 : i32
    %dma_start3A_21 = tpu.memref_slice %arg6[%dma_start3A_14, %dma_start3A_20] : memref<125x80xi32, #tpu.memory_space<vmem>> -> memref<1x80xi32, #tpu.memory_space<vmem>>
    %dma_start3A_22 = tpu.memref_squeeze %dma_start3A_21 : memref<1x80xi32, #tpu.memory_space<vmem>> -> memref<80xi32, #tpu.memory_space<vmem>>
    %dma_start3A_23 = arith.constant 0 : i32
    %dma_start3A_24 = arith.constant 0 : i32
    %dma_start3A_25 = tpu.memref_slice %arg2[%dma_start3A_23, %dma_start3A_24] : memref<10000x64xbf16, #tpu.memory_space<hbm>> -> memref<10000x64xbf16, #tpu.memory_space<hbm>>
    tpu.enqueue_indirect_dma source(%dma_start3A_25 : memref<10000x64xbf16, #tpu.memory_space<hbm>>) target(%dma_start3A_19 : memref<80x64xbf16, #tpu.memory_space<vmem>>) offsets(%dma_start3A_22 : memref<80xi32, #tpu.memory_space<vmem>>) semaphore(%arg10 : memref<!tpu.dma_semaphore, #tpu.memory_space<semaphore_mem>>)
    %dma_start3A_26 = arith.constant 2 : i32
    %dma_start3A_27 = arith.constant 2 : i32
    %dma_start3A_28 = arith.constant 0 : i32
    %dma_start3A_29 = arith.constant 0 : i32
    %dma_start3A_30 = tpu.memref_slice %arg8[%dma_start3A_27, %dma_start3A_28, %dma_start3A_29] : memref<8x80x64xbf16, #tpu.memory_space<vmem>> -> memref<1x80x64xbf16, #tpu.memory_space<vmem>>
    %dma_start3A_31 = tpu.memref_squeeze %dma_start3A_30 : memref<1x80x64xbf16, #tpu.memory_space<vmem>> -> memref<80x64xbf16, #tpu.memory_space<vmem>>
    %dma_start3A_32 = arith.constant 0 : i32
    %dma_start3A_33 = tpu.memref_slice %arg6[%dma_start3A_26, %dma_start3A_32] : memref<125x80xi32, #tpu.memory_space<vmem>> -> memref<1x80xi32, #tpu.memory_space<vmem>>
    %dma_start3A_34 = tpu.memref_squeeze %dma_start3A_33 : memref<1x80xi32, #tpu.memory_space<vmem>> -> memref<80xi32, #tpu.memory_space<vmem>>
    %dma_start3A_35 = arith.constant 0 : i32
    %dma_start3A_36 = arith.constant 0 : i32
    %dma_start3A_37 = tpu.memref_slice %arg2[%dma_start3A_35, %dma_start3A_36] : memref<10000x64xbf16, #tpu.memory_space<hbm>> -> memref<10000x64xbf16, #tpu.memory_space<hbm>>
    tpu.enqueue_indirect_dma source(%dma_start3A_37 : memref<10000x64xbf16, #tpu.memory_space<hbm>>) target(%dma_start3A_31 : memref<80x64xbf16, #tpu.memory_space<vmem>>) offsets(%dma_start3A_34 : memref<80xi32, #tpu.memory_space<vmem>>) semaphore(%arg11 : memref<!tpu.dma_semaphore, #tpu.memory_space<semaphore_mem>>)
    %dma_start3A_38 = arith.constant 3 : i32
    %dma_start3A_39 = arith.constant 3 : i32
    %dma_start3A_40 = arith.constant 0 : i32
    %dma_start3A_41 = arith.constant 0 : i32
    %dma_start3A_42 = tpu.memref_slice %arg8[%dma_start3A_39, %dma_start3A_40, %dma_start3A_41] : memref<8x80x64xbf16, #tpu.memory_space<vmem>> -> memref<1x80x64xbf16, #tpu.memory_space<vmem>>
    %dma_start3A_43 = tpu.memref_squeeze %dma_start3A_42 : memref<1x80x64xbf16, #tpu.memory_space<vmem>> -> memref<80x64xbf16, #tpu.memory_space<vmem>>
    %dma_start3A_44 = arith.constant 0 : i32
    %dma_start3A_45 = tpu.memref_slice %arg6[%dma_start3A_38, %dma_start3A_44] : memref<125x80xi32, #tpu.memory_space<vmem>> -> memref<1x80xi32, #tpu.memory_space<vmem>>
    %dma_start3A_46 = tpu.memref_squeeze %dma_start3A_45 : memref<1x80xi32, #tpu.memory_space<vmem>> -> memref<80xi32, #tpu.memory_space<vmem>>
    %dma_start3A_47 = arith.constant 0 : i32
    %dma_start3A_48 = arith.constant 0 : i32
    %dma_start3A_49 = tpu.memref_slice %arg2[%dma_start3A_47, %dma_start3A_48] : memref<10000x64xbf16, #tpu.memory_space<hbm>> -> memref<10000x64xbf16, #tpu.memory_space<hbm>>
    tpu.enqueue_indirect_dma source(%dma_start3A_49 : memref<10000x64xbf16, #tpu.memory_space<hbm>>) target(%dma_start3A_43 : memref<80x64xbf16, #tpu.memory_space<vmem>>) offsets(%dma_start3A_46 : memref<80xi32, #tpu.memory_space<vmem>>) semaphore(%arg12 : memref<!tpu.dma_semaphore, #tpu.memory_space<semaphore_mem>>)
    %dma_start3A_50 = arith.constant 4 : i32
    %dma_start3A_51 = arith.constant 4 : i32
    %dma_start3A_52 = arith.constant 0 : i32
    %dma_start3A_53 = arith.constant 0 : i32
    %dma_start3A_54 = tpu.memref_slice %arg8[%dma_start3A_51, %dma_start3A_52, %dma_start3A_53] : memref<8x80x64xbf16, #tpu.memory_space<vmem>> -> memref<1x80x64xbf16, #tpu.memory_space<vmem>>
    %dma_start3A_55 = tpu.memref_squeeze %dma_start3A_54 : memref<1x80x64xbf16, #tpu.memory_space<vmem>> -> memref<80x64xbf16, #tpu.memory_space<vmem>>
    %dma_start3A_56 = arith.constant 0 : i32
    %dma_start3A_57 = tpu.memref_slice %arg6[%dma_start3A_50, %dma_start3A_56] : memref<125x80xi32, #tpu.memory_space<vmem>> -> memref<1x80xi32, #tpu.memory_space<vmem>>
    %dma_start3A_58 = tpu.memref_squeeze %dma_start3A_57 : memref<1x80xi32, #tpu.memory_space<vmem>> -> memref<80xi32, #tpu.memory_space<vmem>>
    %dma_start3A_59 = arith.constant 0 : i32
    %dma_start3A_60 = arith.constant 0 : i32
    %dma_start3A_61 = tpu.memref_slice %arg2[%dma_start3A_59, %dma_start3A_60] : memref<10000x64xbf16, #tpu.memory_space<hbm>> -> memref<10000x64xbf16, #tpu.memory_space<hbm>>
    tpu.enqueue_indirect_dma source(%dma_start3A_61 : memref<10000x64xbf16, #tpu.memory_space<hbm>>) target(%dma_start3A_55 : memref<80x64xbf16, #tpu.memory_space<vmem>>) offsets(%dma_start3A_58 : memref<80xi32, #tpu.memory_space<vmem>>) semaphore(%arg13 : memref<!tpu.dma_semaphore, #tpu.memory_space<semaphore_mem>>)
    %dma_start3A_62 = arith.constant 5 : i32
    %dma_start3A_63 = arith.constant 5 : i32
    %dma_start3A_64 = arith.constant 0 : i32
    %dma_start3A_65 = arith.constant 0 : i32
    %dma_start3A_66 = tpu.memref_slice %arg8[%dma_start3A_63, %dma_start3A_64, %dma_start3A_65] : memref<8x80x64xbf16, #tpu.memory_space<vmem>> -> memref<1x80x64xbf16, #tpu.memory_space<vmem>>
    %dma_start3A_67 = tpu.memref_squeeze %dma_start3A_66 : memref<1x80x64xbf16, #tpu.memory_space<vmem>> -> memref<80x64xbf16, #tpu.memory_space<vmem>>
    %dma_start3A_68 = arith.constant 0 : i32
    %dma_start3A_69 = tpu.memref_slice %arg6[%dma_start3A_62, %dma_start3A_68] : memref<125x80xi32, #tpu.memory_space<vmem>> -> memref<1x80xi32, #tpu.memory_space<vmem>>
    %dma_start3A_70 = tpu.memref_squeeze %dma_start3A_69 : memref<1x80xi32, #tpu.memory_space<vmem>> -> memref<80xi32, #tpu.memory_space<vmem>>
    %dma_start3A_71 = arith.constant 0 : i32
    %dma_start3A_72 = arith.constant 0 : i32
    %dma_start3A_73 = tpu.memref_slice %arg2[%dma_start3A_71, %dma_start3A_72] : memref<10000x64xbf16, #tpu.memory_space<hbm>> -> memref<10000x64xbf16, #tpu.memory_space<hbm>>
    tpu.enqueue_indirect_dma source(%dma_start3A_73 : memref<10000x64xbf16, #tpu.memory_space<hbm>>) target(%dma_start3A_67 : memref<80x64xbf16, #tpu.memory_space<vmem>>) offsets(%dma_start3A_70 : memref<80xi32, #tpu.memory_space<vmem>>) semaphore(%arg14 : memref<!tpu.dma_semaphore, #tpu.memory_space<semaphore_mem>>)
    %dma_start3A_74 = arith.constant 6 : i32
    %dma_start3A_75 = arith.constant 6 : i32
    %dma_start3A_76 = arith.constant 0 : i32
    %dma_start3A_77 = arith.constant 0 : i32
    %dma_start3A_78 = tpu.memref_slice %arg8[%dma_start3A_75, %dma_start3A_76, %dma_start3A_77] : memref<8x80x64xbf16, #tpu.memory_space<vmem>> -> memref<1x80x64xbf16, #tpu.memory_space<vmem>>
    %dma_start3A_79 = tpu.memref_squeeze %dma_start3A_78 : memref<1x80x64xbf16, #tpu.memory_space<vmem>> -> memref<80x64xbf16, #tpu.memory_space<vmem>>
    %dma_start3A_80 = arith.constant 0 : i32
    %dma_start3A_81 = tpu.memref_slice %arg6[%dma_start3A_74, %dma_start3A_80] : memref<125x80xi32, #tpu.memory_space<vmem>> -> memref<1x80xi32, #tpu.memory_space<vmem>>
    %dma_start3A_82 = tpu.memref_squeeze %dma_start3A_81 : memref<1x80xi32, #tpu.memory_space<vmem>> -> memref<80xi32, #tpu.memory_space<vmem>>
    %dma_start3A_83 = arith.constant 0 : i32
    %dma_start3A_84 = arith.constant 0 : i32
    %dma_start3A_85 = tpu.memref_slice %arg2[%dma_start3A_83, %dma_start3A_84] : memref<10000x64xbf16, #tpu.memory_space<hbm>> -> memref<10000x64xbf16, #tpu.memory_space<hbm>>
    tpu.enqueue_indirect_dma source(%dma_start3A_85 : memref<10000x64xbf16, #tpu.memory_space<hbm>>) target(%dma_start3A_79 : memref<80x64xbf16, #tpu.memory_space<vmem>>) offsets(%dma_start3A_82 : memref<80xi32, #tpu.memory_space<vmem>>) semaphore(%arg15 : memref<!tpu.dma_semaphore, #tpu.memory_space<semaphore_mem>>)
    %dma_start3A_86 = arith.constant 7 : i32
    %dma_start3A_87 = arith.constant 7 : i32
    %dma_start3A_88 = arith.constant 0 : i32
    %dma_start3A_89 = arith.constant 0 : i32
    %dma_start3A_90 = tpu.memref_slice %arg8[%dma_start3A_87, %dma_start3A_88, %dma_start3A_89] : memref<8x80x64xbf16, #tpu.memory_space<vmem>> -> memref<1x80x64xbf16, #tpu.memory_space<vmem>>
    %dma_start3A_91 = tpu.memref_squeeze %dma_start3A_90 : memref<1x80x64xbf16, #tpu.memory_space<vmem>> -> memref<80x64xbf16, #tpu.memory_space<vmem>>
    %dma_start3A_92 = arith.constant 0 : i32
    %dma_start3A_93 = tpu.memref_slice %arg6[%dma_start3A_86, %dma_start3A_92] : memref<125x80xi32, #tpu.memory_space<vmem>> -> memref<1x80xi32, #tpu.memory_space<vmem>>
    %dma_start3A_94 = tpu.memref_squeeze %dma_start3A_93 : memref<1x80xi32, #tpu.memory_space<vmem>> -> memref<80xi32, #tpu.memory_space<vmem>>
    %dma_start3A_95 = arith.constant 0 : i32
    %dma_start3A_96 = arith.constant 0 : i32
    %dma_start3A_97 = tpu.memref_slice %arg2[%dma_start3A_95, %dma_start3A_96] : memref<10000x64xbf16, #tpu.memory_space<hbm>> -> memref<10000x64xbf16, #tpu.memory_space<hbm>>
    tpu.enqueue_indirect_dma source(%dma_start3A_97 : memref<10000x64xbf16, #tpu.memory_space<hbm>>) target(%dma_start3A_91 : memref<80x64xbf16, #tpu.memory_space<vmem>>) offsets(%dma_start3A_94 : memref<80xi32, #tpu.memory_space<vmem>>) semaphore(%arg16 : memref<!tpu.dma_semaphore, #tpu.memory_space<semaphore_mem>>)
    %dma_start3A_98 = arith.constant 0 : i32
    %dma_start3A_99 = tpu.memref_slice %arg5[%mul3A_2, %dma_start3A_98] : memref<10000x64xbf16, #tpu.memory_space<vmem_shared>> -> memref<625x64xbf16, #tpu.memory_space<vmem_shared>>
    %dma_start3A_100 = arith.constant 0 : i32
    %dma_start3A_101 = tpu.memref_slice %arg2[%mul3A_2, %dma_start3A_100] : memref<10000x64xbf16, #tpu.memory_space<hbm>> -> memref<625x64xbf16, #tpu.memory_space<hbm>>
    tpu.enqueue_dma source(%dma_start3A_101 : memref<625x64xbf16, #tpu.memory_space<hbm>>) target(%dma_start3A_99 : memref<625x64xbf16, #tpu.memory_space<vmem_shared>>) target_semaphore(%arg17 : memref<!tpu.dma_semaphore, #tpu.memory_space<semaphore_mem>>)
    %dma_start3A_102 = arith.constant 1 : i32
    %dma_start3A_103 = arith.constant 0 : i32
    %dma_start3A_104 = arith.constant 0 : i32
    %dma_start3A_105 = tpu.memref_slice %arg3[%dma_start3A_102, %add3A, %dma_start3A_103, %dma_start3A_104] : memref<2x32x125x80xi32, #tpu.memory_space<hbm>> -> memref<1x1x125x80xi32, #tpu.memory_space<hbm>>
    %dma_start3A_106 = tpu.memref_squeeze %dma_start3A_105 : memref<1x1x125x80xi32, #tpu.memory_space<hbm>> -> memref<125x80xi32, #tpu.memory_space<hbm>>
    %dma_start3A_107 = arith.constant 0 : i32
    %dma_start3A_108 = arith.constant 0 : i32
    %dma_start3A_109 = tpu.memref_slice %arg3[%dma_start3A_102, %add3A, %dma_start3A_107, %dma_start3A_108] : memref<2x32x125x80xi32, #tpu.memory_space<hbm>> -> memref<1x1x125x80xi32, #tpu.memory_space<hbm>>
    %dma_start3A_110 = tpu.memref_squeeze %dma_start3A_109 : memref<1x1x125x80xi32, #tpu.memory_space<hbm>> -> memref<125x80xi32, #tpu.memory_space<hbm>>
    tpu.enqueue_dma source(%dma_start3A_110 : memref<125x80xi32, #tpu.memory_space<hbm>>) target(%arg7 : memref<125x80xi32, #tpu.memory_space<vmem>>) target_semaphore(%arg18 : memref<!tpu.dma_semaphore, #tpu.memory_space<semaphore_mem>>)
    %dma_wait3A = arith.constant 0 : i32
    %dma_wait3A_111 = tpu.memref_slice %arg5[%mul3A_2, %dma_wait3A] : memref<10000x64xbf16, #tpu.memory_space<vmem_shared>> -> memref<625x64xbf16, #tpu.memory_space<vmem_shared>>
    %dma_wait3A_112 = arith.constant 0 : i32
    %dma_wait3A_113 = tpu.memref_slice %arg2[%mul3A_2, %dma_wait3A_112] : memref<10000x64xbf16, #tpu.memory_space<hbm>> -> memref<625x64xbf16, #tpu.memory_space<hbm>>
    tpu.wait_dma2 semaphore(%arg17 : memref<!tpu.dma_semaphore, #tpu.memory_space<semaphore_mem>>) src(%dma_wait3A_113 : memref<625x64xbf16, #tpu.memory_space<hbm>>) dst(%dma_wait3A_111 : memref<625x64xbf16, #tpu.memory_space<vmem_shared>>)
    %dma_wait3A_114 = arith.constant 1 : i32
    %dma_wait3A_115 = arith.constant 0 : i32
    %dma_wait3A_116 = arith.constant 0 : i32
    %dma_wait3A_117 = tpu.memref_slice %arg3[%dma_wait3A_114, %add3A, %dma_wait3A_115, %dma_wait3A_116] : memref<2x32x125x80xi32, #tpu.memory_space<hbm>> -> memref<1x1x125x80xi32, #tpu.memory_space<hbm>>
    %dma_wait3A_118 = tpu.memref_squeeze %dma_wait3A_117 : memref<1x1x125x80xi32, #tpu.memory_space<hbm>> -> memref<125x80xi32, #tpu.memory_space<hbm>>
    %dma_wait3A_119 = arith.constant 0 : i32
    %dma_wait3A_120 = arith.constant 0 : i32
    %dma_wait3A_121 = tpu.memref_slice %arg3[%dma_wait3A_114, %add3A, %dma_wait3A_119, %dma_wait3A_120] : memref<2x32x125x80xi32, #tpu.memory_space<hbm>> -> memref<1x1x125x80xi32, #tpu.memory_space<hbm>>
    %dma_wait3A_122 = tpu.memref_squeeze %dma_wait3A_121 : memref<1x1x125x80xi32, #tpu.memory_space<hbm>> -> memref<125x80xi32, #tpu.memory_space<hbm>>
    tpu.wait_dma2 semaphore(%arg18 : memref<!tpu.dma_semaphore, #tpu.memory_space<semaphore_mem>>) src(%dma_wait3A_122 : memref<125x80xi32, #tpu.memory_space<hbm>>) dst(%arg7 : memref<125x80xi32, #tpu.memory_space<vmem>>)
    %barrier3A = arith.constant 0 : index
    tpu.barrier barrier_id(%barrier3A)
    %scan3A = arith.constant 0 : i32
    %scan3A_123 = arith.constant 0 : i32
    %scan3A_124 = arith.constant 15 : i32
    %scan3A_125 = arith.addi %scan3A_123, %scan3A_124 : i32
    %scan3A_126 = arith.constant 1 : i32
    scf.for %scan3A_309 = %scan3A_123 to %scan3A_125 step %scan3A_126  : i32 {
      %mul3A_310 = arith.constant 8 : i32
      %mul3A_311 = arith.muli %mul3A_310, %scan3A_309 : i32
      %add3A_312 = arith.constant 0 : i32
      %add3A_313 = arith.addi %mul3A_311, %add3A_312 : i32
      %dma_wait3A_314 = arith.constant 0 : i32
      %dma_wait3A_315 = arith.constant 0 : i32
      %dma_wait3A_316 = arith.constant 0 : i32
      %dma_wait3A_317 = tpu.memref_slice %arg8[%dma_wait3A_314, %dma_wait3A_315, %dma_wait3A_316] : memref<8x80x64xbf16, #tpu.memory_space<vmem>> -> memref<1x80x64xbf16, #tpu.memory_space<vmem>>
      %dma_wait3A_318 = tpu.memref_squeeze %dma_wait3A_317 : memref<1x80x64xbf16, #tpu.memory_space<vmem>> -> memref<80x64xbf16, #tpu.memory_space<vmem>>
      %dma_wait3A_319 = arith.constant 0 : i32
      %dma_wait3A_320 = tpu.memref_slice %arg6[%add3A_313, %dma_wait3A_319] : memref<125x80xi32, #tpu.memory_space<vmem>> -> memref<1x80xi32, #tpu.memory_space<vmem>>
      %dma_wait3A_321 = tpu.memref_squeeze %dma_wait3A_320 : memref<1x80xi32, #tpu.memory_space<vmem>> -> memref<80xi32, #tpu.memory_space<vmem>>
      %dma_wait3A_322 = arith.constant 0 : i32
      %dma_wait3A_323 = arith.constant 0 : i32
      %dma_wait3A_324 = tpu.memref_slice %arg2[%dma_wait3A_322, %dma_wait3A_323] : memref<10000x64xbf16, #tpu.memory_space<hbm>> -> memref<10000x64xbf16, #tpu.memory_space<hbm>>
      tpu.wait_indirect_dma semaphore(%arg9 : memref<!tpu.dma_semaphore, #tpu.memory_space<semaphore_mem>>) src(%dma_wait3A_324 : memref<10000x64xbf16, #tpu.memory_space<hbm>>) dst(%dma_wait3A_318 : memref<80x64xbf16, #tpu.memory_space<vmem>>)
      %add3A_325 = arith.constant 0 : i32
      %add3A_326 = arith.addi %mul3A_311, %add3A_325 : i32
      %dma_start3A_327 = arith.constant 0 : i32
      %dma_start3A_328 = arith.constant 0 : i32
      %dma_start3A_329 = arith.constant 0 : i32
      %dma_start3A_330 = tpu.memref_slice %arg8[%dma_start3A_327, %dma_start3A_328, %dma_start3A_329] : memref<8x80x64xbf16, #tpu.memory_space<vmem>> -> memref<1x80x64xbf16, #tpu.memory_space<vmem>>
      %dma_start3A_331 = tpu.memref_squeeze %dma_start3A_330 : memref<1x80x64xbf16, #tpu.memory_space<vmem>> -> memref<80x64xbf16, #tpu.memory_space<vmem>>
      %dma_start3A_332 = arith.constant 0 : i32
      %dma_start3A_333 = tpu.memref_slice %arg7[%add3A_326, %dma_start3A_332] : memref<125x80xi32, #tpu.memory_space<vmem>> -> memref<1x80xi32, #tpu.memory_space<vmem>>
      %dma_start3A_334 = tpu.memref_squeeze %dma_start3A_333 : memref<1x80xi32, #tpu.memory_space<vmem>> -> memref<80xi32, #tpu.memory_space<vmem>>
      %dma_start3A_335 = arith.constant 0 : i32
      %dma_start3A_336 = arith.constant 0 : i32
      %dma_start3A_337 = tpu.memref_slice %arg5[%dma_start3A_335, %dma_start3A_336] : memref<10000x64xbf16, #tpu.memory_space<vmem_shared>> -> memref<10000x64xbf16, #tpu.memory_space<vmem_shared>>
      tpu.enqueue_indirect_dma source(%dma_start3A_331 : memref<80x64xbf16, #tpu.memory_space<vmem>>) target(%dma_start3A_337 : memref<10000x64xbf16, #tpu.memory_space<vmem_shared>>) offsets(%dma_start3A_334 : memref<80xi32, #tpu.memory_space<vmem>>) semaphore(%arg17 : memref<!tpu.dma_semaphore, #tpu.memory_space<semaphore_mem>>) {add = true}
      %add3A_338 = arith.constant 1 : i32
      %add3A_339 = arith.addi %mul3A_311, %add3A_338 : i32
      %dma_wait3A_340 = arith.constant 1 : i32
      %dma_wait3A_341 = arith.constant 0 : i32
      %dma_wait3A_342 = arith.constant 0 : i32
      %dma_wait3A_343 = tpu.memref_slice %arg8[%dma_wait3A_340, %dma_wait3A_341, %dma_wait3A_342] : memref<8x80x64xbf16, #tpu.memory_space<vmem>> -> memref<1x80x64xbf16, #tpu.memory_space<vmem>>
      %dma_wait3A_344 = tpu.memref_squeeze %dma_wait3A_343 : memref<1x80x64xbf16, #tpu.memory_space<vmem>> -> memref<80x64xbf16, #tpu.memory_space<vmem>>
      %dma_wait3A_345 = arith.constant 0 : i32
      %dma_wait3A_346 = tpu.memref_slice %arg6[%add3A_339, %dma_wait3A_345] : memref<125x80xi32, #tpu.memory_space<vmem>> -> memref<1x80xi32, #tpu.memory_space<vmem>>
      %dma_wait3A_347 = tpu.memref_squeeze %dma_wait3A_346 : memref<1x80xi32, #tpu.memory_space<vmem>> -> memref<80xi32, #tpu.memory_space<vmem>>
      %dma_wait3A_348 = arith.constant 0 : i32
      %dma_wait3A_349 = arith.constant 0 : i32
      %dma_wait3A_350 = tpu.memref_slice %arg2[%dma_wait3A_348, %dma_wait3A_349] : memref<10000x64xbf16, #tpu.memory_space<hbm>> -> memref<10000x64xbf16, #tpu.memory_space<hbm>>
      tpu.wait_indirect_dma semaphore(%arg10 : memref<!tpu.dma_semaphore, #tpu.memory_space<semaphore_mem>>) src(%dma_wait3A_350 : memref<10000x64xbf16, #tpu.memory_space<hbm>>) dst(%dma_wait3A_344 : memref<80x64xbf16, #tpu.memory_space<vmem>>)
      %add3A_351 = arith.constant 1 : i32
      %add3A_352 = arith.addi %mul3A_311, %add3A_351 : i32
      %dma_start3A_353 = arith.constant 1 : i32
      %dma_start3A_354 = arith.constant 0 : i32
      %dma_start3A_355 = arith.constant 0 : i32
      %dma_start3A_356 = tpu.memref_slice %arg8[%dma_start3A_353, %dma_start3A_354, %dma_start3A_355] : memref<8x80x64xbf16, #tpu.memory_space<vmem>> -> memref<1x80x64xbf16, #tpu.memory_space<vmem>>
      %dma_start3A_357 = tpu.memref_squeeze %dma_start3A_356 : memref<1x80x64xbf16, #tpu.memory_space<vmem>> -> memref<80x64xbf16, #tpu.memory_space<vmem>>
      %dma_start3A_358 = arith.constant 0 : i32
      %dma_start3A_359 = tpu.memref_slice %arg7[%add3A_352, %dma_start3A_358] : memref<125x80xi32, #tpu.memory_space<vmem>> -> memref<1x80xi32, #tpu.memory_space<vmem>>
      %dma_start3A_360 = tpu.memref_squeeze %dma_start3A_359 : memref<1x80xi32, #tpu.memory_space<vmem>> -> memref<80xi32, #tpu.memory_space<vmem>>
      %dma_start3A_361 = arith.constant 0 : i32
      %dma_start3A_362 = arith.constant 0 : i32
      %dma_start3A_363 = tpu.memref_slice %arg5[%dma_start3A_361, %dma_start3A_362] : memref<10000x64xbf16, #tpu.memory_space<vmem_shared>> -> memref<10000x64xbf16, #tpu.memory_space<vmem_shared>>
      tpu.enqueue_indirect_dma source(%dma_start3A_357 : memref<80x64xbf16, #tpu.memory_space<vmem>>) target(%dma_start3A_363 : memref<10000x64xbf16, #tpu.memory_space<vmem_shared>>) offsets(%dma_start3A_360 : memref<80xi32, #tpu.memory_space<vmem>>) semaphore(%arg18 : memref<!tpu.dma_semaphore, #tpu.memory_space<semaphore_mem>>) {add = true}
      %add3A_364 = arith.constant 2 : i32
      %add3A_365 = arith.addi %mul3A_311, %add3A_364 : i32
      %dma_wait3A_366 = arith.constant 2 : i32
      %dma_wait3A_367 = arith.constant 0 : i32
      %dma_wait3A_368 = arith.constant 0 : i32
      %dma_wait3A_369 = tpu.memref_slice %arg8[%dma_wait3A_366, %dma_wait3A_367, %dma_wait3A_368] : memref<8x80x64xbf16, #tpu.memory_space<vmem>> -> memref<1x80x64xbf16, #tpu.memory_space<vmem>>
      %dma_wait3A_370 = tpu.memref_squeeze %dma_wait3A_369 : memref<1x80x64xbf16, #tpu.memory_space<vmem>> -> memref<80x64xbf16, #tpu.memory_space<vmem>>
      %dma_wait3A_371 = arith.constant 0 : i32
      %dma_wait3A_372 = tpu.memref_slice %arg6[%add3A_365, %dma_wait3A_371] : memref<125x80xi32, #tpu.memory_space<vmem>> -> memref<1x80xi32, #tpu.memory_space<vmem>>
      %dma_wait3A_373 = tpu.memref_squeeze %dma_wait3A_372 : memref<1x80xi32, #tpu.memory_space<vmem>> -> memref<80xi32, #tpu.memory_space<vmem>>
      %dma_wait3A_374 = arith.constant 0 : i32
      %dma_wait3A_375 = arith.constant 0 : i32
      %dma_wait3A_376 = tpu.memref_slice %arg2[%dma_wait3A_374, %dma_wait3A_375] : memref<10000x64xbf16, #tpu.memory_space<hbm>> -> memref<10000x64xbf16, #tpu.memory_space<hbm>>
      tpu.wait_indirect_dma semaphore(%arg11 : memref<!tpu.dma_semaphore, #tpu.memory_space<semaphore_mem>>) src(%dma_wait3A_376 : memref<10000x64xbf16, #tpu.memory_space<hbm>>) dst(%dma_wait3A_370 : memref<80x64xbf16, #tpu.memory_space<vmem>>)
      %add3A_377 = arith.constant 2 : i32
      %add3A_378 = arith.addi %mul3A_311, %add3A_377 : i32
      %dma_start3A_379 = arith.constant 2 : i32
      %dma_start3A_380 = arith.constant 0 : i32
      %dma_start3A_381 = arith.constant 0 : i32
      %dma_start3A_382 = tpu.memref_slice %arg8[%dma_start3A_379, %dma_start3A_380, %dma_start3A_381] : memref<8x80x64xbf16, #tpu.memory_space<vmem>> -> memref<1x80x64xbf16, #tpu.memory_space<vmem>>
      %dma_start3A_383 = tpu.memref_squeeze %dma_start3A_382 : memref<1x80x64xbf16, #tpu.memory_space<vmem>> -> memref<80x64xbf16, #tpu.memory_space<vmem>>
      %dma_start3A_384 = arith.constant 0 : i32
      %dma_start3A_385 = tpu.memref_slice %arg7[%add3A_378, %dma_start3A_384] : memref<125x80xi32, #tpu.memory_space<vmem>> -> memref<1x80xi32, #tpu.memory_space<vmem>>
      %dma_start3A_386 = tpu.memref_squeeze %dma_start3A_385 : memref<1x80xi32, #tpu.memory_space<vmem>> -> memref<80xi32, #tpu.memory_space<vmem>>
      %dma_start3A_387 = arith.constant 0 : i32
      %dma_start3A_388 = arith.constant 0 : i32
      %dma_start3A_389 = tpu.memref_slice %arg5[%dma_start3A_387, %dma_start3A_388] : memref<10000x64xbf16, #tpu.memory_space<vmem_shared>> -> memref<10000x64xbf16, #tpu.memory_space<vmem_shared>>
      tpu.enqueue_indirect_dma source(%dma_start3A_383 : memref<80x64xbf16, #tpu.memory_space<vmem>>) target(%dma_start3A_389 : memref<10000x64xbf16, #tpu.memory_space<vmem_shared>>) offsets(%dma_start3A_386 : memref<80xi32, #tpu.memory_space<vmem>>) semaphore(%arg19 : memref<!tpu.dma_semaphore, #tpu.memory_space<semaphore_mem>>) {add = true}
      %add3A_390 = arith.constant 3 : i32
      %add3A_391 = arith.addi %mul3A_311, %add3A_390 : i32
      %dma_wait3A_392 = arith.constant 3 : i32
      %dma_wait3A_393 = arith.constant 0 : i32
      %dma_wait3A_394 = arith.constant 0 : i32
      %dma_wait3A_395 = tpu.memref_slice %arg8[%dma_wait3A_392, %dma_wait3A_393, %dma_wait3A_394] : memref<8x80x64xbf16, #tpu.memory_space<vmem>> -> memref<1x80x64xbf16, #tpu.memory_space<vmem>>
      %dma_wait3A_396 = tpu.memref_squeeze %dma_wait3A_395 : memref<1x80x64xbf16, #tpu.memory_space<vmem>> -> memref<80x64xbf16, #tpu.memory_space<vmem>>
      %dma_wait3A_397 = arith.constant 0 : i32
      %dma_wait3A_398 = tpu.memref_slice %arg6[%add3A_391, %dma_wait3A_397] : memref<125x80xi32, #tpu.memory_space<vmem>> -> memref<1x80xi32, #tpu.memory_space<vmem>>
      %dma_wait3A_399 = tpu.memref_squeeze %dma_wait3A_398 : memref<1x80xi32, #tpu.memory_space<vmem>> -> memref<80xi32, #tpu.memory_space<vmem>>
      %dma_wait3A_400 = arith.constant 0 : i32
      %dma_wait3A_401 = arith.constant 0 : i32
      %dma_wait3A_402 = tpu.memref_slice %arg2[%dma_wait3A_400, %dma_wait3A_401] : memref<10000x64xbf16, #tpu.memory_space<hbm>> -> memref<10000x64xbf16, #tpu.memory_space<hbm>>
      tpu.wait_indirect_dma semaphore(%arg12 : memref<!tpu.dma_semaphore, #tpu.memory_space<semaphore_mem>>) src(%dma_wait3A_402 : memref<10000x64xbf16, #tpu.memory_space<hbm>>) dst(%dma_wait3A_396 : memref<80x64xbf16, #tpu.memory_space<vmem>>)
      %add3A_403 = arith.constant 3 : i32
      %add3A_404 = arith.addi %mul3A_311, %add3A_403 : i32
      %dma_start3A_405 = arith.constant 3 : i32
      %dma_start3A_406 = arith.constant 0 : i32
      %dma_start3A_407 = arith.constant 0 : i32
      %dma_start3A_408 = tpu.memref_slice %arg8[%dma_start3A_405, %dma_start3A_406, %dma_start3A_407] : memref<8x80x64xbf16, #tpu.memory_space<vmem>> -> memref<1x80x64xbf16, #tpu.memory_space<vmem>>
      %dma_start3A_409 = tpu.memref_squeeze %dma_start3A_408 : memref<1x80x64xbf16, #tpu.memory_space<vmem>> -> memref<80x64xbf16, #tpu.memory_space<vmem>>
      %dma_start3A_410 = arith.constant 0 : i32
      %dma_start3A_411 = tpu.memref_slice %arg7[%add3A_404, %dma_start3A_410] : memref<125x80xi32, #tpu.memory_space<vmem>> -> memref<1x80xi32, #tpu.memory_space<vmem>>
      %dma_start3A_412 = tpu.memref_squeeze %dma_start3A_411 : memref<1x80xi32, #tpu.memory_space<vmem>> -> memref<80xi32, #tpu.memory_space<vmem>>
      %dma_start3A_413 = arith.constant 0 : i32
      %dma_start3A_414 = arith.constant 0 : i32
      %dma_start3A_415 = tpu.memref_slice %arg5[%dma_start3A_413, %dma_start3A_414] : memref<10000x64xbf16, #tpu.memory_space<vmem_shared>> -> memref<10000x64xbf16, #tpu.memory_space<vmem_shared>>
      tpu.enqueue_indirect_dma source(%dma_start3A_409 : memref<80x64xbf16, #tpu.memory_space<vmem>>) target(%dma_start3A_415 : memref<10000x64xbf16, #tpu.memory_space<vmem_shared>>) offsets(%dma_start3A_412 : memref<80xi32, #tpu.memory_space<vmem>>) semaphore(%arg20 : memref<!tpu.dma_semaphore, #tpu.memory_space<semaphore_mem>>) {add = true}
      %add3A_416 = arith.constant 4 : i32
      %add3A_417 = arith.addi %mul3A_311, %add3A_416 : i32
      %dma_wait3A_418 = arith.constant 4 : i32
      %dma_wait3A_419 = arith.constant 0 : i32
      %dma_wait3A_420 = arith.constant 0 : i32
      %dma_wait3A_421 = tpu.memref_slice %arg8[%dma_wait3A_418, %dma_wait3A_419, %dma_wait3A_420] : memref<8x80x64xbf16, #tpu.memory_space<vmem>> -> memref<1x80x64xbf16, #tpu.memory_space<vmem>>
      %dma_wait3A_422 = tpu.memref_squeeze %dma_wait3A_421 : memref<1x80x64xbf16, #tpu.memory_space<vmem>> -> memref<80x64xbf16, #tpu.memory_space<vmem>>
      %dma_wait3A_423 = arith.constant 0 : i32
      %dma_wait3A_424 = tpu.memref_slice %arg6[%add3A_417, %dma_wait3A_423] : memref<125x80xi32, #tpu.memory_space<vmem>> -> memref<1x80xi32, #tpu.memory_space<vmem>>
      %dma_wait3A_425 = tpu.memref_squeeze %dma_wait3A_424 : memref<1x80xi32, #tpu.memory_space<vmem>> -> memref<80xi32, #tpu.memory_space<vmem>>
      %dma_wait3A_426 = arith.constant 0 : i32
      %dma_wait3A_427 = arith.constant 0 : i32
      %dma_wait3A_428 = tpu.memref_slice %arg2[%dma_wait3A_426, %dma_wait3A_427] : memref<10000x64xbf16, #tpu.memory_space<hbm>> -> memref<10000x64xbf16, #tpu.memory_space<hbm>>
      tpu.wait_indirect_dma semaphore(%arg13 : memref<!tpu.dma_semaphore, #tpu.memory_space<semaphore_mem>>) src(%dma_wait3A_428 : memref<10000x64xbf16, #tpu.memory_space<hbm>>) dst(%dma_wait3A_422 : memref<80x64xbf16, #tpu.memory_space<vmem>>)
      %add3A_429 = arith.constant 4 : i32
      %add3A_430 = arith.addi %mul3A_311, %add3A_429 : i32
      %dma_start3A_431 = arith.constant 4 : i32
      %dma_start3A_432 = arith.constant 0 : i32
      %dma_start3A_433 = arith.constant 0 : i32
      %dma_start3A_434 = tpu.memref_slice %arg8[%dma_start3A_431, %dma_start3A_432, %dma_start3A_433] : memref<8x80x64xbf16, #tpu.memory_space<vmem>> -> memref<1x80x64xbf16, #tpu.memory_space<vmem>>
      %dma_start3A_435 = tpu.memref_squeeze %dma_start3A_434 : memref<1x80x64xbf16, #tpu.memory_space<vmem>> -> memref<80x64xbf16, #tpu.memory_space<vmem>>
      %dma_start3A_436 = arith.constant 0 : i32
      %dma_start3A_437 = tpu.memref_slice %arg7[%add3A_430, %dma_start3A_436] : memref<125x80xi32, #tpu.memory_space<vmem>> -> memref<1x80xi32, #tpu.memory_space<vmem>>
      %dma_start3A_438 = tpu.memref_squeeze %dma_start3A_437 : memref<1x80xi32, #tpu.memory_space<vmem>> -> memref<80xi32, #tpu.memory_space<vmem>>
      %dma_start3A_439 = arith.constant 0 : i32
      %dma_start3A_440 = arith.constant 0 : i32
      %dma_start3A_441 = tpu.memref_slice %arg5[%dma_start3A_439, %dma_start3A_440] : memref<10000x64xbf16, #tpu.memory_space<vmem_shared>> -> memref<10000x64xbf16, #tpu.memory_space<vmem_shared>>
      tpu.enqueue_indirect_dma source(%dma_start3A_435 : memref<80x64xbf16, #tpu.memory_space<vmem>>) target(%dma_start3A_441 : memref<10000x64xbf16, #tpu.memory_space<vmem_shared>>) offsets(%dma_start3A_438 : memref<80xi32, #tpu.memory_space<vmem>>) semaphore(%arg21 : memref<!tpu.dma_semaphore, #tpu.memory_space<semaphore_mem>>) {add = true}
      %add3A_442 = arith.constant 5 : i32
      %add3A_443 = arith.addi %mul3A_311, %add3A_442 : i32
      %dma_wait3A_444 = arith.constant 5 : i32
      %dma_wait3A_445 = arith.constant 0 : i32
      %dma_wait3A_446 = arith.constant 0 : i32
      %dma_wait3A_447 = tpu.memref_slice %arg8[%dma_wait3A_444, %dma_wait3A_445, %dma_wait3A_446] : memref<8x80x64xbf16, #tpu.memory_space<vmem>> -> memref<1x80x64xbf16, #tpu.memory_space<vmem>>
      %dma_wait3A_448 = tpu.memref_squeeze %dma_wait3A_447 : memref<1x80x64xbf16, #tpu.memory_space<vmem>> -> memref<80x64xbf16, #tpu.memory_space<vmem>>
      %dma_wait3A_449 = arith.constant 0 : i32
      %dma_wait3A_450 = tpu.memref_slice %arg6[%add3A_443, %dma_wait3A_449] : memref<125x80xi32, #tpu.memory_space<vmem>> -> memref<1x80xi32, #tpu.memory_space<vmem>>
      %dma_wait3A_451 = tpu.memref_squeeze %dma_wait3A_450 : memref<1x80xi32, #tpu.memory_space<vmem>> -> memref<80xi32, #tpu.memory_space<vmem>>
      %dma_wait3A_452 = arith.constant 0 : i32
      %dma_wait3A_453 = arith.constant 0 : i32
      %dma_wait3A_454 = tpu.memref_slice %arg2[%dma_wait3A_452, %dma_wait3A_453] : memref<10000x64xbf16, #tpu.memory_space<hbm>> -> memref<10000x64xbf16, #tpu.memory_space<hbm>>
      tpu.wait_indirect_dma semaphore(%arg14 : memref<!tpu.dma_semaphore, #tpu.memory_space<semaphore_mem>>) src(%dma_wait3A_454 : memref<10000x64xbf16, #tpu.memory_space<hbm>>) dst(%dma_wait3A_448 : memref<80x64xbf16, #tpu.memory_space<vmem>>)
      %add3A_455 = arith.constant 5 : i32
      %add3A_456 = arith.addi %mul3A_311, %add3A_455 : i32
      %dma_start3A_457 = arith.constant 5 : i32
      %dma_start3A_458 = arith.constant 0 : i32
      %dma_start3A_459 = arith.constant 0 : i32
      %dma_start3A_460 = tpu.memref_slice %arg8[%dma_start3A_457, %dma_start3A_458, %dma_start3A_459] : memref<8x80x64xbf16, #tpu.memory_space<vmem>> -> memref<1x80x64xbf16, #tpu.memory_space<vmem>>
      %dma_start3A_461 = tpu.memref_squeeze %dma_start3A_460 : memref<1x80x64xbf16, #tpu.memory_space<vmem>> -> memref<80x64xbf16, #tpu.memory_space<vmem>>
      %dma_start3A_462 = arith.constant 0 : i32
      %dma_start3A_463 = tpu.memref_slice %arg7[%add3A_456, %dma_start3A_462] : memref<125x80xi32, #tpu.memory_space<vmem>> -> memref<1x80xi32, #tpu.memory_space<vmem>>
      %dma_start3A_464 = tpu.memref_squeeze %dma_start3A_463 : memref<1x80xi32, #tpu.memory_space<vmem>> -> memref<80xi32, #tpu.memory_space<vmem>>
      %dma_start3A_465 = arith.constant 0 : i32
      %dma_start3A_466 = arith.constant 0 : i32
      %dma_start3A_467 = tpu.memref_slice %arg5[%dma_start3A_465, %dma_start3A_466] : memref<10000x64xbf16, #tpu.memory_space<vmem_shared>> -> memref<10000x64xbf16, #tpu.memory_space<vmem_shared>>
      tpu.enqueue_indirect_dma source(%dma_start3A_461 : memref<80x64xbf16, #tpu.memory_space<vmem>>) target(%dma_start3A_467 : memref<10000x64xbf16, #tpu.memory_space<vmem_shared>>) offsets(%dma_start3A_464 : memref<80xi32, #tpu.memory_space<vmem>>) semaphore(%arg22 : memref<!tpu.dma_semaphore, #tpu.memory_space<semaphore_mem>>) {add = true}
      %add3A_468 = arith.constant 6 : i32
      %add3A_469 = arith.addi %mul3A_311, %add3A_468 : i32
      %dma_wait3A_470 = arith.constant 6 : i32
      %dma_wait3A_471 = arith.constant 0 : i32
      %dma_wait3A_472 = arith.constant 0 : i32
      %dma_wait3A_473 = tpu.memref_slice %arg8[%dma_wait3A_470, %dma_wait3A_471, %dma_wait3A_472] : memref<8x80x64xbf16, #tpu.memory_space<vmem>> -> memref<1x80x64xbf16, #tpu.memory_space<vmem>>
      %dma_wait3A_474 = tpu.memref_squeeze %dma_wait3A_473 : memref<1x80x64xbf16, #tpu.memory_space<vmem>> -> memref<80x64xbf16, #tpu.memory_space<vmem>>
      %dma_wait3A_475 = arith.constant 0 : i32
      %dma_wait3A_476 = tpu.memref_slice %arg6[%add3A_469, %dma_wait3A_475] : memref<125x80xi32, #tpu.memory_space<vmem>> -> memref<1x80xi32, #tpu.memory_space<vmem>>
      %dma_wait3A_477 = tpu.memref_squeeze %dma_wait3A_476 : memref<1x80xi32, #tpu.memory_space<vmem>> -> memref<80xi32, #tpu.memory_space<vmem>>
      %dma_wait3A_478 = arith.constant 0 : i32
      %dma_wait3A_479 = arith.constant 0 : i32
      %dma_wait3A_480 = tpu.memref_slice %arg2[%dma_wait3A_478, %dma_wait3A_479] : memref<10000x64xbf16, #tpu.memory_space<hbm>> -> memref<10000x64xbf16, #tpu.memory_space<hbm>>
      tpu.wait_indirect_dma semaphore(%arg15 : memref<!tpu.dma_semaphore, #tpu.memory_space<semaphore_mem>>) src(%dma_wait3A_480 : memref<10000x64xbf16, #tpu.memory_space<hbm>>) dst(%dma_wait3A_474 : memref<80x64xbf16, #tpu.memory_space<vmem>>)
      %add3A_481 = arith.constant 6 : i32
      %add3A_482 = arith.addi %mul3A_311, %add3A_481 : i32
      %dma_start3A_483 = arith.constant 6 : i32
      %dma_start3A_484 = arith.constant 0 : i32
      %dma_start3A_485 = arith.constant 0 : i32
      %dma_start3A_486 = tpu.memref_slice %arg8[%dma_start3A_483, %dma_start3A_484, %dma_start3A_485] : memref<8x80x64xbf16, #tpu.memory_space<vmem>> -> memref<1x80x64xbf16, #tpu.memory_space<vmem>>
      %dma_start3A_487 = tpu.memref_squeeze %dma_start3A_486 : memref<1x80x64xbf16, #tpu.memory_space<vmem>> -> memref<80x64xbf16, #tpu.memory_space<vmem>>
      %dma_start3A_488 = arith.constant 0 : i32
      %dma_start3A_489 = tpu.memref_slice %arg7[%add3A_482, %dma_start3A_488] : memref<125x80xi32, #tpu.memory_space<vmem>> -> memref<1x80xi32, #tpu.memory_space<vmem>>
      %dma_start3A_490 = tpu.memref_squeeze %dma_start3A_489 : memref<1x80xi32, #tpu.memory_space<vmem>> -> memref<80xi32, #tpu.memory_space<vmem>>
      %dma_start3A_491 = arith.constant 0 : i32
      %dma_start3A_492 = arith.constant 0 : i32
      %dma_start3A_493 = tpu.memref_slice %arg5[%dma_start3A_491, %dma_start3A_492] : memref<10000x64xbf16, #tpu.memory_space<vmem_shared>> -> memref<10000x64xbf16, #tpu.memory_space<vmem_shared>>
      tpu.enqueue_indirect_dma source(%dma_start3A_487 : memref<80x64xbf16, #tpu.memory_space<vmem>>) target(%dma_start3A_493 : memref<10000x64xbf16, #tpu.memory_space<vmem_shared>>) offsets(%dma_start3A_490 : memref<80xi32, #tpu.memory_space<vmem>>) semaphore(%arg23 : memref<!tpu.dma_semaphore, #tpu.memory_space<semaphore_mem>>) {add = true}
      %add3A_494 = arith.constant 7 : i32
      %add3A_495 = arith.addi %mul3A_311, %add3A_494 : i32
      %dma_wait3A_496 = arith.constant 7 : i32
      %dma_wait3A_497 = arith.constant 0 : i32
      %dma_wait3A_498 = arith.constant 0 : i32
      %dma_wait3A_499 = tpu.memref_slice %arg8[%dma_wait3A_496, %dma_wait3A_497, %dma_wait3A_498] : memref<8x80x64xbf16, #tpu.memory_space<vmem>> -> memref<1x80x64xbf16, #tpu.memory_space<vmem>>
      %dma_wait3A_500 = tpu.memref_squeeze %dma_wait3A_499 : memref<1x80x64xbf16, #tpu.memory_space<vmem>> -> memref<80x64xbf16, #tpu.memory_space<vmem>>
      %dma_wait3A_501 = arith.constant 0 : i32
      %dma_wait3A_502 = tpu.memref_slice %arg6[%add3A_495, %dma_wait3A_501] : memref<125x80xi32, #tpu.memory_space<vmem>> -> memref<1x80xi32, #tpu.memory_space<vmem>>
      %dma_wait3A_503 = tpu.memref_squeeze %dma_wait3A_502 : memref<1x80xi32, #tpu.memory_space<vmem>> -> memref<80xi32, #tpu.memory_space<vmem>>
      %dma_wait3A_504 = arith.constant 0 : i32
      %dma_wait3A_505 = arith.constant 0 : i32
      %dma_wait3A_506 = tpu.memref_slice %arg2[%dma_wait3A_504, %dma_wait3A_505] : memref<10000x64xbf16, #tpu.memory_space<hbm>> -> memref<10000x64xbf16, #tpu.memory_space<hbm>>
      tpu.wait_indirect_dma semaphore(%arg16 : memref<!tpu.dma_semaphore, #tpu.memory_space<semaphore_mem>>) src(%dma_wait3A_506 : memref<10000x64xbf16, #tpu.memory_space<hbm>>) dst(%dma_wait3A_500 : memref<80x64xbf16, #tpu.memory_space<vmem>>)
      %add3A_507 = arith.constant 7 : i32
      %add3A_508 = arith.addi %mul3A_311, %add3A_507 : i32
      %dma_start3A_509 = arith.constant 7 : i32
      %dma_start3A_510 = arith.constant 0 : i32
      %dma_start3A_511 = arith.constant 0 : i32
      %dma_start3A_512 = tpu.memref_slice %arg8[%dma_start3A_509, %dma_start3A_510, %dma_start3A_511] : memref<8x80x64xbf16, #tpu.memory_space<vmem>> -> memref<1x80x64xbf16, #tpu.memory_space<vmem>>
      %dma_start3A_513 = tpu.memref_squeeze %dma_start3A_512 : memref<1x80x64xbf16, #tpu.memory_space<vmem>> -> memref<80x64xbf16, #tpu.memory_space<vmem>>
      %dma_start3A_514 = arith.constant 0 : i32
      %dma_start3A_515 = tpu.memref_slice %arg7[%add3A_508, %dma_start3A_514] : memref<125x80xi32, #tpu.memory_space<vmem>> -> memref<1x80xi32, #tpu.memory_space<vmem>>
      %dma_start3A_516 = tpu.memref_squeeze %dma_start3A_515 : memref<1x80xi32, #tpu.memory_space<vmem>> -> memref<80xi32, #tpu.memory_space<vmem>>
      %dma_start3A_517 = arith.constant 0 : i32
      %dma_start3A_518 = arith.constant 0 : i32
      %dma_start3A_519 = tpu.memref_slice %arg5[%dma_start3A_517, %dma_start3A_518] : memref<10000x64xbf16, #tpu.memory_space<vmem_shared>> -> memref<10000x64xbf16, #tpu.memory_space<vmem_shared>>
      tpu.enqueue_indirect_dma source(%dma_start3A_513 : memref<80x64xbf16, #tpu.memory_space<vmem>>) target(%dma_start3A_519 : memref<10000x64xbf16, #tpu.memory_space<vmem_shared>>) offsets(%dma_start3A_516 : memref<80xi32, #tpu.memory_space<vmem>>) semaphore(%arg24 : memref<!tpu.dma_semaphore, #tpu.memory_space<semaphore_mem>>) {add = true}
      %add3A_520 = arith.constant 0 : i32
      %add3A_521 = arith.addi %mul3A_311, %add3A_520 : i32
      %dma_wait3A_522 = arith.constant 0 : i32
      %dma_wait3A_523 = arith.constant 0 : i32
      %dma_wait3A_524 = arith.constant 0 : i32
      %dma_wait3A_525 = tpu.memref_slice %arg8[%dma_wait3A_522, %dma_wait3A_523, %dma_wait3A_524] : memref<8x80x64xbf16, #tpu.memory_space<vmem>> -> memref<1x80x64xbf16, #tpu.memory_space<vmem>>
      %dma_wait3A_526 = tpu.memref_squeeze %dma_wait3A_525 : memref<1x80x64xbf16, #tpu.memory_space<vmem>> -> memref<80x64xbf16, #tpu.memory_space<vmem>>
      %dma_wait3A_527 = arith.constant 0 : i32
      %dma_wait3A_528 = tpu.memref_slice %arg7[%add3A_521, %dma_wait3A_527] : memref<125x80xi32, #tpu.memory_space<vmem>> -> memref<1x80xi32, #tpu.memory_space<vmem>>
      %dma_wait3A_529 = tpu.memref_squeeze %dma_wait3A_528 : memref<1x80xi32, #tpu.memory_space<vmem>> -> memref<80xi32, #tpu.memory_space<vmem>>
      %dma_wait3A_530 = arith.constant 0 : i32
      %dma_wait3A_531 = arith.constant 0 : i32
      %dma_wait3A_532 = tpu.memref_slice %arg5[%dma_wait3A_530, %dma_wait3A_531] : memref<10000x64xbf16, #tpu.memory_space<vmem_shared>> -> memref<10000x64xbf16, #tpu.memory_space<vmem_shared>>
      tpu.wait_indirect_dma semaphore(%arg17 : memref<!tpu.dma_semaphore, #tpu.memory_space<semaphore_mem>>) src(%dma_wait3A_526 : memref<80x64xbf16, #tpu.memory_space<vmem>>) dst(%dma_wait3A_532 : memref<10000x64xbf16, #tpu.memory_space<vmem_shared>>)
      %add3A_533 = arith.constant 8 : i32
      %add3A_534 = arith.addi %mul3A_311, %add3A_533 : i32
      %add3A_535 = arith.constant 0 : i32
      %add3A_536 = arith.addi %add3A_534, %add3A_535 : i32
      %lt3A = arith.constant 125 : i32
      %lt3A_537 = arith.cmpi slt, %add3A_536, %lt3A : i32
      %convert_element_type3A = arith.extui %lt3A_537 : i1 to i32
      %cond3A = arith.constant 0 : i32
      %cond3A_538 = arith.cmpi ne, %convert_element_type3A, %cond3A : i32
      scf.if %cond3A_538 {
        %add3A_693 = arith.constant 8 : i32
        %add3A_694 = arith.addi %mul3A_311, %add3A_693 : i32
        %add3A_695 = arith.constant 0 : i32
        %add3A_696 = arith.addi %add3A_694, %add3A_695 : i32
        %dma_start3A_697 = arith.constant 0 : i32
        %dma_start3A_698 = arith.constant 0 : i32
        %dma_start3A_699 = arith.constant 0 : i32
        %dma_start3A_700 = tpu.memref_slice %arg8[%dma_start3A_697, %dma_start3A_698, %dma_start3A_699] : memref<8x80x64xbf16, #tpu.memory_space<vmem>> -> memref<1x80x64xbf16, #tpu.memory_space<vmem>>
        %dma_start3A_701 = tpu.memref_squeeze %dma_start3A_700 : memref<1x80x64xbf16, #tpu.memory_space<vmem>> -> memref<80x64xbf16, #tpu.memory_space<vmem>>
        %dma_start3A_702 = arith.constant 0 : i32
        %dma_start3A_703 = tpu.memref_slice %arg6[%add3A_696, %dma_start3A_702] : memref<125x80xi32, #tpu.memory_space<vmem>> -> memref<1x80xi32, #tpu.memory_space<vmem>>
        %dma_start3A_704 = tpu.memref_squeeze %dma_start3A_703 : memref<1x80xi32, #tpu.memory_space<vmem>> -> memref<80xi32, #tpu.memory_space<vmem>>
        %dma_start3A_705 = arith.constant 0 : i32
        %dma_start3A_706 = arith.constant 0 : i32
        %dma_start3A_707 = tpu.memref_slice %arg2[%dma_start3A_705, %dma_start3A_706] : memref<10000x64xbf16, #tpu.memory_space<hbm>> -> memref<10000x64xbf16, #tpu.memory_space<hbm>>
        tpu.enqueue_indirect_dma source(%dma_start3A_707 : memref<10000x64xbf16, #tpu.memory_space<hbm>>) target(%dma_start3A_701 : memref<80x64xbf16, #tpu.memory_space<vmem>>) offsets(%dma_start3A_704 : memref<80xi32, #tpu.memory_space<vmem>>) semaphore(%arg9 : memref<!tpu.dma_semaphore, #tpu.memory_space<semaphore_mem>>)
      } else {
      }
      %add3A_539 = arith.constant 1 : i32
      %add3A_540 = arith.addi %mul3A_311, %add3A_539 : i32
      %dma_wait3A_541 = arith.constant 1 : i32
      %dma_wait3A_542 = arith.constant 0 : i32
      %dma_wait3A_543 = arith.constant 0 : i32
      %dma_wait3A_544 = tpu.memref_slice %arg8[%dma_wait3A_541, %dma_wait3A_542, %dma_wait3A_543] : memref<8x80x64xbf16, #tpu.memory_space<vmem>> -> memref<1x80x64xbf16, #tpu.memory_space<vmem>>
      %dma_wait3A_545 = tpu.memref_squeeze %dma_wait3A_544 : memref<1x80x64xbf16, #tpu.memory_space<vmem>> -> memref<80x64xbf16, #tpu.memory_space<vmem>>
      %dma_wait3A_546 = arith.constant 0 : i32
      %dma_wait3A_547 = tpu.memref_slice %arg7[%add3A_540, %dma_wait3A_546] : memref<125x80xi32, #tpu.memory_space<vmem>> -> memref<1x80xi32, #tpu.memory_space<vmem>>
      %dma_wait3A_548 = tpu.memref_squeeze %dma_wait3A_547 : memref<1x80xi32, #tpu.memory_space<vmem>> -> memref<80xi32, #tpu.memory_space<vmem>>
      %dma_wait3A_549 = arith.constant 0 : i32
      %dma_wait3A_550 = arith.constant 0 : i32
      %dma_wait3A_551 = tpu.memref_slice %arg5[%dma_wait3A_549, %dma_wait3A_550] : memref<10000x64xbf16, #tpu.memory_space<vmem_shared>> -> memref<10000x64xbf16, #tpu.memory_space<vmem_shared>>
      tpu.wait_indirect_dma semaphore(%arg18 : memref<!tpu.dma_semaphore, #tpu.memory_space<semaphore_mem>>) src(%dma_wait3A_545 : memref<80x64xbf16, #tpu.memory_space<vmem>>) dst(%dma_wait3A_551 : memref<10000x64xbf16, #tpu.memory_space<vmem_shared>>)
      %add3A_552 = arith.constant 8 : i32
      %add3A_553 = arith.addi %mul3A_311, %add3A_552 : i32
      %add3A_554 = arith.constant 1 : i32
      %add3A_555 = arith.addi %add3A_553, %add3A_554 : i32
      %lt3A_556 = arith.constant 125 : i32
      %lt3A_557 = arith.cmpi slt, %add3A_555, %lt3A_556 : i32
      %convert_element_type3A_558 = arith.extui %lt3A_557 : i1 to i32
      %cond3A_559 = arith.constant 0 : i32
      %cond3A_560 = arith.cmpi ne, %convert_element_type3A_558, %cond3A_559 : i32
      scf.if %cond3A_560 {
        %add3A_693 = arith.constant 8 : i32
        %add3A_694 = arith.addi %mul3A_311, %add3A_693 : i32
        %add3A_695 = arith.constant 1 : i32
        %add3A_696 = arith.addi %add3A_694, %add3A_695 : i32
        %dma_start3A_697 = arith.constant 1 : i32
        %dma_start3A_698 = arith.constant 0 : i32
        %dma_start3A_699 = arith.constant 0 : i32
        %dma_start3A_700 = tpu.memref_slice %arg8[%dma_start3A_697, %dma_start3A_698, %dma_start3A_699] : memref<8x80x64xbf16, #tpu.memory_space<vmem>> -> memref<1x80x64xbf16, #tpu.memory_space<vmem>>
        %dma_start3A_701 = tpu.memref_squeeze %dma_start3A_700 : memref<1x80x64xbf16, #tpu.memory_space<vmem>> -> memref<80x64xbf16, #tpu.memory_space<vmem>>
        %dma_start3A_702 = arith.constant 0 : i32
        %dma_start3A_703 = tpu.memref_slice %arg6[%add3A_696, %dma_start3A_702] : memref<125x80xi32, #tpu.memory_space<vmem>> -> memref<1x80xi32, #tpu.memory_space<vmem>>
        %dma_start3A_704 = tpu.memref_squeeze %dma_start3A_703 : memref<1x80xi32, #tpu.memory_space<vmem>> -> memref<80xi32, #tpu.memory_space<vmem>>
        %dma_start3A_705 = arith.constant 0 : i32
        %dma_start3A_706 = arith.constant 0 : i32
        %dma_start3A_707 = tpu.memref_slice %arg2[%dma_start3A_705, %dma_start3A_706] : memref<10000x64xbf16, #tpu.memory_space<hbm>> -> memref<10000x64xbf16, #tpu.memory_space<hbm>>
        tpu.enqueue_indirect_dma source(%dma_start3A_707 : memref<10000x64xbf16, #tpu.memory_space<hbm>>) target(%dma_start3A_701 : memref<80x64xbf16, #tpu.memory_space<vmem>>) offsets(%dma_start3A_704 : memref<80xi32, #tpu.memory_space<vmem>>) semaphore(%arg10 : memref<!tpu.dma_semaphore, #tpu.memory_space<semaphore_mem>>)
      } else {
      }
      %add3A_561 = arith.constant 2 : i32
      %add3A_562 = arith.addi %mul3A_311, %add3A_561 : i32
      %dma_wait3A_563 = arith.constant 2 : i32
      %dma_wait3A_564 = arith.constant 0 : i32
      %dma_wait3A_565 = arith.constant 0 : i32
      %dma_wait3A_566 = tpu.memref_slice %arg8[%dma_wait3A_563, %dma_wait3A_564, %dma_wait3A_565] : memref<8x80x64xbf16, #tpu.memory_space<vmem>> -> memref<1x80x64xbf16, #tpu.memory_space<vmem>>
      %dma_wait3A_567 = tpu.memref_squeeze %dma_wait3A_566 : memref<1x80x64xbf16, #tpu.memory_space<vmem>> -> memref<80x64xbf16, #tpu.memory_space<vmem>>
      %dma_wait3A_568 = arith.constant 0 : i32
      %dma_wait3A_569 = tpu.memref_slice %arg7[%add3A_562, %dma_wait3A_568] : memref<125x80xi32, #tpu.memory_space<vmem>> -> memref<1x80xi32, #tpu.memory_space<vmem>>
      %dma_wait3A_570 = tpu.memref_squeeze %dma_wait3A_569 : memref<1x80xi32, #tpu.memory_space<vmem>> -> memref<80xi32, #tpu.memory_space<vmem>>
      %dma_wait3A_571 = arith.constant 0 : i32
      %dma_wait3A_572 = arith.constant 0 : i32
      %dma_wait3A_573 = tpu.memref_slice %arg5[%dma_wait3A_571, %dma_wait3A_572] : memref<10000x64xbf16, #tpu.memory_space<vmem_shared>> -> memref<10000x64xbf16, #tpu.memory_space<vmem_shared>>
      tpu.wait_indirect_dma semaphore(%arg19 : memref<!tpu.dma_semaphore, #tpu.memory_space<semaphore_mem>>) src(%dma_wait3A_567 : memref<80x64xbf16, #tpu.memory_space<vmem>>) dst(%dma_wait3A_573 : memref<10000x64xbf16, #tpu.memory_space<vmem_shared>>)
      %add3A_574 = arith.constant 8 : i32
      %add3A_575 = arith.addi %mul3A_311, %add3A_574 : i32
      %add3A_576 = arith.constant 2 : i32
      %add3A_577 = arith.addi %add3A_575, %add3A_576 : i32
      %lt3A_578 = arith.constant 125 : i32
      %lt3A_579 = arith.cmpi slt, %add3A_577, %lt3A_578 : i32
      %convert_element_type3A_580 = arith.extui %lt3A_579 : i1 to i32
      %cond3A_581 = arith.constant 0 : i32
      %cond3A_582 = arith.cmpi ne, %convert_element_type3A_580, %cond3A_581 : i32
      scf.if %cond3A_582 {
        %add3A_693 = arith.constant 8 : i32
        %add3A_694 = arith.addi %mul3A_311, %add3A_693 : i32
        %add3A_695 = arith.constant 2 : i32
        %add3A_696 = arith.addi %add3A_694, %add3A_695 : i32
        %dma_start3A_697 = arith.constant 2 : i32
        %dma_start3A_698 = arith.constant 0 : i32
        %dma_start3A_699 = arith.constant 0 : i32
        %dma_start3A_700 = tpu.memref_slice %arg8[%dma_start3A_697, %dma_start3A_698, %dma_start3A_699] : memref<8x80x64xbf16, #tpu.memory_space<vmem>> -> memref<1x80x64xbf16, #tpu.memory_space<vmem>>
        %dma_start3A_701 = tpu.memref_squeeze %dma_start3A_700 : memref<1x80x64xbf16, #tpu.memory_space<vmem>> -> memref<80x64xbf16, #tpu.memory_space<vmem>>
        %dma_start3A_702 = arith.constant 0 : i32
        %dma_start3A_703 = tpu.memref_slice %arg6[%add3A_696, %dma_start3A_702] : memref<125x80xi32, #tpu.memory_space<vmem>> -> memref<1x80xi32, #tpu.memory_space<vmem>>
        %dma_start3A_704 = tpu.memref_squeeze %dma_start3A_703 : memref<1x80xi32, #tpu.memory_space<vmem>> -> memref<80xi32, #tpu.memory_space<vmem>>
        %dma_start3A_705 = arith.constant 0 : i32
        %dma_start3A_706 = arith.constant 0 : i32
        %dma_start3A_707 = tpu.memref_slice %arg2[%dma_start3A_705, %dma_start3A_706] : memref<10000x64xbf16, #tpu.memory_space<hbm>> -> memref<10000x64xbf16, #tpu.memory_space<hbm>>
        tpu.enqueue_indirect_dma source(%dma_start3A_707 : memref<10000x64xbf16, #tpu.memory_space<hbm>>) target(%dma_start3A_701 : memref<80x64xbf16, #tpu.memory_space<vmem>>) offsets(%dma_start3A_704 : memref<80xi32, #tpu.memory_space<vmem>>) semaphore(%arg11 : memref<!tpu.dma_semaphore, #tpu.memory_space<semaphore_mem>>)
      } else {
      }
      %add3A_583 = arith.constant 3 : i32
      %add3A_584 = arith.addi %mul3A_311, %add3A_583 : i32
      %dma_wait3A_585 = arith.constant 3 : i32
      %dma_wait3A_586 = arith.constant 0 : i32
      %dma_wait3A_587 = arith.constant 0 : i32
      %dma_wait3A_588 = tpu.memref_slice %arg8[%dma_wait3A_585, %dma_wait3A_586, %dma_wait3A_587] : memref<8x80x64xbf16, #tpu.memory_space<vmem>> -> memref<1x80x64xbf16, #tpu.memory_space<vmem>>
      %dma_wait3A_589 = tpu.memref_squeeze %dma_wait3A_588 : memref<1x80x64xbf16, #tpu.memory_space<vmem>> -> memref<80x64xbf16, #tpu.memory_space<vmem>>
      %dma_wait3A_590 = arith.constant 0 : i32
      %dma_wait3A_591 = tpu.memref_slice %arg7[%add3A_584, %dma_wait3A_590] : memref<125x80xi32, #tpu.memory_space<vmem>> -> memref<1x80xi32, #tpu.memory_space<vmem>>
      %dma_wait3A_592 = tpu.memref_squeeze %dma_wait3A_591 : memref<1x80xi32, #tpu.memory_space<vmem>> -> memref<80xi32, #tpu.memory_space<vmem>>
      %dma_wait3A_593 = arith.constant 0 : i32
      %dma_wait3A_594 = arith.constant 0 : i32
      %dma_wait3A_595 = tpu.memref_slice %arg5[%dma_wait3A_593, %dma_wait3A_594] : memref<10000x64xbf16, #tpu.memory_space<vmem_shared>> -> memref<10000x64xbf16, #tpu.memory_space<vmem_shared>>
      tpu.wait_indirect_dma semaphore(%arg20 : memref<!tpu.dma_semaphore, #tpu.memory_space<semaphore_mem>>) src(%dma_wait3A_589 : memref<80x64xbf16, #tpu.memory_space<vmem>>) dst(%dma_wait3A_595 : memref<10000x64xbf16, #tpu.memory_space<vmem_shared>>)
      %add3A_596 = arith.constant 8 : i32
      %add3A_597 = arith.addi %mul3A_311, %add3A_596 : i32
      %add3A_598 = arith.constant 3 : i32
      %add3A_599 = arith.addi %add3A_597, %add3A_598 : i32
      %lt3A_600 = arith.constant 125 : i32
      %lt3A_601 = arith.cmpi slt, %add3A_599, %lt3A_600 : i32
      %convert_element_type3A_602 = arith.extui %lt3A_601 : i1 to i32
      %cond3A_603 = arith.constant 0 : i32
      %cond3A_604 = arith.cmpi ne, %convert_element_type3A_602, %cond3A_603 : i32
      scf.if %cond3A_604 {
        %add3A_693 = arith.constant 8 : i32
        %add3A_694 = arith.addi %mul3A_311, %add3A_693 : i32
        %add3A_695 = arith.constant 3 : i32
        %add3A_696 = arith.addi %add3A_694, %add3A_695 : i32
        %dma_start3A_697 = arith.constant 3 : i32
        %dma_start3A_698 = arith.constant 0 : i32
        %dma_start3A_699 = arith.constant 0 : i32
        %dma_start3A_700 = tpu.memref_slice %arg8[%dma_start3A_697, %dma_start3A_698, %dma_start3A_699] : memref<8x80x64xbf16, #tpu.memory_space<vmem>> -> memref<1x80x64xbf16, #tpu.memory_space<vmem>>
        %dma_start3A_701 = tpu.memref_squeeze %dma_start3A_700 : memref<1x80x64xbf16, #tpu.memory_space<vmem>> -> memref<80x64xbf16, #tpu.memory_space<vmem>>
        %dma_start3A_702 = arith.constant 0 : i32
        %dma_start3A_703 = tpu.memref_slice %arg6[%add3A_696, %dma_start3A_702] : memref<125x80xi32, #tpu.memory_space<vmem>> -> memref<1x80xi32, #tpu.memory_space<vmem>>
        %dma_start3A_704 = tpu.memref_squeeze %dma_start3A_703 : memref<1x80xi32, #tpu.memory_space<vmem>> -> memref<80xi32, #tpu.memory_space<vmem>>
        %dma_start3A_705 = arith.constant 0 : i32
        %dma_start3A_706 = arith.constant 0 : i32
        %dma_start3A_707 = tpu.memref_slice %arg2[%dma_start3A_705, %dma_start3A_706] : memref<10000x64xbf16, #tpu.memory_space<hbm>> -> memref<10000x64xbf16, #tpu.memory_space<hbm>>
        tpu.enqueue_indirect_dma source(%dma_start3A_707 : memref<10000x64xbf16, #tpu.memory_space<hbm>>) target(%dma_start3A_701 : memref<80x64xbf16, #tpu.memory_space<vmem>>) offsets(%dma_start3A_704 : memref<80xi32, #tpu.memory_space<vmem>>) semaphore(%arg12 : memref<!tpu.dma_semaphore, #tpu.memory_space<semaphore_mem>>)
      } else {
      }
      %add3A_605 = arith.constant 4 : i32
      %add3A_606 = arith.addi %mul3A_311, %add3A_605 : i32
      %dma_wait3A_607 = arith.constant 4 : i32
      %dma_wait3A_608 = arith.constant 0 : i32
      %dma_wait3A_609 = arith.constant 0 : i32
      %dma_wait3A_610 = tpu.memref_slice %arg8[%dma_wait3A_607, %dma_wait3A_608, %dma_wait3A_609] : memref<8x80x64xbf16, #tpu.memory_space<vmem>> -> memref<1x80x64xbf16, #tpu.memory_space<vmem>>
      %dma_wait3A_611 = tpu.memref_squeeze %dma_wait3A_610 : memref<1x80x64xbf16, #tpu.memory_space<vmem>> -> memref<80x64xbf16, #tpu.memory_space<vmem>>
      %dma_wait3A_612 = arith.constant 0 : i32
      %dma_wait3A_613 = tpu.memref_slice %arg7[%add3A_606, %dma_wait3A_612] : memref<125x80xi32, #tpu.memory_space<vmem>> -> memref<1x80xi32, #tpu.memory_space<vmem>>
      %dma_wait3A_614 = tpu.memref_squeeze %dma_wait3A_613 : memref<1x80xi32, #tpu.memory_space<vmem>> -> memref<80xi32, #tpu.memory_space<vmem>>
      %dma_wait3A_615 = arith.constant 0 : i32
      %dma_wait3A_616 = arith.constant 0 : i32
      %dma_wait3A_617 = tpu.memref_slice %arg5[%dma_wait3A_615, %dma_wait3A_616] : memref<10000x64xbf16, #tpu.memory_space<vmem_shared>> -> memref<10000x64xbf16, #tpu.memory_space<vmem_shared>>
      tpu.wait_indirect_dma semaphore(%arg21 : memref<!tpu.dma_semaphore, #tpu.memory_space<semaphore_mem>>) src(%dma_wait3A_611 : memref<80x64xbf16, #tpu.memory_space<vmem>>) dst(%dma_wait3A_617 : memref<10000x64xbf16, #tpu.memory_space<vmem_shared>>)
      %add3A_618 = arith.constant 8 : i32
      %add3A_619 = arith.addi %mul3A_311, %add3A_618 : i32
      %add3A_620 = arith.constant 4 : i32
      %add3A_621 = arith.addi %add3A_619, %add3A_620 : i32
      %lt3A_622 = arith.constant 125 : i32
      %lt3A_623 = arith.cmpi slt, %add3A_621, %lt3A_622 : i32
      %convert_element_type3A_624 = arith.extui %lt3A_623 : i1 to i32
      %cond3A_625 = arith.constant 0 : i32
      %cond3A_626 = arith.cmpi ne, %convert_element_type3A_624, %cond3A_625 : i32
      scf.if %cond3A_626 {
        %add3A_693 = arith.constant 8 : i32
        %add3A_694 = arith.addi %mul3A_311, %add3A_693 : i32
        %add3A_695 = arith.constant 4 : i32
        %add3A_696 = arith.addi %add3A_694, %add3A_695 : i32
        %dma_start3A_697 = arith.constant 4 : i32
        %dma_start3A_698 = arith.constant 0 : i32
        %dma_start3A_699 = arith.constant 0 : i32
        %dma_start3A_700 = tpu.memref_slice %arg8[%dma_start3A_697, %dma_start3A_698, %dma_start3A_699] : memref<8x80x64xbf16, #tpu.memory_space<vmem>> -> memref<1x80x64xbf16, #tpu.memory_space<vmem>>
        %dma_start3A_701 = tpu.memref_squeeze %dma_start3A_700 : memref<1x80x64xbf16, #tpu.memory_space<vmem>> -> memref<80x64xbf16, #tpu.memory_space<vmem>>
        %dma_start3A_702 = arith.constant 0 : i32
        %dma_start3A_703 = tpu.memref_slice %arg6[%add3A_696, %dma_start3A_702] : memref<125x80xi32, #tpu.memory_space<vmem>> -> memref<1x80xi32, #tpu.memory_space<vmem>>
        %dma_start3A_704 = tpu.memref_squeeze %dma_start3A_703 : memref<1x80xi32, #tpu.memory_space<vmem>> -> memref<80xi32, #tpu.memory_space<vmem>>
        %dma_start3A_705 = arith.constant 0 : i32
        %dma_start3A_706 = arith.constant 0 : i32
        %dma_start3A_707 = tpu.memref_slice %arg2[%dma_start3A_705, %dma_start3A_706] : memref<10000x64xbf16, #tpu.memory_space<hbm>> -> memref<10000x64xbf16, #tpu.memory_space<hbm>>
        tpu.enqueue_indirect_dma source(%dma_start3A_707 : memref<10000x64xbf16, #tpu.memory_space<hbm>>) target(%dma_start3A_701 : memref<80x64xbf16, #tpu.memory_space<vmem>>) offsets(%dma_start3A_704 : memref<80xi32, #tpu.memory_space<vmem>>) semaphore(%arg13 : memref<!tpu.dma_semaphore, #tpu.memory_space<semaphore_mem>>)
      } else {
      }
      %add3A_627 = arith.constant 5 : i32
      %add3A_628 = arith.addi %mul3A_311, %add3A_627 : i32
      %dma_wait3A_629 = arith.constant 5 : i32
      %dma_wait3A_630 = arith.constant 0 : i32
      %dma_wait3A_631 = arith.constant 0 : i32
      %dma_wait3A_632 = tpu.memref_slice %arg8[%dma_wait3A_629, %dma_wait3A_630, %dma_wait3A_631] : memref<8x80x64xbf16, #tpu.memory_space<vmem>> -> memref<1x80x64xbf16, #tpu.memory_space<vmem>>
      %dma_wait3A_633 = tpu.memref_squeeze %dma_wait3A_632 : memref<1x80x64xbf16, #tpu.memory_space<vmem>> -> memref<80x64xbf16, #tpu.memory_space<vmem>>
      %dma_wait3A_634 = arith.constant 0 : i32
      %dma_wait3A_635 = tpu.memref_slice %arg7[%add3A_628, %dma_wait3A_634] : memref<125x80xi32, #tpu.memory_space<vmem>> -> memref<1x80xi32, #tpu.memory_space<vmem>>
      %dma_wait3A_636 = tpu.memref_squeeze %dma_wait3A_635 : memref<1x80xi32, #tpu.memory_space<vmem>> -> memref<80xi32, #tpu.memory_space<vmem>>
      %dma_wait3A_637 = arith.constant 0 : i32
      %dma_wait3A_638 = arith.constant 0 : i32
      %dma_wait3A_639 = tpu.memref_slice %arg5[%dma_wait3A_637, %dma_wait3A_638] : memref<10000x64xbf16, #tpu.memory_space<vmem_shared>> -> memref<10000x64xbf16, #tpu.memory_space<vmem_shared>>
      tpu.wait_indirect_dma semaphore(%arg22 : memref<!tpu.dma_semaphore, #tpu.memory_space<semaphore_mem>>) src(%dma_wait3A_633 : memref<80x64xbf16, #tpu.memory_space<vmem>>) dst(%dma_wait3A_639 : memref<10000x64xbf16, #tpu.memory_space<vmem_shared>>)
      %add3A_640 = arith.constant 8 : i32
      %add3A_641 = arith.addi %mul3A_311, %add3A_640 : i32
      %add3A_642 = arith.constant 5 : i32
      %add3A_643 = arith.addi %add3A_641, %add3A_642 : i32
      %lt3A_644 = arith.constant 125 : i32
      %lt3A_645 = arith.cmpi slt, %add3A_643, %lt3A_644 : i32
      %convert_element_type3A_646 = arith.extui %lt3A_645 : i1 to i32
      %cond3A_647 = arith.constant 0 : i32
      %cond3A_648 = arith.cmpi ne, %convert_element_type3A_646, %cond3A_647 : i32
      scf.if %cond3A_648 {
        %add3A_693 = arith.constant 8 : i32
        %add3A_694 = arith.addi %mul3A_311, %add3A_693 : i32
        %add3A_695 = arith.constant 5 : i32
        %add3A_696 = arith.addi %add3A_694, %add3A_695 : i32
        %dma_start3A_697 = arith.constant 5 : i32
        %dma_start3A_698 = arith.constant 0 : i32
        %dma_start3A_699 = arith.constant 0 : i32
        %dma_start3A_700 = tpu.memref_slice %arg8[%dma_start3A_697, %dma_start3A_698, %dma_start3A_699] : memref<8x80x64xbf16, #tpu.memory_space<vmem>> -> memref<1x80x64xbf16, #tpu.memory_space<vmem>>
        %dma_start3A_701 = tpu.memref_squeeze %dma_start3A_700 : memref<1x80x64xbf16, #tpu.memory_space<vmem>> -> memref<80x64xbf16, #tpu.memory_space<vmem>>
        %dma_start3A_702 = arith.constant 0 : i32
        %dma_start3A_703 = tpu.memref_slice %arg6[%add3A_696, %dma_start3A_702] : memref<125x80xi32, #tpu.memory_space<vmem>> -> memref<1x80xi32, #tpu.memory_space<vmem>>
        %dma_start3A_704 = tpu.memref_squeeze %dma_start3A_703 : memref<1x80xi32, #tpu.memory_space<vmem>> -> memref<80xi32, #tpu.memory_space<vmem>>
        %dma_start3A_705 = arith.constant 0 : i32
        %dma_start3A_706 = arith.constant 0 : i32
        %dma_start3A_707 = tpu.memref_slice %arg2[%dma_start3A_705, %dma_start3A_706] : memref<10000x64xbf16, #tpu.memory_space<hbm>> -> memref<10000x64xbf16, #tpu.memory_space<hbm>>
        tpu.enqueue_indirect_dma source(%dma_start3A_707 : memref<10000x64xbf16, #tpu.memory_space<hbm>>) target(%dma_start3A_701 : memref<80x64xbf16, #tpu.memory_space<vmem>>) offsets(%dma_start3A_704 : memref<80xi32, #tpu.memory_space<vmem>>) semaphore(%arg14 : memref<!tpu.dma_semaphore, #tpu.memory_space<semaphore_mem>>)
      } else {
      }
      %add3A_649 = arith.constant 6 : i32
      %add3A_650 = arith.addi %mul3A_311, %add3A_649 : i32
      %dma_wait3A_651 = arith.constant 6 : i32
      %dma_wait3A_652 = arith.constant 0 : i32
      %dma_wait3A_653 = arith.constant 0 : i32
      %dma_wait3A_654 = tpu.memref_slice %arg8[%dma_wait3A_651, %dma_wait3A_652, %dma_wait3A_653] : memref<8x80x64xbf16, #tpu.memory_space<vmem>> -> memref<1x80x64xbf16, #tpu.memory_space<vmem>>
      %dma_wait3A_655 = tpu.memref_squeeze %dma_wait3A_654 : memref<1x80x64xbf16, #tpu.memory_space<vmem>> -> memref<80x64xbf16, #tpu.memory_space<vmem>>
      %dma_wait3A_656 = arith.constant 0 : i32
      %dma_wait3A_657 = tpu.memref_slice %arg7[%add3A_650, %dma_wait3A_656] : memref<125x80xi32, #tpu.memory_space<vmem>> -> memref<1x80xi32, #tpu.memory_space<vmem>>
      %dma_wait3A_658 = tpu.memref_squeeze %dma_wait3A_657 : memref<1x80xi32, #tpu.memory_space<vmem>> -> memref<80xi32, #tpu.memory_space<vmem>>
      %dma_wait3A_659 = arith.constant 0 : i32
      %dma_wait3A_660 = arith.constant 0 : i32
      %dma_wait3A_661 = tpu.memref_slice %arg5[%dma_wait3A_659, %dma_wait3A_660] : memref<10000x64xbf16, #tpu.memory_space<vmem_shared>> -> memref<10000x64xbf16, #tpu.memory_space<vmem_shared>>
      tpu.wait_indirect_dma semaphore(%arg23 : memref<!tpu.dma_semaphore, #tpu.memory_space<semaphore_mem>>) src(%dma_wait3A_655 : memref<80x64xbf16, #tpu.memory_space<vmem>>) dst(%dma_wait3A_661 : memref<10000x64xbf16, #tpu.memory_space<vmem_shared>>)
      %add3A_662 = arith.constant 8 : i32
      %add3A_663 = arith.addi %mul3A_311, %add3A_662 : i32
      %add3A_664 = arith.constant 6 : i32
      %add3A_665 = arith.addi %add3A_663, %add3A_664 : i32
      %lt3A_666 = arith.constant 125 : i32
      %lt3A_667 = arith.cmpi slt, %add3A_665, %lt3A_666 : i32
      %convert_element_type3A_668 = arith.extui %lt3A_667 : i1 to i32
      %cond3A_669 = arith.constant 0 : i32
      %cond3A_670 = arith.cmpi ne, %convert_element_type3A_668, %cond3A_669 : i32
      scf.if %cond3A_670 {
        %add3A_693 = arith.constant 8 : i32
        %add3A_694 = arith.addi %mul3A_311, %add3A_693 : i32
        %add3A_695 = arith.constant 6 : i32
        %add3A_696 = arith.addi %add3A_694, %add3A_695 : i32
        %dma_start3A_697 = arith.constant 6 : i32
        %dma_start3A_698 = arith.constant 0 : i32
        %dma_start3A_699 = arith.constant 0 : i32
        %dma_start3A_700 = tpu.memref_slice %arg8[%dma_start3A_697, %dma_start3A_698, %dma_start3A_699] : memref<8x80x64xbf16, #tpu.memory_space<vmem>> -> memref<1x80x64xbf16, #tpu.memory_space<vmem>>
        %dma_start3A_701 = tpu.memref_squeeze %dma_start3A_700 : memref<1x80x64xbf16, #tpu.memory_space<vmem>> -> memref<80x64xbf16, #tpu.memory_space<vmem>>
        %dma_start3A_702 = arith.constant 0 : i32
        %dma_start3A_703 = tpu.memref_slice %arg6[%add3A_696, %dma_start3A_702] : memref<125x80xi32, #tpu.memory_space<vmem>> -> memref<1x80xi32, #tpu.memory_space<vmem>>
        %dma_start3A_704 = tpu.memref_squeeze %dma_start3A_703 : memref<1x80xi32, #tpu.memory_space<vmem>> -> memref<80xi32, #tpu.memory_space<vmem>>
        %dma_start3A_705 = arith.constant 0 : i32
        %dma_start3A_706 = arith.constant 0 : i32
        %dma_start3A_707 = tpu.memref_slice %arg2[%dma_start3A_705, %dma_start3A_706] : memref<10000x64xbf16, #tpu.memory_space<hbm>> -> memref<10000x64xbf16, #tpu.memory_space<hbm>>
        tpu.enqueue_indirect_dma source(%dma_start3A_707 : memref<10000x64xbf16, #tpu.memory_space<hbm>>) target(%dma_start3A_701 : memref<80x64xbf16, #tpu.memory_space<vmem>>) offsets(%dma_start3A_704 : memref<80xi32, #tpu.memory_space<vmem>>) semaphore(%arg15 : memref<!tpu.dma_semaphore, #tpu.memory_space<semaphore_mem>>)
      } else {
      }
      %add3A_671 = arith.constant 7 : i32
      %add3A_672 = arith.addi %mul3A_311, %add3A_671 : i32
      %dma_wait3A_673 = arith.constant 7 : i32
      %dma_wait3A_674 = arith.constant 0 : i32
      %dma_wait3A_675 = arith.constant 0 : i32
      %dma_wait3A_676 = tpu.memref_slice %arg8[%dma_wait3A_673, %dma_wait3A_674, %dma_wait3A_675] : memref<8x80x64xbf16, #tpu.memory_space<vmem>> -> memref<1x80x64xbf16, #tpu.memory_space<vmem>>
      %dma_wait3A_677 = tpu.memref_squeeze %dma_wait3A_676 : memref<1x80x64xbf16, #tpu.memory_space<vmem>> -> memref<80x64xbf16, #tpu.memory_space<vmem>>
      %dma_wait3A_678 = arith.constant 0 : i32
      %dma_wait3A_679 = tpu.memref_slice %arg7[%add3A_672, %dma_wait3A_678] : memref<125x80xi32, #tpu.memory_space<vmem>> -> memref<1x80xi32, #tpu.memory_space<vmem>>
      %dma_wait3A_680 = tpu.memref_squeeze %dma_wait3A_679 : memref<1x80xi32, #tpu.memory_space<vmem>> -> memref<80xi32, #tpu.memory_space<vmem>>
      %dma_wait3A_681 = arith.constant 0 : i32
      %dma_wait3A_682 = arith.constant 0 : i32
      %dma_wait3A_683 = tpu.memref_slice %arg5[%dma_wait3A_681, %dma_wait3A_682] : memref<10000x64xbf16, #tpu.memory_space<vmem_shared>> -> memref<10000x64xbf16, #tpu.memory_space<vmem_shared>>
      tpu.wait_indirect_dma semaphore(%arg24 : memref<!tpu.dma_semaphore, #tpu.memory_space<semaphore_mem>>) src(%dma_wait3A_677 : memref<80x64xbf16, #tpu.memory_space<vmem>>) dst(%dma_wait3A_683 : memref<10000x64xbf16, #tpu.memory_space<vmem_shared>>)
      %add3A_684 = arith.constant 8 : i32
      %add3A_685 = arith.addi %mul3A_311, %add3A_684 : i32
      %add3A_686 = arith.constant 7 : i32
      %add3A_687 = arith.addi %add3A_685, %add3A_686 : i32
      %lt3A_688 = arith.constant 125 : i32
      %lt3A_689 = arith.cmpi slt, %add3A_687, %lt3A_688 : i32
      %convert_element_type3A_690 = arith.extui %lt3A_689 : i1 to i32
      %cond3A_691 = arith.constant 0 : i32
      %cond3A_692 = arith.cmpi ne, %convert_element_type3A_690, %cond3A_691 : i32
      scf.if %cond3A_692 {
        %add3A_693 = arith.constant 8 : i32
        %add3A_694 = arith.addi %mul3A_311, %add3A_693 : i32
        %add3A_695 = arith.constant 7 : i32
        %add3A_696 = arith.addi %add3A_694, %add3A_695 : i32
        %dma_start3A_697 = arith.constant 7 : i32
        %dma_start3A_698 = arith.constant 0 : i32
        %dma_start3A_699 = arith.constant 0 : i32
        %dma_start3A_700 = tpu.memref_slice %arg8[%dma_start3A_697, %dma_start3A_698, %dma_start3A_699] : memref<8x80x64xbf16, #tpu.memory_space<vmem>> -> memref<1x80x64xbf16, #tpu.memory_space<vmem>>
        %dma_start3A_701 = tpu.memref_squeeze %dma_start3A_700 : memref<1x80x64xbf16, #tpu.memory_space<vmem>> -> memref<80x64xbf16, #tpu.memory_space<vmem>>
        %dma_start3A_702 = arith.constant 0 : i32
        %dma_start3A_703 = tpu.memref_slice %arg6[%add3A_696, %dma_start3A_702] : memref<125x80xi32, #tpu.memory_space<vmem>> -> memref<1x80xi32, #tpu.memory_space<vmem>>
        %dma_start3A_704 = tpu.memref_squeeze %dma_start3A_703 : memref<1x80xi32, #tpu.memory_space<vmem>> -> memref<80xi32, #tpu.memory_space<vmem>>
        %dma_start3A_705 = arith.constant 0 : i32
        %dma_start3A_706 = arith.constant 0 : i32
        %dma_start3A_707 = tpu.memref_slice %arg2[%dma_start3A_705, %dma_start3A_706] : memref<10000x64xbf16, #tpu.memory_space<hbm>> -> memref<10000x64xbf16, #tpu.memory_space<hbm>>
        tpu.enqueue_indirect_dma source(%dma_start3A_707 : memref<10000x64xbf16, #tpu.memory_space<hbm>>) target(%dma_start3A_701 : memref<80x64xbf16, #tpu.memory_space<vmem>>) offsets(%dma_start3A_704 : memref<80xi32, #tpu.memory_space<vmem>>) semaphore(%arg16 : memref<!tpu.dma_semaphore, #tpu.memory_space<semaphore_mem>>)
      } else {
      }
    }
    %scan3A_127 = arith.constant 15 : i32
    %dma_wait3A_128 = arith.constant 120 : i32
    %dma_wait3A_129 = arith.constant 0 : i32
    %dma_wait3A_130 = arith.constant 0 : i32
    %dma_wait3A_131 = arith.constant 0 : i32
    %dma_wait3A_132 = tpu.memref_slice %arg8[%dma_wait3A_129, %dma_wait3A_130, %dma_wait3A_131] : memref<8x80x64xbf16, #tpu.memory_space<vmem>> -> memref<1x80x64xbf16, #tpu.memory_space<vmem>>
    %dma_wait3A_133 = tpu.memref_squeeze %dma_wait3A_132 : memref<1x80x64xbf16, #tpu.memory_space<vmem>> -> memref<80x64xbf16, #tpu.memory_space<vmem>>
    %dma_wait3A_134 = arith.constant 0 : i32
    %dma_wait3A_135 = tpu.memref_slice %arg6[%dma_wait3A_128, %dma_wait3A_134] : memref<125x80xi32, #tpu.memory_space<vmem>> -> memref<1x80xi32, #tpu.memory_space<vmem>>
    %dma_wait3A_136 = tpu.memref_squeeze %dma_wait3A_135 : memref<1x80xi32, #tpu.memory_space<vmem>> -> memref<80xi32, #tpu.memory_space<vmem>>
    %dma_wait3A_137 = arith.constant 0 : i32
    %dma_wait3A_138 = arith.constant 0 : i32
    %dma_wait3A_139 = tpu.memref_slice %arg2[%dma_wait3A_137, %dma_wait3A_138] : memref<10000x64xbf16, #tpu.memory_space<hbm>> -> memref<10000x64xbf16, #tpu.memory_space<hbm>>
    tpu.wait_indirect_dma semaphore(%arg9 : memref<!tpu.dma_semaphore, #tpu.memory_space<semaphore_mem>>) src(%dma_wait3A_139 : memref<10000x64xbf16, #tpu.memory_space<hbm>>) dst(%dma_wait3A_133 : memref<80x64xbf16, #tpu.memory_space<vmem>>)
    %dma_start3A_140 = arith.constant 0 : i32
    %dma_start3A_141 = arith.constant 120 : i32
    %dma_start3A_142 = arith.constant 0 : i32
    %dma_start3A_143 = arith.constant 0 : i32
    %dma_start3A_144 = tpu.memref_slice %arg8[%dma_start3A_140, %dma_start3A_142, %dma_start3A_143] : memref<8x80x64xbf16, #tpu.memory_space<vmem>> -> memref<1x80x64xbf16, #tpu.memory_space<vmem>>
    %dma_start3A_145 = tpu.memref_squeeze %dma_start3A_144 : memref<1x80x64xbf16, #tpu.memory_space<vmem>> -> memref<80x64xbf16, #tpu.memory_space<vmem>>
    %dma_start3A_146 = arith.constant 0 : i32
    %dma_start3A_147 = tpu.memref_slice %arg7[%dma_start3A_141, %dma_start3A_146] : memref<125x80xi32, #tpu.memory_space<vmem>> -> memref<1x80xi32, #tpu.memory_space<vmem>>
    %dma_start3A_148 = tpu.memref_squeeze %dma_start3A_147 : memref<1x80xi32, #tpu.memory_space<vmem>> -> memref<80xi32, #tpu.memory_space<vmem>>
    %dma_start3A_149 = arith.constant 0 : i32
    %dma_start3A_150 = arith.constant 0 : i32
    %dma_start3A_151 = tpu.memref_slice %arg5[%dma_start3A_149, %dma_start3A_150] : memref<10000x64xbf16, #tpu.memory_space<vmem_shared>> -> memref<10000x64xbf16, #tpu.memory_space<vmem_shared>>
    tpu.enqueue_indirect_dma source(%dma_start3A_145 : memref<80x64xbf16, #tpu.memory_space<vmem>>) target(%dma_start3A_151 : memref<10000x64xbf16, #tpu.memory_space<vmem_shared>>) offsets(%dma_start3A_148 : memref<80xi32, #tpu.memory_space<vmem>>) semaphore(%arg17 : memref<!tpu.dma_semaphore, #tpu.memory_space<semaphore_mem>>) {add = true}
    %dma_wait3A_152 = arith.constant 121 : i32
    %dma_wait3A_153 = arith.constant 1 : i32
    %dma_wait3A_154 = arith.constant 0 : i32
    %dma_wait3A_155 = arith.constant 0 : i32
    %dma_wait3A_156 = tpu.memref_slice %arg8[%dma_wait3A_153, %dma_wait3A_154, %dma_wait3A_155] : memref<8x80x64xbf16, #tpu.memory_space<vmem>> -> memref<1x80x64xbf16, #tpu.memory_space<vmem>>
    %dma_wait3A_157 = tpu.memref_squeeze %dma_wait3A_156 : memref<1x80x64xbf16, #tpu.memory_space<vmem>> -> memref<80x64xbf16, #tpu.memory_space<vmem>>
    %dma_wait3A_158 = arith.constant 0 : i32
    %dma_wait3A_159 = tpu.memref_slice %arg6[%dma_wait3A_152, %dma_wait3A_158] : memref<125x80xi32, #tpu.memory_space<vmem>> -> memref<1x80xi32, #tpu.memory_space<vmem>>
    %dma_wait3A_160 = tpu.memref_squeeze %dma_wait3A_159 : memref<1x80xi32, #tpu.memory_space<vmem>> -> memref<80xi32, #tpu.memory_space<vmem>>
    %dma_wait3A_161 = arith.constant 0 : i32
    %dma_wait3A_162 = arith.constant 0 : i32
    %dma_wait3A_163 = tpu.memref_slice %arg2[%dma_wait3A_161, %dma_wait3A_162] : memref<10000x64xbf16, #tpu.memory_space<hbm>> -> memref<10000x64xbf16, #tpu.memory_space<hbm>>
    tpu.wait_indirect_dma semaphore(%arg10 : memref<!tpu.dma_semaphore, #tpu.memory_space<semaphore_mem>>) src(%dma_wait3A_163 : memref<10000x64xbf16, #tpu.memory_space<hbm>>) dst(%dma_wait3A_157 : memref<80x64xbf16, #tpu.memory_space<vmem>>)
    %dma_start3A_164 = arith.constant 1 : i32
    %dma_start3A_165 = arith.constant 121 : i32
    %dma_start3A_166 = arith.constant 0 : i32
    %dma_start3A_167 = arith.constant 0 : i32
    %dma_start3A_168 = tpu.memref_slice %arg8[%dma_start3A_164, %dma_start3A_166, %dma_start3A_167] : memref<8x80x64xbf16, #tpu.memory_space<vmem>> -> memref<1x80x64xbf16, #tpu.memory_space<vmem>>
    %dma_start3A_169 = tpu.memref_squeeze %dma_start3A_168 : memref<1x80x64xbf16, #tpu.memory_space<vmem>> -> memref<80x64xbf16, #tpu.memory_space<vmem>>
    %dma_start3A_170 = arith.constant 0 : i32
    %dma_start3A_171 = tpu.memref_slice %arg7[%dma_start3A_165, %dma_start3A_170] : memref<125x80xi32, #tpu.memory_space<vmem>> -> memref<1x80xi32, #tpu.memory_space<vmem>>
    %dma_start3A_172 = tpu.memref_squeeze %dma_start3A_171 : memref<1x80xi32, #tpu.memory_space<vmem>> -> memref<80xi32, #tpu.memory_space<vmem>>
    %dma_start3A_173 = arith.constant 0 : i32
    %dma_start3A_174 = arith.constant 0 : i32
    %dma_start3A_175 = tpu.memref_slice %arg5[%dma_start3A_173, %dma_start3A_174] : memref<10000x64xbf16, #tpu.memory_space<vmem_shared>> -> memref<10000x64xbf16, #tpu.memory_space<vmem_shared>>
    tpu.enqueue_indirect_dma source(%dma_start3A_169 : memref<80x64xbf16, #tpu.memory_space<vmem>>) target(%dma_start3A_175 : memref<10000x64xbf16, #tpu.memory_space<vmem_shared>>) offsets(%dma_start3A_172 : memref<80xi32, #tpu.memory_space<vmem>>) semaphore(%arg18 : memref<!tpu.dma_semaphore, #tpu.memory_space<semaphore_mem>>) {add = true}
    %dma_wait3A_176 = arith.constant 122 : i32
    %dma_wait3A_177 = arith.constant 2 : i32
    %dma_wait3A_178 = arith.constant 0 : i32
    %dma_wait3A_179 = arith.constant 0 : i32
    %dma_wait3A_180 = tpu.memref_slice %arg8[%dma_wait3A_177, %dma_wait3A_178, %dma_wait3A_179] : memref<8x80x64xbf16, #tpu.memory_space<vmem>> -> memref<1x80x64xbf16, #tpu.memory_space<vmem>>
    %dma_wait3A_181 = tpu.memref_squeeze %dma_wait3A_180 : memref<1x80x64xbf16, #tpu.memory_space<vmem>> -> memref<80x64xbf16, #tpu.memory_space<vmem>>
    %dma_wait3A_182 = arith.constant 0 : i32
    %dma_wait3A_183 = tpu.memref_slice %arg6[%dma_wait3A_176, %dma_wait3A_182] : memref<125x80xi32, #tpu.memory_space<vmem>> -> memref<1x80xi32, #tpu.memory_space<vmem>>
    %dma_wait3A_184 = tpu.memref_squeeze %dma_wait3A_183 : memref<1x80xi32, #tpu.memory_space<vmem>> -> memref<80xi32, #tpu.memory_space<vmem>>
    %dma_wait3A_185 = arith.constant 0 : i32
    %dma_wait3A_186 = arith.constant 0 : i32
    %dma_wait3A_187 = tpu.memref_slice %arg2[%dma_wait3A_185, %dma_wait3A_186] : memref<10000x64xbf16, #tpu.memory_space<hbm>> -> memref<10000x64xbf16, #tpu.memory_space<hbm>>
    tpu.wait_indirect_dma semaphore(%arg11 : memref<!tpu.dma_semaphore, #tpu.memory_space<semaphore_mem>>) src(%dma_wait3A_187 : memref<10000x64xbf16, #tpu.memory_space<hbm>>) dst(%dma_wait3A_181 : memref<80x64xbf16, #tpu.memory_space<vmem>>)
    %dma_start3A_188 = arith.constant 2 : i32
    %dma_start3A_189 = arith.constant 122 : i32
    %dma_start3A_190 = arith.constant 0 : i32
    %dma_start3A_191 = arith.constant 0 : i32
    %dma_start3A_192 = tpu.memref_slice %arg8[%dma_start3A_188, %dma_start3A_190, %dma_start3A_191] : memref<8x80x64xbf16, #tpu.memory_space<vmem>> -> memref<1x80x64xbf16, #tpu.memory_space<vmem>>
    %dma_start3A_193 = tpu.memref_squeeze %dma_start3A_192 : memref<1x80x64xbf16, #tpu.memory_space<vmem>> -> memref<80x64xbf16, #tpu.memory_space<vmem>>
    %dma_start3A_194 = arith.constant 0 : i32
    %dma_start3A_195 = tpu.memref_slice %arg7[%dma_start3A_189, %dma_start3A_194] : memref<125x80xi32, #tpu.memory_space<vmem>> -> memref<1x80xi32, #tpu.memory_space<vmem>>
    %dma_start3A_196 = tpu.memref_squeeze %dma_start3A_195 : memref<1x80xi32, #tpu.memory_space<vmem>> -> memref<80xi32, #tpu.memory_space<vmem>>
    %dma_start3A_197 = arith.constant 0 : i32
    %dma_start3A_198 = arith.constant 0 : i32
    %dma_start3A_199 = tpu.memref_slice %arg5[%dma_start3A_197, %dma_start3A_198] : memref<10000x64xbf16, #tpu.memory_space<vmem_shared>> -> memref<10000x64xbf16, #tpu.memory_space<vmem_shared>>
    tpu.enqueue_indirect_dma source(%dma_start3A_193 : memref<80x64xbf16, #tpu.memory_space<vmem>>) target(%dma_start3A_199 : memref<10000x64xbf16, #tpu.memory_space<vmem_shared>>) offsets(%dma_start3A_196 : memref<80xi32, #tpu.memory_space<vmem>>) semaphore(%arg19 : memref<!tpu.dma_semaphore, #tpu.memory_space<semaphore_mem>>) {add = true}
    %dma_wait3A_200 = arith.constant 123 : i32
    %dma_wait3A_201 = arith.constant 3 : i32
    %dma_wait3A_202 = arith.constant 0 : i32
    %dma_wait3A_203 = arith.constant 0 : i32
    %dma_wait3A_204 = tpu.memref_slice %arg8[%dma_wait3A_201, %dma_wait3A_202, %dma_wait3A_203] : memref<8x80x64xbf16, #tpu.memory_space<vmem>> -> memref<1x80x64xbf16, #tpu.memory_space<vmem>>
    %dma_wait3A_205 = tpu.memref_squeeze %dma_wait3A_204 : memref<1x80x64xbf16, #tpu.memory_space<vmem>> -> memref<80x64xbf16, #tpu.memory_space<vmem>>
    %dma_wait3A_206 = arith.constant 0 : i32
    %dma_wait3A_207 = tpu.memref_slice %arg6[%dma_wait3A_200, %dma_wait3A_206] : memref<125x80xi32, #tpu.memory_space<vmem>> -> memref<1x80xi32, #tpu.memory_space<vmem>>
    %dma_wait3A_208 = tpu.memref_squeeze %dma_wait3A_207 : memref<1x80xi32, #tpu.memory_space<vmem>> -> memref<80xi32, #tpu.memory_space<vmem>>
    %dma_wait3A_209 = arith.constant 0 : i32
    %dma_wait3A_210 = arith.constant 0 : i32
    %dma_wait3A_211 = tpu.memref_slice %arg2[%dma_wait3A_209, %dma_wait3A_210] : memref<10000x64xbf16, #tpu.memory_space<hbm>> -> memref<10000x64xbf16, #tpu.memory_space<hbm>>
    tpu.wait_indirect_dma semaphore(%arg12 : memref<!tpu.dma_semaphore, #tpu.memory_space<semaphore_mem>>) src(%dma_wait3A_211 : memref<10000x64xbf16, #tpu.memory_space<hbm>>) dst(%dma_wait3A_205 : memref<80x64xbf16, #tpu.memory_space<vmem>>)
    %dma_start3A_212 = arith.constant 3 : i32
    %dma_start3A_213 = arith.constant 123 : i32
    %dma_start3A_214 = arith.constant 0 : i32
    %dma_start3A_215 = arith.constant 0 : i32
    %dma_start3A_216 = tpu.memref_slice %arg8[%dma_start3A_212, %dma_start3A_214, %dma_start3A_215] : memref<8x80x64xbf16, #tpu.memory_space<vmem>> -> memref<1x80x64xbf16, #tpu.memory_space<vmem>>
    %dma_start3A_217 = tpu.memref_squeeze %dma_start3A_216 : memref<1x80x64xbf16, #tpu.memory_space<vmem>> -> memref<80x64xbf16, #tpu.memory_space<vmem>>
    %dma_start3A_218 = arith.constant 0 : i32
    %dma_start3A_219 = tpu.memref_slice %arg7[%dma_start3A_213, %dma_start3A_218] : memref<125x80xi32, #tpu.memory_space<vmem>> -> memref<1x80xi32, #tpu.memory_space<vmem>>
    %dma_start3A_220 = tpu.memref_squeeze %dma_start3A_219 : memref<1x80xi32, #tpu.memory_space<vmem>> -> memref<80xi32, #tpu.memory_space<vmem>>
    %dma_start3A_221 = arith.constant 0 : i32
    %dma_start3A_222 = arith.constant 0 : i32
    %dma_start3A_223 = tpu.memref_slice %arg5[%dma_start3A_221, %dma_start3A_222] : memref<10000x64xbf16, #tpu.memory_space<vmem_shared>> -> memref<10000x64xbf16, #tpu.memory_space<vmem_shared>>
    tpu.enqueue_indirect_dma source(%dma_start3A_217 : memref<80x64xbf16, #tpu.memory_space<vmem>>) target(%dma_start3A_223 : memref<10000x64xbf16, #tpu.memory_space<vmem_shared>>) offsets(%dma_start3A_220 : memref<80xi32, #tpu.memory_space<vmem>>) semaphore(%arg20 : memref<!tpu.dma_semaphore, #tpu.memory_space<semaphore_mem>>) {add = true}
    %dma_wait3A_224 = arith.constant 124 : i32
    %dma_wait3A_225 = arith.constant 4 : i32
    %dma_wait3A_226 = arith.constant 0 : i32
    %dma_wait3A_227 = arith.constant 0 : i32
    %dma_wait3A_228 = tpu.memref_slice %arg8[%dma_wait3A_225, %dma_wait3A_226, %dma_wait3A_227] : memref<8x80x64xbf16, #tpu.memory_space<vmem>> -> memref<1x80x64xbf16, #tpu.memory_space<vmem>>
    %dma_wait3A_229 = tpu.memref_squeeze %dma_wait3A_228 : memref<1x80x64xbf16, #tpu.memory_space<vmem>> -> memref<80x64xbf16, #tpu.memory_space<vmem>>
    %dma_wait3A_230 = arith.constant 0 : i32
    %dma_wait3A_231 = tpu.memref_slice %arg6[%dma_wait3A_224, %dma_wait3A_230] : memref<125x80xi32, #tpu.memory_space<vmem>> -> memref<1x80xi32, #tpu.memory_space<vmem>>
    %dma_wait3A_232 = tpu.memref_squeeze %dma_wait3A_231 : memref<1x80xi32, #tpu.memory_space<vmem>> -> memref<80xi32, #tpu.memory_space<vmem>>
    %dma_wait3A_233 = arith.constant 0 : i32
    %dma_wait3A_234 = arith.constant 0 : i32
    %dma_wait3A_235 = tpu.memref_slice %arg2[%dma_wait3A_233, %dma_wait3A_234] : memref<10000x64xbf16, #tpu.memory_space<hbm>> -> memref<10000x64xbf16, #tpu.memory_space<hbm>>
    tpu.wait_indirect_dma semaphore(%arg13 : memref<!tpu.dma_semaphore, #tpu.memory_space<semaphore_mem>>) src(%dma_wait3A_235 : memref<10000x64xbf16, #tpu.memory_space<hbm>>) dst(%dma_wait3A_229 : memref<80x64xbf16, #tpu.memory_space<vmem>>)
    %dma_start3A_236 = arith.constant 4 : i32
    %dma_start3A_237 = arith.constant 124 : i32
    %dma_start3A_238 = arith.constant 0 : i32
    %dma_start3A_239 = arith.constant 0 : i32
    %dma_start3A_240 = tpu.memref_slice %arg8[%dma_start3A_236, %dma_start3A_238, %dma_start3A_239] : memref<8x80x64xbf16, #tpu.memory_space<vmem>> -> memref<1x80x64xbf16, #tpu.memory_space<vmem>>
    %dma_start3A_241 = tpu.memref_squeeze %dma_start3A_240 : memref<1x80x64xbf16, #tpu.memory_space<vmem>> -> memref<80x64xbf16, #tpu.memory_space<vmem>>
    %dma_start3A_242 = arith.constant 0 : i32
    %dma_start3A_243 = tpu.memref_slice %arg7[%dma_start3A_237, %dma_start3A_242] : memref<125x80xi32, #tpu.memory_space<vmem>> -> memref<1x80xi32, #tpu.memory_space<vmem>>
    %dma_start3A_244 = tpu.memref_squeeze %dma_start3A_243 : memref<1x80xi32, #tpu.memory_space<vmem>> -> memref<80xi32, #tpu.memory_space<vmem>>
    %dma_start3A_245 = arith.constant 0 : i32
    %dma_start3A_246 = arith.constant 0 : i32
    %dma_start3A_247 = tpu.memref_slice %arg5[%dma_start3A_245, %dma_start3A_246] : memref<10000x64xbf16, #tpu.memory_space<vmem_shared>> -> memref<10000x64xbf16, #tpu.memory_space<vmem_shared>>
    tpu.enqueue_indirect_dma source(%dma_start3A_241 : memref<80x64xbf16, #tpu.memory_space<vmem>>) target(%dma_start3A_247 : memref<10000x64xbf16, #tpu.memory_space<vmem_shared>>) offsets(%dma_start3A_244 : memref<80xi32, #tpu.memory_space<vmem>>) semaphore(%arg21 : memref<!tpu.dma_semaphore, #tpu.memory_space<semaphore_mem>>) {add = true}
    %dma_wait3A_248 = arith.constant 0 : i32
    %dma_wait3A_249 = arith.constant 120 : i32
    %dma_wait3A_250 = arith.constant 0 : i32
    %dma_wait3A_251 = arith.constant 0 : i32
    %dma_wait3A_252 = tpu.memref_slice %arg8[%dma_wait3A_248, %dma_wait3A_250, %dma_wait3A_251] : memref<8x80x64xbf16, #tpu.memory_space<vmem>> -> memref<1x80x64xbf16, #tpu.memory_space<vmem>>
    %dma_wait3A_253 = tpu.memref_squeeze %dma_wait3A_252 : memref<1x80x64xbf16, #tpu.memory_space<vmem>> -> memref<80x64xbf16, #tpu.memory_space<vmem>>
    %dma_wait3A_254 = arith.constant 0 : i32
    %dma_wait3A_255 = tpu.memref_slice %arg7[%dma_wait3A_249, %dma_wait3A_254] : memref<125x80xi32, #tpu.memory_space<vmem>> -> memref<1x80xi32, #tpu.memory_space<vmem>>
    %dma_wait3A_256 = tpu.memref_squeeze %dma_wait3A_255 : memref<1x80xi32, #tpu.memory_space<vmem>> -> memref<80xi32, #tpu.memory_space<vmem>>
    %dma_wait3A_257 = arith.constant 0 : i32
    %dma_wait3A_258 = arith.constant 0 : i32
    %dma_wait3A_259 = tpu.memref_slice %arg5[%dma_wait3A_257, %dma_wait3A_258] : memref<10000x64xbf16, #tpu.memory_space<vmem_shared>> -> memref<10000x64xbf16, #tpu.memory_space<vmem_shared>>
    tpu.wait_indirect_dma semaphore(%arg17 : memref<!tpu.dma_semaphore, #tpu.memory_space<semaphore_mem>>) src(%dma_wait3A_253 : memref<80x64xbf16, #tpu.memory_space<vmem>>) dst(%dma_wait3A_259 : memref<10000x64xbf16, #tpu.memory_space<vmem_shared>>)
    %dma_wait3A_260 = arith.constant 1 : i32
    %dma_wait3A_261 = arith.constant 121 : i32
    %dma_wait3A_262 = arith.constant 0 : i32
    %dma_wait3A_263 = arith.constant 0 : i32
    %dma_wait3A_264 = tpu.memref_slice %arg8[%dma_wait3A_260, %dma_wait3A_262, %dma_wait3A_263] : memref<8x80x64xbf16, #tpu.memory_space<vmem>> -> memref<1x80x64xbf16, #tpu.memory_space<vmem>>
    %dma_wait3A_265 = tpu.memref_squeeze %dma_wait3A_264 : memref<1x80x64xbf16, #tpu.memory_space<vmem>> -> memref<80x64xbf16, #tpu.memory_space<vmem>>
    %dma_wait3A_266 = arith.constant 0 : i32
    %dma_wait3A_267 = tpu.memref_slice %arg7[%dma_wait3A_261, %dma_wait3A_266] : memref<125x80xi32, #tpu.memory_space<vmem>> -> memref<1x80xi32, #tpu.memory_space<vmem>>
    %dma_wait3A_268 = tpu.memref_squeeze %dma_wait3A_267 : memref<1x80xi32, #tpu.memory_space<vmem>> -> memref<80xi32, #tpu.memory_space<vmem>>
    %dma_wait3A_269 = arith.constant 0 : i32
    %dma_wait3A_270 = arith.constant 0 : i32
    %dma_wait3A_271 = tpu.memref_slice %arg5[%dma_wait3A_269, %dma_wait3A_270] : memref<10000x64xbf16, #tpu.memory_space<vmem_shared>> -> memref<10000x64xbf16, #tpu.memory_space<vmem_shared>>
    tpu.wait_indirect_dma semaphore(%arg18 : memref<!tpu.dma_semaphore, #tpu.memory_space<semaphore_mem>>) src(%dma_wait3A_265 : memref<80x64xbf16, #tpu.memory_space<vmem>>) dst(%dma_wait3A_271 : memref<10000x64xbf16, #tpu.memory_space<vmem_shared>>)
    %dma_wait3A_272 = arith.constant 2 : i32
    %dma_wait3A_273 = arith.constant 122 : i32
    %dma_wait3A_274 = arith.constant 0 : i32
    %dma_wait3A_275 = arith.constant 0 : i32
    %dma_wait3A_276 = tpu.memref_slice %arg8[%dma_wait3A_272, %dma_wait3A_274, %dma_wait3A_275] : memref<8x80x64xbf16, #tpu.memory_space<vmem>> -> memref<1x80x64xbf16, #tpu.memory_space<vmem>>
    %dma_wait3A_277 = tpu.memref_squeeze %dma_wait3A_276 : memref<1x80x64xbf16, #tpu.memory_space<vmem>> -> memref<80x64xbf16, #tpu.memory_space<vmem>>
    %dma_wait3A_278 = arith.constant 0 : i32
    %dma_wait3A_279 = tpu.memref_slice %arg7[%dma_wait3A_273, %dma_wait3A_278] : memref<125x80xi32, #tpu.memory_space<vmem>> -> memref<1x80xi32, #tpu.memory_space<vmem>>
    %dma_wait3A_280 = tpu.memref_squeeze %dma_wait3A_279 : memref<1x80xi32, #tpu.memory_space<vmem>> -> memref<80xi32, #tpu.memory_space<vmem>>
    %dma_wait3A_281 = arith.constant 0 : i32
    %dma_wait3A_282 = arith.constant 0 : i32
    %dma_wait3A_283 = tpu.memref_slice %arg5[%dma_wait3A_281, %dma_wait3A_282] : memref<10000x64xbf16, #tpu.memory_space<vmem_shared>> -> memref<10000x64xbf16, #tpu.memory_space<vmem_shared>>
    tpu.wait_indirect_dma semaphore(%arg19 : memref<!tpu.dma_semaphore, #tpu.memory_space<semaphore_mem>>) src(%dma_wait3A_277 : memref<80x64xbf16, #tpu.memory_space<vmem>>) dst(%dma_wait3A_283 : memref<10000x64xbf16, #tpu.memory_space<vmem_shared>>)
    %dma_wait3A_284 = arith.constant 3 : i32
    %dma_wait3A_285 = arith.constant 123 : i32
    %dma_wait3A_286 = arith.constant 0 : i32
    %dma_wait3A_287 = arith.constant 0 : i32
    %dma_wait3A_288 = tpu.memref_slice %arg8[%dma_wait3A_284, %dma_wait3A_286, %dma_wait3A_287] : memref<8x80x64xbf16, #tpu.memory_space<vmem>> -> memref<1x80x64xbf16, #tpu.memory_space<vmem>>
    %dma_wait3A_289 = tpu.memref_squeeze %dma_wait3A_288 : memref<1x80x64xbf16, #tpu.memory_space<vmem>> -> memref<80x64xbf16, #tpu.memory_space<vmem>>
    %dma_wait3A_290 = arith.constant 0 : i32
    %dma_wait3A_291 = tpu.memref_slice %arg7[%dma_wait3A_285, %dma_wait3A_290] : memref<125x80xi32, #tpu.memory_space<vmem>> -> memref<1x80xi32, #tpu.memory_space<vmem>>
    %dma_wait3A_292 = tpu.memref_squeeze %dma_wait3A_291 : memref<1x80xi32, #tpu.memory_space<vmem>> -> memref<80xi32, #tpu.memory_space<vmem>>
    %dma_wait3A_293 = arith.constant 0 : i32
    %dma_wait3A_294 = arith.constant 0 : i32
    %dma_wait3A_295 = tpu.memref_slice %arg5[%dma_wait3A_293, %dma_wait3A_294] : memref<10000x64xbf16, #tpu.memory_space<vmem_shared>> -> memref<10000x64xbf16, #tpu.memory_space<vmem_shared>>
    tpu.wait_indirect_dma semaphore(%arg20 : memref<!tpu.dma_semaphore, #tpu.memory_space<semaphore_mem>>) src(%dma_wait3A_289 : memref<80x64xbf16, #tpu.memory_space<vmem>>) dst(%dma_wait3A_295 : memref<10000x64xbf16, #tpu.memory_space<vmem_shared>>)
    %dma_wait3A_296 = arith.constant 4 : i32
    %dma_wait3A_297 = arith.constant 124 : i32
    %dma_wait3A_298 = arith.constant 0 : i32
    %dma_wait3A_299 = arith.constant 0 : i32
    %dma_wait3A_300 = tpu.memref_slice %arg8[%dma_wait3A_296, %dma_wait3A_298, %dma_wait3A_299] : memref<8x80x64xbf16, #tpu.memory_space<vmem>> -> memref<1x80x64xbf16, #tpu.memory_space<vmem>>
    %dma_wait3A_301 = tpu.memref_squeeze %dma_wait3A_300 : memref<1x80x64xbf16, #tpu.memory_space<vmem>> -> memref<80x64xbf16, #tpu.memory_space<vmem>>
    %dma_wait3A_302 = arith.constant 0 : i32
    %dma_wait3A_303 = tpu.memref_slice %arg7[%dma_wait3A_297, %dma_wait3A_302] : memref<125x80xi32, #tpu.memory_space<vmem>> -> memref<1x80xi32, #tpu.memory_space<vmem>>
    %dma_wait3A_304 = tpu.memref_squeeze %dma_wait3A_303 : memref<1x80xi32, #tpu.memory_space<vmem>> -> memref<80xi32, #tpu.memory_space<vmem>>
    %dma_wait3A_305 = arith.constant 0 : i32
    %dma_wait3A_306 = arith.constant 0 : i32
    %dma_wait3A_307 = tpu.memref_slice %arg5[%dma_wait3A_305, %dma_wait3A_306] : memref<10000x64xbf16, #tpu.memory_space<vmem_shared>> -> memref<10000x64xbf16, #tpu.memory_space<vmem_shared>>
    tpu.wait_indirect_dma semaphore(%arg21 : memref<!tpu.dma_semaphore, #tpu.memory_space<semaphore_mem>>) src(%dma_wait3A_301 : memref<80x64xbf16, #tpu.memory_space<vmem>>) dst(%dma_wait3A_307 : memref<10000x64xbf16, #tpu.memory_space<vmem_shared>>)
    %barrier3A_308 = arith.constant 0 : index
    tpu.barrier barrier_id(%barrier3A_308)
    "tpu.region"() ({
      %run_scoped3A_309 = tpu.sem_alloc : memref<!tpu.dma_semaphore, #tpu.memory_space<semaphore_mem>>
      %dma_start3A_310 = arith.constant 0 : i32
      %dma_start3A_311 = tpu.memref_slice %arg4[%arg0, %mul3A_2, %dma_start3A_310] : memref<2x10000x64xbf16, #tpu.memory_space<hbm>> -> memref<1x625x64xbf16, #tpu.memory_space<hbm>>
      %dma_start3A_312 = tpu.memref_squeeze %dma_start3A_311 : memref<1x625x64xbf16, #tpu.memory_space<hbm>> -> memref<625x64xbf16, #tpu.memory_space<hbm>>
      %dma_start3A_313 = arith.constant 0 : i32
      %dma_start3A_314 = tpu.memref_slice %arg5[%mul3A_2, %dma_start3A_313] : memref<10000x64xbf16, #tpu.memory_space<vmem_shared>> -> memref<625x64xbf16, #tpu.memory_space<vmem_shared>>
      tpu.enqueue_dma source(%dma_start3A_314 : memref<625x64xbf16, #tpu.memory_space<vmem_shared>>) target(%dma_start3A_312 : memref<625x64xbf16, #tpu.memory_space<hbm>>) target_semaphore(%run_scoped3A_309 : memref<!tpu.dma_semaphore, #tpu.memory_space<semaphore_mem>>)
      %dma_wait3A_315 = arith.constant 0 : i32
      %dma_wait3A_316 = tpu.memref_slice %arg4[%arg0, %mul3A_2, %dma_wait3A_315] : memref<2x10000x64xbf16, #tpu.memory_space<hbm>> -> memref<1x625x64xbf16, #tpu.memory_space<hbm>>
      %dma_wait3A_317 = tpu.memref_squeeze %dma_wait3A_316 : memref<1x625x64xbf16, #tpu.memory_space<hbm>> -> memref<625x64xbf16, #tpu.memory_space<hbm>>
      %dma_wait3A_318 = arith.constant 0 : i32
      %dma_wait3A_319 = tpu.memref_slice %arg5[%mul3A_2, %dma_wait3A_318] : memref<10000x64xbf16, #tpu.memory_space<vmem_shared>> -> memref<625x64xbf16, #tpu.memory_space<vmem_shared>>
      tpu.wait_dma2 semaphore(%run_scoped3A_309 : memref<!tpu.dma_semaphore, #tpu.memory_space<semaphore_mem>>) src(%dma_wait3A_319 : memref<625x64xbf16, #tpu.memory_space<vmem_shared>>) dst(%dma_wait3A_317 : memref<625x64xbf16, #tpu.memory_space<hbm>>)
      tpu.yield
    }) : () -> ()
    return
  }
}

module attributes {stable_mosaic.version = 14 : i64} {
  func.func @_pre_body(%arg0: memref<10000x128xf32, #tpu.memory_space<vmem>>, %arg1: memref<128x64xf32, #tpu.memory_space<vmem>>, %arg2: memref<10000x64xbf16, #tpu.memory_space<vmem>>) attributes {dimension_semantics = [], scalar_prefetch = 0 : i64, scratch_operands = 0 : i64, tpu.core_type = #tpu.core_type<tc>} {
    %get3A = arith.constant 0 : index
    %get3A_0 = arith.constant 0 : index
    %get3A_1 = vector.load %arg0[%get3A, %get3A_0] : memref<10000x128xf32, #tpu.memory_space<vmem>>, vector<10000x128xf32>
    %get3A_2 = arith.constant 0 : index
    %get3A_3 = arith.constant 0 : index
    %get3A_4 = vector.load %arg1[%get3A_2, %get3A_3] : memref<128x64xf32, #tpu.memory_space<vmem>>, vector<128x64xf32>
    %dot_general3A = arith.constant dense<0.000000e+00> : vector<10000x64xf32>
    %dot_general3A_5 = tpu.matmul %get3A_1, %get3A_4, %dot_general3A {dimension_numbers = #tpu.dot_dimension_numbers<[1], [0], [0], [1], [0, 0, 1, 1], [], []>, transpose_lhs_hint = false} : vector<10000x128xf32>, vector<128x64xf32>, vector<10000x64xf32> -> vector<10000x64xf32>
    %convert_element_type3A = arith.truncf %dot_general3A_5 : vector<10000x64xf32> to vector<10000x64xbf16>
    %swap3A = arith.constant 0 : index
    %swap3A_6 = arith.constant 0 : index
    %swap3A_7 = vector.load %arg2[%swap3A, %swap3A_6] : memref<10000x64xbf16, #tpu.memory_space<vmem>>, vector<10000x64xbf16>
    tpu.vector_store %arg2[%swap3A, %swap3A_6], %convert_element_type3A {strides = array<i32>} : memref<10000x64xbf16, #tpu.memory_space<vmem>>, vector<10000x64xbf16>,
    return
  }
}

module attributes {stable_mosaic.version = 14 : i64} {
  func.func @_post_body(%arg0: memref<2x10000x64xbf16, #tpu.memory_space<vmem>>, %arg1: memref<10000x64xbf16, #tpu.memory_space<vmem>>, %arg2: memref<1x64xf32, #tpu.memory_space<vmem>>, %arg3: memref<64x64xf32, #tpu.memory_space<vmem>>, %arg4: memref<1x64xf32, #tpu.memory_space<vmem>>, %arg5: memref<64x64xf32, #tpu.memory_space<vmem>>, %arg6: memref<10000x64xbf16, #tpu.memory_space<vmem>>) attributes {dimension_semantics = [], scalar_prefetch = 0 : i64, scratch_operands = 0 : i64, tpu.core_type = #tpu.core_type<tc>} {
    %get3A = arith.constant 0 : index
    %get3A_0 = arith.constant 0 : index
    %get3A_1 = arith.constant 0 : index
    %get3A_2 = vector.load %arg0[%get3A, %get3A_0, %get3A_1] : memref<2x10000x64xbf16, #tpu.memory_space<vmem>>, vector<1x10000x64xbf16>
    %get3A_3 = vector.shape_cast %get3A_2 : vector<1x10000x64xbf16> to vector<10000x64xbf16>
    %convert_element_type3A = arith.extf %get3A_3 : vector<10000x64xbf16> to vector<10000x64xf32>
    %get3A_4 = arith.constant 1 : index
    %get3A_5 = arith.constant 0 : index
    %get3A_6 = arith.constant 0 : index
    %get3A_7 = vector.load %arg0[%get3A_4, %get3A_5, %get3A_6] : memref<2x10000x64xbf16, #tpu.memory_space<vmem>>, vector<1x10000x64xbf16>
    %get3A_8 = vector.shape_cast %get3A_7 : vector<1x10000x64xbf16> to vector<10000x64xbf16>
    %convert_element_type3A_9 = arith.extf %get3A_8 : vector<10000x64xbf16> to vector<10000x64xf32>
    %get3A_10 = arith.constant 0 : index
    %get3A_11 = arith.constant 0 : index
    %get3A_12 = vector.load %arg1[%get3A_10, %get3A_11] : memref<10000x64xbf16, #tpu.memory_space<vmem>>, vector<10000x64xbf16>
    %convert_element_type3A_13 = arith.extf %get3A_12 : vector<10000x64xbf16> to vector<10000x64xf32>
    %add3A = arith.addf %convert_element_type3A, %convert_element_type3A_9 : vector<10000x64xf32>
    %sub3A = arith.subf %add3A, %convert_element_type3A_13 : vector<10000x64xf32>
    %get3A_14 = arith.constant 0 : index
    %get3A_15 = arith.constant 0 : index
    %get3A_16 = vector.load %arg2[%get3A_14, %get3A_15] : memref<1x64xf32, #tpu.memory_space<vmem>>, vector<1x64xf32>
    %add3A_17 = vector.broadcast %get3A_16 : vector<1x64xf32> to vector<10000x64xf32>
    %add3A_18 = arith.addf %sub3A, %add3A_17 : vector<10000x64xf32>
    %max3A = arith.constant 0.000000e+00 : f32
    %max3A_19 = vector.broadcast %max3A : f32 to vector<10000x64xf32>
    %max3A_20 = arith.maximumf %add3A_18, %max3A_19 : vector<10000x64xf32>
    %get3A_21 = arith.constant 0 : index
    %get3A_22 = arith.constant 0 : index
    %get3A_23 = vector.load %arg3[%get3A_21, %get3A_22] : memref<64x64xf32, #tpu.memory_space<vmem>>, vector<64x64xf32>
    %dot_general3A = arith.constant dense<0.000000e+00> : vector<10000x64xf32>
    %dot_general3A_24 = tpu.matmul %max3A_20, %get3A_23, %dot_general3A {dimension_numbers = #tpu.dot_dimension_numbers<[1], [0], [0], [1], [0, 0, 1, 1], [], []>, transpose_lhs_hint = false} : vector<10000x64xf32>, vector<64x64xf32>, vector<10000x64xf32> -> vector<10000x64xf32>
    %get3A_25 = arith.constant 0 : index
    %get3A_26 = arith.constant 0 : index
    %get3A_27 = vector.load %arg4[%get3A_25, %get3A_26] : memref<1x64xf32, #tpu.memory_space<vmem>>, vector<1x64xf32>
    %add3A_28 = vector.broadcast %get3A_27 : vector<1x64xf32> to vector<10000x64xf32>
    %add3A_29 = arith.addf %dot_general3A_24, %add3A_28 : vector<10000x64xf32>
    %max3A_30 = arith.constant 0.000000e+00 : f32
    %max3A_31 = vector.broadcast %max3A_30 : f32 to vector<10000x64xf32>
    %max3A_32 = arith.maximumf %add3A_29, %max3A_31 : vector<10000x64xf32>
    %get3A_33 = arith.constant 0 : index
    %get3A_34 = arith.constant 0 : index
    %get3A_35 = vector.load %arg5[%get3A_33, %get3A_34] : memref<64x64xf32, #tpu.memory_space<vmem>>, vector<64x64xf32>
    %dot_general3A_36 = arith.constant dense<0.000000e+00> : vector<10000x64xf32>
    %dot_general3A_37 = tpu.matmul %max3A_32, %get3A_35, %dot_general3A_36 {dimension_numbers = #tpu.dot_dimension_numbers<[1], [0], [0], [1], [0, 0, 1, 1], [], []>, transpose_lhs_hint = false} : vector<10000x64xf32>, vector<64x64xf32>, vector<10000x64xf32> -> vector<10000x64xf32>
    %convert_element_type3A_38 = arith.truncf %dot_general3A_37 : vector<10000x64xf32> to vector<10000x64xbf16>
    %swap3A = arith.constant 0 : index
    %swap3A_39 = arith.constant 0 : index
    %swap3A_40 = vector.load %arg6[%swap3A, %swap3A_39] : memref<10000x64xbf16, #tpu.memory_space<vmem>>, vector<10000x64xbf16>
    tpu.vector_store %arg6[%swap3A, %swap3A_39], %convert_element_type3A_38 {strides = array<i32>} : memref<10000x64xbf16, #tpu.memory_space<vmem>>, vector<10000x64xbf16>,
    return
  }
}

module attributes {stable_mosaic.version = 14 : i64} {
  func.func @_final_body(%arg0: memref<2x10000x64xbf16, #tpu.memory_space<vmem>>, %arg1: memref<10000x64xbf16, #tpu.memory_space<vmem>>, %arg2: memref<1x64xf32, #tpu.memory_space<vmem>>, %arg3: memref<64x64xf32, #tpu.memory_space<vmem>>, %arg4: memref<1x64xf32, #tpu.memory_space<vmem>>, %arg5: memref<1x64xf32, #tpu.memory_space<vmem>>) attributes {dimension_semantics = [], scalar_prefetch = 0 : i64, scratch_operands = 0 : i64, tpu.core_type = #tpu.core_type<tc>} {
    %get3A = arith.constant 0 : index
    %get3A_0 = arith.constant 0 : index
    %get3A_1 = arith.constant 0 : index
    %get3A_2 = vector.load %arg0[%get3A, %get3A_0, %get3A_1] : memref<2x10000x64xbf16, #tpu.memory_space<vmem>>, vector<1x10000x64xbf16>
    %get3A_3 = vector.shape_cast %get3A_2 : vector<1x10000x64xbf16> to vector<10000x64xbf16>
    %convert_element_type3A = arith.extf %get3A_3 : vector<10000x64xbf16> to vector<10000x64xf32>
    %get3A_4 = arith.constant 1 : index
    %get3A_5 = arith.constant 0 : index
    %get3A_6 = arith.constant 0 : index
    %get3A_7 = vector.load %arg0[%get3A_4, %get3A_5, %get3A_6] : memref<2x10000x64xbf16, #tpu.memory_space<vmem>>, vector<1x10000x64xbf16>
    %get3A_8 = vector.shape_cast %get3A_7 : vector<1x10000x64xbf16> to vector<10000x64xbf16>
    %convert_element_type3A_9 = arith.extf %get3A_8 : vector<10000x64xbf16> to vector<10000x64xf32>
    %get3A_10 = arith.constant 0 : index
    %get3A_11 = arith.constant 0 : index
    %get3A_12 = vector.load %arg1[%get3A_10, %get3A_11] : memref<10000x64xbf16, #tpu.memory_space<vmem>>, vector<10000x64xbf16>
    %convert_element_type3A_13 = arith.extf %get3A_12 : vector<10000x64xbf16> to vector<10000x64xf32>
    %add3A = arith.addf %convert_element_type3A, %convert_element_type3A_9 : vector<10000x64xf32>
    %sub3A = arith.subf %add3A, %convert_element_type3A_13 : vector<10000x64xf32>
    %get3A_14 = arith.constant 0 : index
    %get3A_15 = arith.constant 0 : index
    %get3A_16 = vector.load %arg2[%get3A_14, %get3A_15] : memref<1x64xf32, #tpu.memory_space<vmem>>, vector<1x64xf32>
    %add3A_17 = vector.broadcast %get3A_16 : vector<1x64xf32> to vector<10000x64xf32>
    %add3A_18 = arith.addf %sub3A, %add3A_17 : vector<10000x64xf32>
    %max3A = arith.constant 0.000000e+00 : f32
    %max3A_19 = vector.broadcast %max3A : f32 to vector<10000x64xf32>
    %max3A_20 = arith.maximumf %add3A_18, %max3A_19 : vector<10000x64xf32>
    %get3A_21 = arith.constant 0 : index
    %get3A_22 = arith.constant 0 : index
    %get3A_23 = vector.load %arg3[%get3A_21, %get3A_22] : memref<64x64xf32, #tpu.memory_space<vmem>>, vector<64x64xf32>
    %dot_general3A = arith.constant dense<0.000000e+00> : vector<10000x64xf32>
    %dot_general3A_24 = tpu.matmul %max3A_20, %get3A_23, %dot_general3A {dimension_numbers = #tpu.dot_dimension_numbers<[1], [0], [0], [1], [0, 0, 1, 1], [], []>, transpose_lhs_hint = false} : vector<10000x64xf32>, vector<64x64xf32>, vector<10000x64xf32> -> vector<10000x64xf32>
    %get3A_25 = arith.constant 0 : index
    %get3A_26 = arith.constant 0 : index
    %get3A_27 = vector.load %arg4[%get3A_25, %get3A_26] : memref<1x64xf32, #tpu.memory_space<vmem>>, vector<1x64xf32>
    %add3A_28 = vector.broadcast %get3A_27 : vector<1x64xf32> to vector<10000x64xf32>
    %add3A_29 = arith.addf %dot_general3A_24, %add3A_28 : vector<10000x64xf32>
    %max3A_30 = arith.constant 0.000000e+00 : f32
    %max3A_31 = vector.broadcast %max3A_30 : f32 to vector<10000x64xf32>
    %max3A_32 = arith.maximumf %add3A_29, %max3A_31 : vector<10000x64xf32>
    %reduce_sum3A = arith.constant dense<0.000000e+00> : vector<64xf32>
    %reduce_sum3A_33 = vector.multi_reduction <add>, %max3A_32, %reduce_sum3A [0] : vector<10000x64xf32> to vector<64xf32>
    %broadcast_in_dim3A = vector.shape_cast %reduce_sum3A_33 : vector<64xf32> to vector<1x64xf32>
    %mul3A = arith.constant 9.99999974E-5 : f32
    %mul3A_34 = vector.broadcast %mul3A : f32 to vector<1x64xf32>
    %mul3A_35 = arith.mulf %broadcast_in_dim3A, %mul3A_34 : vector<1x64xf32>
    %swap3A = arith.constant 0 : index
    %swap3A_36 = arith.constant 0 : index
    %swap3A_37 = vector.load %arg5[%swap3A, %swap3A_36] : memref<1x64xf32, #tpu.memory_space<vmem>>, vector<1x64xf32>
    tpu.vector_store %arg5[%swap3A, %swap3A_36], %mul3A_35 {strides = array<i32>} : memref<1x64xf32, #tpu.memory_space<vmem>>, vector<1x64xf32>,
    return
  }
}

</mosaic_0001>

<sc_bundles>
// kernel: kernel.12.cloned.1.call-start
scs
__scs_entry_jumppad:
0x0: {  	(pc) =	sbr.rel $0x88, $3  }
0x1: {  	(tag) =	ssettag $0x0;
	lr =	simm.s32 $0x1  }
0x2: {  	[smem:$0x3F93] =	sst lr;
	_ =	strace $0xD0000000  }
0x3: {  	_ = 	snop  }
0x4: {  	_ = 	snop  }
0x5: {  	_ = 	snop  }
0x6: {  	_ = 	snop  }
0x7: {  	_ = 	snop  }
__scs_overlays_trampoline_lowered:
0x8: {  	[smem:$0x3FA2] =	sst s0  }
0x9: {  	[smem:$0x3FA3] =	sst s1  }
0xa: {  	[smem:$0x3FA4] =	sst s2  }
0xb: {  	[smem:$0x3FA5] =	sst s3  }
0xc: {  	[smem:$0x3FA6] =	sst s4  }
0xd: {  	[smem:$0x3FA7] =	sst s5  }
0xe: {  	[smem:$0x3FA8] =	sst s6  }
0xf: {  	[smem:$0x3FA9] =	sst s7  }
0x10: {  	[smem:$0x3FAA] =	sst s8  }
0x11: {  	[smem:$0x3FAB] =	sst s9;
	s0 =	simm.s32 @!p0 $0x0  }
0x12: {  	s1 =	sld [smem:$0x3F91];
	s0 =	simm.s32 @p0 $0x1  }
0x13: {  	[smem:$0x3FAC] =	sst s0;
	s0 =	simm.s32 @!p1 $0x0  }
0x14: {  	s2 =	sld [smem:$0x3F90];
	s0 =	simm.s32 @p1 $0x1  }
0x15: {  	[smem:$0x3FAD] =	sst s0;
	s0 =	simm.s32 @!p2 $0x0  }
0x16: {  	s3 =	sld [smem:$0x3FDB];
	s0 =	simm.s32 @p2 $0x1  }
0x17: {  	s4 =	simm.s32 $0x1BF5;
	[smem:$0x3FAF] =	sst s0  }
0x18: {  	s0 =	sld [smem:$0x3F92];
	_ =	swait.ge [sflag:s4], $0x0  }
0x19: {  	s7 =	sld [smem:$0x3F93]  }
0x1a: {  	s8 =	sadd.s32 $0xFFFFE003, lr  }
0x1b: {  	s9 =	sadd.s32 $0xFFFFFEF7, lr;
	s5 =	simm.s32 $0xFFFFFFFF;
	p2 =	slt.u32 s8, $0xFFFFF086  }
0x1c: {  	p1 =	slt.u32 s9, $0xF7A;
	s5 =	simm.s32 @!p2 $0x0  }
0x1d: {  	s5 =	simm.s32 @p1 $0x1;
	p0 =	seq.s32 s7, s2  }
0x1e: {  	s7 =	smul.u32 @!p0 $0xF7A, s2;
	p2 =	seq.s32 @!p0 s5, $0x0  }
0x1f: {  	s9 =	smul.u32 $0xF7A, s1;
	s8 =	simm.s32 @!p0 $0x1BF5;
	p2 =	por !p2, p0  }
0x20: {  	[sflag:s8] =	ssyncset.s32 @!p0 $0xFFFFF086;
	s6 =	sadd.s32 @!p0 s3, s7;
	s7 =	simm.s32 @!p0 $0x108  }
0x21: {  	s3 =	sadd.s32 s3, s9;
	s6 =	sadd.s32 @!p0 $0x88, s6;
	s7 =	simm.s32 @p2 $0x1082  }
0x22: {  	[simem:s7], [sflag:s8] =	dma.local @!p0 [hbm:s6], $0xF7A  }
0x23: {  	s9 =	sor.u32 $0xD0000000, s2;
	s6 =	simm.s32 $0x108;
	_ =	swait.ge @!p0 [sflag:s8], $0x0  }
0x24: {  	s3 =	sadd.s32 $0x88, s3;
	s6 =	simm.s32 @!p1 $0x1082;
	[sflag:s4] =	ssyncset.s32 $0xFFFFF086  }
0x25: {  	[simem:s6], [sflag:s4] =	dma.local [hbm:s3], $0xF7A  }
0x26: {  	[smem:$0x3F93] =	sst s1;
	(tag) =	ssettag s2;
	_ =	strace s9  }
0x27: {  	s1 =	sld [smem:$0x3FA3]  }
0x28: {  	s2 =	sld [smem:$0x3FA4]  }
0x29: {  	s4 =	sld [smem:$0x3FA6]  }
0x2a: {  	p0 =	seq.s32 s5, $0x0;
	s5 =	sld [smem:$0x3FA7]  }
0x2b: {  	s6 =	sld [smem:$0x3FA8]  }
0x2c: {  	s7 =	sld [smem:$0x3FA9]  }
0x2d: {  	s3 =	simm.s32 $0x108;
	s8 =	sld [smem:$0x3FAA]  }
0x2e: {  	s3 =	simm.s32 @!p0 $0x1082;
	s9 =	sld [smem:$0x3FAB]  }
0x2f: {  	lr =	sadd.s32 s0, s3;
	s0 =	sld [smem:$0x3FA2]  }
0x30: {  	s3 =	sld [smem:$0x3FA5]  }
0x31: {  	[smem:$0x3FAE] =	sst s10  }
0x32: {  	s10 =	sld [smem:$0x3FAC];
	_ =	sdelay $0x3  }
0x33: {  	p0 =	seq.s32 s10, $0x1;
	s10 =	sld [smem:$0x3FAE];
	_ =	sdelay $0x3  }
0x34: {  	[smem:$0x3FAE] =	sst s10  }
0x35: {  	s10 =	sld [smem:$0x3FAD];
	_ =	sdelay $0x3  }
0x36: {  	p1 =	seq.s32 s10, $0x1;
	s10 =	sld [smem:$0x3FAE];
	_ =	sdelay $0x3  }
0x37: {  	[smem:$0x3FAE] =	sst s10  }
0x38: {  	s10 =	sld [smem:$0x3FAF]  }
0x39: {  	_ = 	snop;
	(pc) =	sbr.ind lr, $3  }
0x3a: {  	_ = 	snop  }
0x3b: {  	_ = 	snop  }
0x3c: {  	p2 =	seq.s32 s10, $0x1;
	s10 =	sld [smem:$0x3FAE]  }
0x3d: {  	_ =	shalt  }
0x3e: {  	_ =	shalt  }
0x3f: {  	_ =	shalt  }
0x40: {  	_ =	shalt  }
0x41: {  	_ =	shalt  }
0x42: {  	_ =	shalt  }
0x43: {  	_ =	shalt  }
0x44: {  	_ =	shalt  }
0x45: {  	_ =	shalt  }
0x46: {  	_ =	shalt  }
0x47: {  	_ =	shalt  }
0x48: {  	_ =	shalt  }
0x49: {  	_ =	shalt  }
0x4a: {  	_ =	shalt  }
0x4b: {  	_ =	shalt  }
0x4c: {  	_ =	shalt  }
0x4d: {  	_ =	shalt  }
0x4e: {  	_ =	shalt  }
0x4f: {  	_ =	shalt  }
0x50: {  	_ =	shalt  }
0x51: {  	_ =	shalt  }
0x52: {  	_ =	shalt  }
0x53: {  	_ =	shalt  }
0x54: {  	_ =	shalt  }
0x55: {  	_ =	shalt  }
0x56: {  	_ =	shalt  }
0x57: {  	_ =	shalt  }
0x58: {  	_ =	shalt  }
0x59: {  	_ =	shalt  }
0x5a: {  	_ =	shalt  }
0x5b: {  	_ =	shalt  }
0x5c: {  	_ =	shalt  }
0x5d: {  	_ =	shalt  }
0x5e: {  	_ =	shalt  }
0x5f: {  	_ =	shalt  }
0x60: {  	_ =	shalt  }
0x61: {  	_ =	shalt  }
0x62: {  	_ =	shalt  }
0x63: {  	_ =	shalt  }
0x64: {  	_ =	shalt  }
0x65: {  	_ =	shalt  }
0x66: {  	_ =	shalt  }
0x67: {  	_ =	shalt  }
0x68: {  	_ =	shalt  }
0x69: {  	_ =	shalt  }
0x6a: {  	_ =	shalt  }
0x6b: {  	_ =	shalt  }
0x6c: {  	_ =	shalt  }
0x6d: {  	_ =	shalt  }
0x6e: {  	_ =	shalt  }
0x6f: {  	_ =	shalt  }
0x70: {  	_ =	shalt  }
0x71: {  	_ =	shalt  }
0x72: {  	_ =	shalt  }
0x73: {  	_ =	shalt  }
0x74: {  	_ =	shalt  }
0x75: {  	_ =	shalt  }
0x76: {  	_ =	shalt  }
0x77: {  	_ =	shalt  }
0x78: {  	_ =	shalt  }
0x79: {  	_ =	shalt  }
0x7a: {  	_ =	shalt  }
0x7b: {  	_ =	shalt  }
0x7c: {  	_ =	shalt  }
0x7d: {  	_ =	shalt  }
0x7e: {  	_ =	shalt  }
0x7f: {  	_ =	shalt  }
0x80: {  	_ =	shalt  }
0x81: {  	_ =	shalt  }
0x82: {  	_ =	shalt  }
0x83: {  	_ =	shalt  }
0x84: {  	_ =	shalt  }
0x85: {  	_ =	shalt  }
0x86: {  	_ =	shalt  }
0x87: {  	_ =	shalt  }
.Lfunc_end0:
.L_simem_size_0:
called_computation.1_lowered:
.L_overlay_start_0:
0x88: {  	s2 =	sld [smem:$0x3FD9]  }
0x89: {  	s3 =	sld [smem:$0x3FFE];
	_ =	sdelay $0x1  }
0x8a: {  	s1 =	srdreg.scid  }
0x8b: {  	s0 =	sand.u32 $0x1, s1  }
0x8c: {  	s16 =	sshll.u32 s0, $0xA;
	s2 =	sadd.s32 s3, s2  }
0x8d: {  	s2 =	sadd.s32 s2, s16  }
0x8e: {  	[smem:$0x3FBA] =	sst s2  }
0x8f: {  	_ = 	snop  }
0x90: {  	(tm) =	ssettm $0x1  }
0x91: {  	s17 =	sld [smem:$0x3FFB];
	_ =	sdelay $0x3  }
0x92: {  	_ =	strace s17  }
0x93: {  	s2 =	sld [smem:$0x3FFC];
	_ =	sdelay $0x3  }
0x94: {  	_ =	strace s2  }
0x95: {  	s2 =	sld [smem:$0x3FFD];
	_ =	sdelay $0x3  }
0x96: {  	_ =	strace s2  }
0x97: {  	_ =	strace $0x8FFFFFFF  }
0x98: {  	s18 =	sld [smem:$0x3FDB];
	_ =	sdelay $0x1  }
0x99: {  	s19 =	simm.s32 $_scs_section_size  }
0x9a: {  	s4 =	simm.s32 $_size__tile_overlayer_lowered;
	s5 =	simm.s32 $_tile_overlayer_lowered  }
0x9b: {  	s22 =	simm.s32 $0x1BFF;
	s21 =	sshll.u32 s5, $0x1;
	s2 =	sadd.s32 s19, s18  }
0x9c: {  	s6 =	simm.s32 $0x0;
	s20 =	sshll.u32 s4, $0x1;
	s4 =	sadd.s32 s21, s2  }
0x9d: {  	[timem:s6], [sflag:s22] =	dma.local [hbm:s4], s20  }
0x9e: {  	_ =	swait.ge [sflag:s22], s20  }
0x9f: {  	s3 =	ssub.s32 $0x0, s20;
	[sflag:s22] =	ssyncset.done $0x0  }
0xa0: {  	[sflag:s22] =	ssyncadd.s32 s3;
	_ =	sdelay $0x1  }
0xa1: {  	s23 =	simm.s32 $0x1B8B  }
0xa2: {  	_ =	swait.ge [sflag:s23], $0x1  }
0xa3: {  	[sflag:s23] =	ssyncset.done $0x0  }
0xa4: {  	s25 =	simm.s32 $0x1B8E;
	s24 =	sld [smem:$0x3FFE];
	[sflag:s23] =	ssyncadd.s32 $0xFFFFFFFF  }
0xa5: {  	s26 =	simm.s32 $execute0_lowered;
	[smem:$0x3FD2] =	sst s25  }
0xa6: {  	s4 =	sshll.u32 s26, $0x1;
	_ =	strace $0x80000049;
	[dreg:$0x1] =	wrdreg $0xFFFFFFFF  }
0xa7: {  	s28 =	simm.s32 $_size_execute0_lowered;
	s2 =	sadd.s32 s2, s4;
	[dreg:$0x0] =	wrdreg $0x0  }
0xa8: {  	s4 =	sshll.u32 s28, $0x1;
	[dreg:$0x2] =	wrdreg s2  }
0xa9: {  	[dreg:$0x3] =	wrdreg s4  }
0xaa: {  	[dreg:$0x4] =	wrdreg $0xC0  }
0xab: {  	_ =	task [dreg:s6], $0x5FFFF  }
0xac: {  	[dreg:$0x1] =	wrdreg $0xFFFFFFFF  }
0xad: {  	[dreg:$0x0] =	wrdreg $0x60  }
0xae: {  	[dreg:$0x2] =	wrdreg s24  }
0xaf: {  	[dreg:$0x3] =	wrdreg $0x0  }
0xb0: {  	[dreg:$0x4] =	wrdreg $0x9  }
0xb1: {  	_ =	task.clear_ibuf [dreg:s6], $0x5FFFF;
	_ =	strace $0x90000049  }
0xb2: {  	s29 =	simm.s32 $0x9;
	_ =	strace $0x8000004B  }
0xb3: {  	_ =	swait.ge [sflag:s29], $0x1  }
0xb4: {  	[sflag:s29] =	ssyncadd.s32 $0xFFFFFFFF  }
0xb5: {  	_ =	strace $0x9000004B  }
0xb6: {  	_ =	sfence  }
0xb7: {  	s30 =	sld [smem:$0x0];
	_ =	sdelay $0x2  }
0xb8: {  	s31 =	sshll.u32 s1, $0xD;
	s1 =	sshrl.u32 s1, $0x2  }
0xb9: {  	s3 =	sand.u32 $0x4000, s31;
	s1 =	sadd.s32 s1, s30  }
0xba: {  	s0 =	sor.u32 s3, s0;
	s1 =	sshll.u32 s1, $0x11  }
0xbb: {  	s0 =	sor.u32 s1, s0  }
0xbc: {  	s0 =	sadd.s32 $0x8F2B, s0  }
0xbd: {  	[sflag:s0] =	ssyncadd.remote.s32 $0x1  }
0xbe: {  	_ =	sfence.sel $0xFFFF  }
0xbf: {  	[dreg:$0x0] =	wrdreg $0xFFFFFFFF;
	(pc) =	sbr.abs _section_cstart, $3  }
0xc0: {  	[dreg:$0x1] =	wrdreg $0xFFFFFFFF  }
0xc1: {  	_ =	task.clear_ibuf [dreg:s6], $0x2FFFF;
	_ =	strace $0x9FFFFFFF  }
0xc2: {  	(tm) =	ssettm $0x7FFFFFFF  }
0xc3: {  	_ =	shalt  }
tec
execute0_lowered:
.L_overlay_start_1:
0x0: {  	(tag) =	ssettag $0x1  }
0x1: {  	s0 =	srdreg.scid  }
0x2: {  	s4 =	stileid.u32;
	s3 =	rddreg [dreg:$0x0]  }
0x3: {  	s2 =	rddreg [dreg:$0x1];
	s6 =	simm.s32 $0x0;
	s13 =	simm.s32 $0x50  }
0x4: {  	s14 =	simm.s32 $0x9C40;
	s16 =	simm.s32 $0xA640;
	s18 =	simm.s32 $0xB040  }
0x5: {  	s20 =	simm.s32 $0xBA40;
	s22 =	simm.s32 $0xC440;
	s29 =	simm.s32 $0xE240  }
0x6: {  	s31 =	simm.s32 $0x9;
	s15 =	simm.s32 $0x2;
	s17 =	simm.s32 $0x3  }
0x7: {  	s19 =	simm.s32 $0x4;
	s21 =	simm.s32 $0x5;
	s28 =	simm.s32 $0x8  }
0x8: {  	s30 =	simm.s32 $0xB;
	s11 =	simm.s32 $0x10;
	s10 =	simm.s32 $0x0  }
0x9: {  	s0 =	sand.u32 $0x1, s0;
	s5 =	smul.u32 $0x9C40, s4;
	[smem:$0x7FF] =	sst s6  }
0xa: {  	s1 =	sshll.u32 s0, $0x4;
	s23 =	smul.u32 $0x9C400, s0;
	_ =	strace $0x8000004A  }
0xb: {  	s0 =	ssub.s32 $0x2, s0;
	s1 =	sor.u32 s4, s1;
	s4 =	sadd.s32 $0x2600, s3  }
0xc: {  	s7 =	sshrl.u32 s0, $0x1;
	s24 =	sshrl.u32 s5, $0x1;
	s1 =	smul.u32 $0x2710, s1  }
0xd: {  	s6 =	sadd.s32 s5, s23;
	s0 =	ssub.s32 s0, s7;
	s5 =	sshrl.u32 s5, $0x4  }
0xe: {  	s23 =	simm.s32 $0x6;
	s7 =	simm.s32 $0xF;
	s5 =	sadd.s32 s4, s5  }
0xf: {  	s6 =	sshrl.u32 s6, $0x4;
	s0 =	smax.u32 s0, $0x1;
	[dreg:$0x5] =	wrdreg s5  }
0x10: {  	s1 =	sshrl.u32 s1, $0x3;
	[dreg:$0x8] =	wrdreg s0;
	s0 =	simm.s32 $0x1  }
0x11: {  	s1 =	sadd.s32 s1, s3;
	s3 =	sadd.s32 s6, s3;
	s6 =	sadd.s32 s24, s2  }
.Ltmp0:
0x12: {  	s25 =	sadd.s32 $0xC400, s1;
	[dreg:$0x4] =	wrdreg s6;
	(pc) =	sbr.rel .LBB2_1-.Ltmp0, $4  }
0x13: {  	s5 =	simm.s32 $0xD;
	s1 =	sadd.s32 $0x16040, s1;
	[dreg:$0x3] =	wrdreg s25  }
0x14: {  	s24 =	simm.s32 $0xCE40;
	s26 =	sadd.s32 $0x1FE00, s3;
	[dreg:$0x6] =	wrdreg s1  }
0x15: {  	s3 =	simm.s32 $0xC;
	s6 =	simm.s32 $0xE;
	[dreg:$0x7] =	wrdreg s26  }
0x16: {  	s26 =	simm.s32 $0xD840;
	s1 =	simm.s32 $0xA;
	s25 =	simm.s32 $0x7  }
.LBB2_4:
0x17: {  	_ =	swait.ge [sflag:s7], $0xA00  }
0x18: {  	[sflag:s7] =	ssyncset.done $0x0  }
0x19: {  	[sflag:s7] =	ssyncadd.s32 $0xFFFFF600  }
0x1a: {  	_ =	swait.ge [sflag:s11], $0xA00  }
0x1b: {  	[sflag:s11] =	ssyncset.done $0x0  }
0x1c: {  	[sflag:s11] =	ssyncadd.s32 $0xFFFFF600  }
0x1d: {  	_ =	swait.ge [sflag:s0], $0xA00  }
0x1e: {  	[sflag:s0] =	ssyncset.done $0x0  }
0x1f: {  	s8 =	simm.s32 $0x9AB0;
	[sflag:s0] =	ssyncadd.s32 $0xFFFFF600  }
0x20: {  	[spmem:s2] =	stream.indirect.scatter.add.bf16 [tilespmem:s14], [sflag:$0x9], $0x20, s8, s13, $0xb8;
	[tilespmem:$0xEC40] =	vst v63  }
0x21: {  	_ =	swait.ge [sflag:s15], $0xA00  }
0x22: {  	[sflag:s15] =	ssyncset.done $0x0  }
0x23: {  	s9 =	simm.s32 $0x9B00;
	[sflag:s15] =	ssyncadd.s32 $0xFFFFF600  }
0x24: {  	[spmem:s2] =	stream.indirect.scatter.add.bf16 [tilespmem:s16], [sflag:$0xA], $0x20, s9, s13, $0xb8;
	[tilespmem:$0xEC40] =	vst v63  }
0x25: {  	_ =	swait.ge [sflag:s17], $0xA00  }
0x26: {  	[sflag:s17] =	ssyncset.done $0x0  }
0x27: {  	s10 =	simm.s32 $0x9B50;
	[sflag:s17] =	ssyncadd.s32 $0xFFFFF600  }
0x28: {  	[spmem:s2] =	stream.indirect.scatter.add.bf16 [tilespmem:s18], [sflag:$0xB], $0x20, s10, s13, $0xb8;
	[tilespmem:$0xEC40] =	vst v63  }
0x29: {  	_ =	swait.ge [sflag:s19], $0xA00  }
0x2a: {  	[sflag:s19] =	ssyncset.done $0x0  }
0x2b: {  	s12 =	simm.s32 $0x9BA0;
	[sflag:s19] =	ssyncadd.s32 $0xFFFFF600  }
0x2c: {  	[spmem:s2] =	stream.indirect.scatter.add.bf16 [tilespmem:s20], [sflag:$0xC], $0x20, s12, s13, $0xb8;
	[tilespmem:$0xEC40] =	vst v63  }
0x2d: {  	_ =	swait.ge [sflag:s21], $0xA00  }
0x2e: {  	[sflag:s21] =	ssyncset.done $0x0  }
0x2f: {  	s9 =	simm.s32 $0x9BF0;
	[sflag:s21] =	ssyncadd.s32 $0xFFFFF600  }
0x30: {  	[spmem:s2] =	stream.indirect.scatter.add.bf16 [tilespmem:s22], [sflag:$0xD], $0x20, s9, s13, $0xb8;
	[tilespmem:$0xEC40] =	vst v63  }
0x31: {  	_ =	swait.ge [sflag:s31], $0xA00  }
0x32: {  	[sflag:s31] =	ssyncset.done $0x0  }
0x33: {  	[sflag:s31] =	ssyncadd.s32 $0xFFFFF600  }
0x34: {  	_ =	swait.ge [sflag:s1], $0xA00  }
0x35: {  	[sflag:s1] =	ssyncset.done $0x0  }
0x36: {  	[sflag:s1] =	ssyncadd.s32 $0xFFFFF600  }
0x37: {  	_ =	swait.ge [sflag:s30], $0xA00  }
0x38: {  	[sflag:s30] =	ssyncset.done $0x0  }
0x39: {  	[sflag:s30] =	ssyncadd.s32 $0xFFFFF600  }
0x3a: {  	_ =	swait.ge [sflag:s3], $0xA00  }
0x3b: {  	[sflag:s3] =	ssyncset.done $0x0  }
0x3c: {  	[sflag:s3] =	ssyncadd.s32 $0xFFFFF600  }
0x3d: {  	_ =	swait.ge [sflag:s5], $0xA00  }
0x3e: {  	[sflag:s5] =	ssyncset.done $0x0  }
0x3f: {  	[sflag:s5] =	ssyncadd.s32 $0xFFFFF600  }
0x40: {  	[bflag:$0x0] =	sbarrier.arrive $0xFFFF  }
0x41: {  	s10 =	rddreg [dreg:$0xa]  }
0x42: {  	s12 =	rddreg [dreg:$0xb]  }
0x43: {  	s8 =	simm.s32 $0x11;
	s9 =	sor.u32 $0x1C11, s10;
	s10 =	rddreg [dreg:$0x7]  }
0x44: {  	[hbm:s10], [sflag:s9] =	dma.local [spmem:s12], $0x9C4  }
0x45: {  	_ =	swait.ge [sflag:s8], $0x9C4  }
0x46: {  	s9 =	rddreg [dreg:$0x9]  }
0x47: {  	s12 =	rddreg [dreg:$0x8];
	s10 =	sadd.s32 $0x1, s9  }
0x48: {  	p0 =	sne.s32 s10, s12  }
.Ltmp1:
0x49: {  	_ = 	snop;
	(pc) =	sbr.rel @!p0 .LBB2_5-.Ltmp1, $3  }
0x4a: {  	_ =	sdelay $0x1  }
0x4b: {  	[sflag:s8] =	ssyncset.done $0x0  }
0x4c: {  	[sflag:s8] =	ssyncadd.s32 $0xFFFFF63C  }
.LBB2_1:
0x4d: {  	[dreg:$0x9] =	wrdreg s10;
	s8 =	simm.s32 $0x11  }
0x4e: {  	s10 =	simm.s32 $0x0;
	s9 =	rddreg [dreg:$0x3];
	s12 =	simm.s32 $0x4E20  }
0x4f: {  	[tilespmem:s12], [sflag:$0x11] =	stream.linear.gather [hbm4b:s9+s10], $0x2710, $0x38;
	[tilespmem:$0xEC40] =	vst v63  }
0x50: {  	_ =	swait.ge [sflag:s8], $0x2710  }
0x51: {  	[sflag:s8] =	ssyncset.done $0x0  }
0x52: {  	[sflag:s8] =	ssyncadd.s32 $0xFFFFD8F0  }
0x53: {  	[tilespmem:s14], [sflag:$0x1] =	stream.indirect.gather [hbm4b:s4+s13], $0x20, s12, s13, $0xb8;
	[tilespmem:$0xEC40] =	vst v63  }
0x54: {  	s12 =	simm.s32 $0x4E70  }
0x55: {  	[tilespmem:s16], [sflag:$0x2] =	stream.indirect.gather [hbm4b:s4+s13], $0x20, s12, s13, $0xb8;
	[tilespmem:$0xEC40] =	vst v63  }
0x56: {  	s9 =	simm.s32 $0x4EC0  }
0x57: {  	[tilespmem:s18], [sflag:$0x3] =	stream.indirect.gather [hbm4b:s4+s13], $0x20, s9, s13, $0xb8;
	[tilespmem:$0xEC40] =	vst v63  }
0x58: {  	s12 =	simm.s32 $0x4F10  }
0x59: {  	[tilespmem:s20], [sflag:$0x4] =	stream.indirect.gather [hbm4b:s4+s13], $0x20, s12, s13, $0xb8;
	[tilespmem:$0xEC40] =	vst v63  }
0x5a: {  	s9 =	simm.s32 $0x4F60  }
0x5b: {  	[tilespmem:s22], [sflag:$0x5] =	stream.indirect.gather [hbm4b:s4+s13], $0x20, s9, s13, $0xb8;
	[tilespmem:$0xEC40] =	vst v63  }
0x5c: {  	s12 =	simm.s32 $0x4FB0  }
0x5d: {  	[tilespmem:s24], [sflag:$0x6] =	stream.indirect.gather [hbm4b:s4+s13], $0x20, s12, s13, $0xb8;
	[tilespmem:$0xEC40] =	vst v63  }
0x5e: {  	s9 =	simm.s32 $0x5000  }
0x5f: {  	[tilespmem:s26], [sflag:$0x7] =	stream.indirect.gather [hbm4b:s4+s13], $0x20, s9, s13, $0xb8;
	[tilespmem:$0xEC40] =	vst v63  }
0x60: {  	s8 =	stileid.u32;
	s12 =	simm.s32 $0x5050  }
0x61: {  	[tilespmem:s29], [sflag:$0x8] =	stream.indirect.gather [hbm4b:s4+s13], $0x20, s12, s13, $0xb8;
	[tilespmem:$0xEC40] =	vst v63  }
0x62: {  	s12 =	sshll.u32 s8, $0x6;
	s8 =	rddreg [dreg:$0x4]  }
0x63: {  	[dreg:$0xa] =	wrdreg s12  }
0x64: {  	s9 =	sor.u32 $0x1C09, s12;
	s8 =	sshrl.u32 s8, $0x3;
	s12 =	rddreg [dreg:$0x5]  }
0x65: {  	[dreg:$0xb] =	wrdreg s8  }
0x66: {  	[spmem:s8], [sflag:s9] =	dma.local [hbm:s12], $0x9C4  }
0x67: {  	s12 =	simm.s32 $0x7530;
	s9 =	rddreg [dreg:$0x6]  }
0x68: {  	[tilespmem:s12], [sflag:$0xA] =	stream.linear.gather [hbm4b:s9+s10], $0x2710, $0x38;
	[tilespmem:$0xEC40] =	vst v63  }
0x69: {  	_ =	swait.ge [sflag:s31], $0x9C4  }
0x6a: {  	[sflag:s31] =	ssyncset.done $0x0  }
0x6b: {  	[sflag:s31] =	ssyncadd.s32 $0xFFFFF63C  }
0x6c: {  	_ =	swait.ge [sflag:s1], $0x2710  }
0x6d: {  	[sflag:s1] =	ssyncset.done $0x0  }
0x6e: {  	[sflag:s1] =	ssyncadd.s32 $0xFFFFD8F0  }
0x6f: {  	s12 =	simm.s32 $0x0;
	[bflag:$0x0] =	sbarrier.arrive $0xFFFF  }
.LBB2_2:
0x70: {  	_ =	swait.ge [sflag:s0], $0xA00  }
0x71: {  	s9 =	sshra.s32 s12, $0x2;
	[sflag:s0] =	ssyncset.done $0x0  }
0x72: {  	s10 =	sadd.s32 $0x7530, s9;
	[sflag:s0] =	ssyncadd.s32 $0xFFFFF600  }
0x73: {  	[spmem:s2] =	stream.indirect.scatter.add.bf16 [tilespmem:s14], [sflag:$0x9], $0x20, s10, s13, $0xb8;
	[tilespmem:$0xEC40] =	vst v63  }
0x74: {  	_ =	swait.ge [sflag:s15], $0xA00  }
0x75: {  	[sflag:s15] =	ssyncset.done $0x0  }
0x76: {  	s8 =	sadd.s32 $0x7580, s9;
	[sflag:s15] =	ssyncadd.s32 $0xFFFFF600  }
0x77: {  	[spmem:s2] =	stream.indirect.scatter.add.bf16 [tilespmem:s16], [sflag:$0xA], $0x20, s8, s13, $0xb8;
	[tilespmem:$0xEC40] =	vst v63  }
0x78: {  	_ =	swait.ge [sflag:s17], $0xA00  }
0x79: {  	[sflag:s17] =	ssyncset.done $0x0  }
0x7a: {  	s8 =	sadd.s32 $0x75D0, s9;
	[sflag:s17] =	ssyncadd.s32 $0xFFFFF600  }
0x7b: {  	[spmem:s2] =	stream.indirect.scatter.add.bf16 [tilespmem:s18], [sflag:$0xB], $0x20, s8, s13, $0xb8;
	[tilespmem:$0xEC40] =	vst v63  }
0x7c: {  	_ =	swait.ge [sflag:s19], $0xA00  }
0x7d: {  	[sflag:s19] =	ssyncset.done $0x0  }
0x7e: {  	s8 =	sadd.s32 $0x7620, s9;
	[sflag:s19] =	ssyncadd.s32 $0xFFFFF600  }
0x7f: {  	[spmem:s2] =	stream.indirect.scatter.add.bf16 [tilespmem:s20], [sflag:$0xC], $0x20, s8, s13, $0xb8;
	[tilespmem:$0xEC40] =	vst v63  }
0x80: {  	_ =	swait.ge [sflag:s21], $0xA00  }
0x81: {  	[sflag:s21] =	ssyncset.done $0x0  }
0x82: {  	s8 =	sadd.s32 $0x7670, s9;
	[sflag:s21] =	ssyncadd.s32 $0xFFFFF600  }
0x83: {  	[spmem:s2] =	stream.indirect.scatter.add.bf16 [tilespmem:s22], [sflag:$0xD], $0x20, s8, s13, $0xb8;
	[tilespmem:$0xEC40] =	vst v63  }
0x84: {  	_ =	swait.ge [sflag:s23], $0xA00  }
0x85: {  	[sflag:s23] =	ssyncset.done $0x0  }
0x86: {  	s8 =	sadd.s32 $0x76C0, s9;
	[sflag:s23] =	ssyncadd.s32 $0xFFFFF600  }
0x87: {  	[spmem:s2] =	stream.indirect.scatter.add.bf16 [tilespmem:s24], [sflag:$0xE], $0x20, s8, s13, $0xb8;
	[tilespmem:$0xEC40] =	vst v63  }
0x88: {  	_ =	swait.ge [sflag:s25], $0xA00  }
0x89: {  	[sflag:s25] =	ssyncset.done $0x0  }
0x8a: {  	s8 =	sadd.s32 $0x7710, s9;
	[sflag:s25] =	ssyncadd.s32 $0xFFFFF600  }
0x8b: {  	[spmem:s2] =	stream.indirect.scatter.add.bf16 [tilespmem:s26], [sflag:$0xF], $0x20, s8, s13, $0xb8;
	[tilespmem:$0xEC40] =	vst v63  }
0x8c: {  	_ =	swait.ge [sflag:s28], $0xA00  }
0x8d: {  	[sflag:s28] =	ssyncset.done $0x0  }
0x8e: {  	s8 =	sadd.s32 $0x7760, s9;
	[sflag:s28] =	ssyncadd.s32 $0xFFFFF600  }
0x8f: {  	[spmem:s2] =	stream.indirect.scatter.add.bf16 [tilespmem:s29], [sflag:$0x10], $0x20, s8, s13, $0xb8;
	[tilespmem:$0xEC40] =	vst v63  }
0x90: {  	_ =	swait.ge [sflag:s31], $0xA00  }
0x91: {  	[sflag:s31] =	ssyncset.done $0x0  }
0x92: {  	s8 =	sadd.s32 $0x50A0, s9;
	[sflag:s31] =	ssyncadd.s32 $0xFFFFF600  }
0x93: {  	[tilespmem:s14], [sflag:$0x1] =	stream.indirect.gather [hbm4b:s4+s13], $0x20, s8, s13, $0xb8;
	[tilespmem:$0xEC40] =	vst v63  }
0x94: {  	_ =	swait.ge [sflag:s1], $0xA00  }
0x95: {  	[sflag:s1] =	ssyncset.done $0x0  }
0x96: {  	s8 =	sadd.s32 $0x50F0, s9;
	[sflag:s1] =	ssyncadd.s32 $0xFFFFF600  }
0x97: {  	[tilespmem:s16], [sflag:$0x2] =	stream.indirect.gather [hbm4b:s4+s13], $0x20, s8, s13, $0xb8;
	[tilespmem:$0xEC40] =	vst v63  }
0x98: {  	_ =	swait.ge [sflag:s30], $0xA00  }
0x99: {  	[sflag:s30] =	ssyncset.done $0x0  }
0x9a: {  	s8 =	sadd.s32 $0x5140, s9;
	[sflag:s30] =	ssyncadd.s32 $0xFFFFF600  }
0x9b: {  	[tilespmem:s18], [sflag:$0x3] =	stream.indirect.gather [hbm4b:s4+s13], $0x20, s8, s13, $0xb8;
	[tilespmem:$0xEC40] =	vst v63  }
0x9c: {  	_ =	swait.ge [sflag:s3], $0xA00  }
0x9d: {  	[sflag:s3] =	ssyncset.done $0x0  }
0x9e: {  	s8 =	sadd.s32 $0x5190, s9;
	[sflag:s3] =	ssyncadd.s32 $0xFFFFF600  }
0x9f: {  	[tilespmem:s20], [sflag:$0x4] =	stream.indirect.gather [hbm4b:s4+s13], $0x20, s8, s13, $0xb8;
	[tilespmem:$0xEC40] =	vst v63  }
0xa0: {  	_ =	swait.ge [sflag:s5], $0xA00  }
0xa1: {  	p0 =	seq.s32 s12, $0x8C00;
	[sflag:s5] =	ssyncset.done $0x0  }
.Ltmp2:
0xa2: {  	s8 =	sadd.s32 $0x51E0, s9;
	[sflag:s5] =	ssyncadd.s32 $0xFFFFF600;
	(pc) =	sbr.rel @p0 .LBB2_4-.Ltmp2, $4  }
0xa3: {  	[tilespmem:s22], [sflag:$0x5] =	stream.indirect.gather [hbm4b:s4+s13], $0x20, s8, s13, $0xb8;
	[tilespmem:$0xEC40] =	vst v63  }
0xa4: {  	_ =	swait.ge [sflag:s6], $0xA00  }
0xa5: {  	[sflag:s6] =	ssyncset.done $0x0  }
0xa6: {  	[sflag:s6] =	ssyncadd.s32 $0xFFFFF600  }
0xa7: {  	s10 =	sadd.s32 $0x5230, s9  }
0xa8: {  	[tilespmem:s24], [sflag:$0x6] =	stream.indirect.gather [hbm4b:s4+s13], $0x20, s10, s13, $0xb8;
	[tilespmem:$0xEC40] =	vst v63  }
0xa9: {  	_ =	swait.ge [sflag:s7], $0xA00  }
0xaa: {  	[sflag:s7] =	ssyncset.done $0x0  }
0xab: {  	s8 =	sadd.s32 $0x5280, s9;
	[sflag:s7] =	ssyncadd.s32 $0xFFFFF600  }
0xac: {  	[tilespmem:s26], [sflag:$0x7] =	stream.indirect.gather [hbm4b:s4+s13], $0x20, s8, s13, $0xb8;
	[tilespmem:$0xEC40] =	vst v63  }
.Ltmp3:
0xad: {  	_ = 	snop;
	(pc) =	sbr.rel .LBB2_2-.Ltmp3, $4  }
0xae: {  	_ =	swait.ge [sflag:s11], $0xA00  }
0xaf: {  	[sflag:s11] =	ssyncset.done $0x0  }
0xb0: {  	s12 =	sadd.s32 $0xA00, s12;
	s10 =	sadd.s32 $0x52D0, s9;
	[sflag:s11] =	ssyncadd.s32 $0xFFFFF600  }
0xb1: {  	[tilespmem:s29], [sflag:$0x8] =	stream.indirect.gather [hbm4b:s4+s13], $0x20, s10, s13, $0xb8;
	[tilespmem:$0xEC40] =	vst v63  }
.LBB2_5:
0xb2: {  	_ =	sfence.sel $0x180000  }
0xb3: {  	[bflag:$0x0] =	sbarrier.arrive $0xFFFF  }
0xb4: {  	_ =	strace $0x9000004A  }
0xb5: {  	s0 =	stileid.u32;
	[bflag:$0x2] =	sbarrier.arrive $0xFFFF  }
0xb6: {  	p0 =	sne.s32 s0, $0x0;
	s0 =	rddreg [dreg:$0x2]  }
0xb7: {  	s0 =	sadd.s32 @!p0 $0x100000, s0  }
0xb8: {  	[sflag:s0] =	ssyncadd.tile.s32 @!p0 $0x1;
	_ =	shalt  }
.Lfunc_end2:
_tile_overlayer_lowered:
.L_overlay_start_2:
0xb9: {  	(tag) =	ssettag $0x2  }
0xba: {  	s0 =	rddreg [dreg:$0x0];
	s2 =	stileid.u32  }
0xbb: {  	s1 =	rddreg [dreg:$0x1];
	p0 =	sne.s32 s2, $0x0  }
0xbc: {  	s3 =	rddreg [dreg:$0x2];
	[bflag:$0x3] =	sbarrier.arrive $0xFFFF;
	s2 =	simm.s32 @!p0 $0x1C11  }
0xbd: {  	[timem:s3], [sflag:s2] =	dma.local @!p0 [hbm:s0], s1  }
0xbe: {  	s0 =	simm.s32 @!p0 $0x11  }
0xbf: {  	_ =	swait.ge @!p0 [sflag:s0], s1  }
0xc0: {  	s1 =	ssub.s32 @!p0 $0x0, s1;
	[sflag:s0] =	ssyncset.done @!p0 $0x0  }
0xc1: {  	[sflag:s0] =	ssyncadd.s32 @!p0 s1  }
0xc2: {  	[bflag:$0x3] =	sbarrier.arrive $0xFFFF  }
0xc3: {  	_ =	shalt  }

// kernel: kernel.15.cloned.1.call-start
scs
__scs_entry_jumppad:
0x0: {  	(pc) =	sbr.rel $0x88, $3  }
0x1: {  	(tag) =	ssettag $0x0;
	lr =	simm.s32 $0x1  }
0x2: {  	[smem:$0x3F93] =	sst lr;
	_ =	strace $0xD0000000  }
0x3: {  	_ = 	snop  }
0x4: {  	_ = 	snop  }
0x5: {  	_ = 	snop  }
0x6: {  	_ = 	snop  }
0x7: {  	_ = 	snop  }
__scs_overlays_trampoline_lowered:
0x8: {  	[smem:$0x3FA2] =	sst s0  }
0x9: {  	[smem:$0x3FA3] =	sst s1  }
0xa: {  	[smem:$0x3FA4] =	sst s2  }
0xb: {  	[smem:$0x3FA5] =	sst s3  }
0xc: {  	[smem:$0x3FA6] =	sst s4  }
0xd: {  	[smem:$0x3FA7] =	sst s5  }
0xe: {  	[smem:$0x3FA8] =	sst s6  }
0xf: {  	[smem:$0x3FA9] =	sst s7  }
0x10: {  	[smem:$0x3FAA] =	sst s8  }
0x11: {  	[smem:$0x3FAB] =	sst s9;
	s0 =	simm.s32 @!p0 $0x0  }
0x12: {  	s1 =	sld [smem:$0x3F91];
	s0 =	simm.s32 @p0 $0x1  }
0x13: {  	[smem:$0x3FAC] =	sst s0;
	s0 =	simm.s32 @!p1 $0x0  }
0x14: {  	s2 =	sld [smem:$0x3F90];
	s0 =	simm.s32 @p1 $0x1  }
0x15: {  	[smem:$0x3FAD] =	sst s0;
	s0 =	simm.s32 @!p2 $0x0  }
0x16: {  	s3 =	sld [smem:$0x3FDB];
	s0 =	simm.s32 @p2 $0x1  }
0x17: {  	s4 =	simm.s32 $0x1BF5;
	[smem:$0x3FAF] =	sst s0  }
0x18: {  	s0 =	sld [smem:$0x3F92];
	_ =	swait.ge [sflag:s4], $0x0  }
0x19: {  	s7 =	sld [smem:$0x3F93]  }
0x1a: {  	s8 =	sadd.s32 $0xFFFFE003, lr  }
0x1b: {  	s9 =	sadd.s32 $0xFFFFFEF7, lr;
	s5 =	simm.s32 $0xFFFFFFFF;
	p2 =	slt.u32 s8, $0xFFFFF086  }
0x1c: {  	p1 =	slt.u32 s9, $0xF7A;
	s5 =	simm.s32 @!p2 $0x0  }
0x1d: {  	s5 =	simm.s32 @p1 $0x1;
	p0 =	seq.s32 s7, s2  }
0x1e: {  	s7 =	smul.u32 @!p0 $0xF7A, s2;
	p2 =	seq.s32 @!p0 s5, $0x0  }
0x1f: {  	s9 =	smul.u32 $0xF7A, s1;
	s8 =	simm.s32 @!p0 $0x1BF5;
	p2 =	por !p2, p0  }
0x20: {  	[sflag:s8] =	ssyncset.s32 @!p0 $0xFFFFF086;
	s6 =	sadd.s32 @!p0 s3, s7;
	s7 =	simm.s32 @!p0 $0x108  }
0x21: {  	s3 =	sadd.s32 s3, s9;
	s6 =	sadd.s32 @!p0 $0x88, s6;
	s7 =	simm.s32 @p2 $0x1082  }
0x22: {  	[simem:s7], [sflag:s8] =	dma.local @!p0 [hbm:s6], $0xF7A  }
0x23: {  	s9 =	sor.u32 $0xD0000000, s2;
	s6 =	simm.s32 $0x108;
	_ =	swait.ge @!p0 [sflag:s8], $0x0  }
0x24: {  	s3 =	sadd.s32 $0x88, s3;
	s6 =	simm.s32 @!p1 $0x1082;
	[sflag:s4] =	ssyncset.s32 $0xFFFFF086  }
0x25: {  	[simem:s6], [sflag:s4] =	dma.local [hbm:s3], $0xF7A  }
0x26: {  	[smem:$0x3F93] =	sst s1;
	(tag) =	ssettag s2;
	_ =	strace s9  }
0x27: {  	s1 =	sld [smem:$0x3FA3]  }
0x28: {  	s2 =	sld [smem:$0x3FA4]  }
0x29: {  	s4 =	sld [smem:$0x3FA6]  }
0x2a: {  	p0 =	seq.s32 s5, $0x0;
	s5 =	sld [smem:$0x3FA7]  }
0x2b: {  	s6 =	sld [smem:$0x3FA8]  }
0x2c: {  	s7 =	sld [smem:$0x3FA9]  }
0x2d: {  	s3 =	simm.s32 $0x108;
	s8 =	sld [smem:$0x3FAA]  }
0x2e: {  	s3 =	simm.s32 @!p0 $0x1082;
	s9 =	sld [smem:$0x3FAB]  }
0x2f: {  	lr =	sadd.s32 s0, s3;
	s0 =	sld [smem:$0x3FA2]  }
0x30: {  	s3 =	sld [smem:$0x3FA5]  }
0x31: {  	[smem:$0x3FAE] =	sst s10  }
0x32: {  	s10 =	sld [smem:$0x3FAC];
	_ =	sdelay $0x3  }
0x33: {  	p0 =	seq.s32 s10, $0x1;
	s10 =	sld [smem:$0x3FAE];
	_ =	sdelay $0x3  }
0x34: {  	[smem:$0x3FAE] =	sst s10  }
0x35: {  	s10 =	sld [smem:$0x3FAD];
	_ =	sdelay $0x3  }
0x36: {  	p1 =	seq.s32 s10, $0x1;
	s10 =	sld [smem:$0x3FAE];
	_ =	sdelay $0x3  }
0x37: {  	[smem:$0x3FAE] =	sst s10  }
0x38: {  	s10 =	sld [smem:$0x3FAF]  }
0x39: {  	_ = 	snop;
	(pc) =	sbr.ind lr, $3  }
0x3a: {  	_ = 	snop  }
0x3b: {  	_ = 	snop  }
0x3c: {  	p2 =	seq.s32 s10, $0x1;
	s10 =	sld [smem:$0x3FAE]  }
0x3d: {  	_ =	shalt  }
0x3e: {  	_ =	shalt  }
0x3f: {  	_ =	shalt  }
0x40: {  	_ =	shalt  }
0x41: {  	_ =	shalt  }
0x42: {  	_ =	shalt  }
0x43: {  	_ =	shalt  }
0x44: {  	_ =	shalt  }
0x45: {  	_ =	shalt  }
0x46: {  	_ =	shalt  }
0x47: {  	_ =	shalt  }
0x48: {  	_ =	shalt  }
0x49: {  	_ =	shalt  }
0x4a: {  	_ =	shalt  }
0x4b: {  	_ =	shalt  }
0x4c: {  	_ =	shalt  }
0x4d: {  	_ =	shalt  }
0x4e: {  	_ =	shalt  }
0x4f: {  	_ =	shalt  }
0x50: {  	_ =	shalt  }
0x51: {  	_ =	shalt  }
0x52: {  	_ =	shalt  }
0x53: {  	_ =	shalt  }
0x54: {  	_ =	shalt  }
0x55: {  	_ =	shalt  }
0x56: {  	_ =	shalt  }
0x57: {  	_ =	shalt  }
0x58: {  	_ =	shalt  }
0x59: {  	_ =	shalt  }
0x5a: {  	_ =	shalt  }
0x5b: {  	_ =	shalt  }
0x5c: {  	_ =	shalt  }
0x5d: {  	_ =	shalt  }
0x5e: {  	_ =	shalt  }
0x5f: {  	_ =	shalt  }
0x60: {  	_ =	shalt  }
0x61: {  	_ =	shalt  }
0x62: {  	_ =	shalt  }
0x63: {  	_ =	shalt  }
0x64: {  	_ =	shalt  }
0x65: {  	_ =	shalt  }
0x66: {  	_ =	shalt  }
0x67: {  	_ =	shalt  }
0x68: {  	_ =	shalt  }
0x69: {  	_ =	shalt  }
0x6a: {  	_ =	shalt  }
0x6b: {  	_ =	shalt  }
0x6c: {  	_ =	shalt  }
0x6d: {  	_ =	shalt  }
0x6e: {  	_ =	shalt  }
0x6f: {  	_ =	shalt  }
0x70: {  	_ =	shalt  }
0x71: {  	_ =	shalt  }
0x72: {  	_ =	shalt  }
0x73: {  	_ =	shalt  }
0x74: {  	_ =	shalt  }
0x75: {  	_ =	shalt  }
0x76: {  	_ =	shalt  }
0x77: {  	_ =	shalt  }
0x78: {  	_ =	shalt  }
0x79: {  	_ =	shalt  }
0x7a: {  	_ =	shalt  }
0x7b: {  	_ =	shalt  }
0x7c: {  	_ =	shalt  }
0x7d: {  	_ =	shalt  }
0x7e: {  	_ =	shalt  }
0x7f: {  	_ =	shalt  }
0x80: {  	_ =	shalt  }
0x81: {  	_ =	shalt  }
0x82: {  	_ =	shalt  }
0x83: {  	_ =	shalt  }
0x84: {  	_ =	shalt  }
0x85: {  	_ =	shalt  }
0x86: {  	_ =	shalt  }
0x87: {  	_ =	shalt  }
.Lfunc_end0:
.L_simem_size_0:
called_computation.2_lowered:
.L_overlay_start_0:
0x88: {  	s2 =	sld [smem:$0x3FD9]  }
0x89: {  	s3 =	sld [smem:$0x3FFE];
	_ =	sdelay $0x1  }
0x8a: {  	s1 =	srdreg.scid  }
0x8b: {  	s0 =	sand.u32 $0x1, s1  }
0x8c: {  	s16 =	sshll.u32 s0, $0xA;
	s2 =	sadd.s32 s3, s2  }
0x8d: {  	s2 =	sadd.s32 s2, s16  }
0x8e: {  	[smem:$0x3FBA] =	sst s2  }
0x8f: {  	_ = 	snop  }
0x90: {  	(tm) =	ssettm $0x1  }
0x91: {  	s17 =	sld [smem:$0x3FFB];
	_ =	sdelay $0x3  }
0x92: {  	_ =	strace s17  }
0x93: {  	s2 =	sld [smem:$0x3FFC];
	_ =	sdelay $0x3  }
0x94: {  	_ =	strace s2  }
0x95: {  	s2 =	sld [smem:$0x3FFD];
	_ =	sdelay $0x3  }
0x96: {  	_ =	strace s2  }
0x97: {  	_ =	strace $0x8FFFFFFF  }
0x98: {  	s18 =	sld [smem:$0x3FDB];
	_ =	sdelay $0x1  }
0x99: {  	s19 =	simm.s32 $_scs_section_size  }
0x9a: {  	s4 =	simm.s32 $_size__tile_overlayer_lowered;
	s5 =	simm.s32 $_tile_overlayer_lowered  }
0x9b: {  	s22 =	simm.s32 $0x1BFF;
	s21 =	sshll.u32 s5, $0x1;
	s2 =	sadd.s32 s19, s18  }
0x9c: {  	s6 =	simm.s32 $0x0;
	s20 =	sshll.u32 s4, $0x1;
	s4 =	sadd.s32 s21, s2  }
0x9d: {  	[timem:s6], [sflag:s22] =	dma.local [hbm:s4], s20  }
0x9e: {  	_ =	swait.ge [sflag:s22], s20  }
0x9f: {  	s3 =	ssub.s32 $0x0, s20;
	[sflag:s22] =	ssyncset.done $0x0  }
0xa0: {  	[sflag:s22] =	ssyncadd.s32 s3;
	_ =	sdelay $0x1  }
0xa1: {  	s23 =	simm.s32 $0x1B8B  }
0xa2: {  	_ =	swait.ge [sflag:s23], $0x1  }
0xa3: {  	[sflag:s23] =	ssyncset.done $0x0  }
0xa4: {  	s25 =	simm.s32 $0x1B8E;
	s24 =	sld [smem:$0x3FFE];
	[sflag:s23] =	ssyncadd.s32 $0xFFFFFFFF  }
0xa5: {  	s26 =	simm.s32 $execute0_lowered;
	[smem:$0x3FD2] =	sst s25  }
0xa6: {  	s4 =	sshll.u32 s26, $0x1;
	_ =	strace $0x8000004C;
	[dreg:$0x1] =	wrdreg $0xFFFFFFFF  }
0xa7: {  	s28 =	simm.s32 $_size_execute0_lowered;
	s2 =	sadd.s32 s2, s4;
	[dreg:$0x0] =	wrdreg $0x0  }
0xa8: {  	s4 =	sshll.u32 s28, $0x1;
	[dreg:$0x2] =	wrdreg s2  }
0xa9: {  	[dreg:$0x3] =	wrdreg s4  }
0xaa: {  	[dreg:$0x4] =	wrdreg $0xC0  }
0xab: {  	_ =	task [dreg:s6], $0x5FFFF  }
0xac: {  	[dreg:$0x1] =	wrdreg $0xFFFFFFFF  }
0xad: {  	[dreg:$0x0] =	wrdreg $0x60  }
0xae: {  	[dreg:$0x2] =	wrdreg s24  }
0xaf: {  	[dreg:$0x3] =	wrdreg $0x0  }
0xb0: {  	[dreg:$0x4] =	wrdreg $0x9  }
0xb1: {  	_ =	task.clear_ibuf [dreg:s6], $0x5FFFF;
	_ =	strace $0x9000004C  }
0xb2: {  	s29 =	simm.s32 $0x9;
	_ =	strace $0x8000004E  }
0xb3: {  	_ =	swait.ge [sflag:s29], $0x1  }
0xb4: {  	[sflag:s29] =	ssyncadd.s32 $0xFFFFFFFF  }
0xb5: {  	_ =	strace $0x9000004E  }
0xb6: {  	_ =	sfence  }
0xb7: {  	s30 =	sld [smem:$0x0];
	_ =	sdelay $0x2  }
0xb8: {  	s31 =	sshll.u32 s1, $0xD;
	s1 =	sshrl.u32 s1, $0x2  }
0xb9: {  	s3 =	sand.u32 $0x4000, s31;
	s1 =	sadd.s32 s1, s30  }
0xba: {  	s0 =	sor.u32 s3, s0;
	s1 =	sshll.u32 s1, $0x11  }
0xbb: {  	s0 =	sor.u32 s1, s0  }
0xbc: {  	s0 =	sadd.s32 $0x8F2B, s0  }
0xbd: {  	[sflag:s0] =	ssyncadd.remote.s32 $0x1  }
0xbe: {  	_ =	sfence.sel $0xFFFF  }
0xbf: {  	[dreg:$0x0] =	wrdreg $0xFFFFFFFF;
	(pc) =	sbr.abs _section_cstart, $3  }
0xc0: {  	[dreg:$0x1] =	wrdreg $0xFFFFFFFF  }
0xc1: {  	_ =	task.clear_ibuf [dreg:s6], $0x2FFFF;
	_ =	strace $0x9FFFFFFF  }
0xc2: {  	(tm) =	ssettm $0x7FFFFFFF  }
0xc3: {  	_ =	shalt  }
tec
execute0_lowered:
.L_overlay_start_1:
0x0: {  	(tag) =	ssettag $0x1  }
0x1: {  	s0 =	srdreg.scid  }
0x2: {  	s4 =	stileid.u32;
	s3 =	rddreg [dreg:$0x0]  }
0x3: {  	s2 =	rddreg [dreg:$0x1];
	s6 =	simm.s32 $0x0;
	s13 =	simm.s32 $0x50  }
0x4: {  	s14 =	simm.s32 $0x9C40;
	s16 =	simm.s32 $0xA640;
	s18 =	simm.s32 $0xB040  }
0x5: {  	s20 =	simm.s32 $0xBA40;
	s22 =	simm.s32 $0xC440;
	s29 =	simm.s32 $0xE240  }
0x6: {  	s31 =	simm.s32 $0x9;
	s15 =	simm.s32 $0x2;
	s17 =	simm.s32 $0x3  }
0x7: {  	s19 =	simm.s32 $0x4;
	s21 =	simm.s32 $0x5;
	s28 =	simm.s32 $0x8  }
0x8: {  	s30 =	simm.s32 $0xB;
	s11 =	simm.s32 $0x10;
	s10 =	simm.s32 $0x0  }
0x9: {  	s0 =	sand.u32 $0x1, s0;
	s5 =	smul.u32 $0x9C40, s4;
	[smem:$0x7FF] =	sst s6  }
0xa: {  	s1 =	sshll.u32 s0, $0x4;
	s23 =	smul.u32 $0x9C400, s0;
	_ =	strace $0x8000004D  }
0xb: {  	s0 =	ssub.s32 $0x2, s0;
	s1 =	sor.u32 s4, s1;
	s4 =	sadd.s32 $0x2600, s3  }
0xc: {  	s7 =	sshrl.u32 s0, $0x1;
	s24 =	sshrl.u32 s5, $0x1;
	s1 =	smul.u32 $0x2710, s1  }
0xd: {  	s6 =	sadd.s32 s5, s23;
	s0 =	ssub.s32 s0, s7;
	s5 =	sshrl.u32 s5, $0x4  }
0xe: {  	s23 =	simm.s32 $0x6;
	s7 =	simm.s32 $0xF;
	s5 =	sadd.s32 s4, s5  }
0xf: {  	s6 =	sshrl.u32 s6, $0x4;
	s0 =	smax.u32 s0, $0x1;
	[dreg:$0x5] =	wrdreg s5  }
0x10: {  	s1 =	sshrl.u32 s1, $0x3;
	[dreg:$0x8] =	wrdreg s0;
	s0 =	simm.s32 $0x1  }
0x11: {  	s1 =	sadd.s32 s1, s3;
	s3 =	sadd.s32 s6, s3;
	s6 =	sadd.s32 s24, s2  }
.Ltmp0:
0x12: {  	s25 =	sadd.s32 $0xC400, s1;
	[dreg:$0x4] =	wrdreg s6;
	(pc) =	sbr.rel .LBB2_1-.Ltmp0, $4  }
0x13: {  	s5 =	simm.s32 $0xD;
	s1 =	sadd.s32 $0x16040, s1;
	[dreg:$0x3] =	wrdreg s25  }
0x14: {  	s24 =	simm.s32 $0xCE40;
	s26 =	sadd.s32 $0x1FE00, s3;
	[dreg:$0x6] =	wrdreg s1  }
0x15: {  	s3 =	simm.s32 $0xC;
	s6 =	simm.s32 $0xE;
	[dreg:$0x7] =	wrdreg s26  }
0x16: {  	s26 =	simm.s32 $0xD840;
	s1 =	simm.s32 $0xA;
	s25 =	simm.s32 $0x7  }
.LBB2_4:
0x17: {  	_ =	swait.ge [sflag:s7], $0xA00  }
0x18: {  	[sflag:s7] =	ssyncset.done $0x0  }
0x19: {  	[sflag:s7] =	ssyncadd.s32 $0xFFFFF600  }
0x1a: {  	_ =	swait.ge [sflag:s11], $0xA00  }
0x1b: {  	[sflag:s11] =	ssyncset.done $0x0  }
0x1c: {  	[sflag:s11] =	ssyncadd.s32 $0xFFFFF600  }
0x1d: {  	_ =	swait.ge [sflag:s0], $0xA00  }
0x1e: {  	[sflag:s0] =	ssyncset.done $0x0  }
0x1f: {  	s8 =	simm.s32 $0x9AB0;
	[sflag:s0] =	ssyncadd.s32 $0xFFFFF600  }
0x20: {  	[spmem:s2] =	stream.indirect.scatter.add.bf16 [tilespmem:s14], [sflag:$0x9], $0x20, s8, s13, $0xb8;
	[tilespmem:$0xEC40] =	vst v63  }
0x21: {  	_ =	swait.ge [sflag:s15], $0xA00  }
0x22: {  	[sflag:s15] =	ssyncset.done $0x0  }
0x23: {  	s9 =	simm.s32 $0x9B00;
	[sflag:s15] =	ssyncadd.s32 $0xFFFFF600  }
0x24: {  	[spmem:s2] =	stream.indirect.scatter.add.bf16 [tilespmem:s16], [sflag:$0xA], $0x20, s9, s13, $0xb8;
	[tilespmem:$0xEC40] =	vst v63  }
0x25: {  	_ =	swait.ge [sflag:s17], $0xA00  }
0x26: {  	[sflag:s17] =	ssyncset.done $0x0  }
0x27: {  	s10 =	simm.s32 $0x9B50;
	[sflag:s17] =	ssyncadd.s32 $0xFFFFF600  }
0x28: {  	[spmem:s2] =	stream.indirect.scatter.add.bf16 [tilespmem:s18], [sflag:$0xB], $0x20, s10, s13, $0xb8;
	[tilespmem:$0xEC40] =	vst v63  }
0x29: {  	_ =	swait.ge [sflag:s19], $0xA00  }
0x2a: {  	[sflag:s19] =	ssyncset.done $0x0  }
0x2b: {  	s12 =	simm.s32 $0x9BA0;
	[sflag:s19] =	ssyncadd.s32 $0xFFFFF600  }
0x2c: {  	[spmem:s2] =	stream.indirect.scatter.add.bf16 [tilespmem:s20], [sflag:$0xC], $0x20, s12, s13, $0xb8;
	[tilespmem:$0xEC40] =	vst v63  }
0x2d: {  	_ =	swait.ge [sflag:s21], $0xA00  }
0x2e: {  	[sflag:s21] =	ssyncset.done $0x0  }
0x2f: {  	s9 =	simm.s32 $0x9BF0;
	[sflag:s21] =	ssyncadd.s32 $0xFFFFF600  }
0x30: {  	[spmem:s2] =	stream.indirect.scatter.add.bf16 [tilespmem:s22], [sflag:$0xD], $0x20, s9, s13, $0xb8;
	[tilespmem:$0xEC40] =	vst v63  }
0x31: {  	_ =	swait.ge [sflag:s31], $0xA00  }
0x32: {  	[sflag:s31] =	ssyncset.done $0x0  }
0x33: {  	[sflag:s31] =	ssyncadd.s32 $0xFFFFF600  }
0x34: {  	_ =	swait.ge [sflag:s1], $0xA00  }
0x35: {  	[sflag:s1] =	ssyncset.done $0x0  }
0x36: {  	[sflag:s1] =	ssyncadd.s32 $0xFFFFF600  }
0x37: {  	_ =	swait.ge [sflag:s30], $0xA00  }
0x38: {  	[sflag:s30] =	ssyncset.done $0x0  }
0x39: {  	[sflag:s30] =	ssyncadd.s32 $0xFFFFF600  }
0x3a: {  	_ =	swait.ge [sflag:s3], $0xA00  }
0x3b: {  	[sflag:s3] =	ssyncset.done $0x0  }
0x3c: {  	[sflag:s3] =	ssyncadd.s32 $0xFFFFF600  }
0x3d: {  	_ =	swait.ge [sflag:s5], $0xA00  }
0x3e: {  	[sflag:s5] =	ssyncset.done $0x0  }
0x3f: {  	[sflag:s5] =	ssyncadd.s32 $0xFFFFF600  }
0x40: {  	[bflag:$0x0] =	sbarrier.arrive $0xFFFF  }
0x41: {  	s10 =	rddreg [dreg:$0xa]  }
0x42: {  	s12 =	rddreg [dreg:$0xb]  }
0x43: {  	s8 =	simm.s32 $0x11;
	s9 =	sor.u32 $0x1C11, s10;
	s10 =	rddreg [dreg:$0x7]  }
0x44: {  	[hbm:s10], [sflag:s9] =	dma.local [spmem:s12], $0x9C4  }
0x45: {  	_ =	swait.ge [sflag:s8], $0x9C4  }
0x46: {  	s9 =	rddreg [dreg:$0x9]  }
0x47: {  	s12 =	rddreg [dreg:$0x8];
	s10 =	sadd.s32 $0x1, s9  }
0x48: {  	p0 =	sne.s32 s10, s12  }
.Ltmp1:
0x49: {  	_ = 	snop;
	(pc) =	sbr.rel @!p0 .LBB2_5-.Ltmp1, $3  }
0x4a: {  	_ =	sdelay $0x1  }
0x4b: {  	[sflag:s8] =	ssyncset.done $0x0  }
0x4c: {  	[sflag:s8] =	ssyncadd.s32 $0xFFFFF63C  }
.LBB2_1:
0x4d: {  	[dreg:$0x9] =	wrdreg s10;
	s8 =	simm.s32 $0x11  }
0x4e: {  	s10 =	simm.s32 $0x0;
	s9 =	rddreg [dreg:$0x3];
	s12 =	simm.s32 $0x4E20  }
0x4f: {  	[tilespmem:s12], [sflag:$0x11] =	stream.linear.gather [hbm4b:s9+s10], $0x2710, $0x38;
	[tilespmem:$0xEC40] =	vst v63  }
0x50: {  	_ =	swait.ge [sflag:s8], $0x2710  }
0x51: {  	[sflag:s8] =	ssyncset.done $0x0  }
0x52: {  	[sflag:s8] =	ssyncadd.s32 $0xFFFFD8F0  }
0x53: {  	[tilespmem:s14], [sflag:$0x1] =	stream.indirect.gather [hbm4b:s4+s13], $0x20, s12, s13, $0xb8;
	[tilespmem:$0xEC40] =	vst v63  }
0x54: {  	s12 =	simm.s32 $0x4E70  }
0x55: {  	[tilespmem:s16], [sflag:$0x2] =	stream.indirect.gather [hbm4b:s4+s13], $0x20, s12, s13, $0xb8;
	[tilespmem:$0xEC40] =	vst v63  }
0x56: {  	s9 =	simm.s32 $0x4EC0  }
0x57: {  	[tilespmem:s18], [sflag:$0x3] =	stream.indirect.gather [hbm4b:s4+s13], $0x20, s9, s13, $0xb8;
	[tilespmem:$0xEC40] =	vst v63  }
0x58: {  	s12 =	simm.s32 $0x4F10  }
0x59: {  	[tilespmem:s20], [sflag:$0x4] =	stream.indirect.gather [hbm4b:s4+s13], $0x20, s12, s13, $0xb8;
	[tilespmem:$0xEC40] =	vst v63  }
0x5a: {  	s9 =	simm.s32 $0x4F60  }
0x5b: {  	[tilespmem:s22], [sflag:$0x5] =	stream.indirect.gather [hbm4b:s4+s13], $0x20, s9, s13, $0xb8;
	[tilespmem:$0xEC40] =	vst v63  }
0x5c: {  	s12 =	simm.s32 $0x4FB0  }
0x5d: {  	[tilespmem:s24], [sflag:$0x6] =	stream.indirect.gather [hbm4b:s4+s13], $0x20, s12, s13, $0xb8;
	[tilespmem:$0xEC40] =	vst v63  }
0x5e: {  	s9 =	simm.s32 $0x5000  }
0x5f: {  	[tilespmem:s26], [sflag:$0x7] =	stream.indirect.gather [hbm4b:s4+s13], $0x20, s9, s13, $0xb8;
	[tilespmem:$0xEC40] =	vst v63  }
0x60: {  	s8 =	stileid.u32;
	s12 =	simm.s32 $0x5050  }
0x61: {  	[tilespmem:s29], [sflag:$0x8] =	stream.indirect.gather [hbm4b:s4+s13], $0x20, s12, s13, $0xb8;
	[tilespmem:$0xEC40] =	vst v63  }
0x62: {  	s12 =	sshll.u32 s8, $0x6;
	s8 =	rddreg [dreg:$0x4]  }
0x63: {  	[dreg:$0xa] =	wrdreg s12  }
0x64: {  	s9 =	sor.u32 $0x1C09, s12;
	s8 =	sshrl.u32 s8, $0x3;
	s12 =	rddreg [dreg:$0x5]  }
0x65: {  	[dreg:$0xb] =	wrdreg s8  }
0x66: {  	[spmem:s8], [sflag:s9] =	dma.local [hbm:s12], $0x9C4  }
0x67: {  	s12 =	simm.s32 $0x7530;
	s9 =	rddreg [dreg:$0x6]  }
0x68: {  	[tilespmem:s12], [sflag:$0xA] =	stream.linear.gather [hbm4b:s9+s10], $0x2710, $0x38;
	[tilespmem:$0xEC40] =	vst v63  }
0x69: {  	_ =	swait.ge [sflag:s31], $0x9C4  }
0x6a: {  	[sflag:s31] =	ssyncset.done $0x0  }
0x6b: {  	[sflag:s31] =	ssyncadd.s32 $0xFFFFF63C  }
0x6c: {  	_ =	swait.ge [sflag:s1], $0x2710  }
0x6d: {  	[sflag:s1] =	ssyncset.done $0x0  }
0x6e: {  	[sflag:s1] =	ssyncadd.s32 $0xFFFFD8F0  }
0x6f: {  	s12 =	simm.s32 $0x0;
	[bflag:$0x0] =	sbarrier.arrive $0xFFFF  }
.LBB2_2:
0x70: {  	_ =	swait.ge [sflag:s0], $0xA00  }
0x71: {  	s9 =	sshra.s32 s12, $0x2;
	[sflag:s0] =	ssyncset.done $0x0  }
0x72: {  	s10 =	sadd.s32 $0x7530, s9;
	[sflag:s0] =	ssyncadd.s32 $0xFFFFF600  }
0x73: {  	[spmem:s2] =	stream.indirect.scatter.add.bf16 [tilespmem:s14], [sflag:$0x9], $0x20, s10, s13, $0xb8;
	[tilespmem:$0xEC40] =	vst v63  }
0x74: {  	_ =	swait.ge [sflag:s15], $0xA00  }
0x75: {  	[sflag:s15] =	ssyncset.done $0x0  }
0x76: {  	s8 =	sadd.s32 $0x7580, s9;
	[sflag:s15] =	ssyncadd.s32 $0xFFFFF600  }
0x77: {  	[spmem:s2] =	stream.indirect.scatter.add.bf16 [tilespmem:s16], [sflag:$0xA], $0x20, s8, s13, $0xb8;
	[tilespmem:$0xEC40] =	vst v63  }
0x78: {  	_ =	swait.ge [sflag:s17], $0xA00  }
0x79: {  	[sflag:s17] =	ssyncset.done $0x0  }
0x7a: {  	s8 =	sadd.s32 $0x75D0, s9;
	[sflag:s17] =	ssyncadd.s32 $0xFFFFF600  }
0x7b: {  	[spmem:s2] =	stream.indirect.scatter.add.bf16 [tilespmem:s18], [sflag:$0xB], $0x20, s8, s13, $0xb8;
	[tilespmem:$0xEC40] =	vst v63  }
0x7c: {  	_ =	swait.ge [sflag:s19], $0xA00  }
0x7d: {  	[sflag:s19] =	ssyncset.done $0x0  }
0x7e: {  	s8 =	sadd.s32 $0x7620, s9;
	[sflag:s19] =	ssyncadd.s32 $0xFFFFF600  }
0x7f: {  	[spmem:s2] =	stream.indirect.scatter.add.bf16 [tilespmem:s20], [sflag:$0xC], $0x20, s8, s13, $0xb8;
	[tilespmem:$0xEC40] =	vst v63  }
0x80: {  	_ =	swait.ge [sflag:s21], $0xA00  }
0x81: {  	[sflag:s21] =	ssyncset.done $0x0  }
0x82: {  	s8 =	sadd.s32 $0x7670, s9;
	[sflag:s21] =	ssyncadd.s32 $0xFFFFF600  }
0x83: {  	[spmem:s2] =	stream.indirect.scatter.add.bf16 [tilespmem:s22], [sflag:$0xD], $0x20, s8, s13, $0xb8;
	[tilespmem:$0xEC40] =	vst v63  }
0x84: {  	_ =	swait.ge [sflag:s23], $0xA00  }
0x85: {  	[sflag:s23] =	ssyncset.done $0x0  }
0x86: {  	s8 =	sadd.s32 $0x76C0, s9;
	[sflag:s23] =	ssyncadd.s32 $0xFFFFF600  }
0x87: {  	[spmem:s2] =	stream.indirect.scatter.add.bf16 [tilespmem:s24], [sflag:$0xE], $0x20, s8, s13, $0xb8;
	[tilespmem:$0xEC40] =	vst v63  }
0x88: {  	_ =	swait.ge [sflag:s25], $0xA00  }
0x89: {  	[sflag:s25] =	ssyncset.done $0x0  }
0x8a: {  	s8 =	sadd.s32 $0x7710, s9;
	[sflag:s25] =	ssyncadd.s32 $0xFFFFF600  }
0x8b: {  	[spmem:s2] =	stream.indirect.scatter.add.bf16 [tilespmem:s26], [sflag:$0xF], $0x20, s8, s13, $0xb8;
	[tilespmem:$0xEC40] =	vst v63  }
0x8c: {  	_ =	swait.ge [sflag:s28], $0xA00  }
0x8d: {  	[sflag:s28] =	ssyncset.done $0x0  }
0x8e: {  	s8 =	sadd.s32 $0x7760, s9;
	[sflag:s28] =	ssyncadd.s32 $0xFFFFF600  }
0x8f: {  	[spmem:s2] =	stream.indirect.scatter.add.bf16 [tilespmem:s29], [sflag:$0x10], $0x20, s8, s13, $0xb8;
	[tilespmem:$0xEC40] =	vst v63  }
0x90: {  	_ =	swait.ge [sflag:s31], $0xA00  }
0x91: {  	[sflag:s31] =	ssyncset.done $0x0  }
0x92: {  	s8 =	sadd.s32 $0x50A0, s9;
	[sflag:s31] =	ssyncadd.s32 $0xFFFFF600  }
0x93: {  	[tilespmem:s14], [sflag:$0x1] =	stream.indirect.gather [hbm4b:s4+s13], $0x20, s8, s13, $0xb8;
	[tilespmem:$0xEC40] =	vst v63  }
0x94: {  	_ =	swait.ge [sflag:s1], $0xA00  }
0x95: {  	[sflag:s1] =	ssyncset.done $0x0  }
0x96: {  	s8 =	sadd.s32 $0x50F0, s9;
	[sflag:s1] =	ssyncadd.s32 $0xFFFFF600  }
0x97: {  	[tilespmem:s16], [sflag:$0x2] =	stream.indirect.gather [hbm4b:s4+s13], $0x20, s8, s13, $0xb8;
	[tilespmem:$0xEC40] =	vst v63  }
0x98: {  	_ =	swait.ge [sflag:s30], $0xA00  }
0x99: {  	[sflag:s30] =	ssyncset.done $0x0  }
0x9a: {  	s8 =	sadd.s32 $0x5140, s9;
	[sflag:s30] =	ssyncadd.s32 $0xFFFFF600  }
0x9b: {  	[tilespmem:s18], [sflag:$0x3] =	stream.indirect.gather [hbm4b:s4+s13], $0x20, s8, s13, $0xb8;
	[tilespmem:$0xEC40] =	vst v63  }
0x9c: {  	_ =	swait.ge [sflag:s3], $0xA00  }
0x9d: {  	[sflag:s3] =	ssyncset.done $0x0  }
0x9e: {  	s8 =	sadd.s32 $0x5190, s9;
	[sflag:s3] =	ssyncadd.s32 $0xFFFFF600  }
0x9f: {  	[tilespmem:s20], [sflag:$0x4] =	stream.indirect.gather [hbm4b:s4+s13], $0x20, s8, s13, $0xb8;
	[tilespmem:$0xEC40] =	vst v63  }
0xa0: {  	_ =	swait.ge [sflag:s5], $0xA00  }
0xa1: {  	p0 =	seq.s32 s12, $0x8C00;
	[sflag:s5] =	ssyncset.done $0x0  }
.Ltmp2:
0xa2: {  	s8 =	sadd.s32 $0x51E0, s9;
	[sflag:s5] =	ssyncadd.s32 $0xFFFFF600;
	(pc) =	sbr.rel @p0 .LBB2_4-.Ltmp2, $4  }
0xa3: {  	[tilespmem:s22], [sflag:$0x5] =	stream.indirect.gather [hbm4b:s4+s13], $0x20, s8, s13, $0xb8;
	[tilespmem:$0xEC40] =	vst v63  }
0xa4: {  	_ =	swait.ge [sflag:s6], $0xA00  }
0xa5: {  	[sflag:s6] =	ssyncset.done $0x0  }
0xa6: {  	[sflag:s6] =	ssyncadd.s32 $0xFFFFF600  }
0xa7: {  	s10 =	sadd.s32 $0x5230, s9  }
0xa8: {  	[tilespmem:s24], [sflag:$0x6] =	stream.indirect.gather [hbm4b:s4+s13], $0x20, s10, s13, $0xb8;
	[tilespmem:$0xEC40] =	vst v63  }
0xa9: {  	_ =	swait.ge [sflag:s7], $0xA00  }
0xaa: {  	[sflag:s7] =	ssyncset.done $0x0  }
0xab: {  	s8 =	sadd.s32 $0x5280, s9;
	[sflag:s7] =	ssyncadd.s32 $0xFFFFF600  }
0xac: {  	[tilespmem:s26], [sflag:$0x7] =	stream.indirect.gather [hbm4b:s4+s13], $0x20, s8, s13, $0xb8;
	[tilespmem:$0xEC40] =	vst v63  }
.Ltmp3:
0xad: {  	_ = 	snop;
	(pc) =	sbr.rel .LBB2_2-.Ltmp3, $4  }
0xae: {  	_ =	swait.ge [sflag:s11], $0xA00  }
0xaf: {  	[sflag:s11] =	ssyncset.done $0x0  }
0xb0: {  	s12 =	sadd.s32 $0xA00, s12;
	s10 =	sadd.s32 $0x52D0, s9;
	[sflag:s11] =	ssyncadd.s32 $0xFFFFF600  }
0xb1: {  	[tilespmem:s29], [sflag:$0x8] =	stream.indirect.gather [hbm4b:s4+s13], $0x20, s10, s13, $0xb8;
	[tilespmem:$0xEC40] =	vst v63  }
.LBB2_5:
0xb2: {  	_ =	sfence.sel $0x180000  }
0xb3: {  	[bflag:$0x0] =	sbarrier.arrive $0xFFFF  }
0xb4: {  	_ =	strace $0x9000004D  }
0xb5: {  	s0 =	stileid.u32;
	[bflag:$0x2] =	sbarrier.arrive $0xFFFF  }
0xb6: {  	p0 =	sne.s32 s0, $0x0;
	s0 =	rddreg [dreg:$0x2]  }
0xb7: {  	s0 =	sadd.s32 @!p0 $0x100000, s0  }
0xb8: {  	[sflag:s0] =	ssyncadd.tile.s32 @!p0 $0x1;
	_ =	shalt  }
.Lfunc_end2:
_tile_overlayer_lowered:
.L_overlay_start_2:
0xb9: {  	(tag) =	ssettag $0x2  }
0xba: {  	s0 =	rddreg [dreg:$0x0];
	s2 =	stileid.u32  }
0xbb: {  	s1 =	rddreg [dreg:$0x1];
	p0 =	sne.s32 s2, $0x0  }
0xbc: {  	s3 =	rddreg [dreg:$0x2];
	[bflag:$0x3] =	sbarrier.arrive $0xFFFF;
	s2 =	simm.s32 @!p0 $0x1C11  }
0xbd: {  	[timem:s3], [sflag:s2] =	dma.local @!p0 [hbm:s0], s1  }
0xbe: {  	s0 =	simm.s32 @!p0 $0x11  }
0xbf: {  	_ =	swait.ge @!p0 [sflag:s0], s1  }
0xc0: {  	s1 =	ssub.s32 @!p0 $0x0, s1;
	[sflag:s0] =	ssyncset.done @!p0 $0x0  }
0xc1: {  	[sflag:s0] =	ssyncadd.s32 @!p0 s1  }
0xc2: {  	[bflag:$0x3] =	sbarrier.arrive $0xFFFF  }
0xc3: {  	_ =	shalt  }

// kernel: kernel.9.cloned.1.call-start
scs
__scs_entry_jumppad:
0x0: {  	(pc) =	sbr.rel $0x88, $3  }
0x1: {  	(tag) =	ssettag $0x0;
	lr =	simm.s32 $0x1  }
0x2: {  	[smem:$0x3F93] =	sst lr;
	_ =	strace $0xD0000000  }
0x3: {  	_ = 	snop  }
0x4: {  	_ = 	snop  }
0x5: {  	_ = 	snop  }
0x6: {  	_ = 	snop  }
0x7: {  	_ = 	snop  }
__scs_overlays_trampoline_lowered:
0x8: {  	[smem:$0x3FA2] =	sst s0  }
0x9: {  	[smem:$0x3FA3] =	sst s1  }
0xa: {  	[smem:$0x3FA4] =	sst s2  }
0xb: {  	[smem:$0x3FA5] =	sst s3  }
0xc: {  	[smem:$0x3FA6] =	sst s4  }
0xd: {  	[smem:$0x3FA7] =	sst s5  }
0xe: {  	[smem:$0x3FA8] =	sst s6  }
0xf: {  	[smem:$0x3FA9] =	sst s7  }
0x10: {  	[smem:$0x3FAA] =	sst s8  }
0x11: {  	[smem:$0x3FAB] =	sst s9;
	s0 =	simm.s32 @!p0 $0x0  }
0x12: {  	s1 =	sld [smem:$0x3F91];
	s0 =	simm.s32 @p0 $0x1  }
0x13: {  	[smem:$0x3FAC] =	sst s0;
	s0 =	simm.s32 @!p1 $0x0  }
0x14: {  	s2 =	sld [smem:$0x3F90];
	s0 =	simm.s32 @p1 $0x1  }
0x15: {  	[smem:$0x3FAD] =	sst s0;
	s0 =	simm.s32 @!p2 $0x0  }
0x16: {  	s3 =	sld [smem:$0x3FDB];
	s0 =	simm.s32 @p2 $0x1  }
0x17: {  	s4 =	simm.s32 $0x1BF5;
	[smem:$0x3FAF] =	sst s0  }
0x18: {  	s0 =	sld [smem:$0x3F92];
	_ =	swait.ge [sflag:s4], $0x0  }
0x19: {  	s7 =	sld [smem:$0x3F93]  }
0x1a: {  	s8 =	sadd.s32 $0xFFFFE003, lr  }
0x1b: {  	s9 =	sadd.s32 $0xFFFFFEF7, lr;
	s5 =	simm.s32 $0xFFFFFFFF;
	p2 =	slt.u32 s8, $0xFFFFF086  }
0x1c: {  	p1 =	slt.u32 s9, $0xF7A;
	s5 =	simm.s32 @!p2 $0x0  }
0x1d: {  	s5 =	simm.s32 @p1 $0x1;
	p0 =	seq.s32 s7, s2  }
0x1e: {  	s7 =	smul.u32 @!p0 $0xF7A, s2;
	p2 =	seq.s32 @!p0 s5, $0x0  }
0x1f: {  	s9 =	smul.u32 $0xF7A, s1;
	s8 =	simm.s32 @!p0 $0x1BF5;
	p2 =	por !p2, p0  }
0x20: {  	[sflag:s8] =	ssyncset.s32 @!p0 $0xFFFFF086;
	s6 =	sadd.s32 @!p0 s3, s7;
	s7 =	simm.s32 @!p0 $0x108  }
0x21: {  	s3 =	sadd.s32 s3, s9;
	s6 =	sadd.s32 @!p0 $0x88, s6;
	s7 =	simm.s32 @p2 $0x1082  }
0x22: {  	[simem:s7], [sflag:s8] =	dma.local @!p0 [hbm:s6], $0xF7A  }
0x23: {  	s9 =	sor.u32 $0xD0000000, s2;
	s6 =	simm.s32 $0x108;
	_ =	swait.ge @!p0 [sflag:s8], $0x0  }
0x24: {  	s3 =	sadd.s32 $0x88, s3;
	s6 =	simm.s32 @!p1 $0x1082;
	[sflag:s4] =	ssyncset.s32 $0xFFFFF086  }
0x25: {  	[simem:s6], [sflag:s4] =	dma.local [hbm:s3], $0xF7A  }
0x26: {  	[smem:$0x3F93] =	sst s1;
	(tag) =	ssettag s2;
	_ =	strace s9  }
0x27: {  	s1 =	sld [smem:$0x3FA3]  }
0x28: {  	s2 =	sld [smem:$0x3FA4]  }
0x29: {  	s4 =	sld [smem:$0x3FA6]  }
0x2a: {  	p0 =	seq.s32 s5, $0x0;
	s5 =	sld [smem:$0x3FA7]  }
0x2b: {  	s6 =	sld [smem:$0x3FA8]  }
0x2c: {  	s7 =	sld [smem:$0x3FA9]  }
0x2d: {  	s3 =	simm.s32 $0x108;
	s8 =	sld [smem:$0x3FAA]  }
0x2e: {  	s3 =	simm.s32 @!p0 $0x1082;
	s9 =	sld [smem:$0x3FAB]  }
0x2f: {  	lr =	sadd.s32 s0, s3;
	s0 =	sld [smem:$0x3FA2]  }
0x30: {  	s3 =	sld [smem:$0x3FA5]  }
0x31: {  	[smem:$0x3FAE] =	sst s10  }
0x32: {  	s10 =	sld [smem:$0x3FAC];
	_ =	sdelay $0x3  }
0x33: {  	p0 =	seq.s32 s10, $0x1;
	s10 =	sld [smem:$0x3FAE];
	_ =	sdelay $0x3  }
0x34: {  	[smem:$0x3FAE] =	sst s10  }
0x35: {  	s10 =	sld [smem:$0x3FAD];
	_ =	sdelay $0x3  }
0x36: {  	p1 =	seq.s32 s10, $0x1;
	s10 =	sld [smem:$0x3FAE];
	_ =	sdelay $0x3  }
0x37: {  	[smem:$0x3FAE] =	sst s10  }
0x38: {  	s10 =	sld [smem:$0x3FAF]  }
0x39: {  	_ = 	snop;
	(pc) =	sbr.ind lr, $3  }
0x3a: {  	_ = 	snop  }
0x3b: {  	_ = 	snop  }
0x3c: {  	p2 =	seq.s32 s10, $0x1;
	s10 =	sld [smem:$0x3FAE]  }
0x3d: {  	_ =	shalt  }
0x3e: {  	_ =	shalt  }
0x3f: {  	_ =	shalt  }
0x40: {  	_ =	shalt  }
0x41: {  	_ =	shalt  }
0x42: {  	_ =	shalt  }
0x43: {  	_ =	shalt  }
0x44: {  	_ =	shalt  }
0x45: {  	_ =	shalt  }
0x46: {  	_ =	shalt  }
0x47: {  	_ =	shalt  }
0x48: {  	_ =	shalt  }
0x49: {  	_ =	shalt  }
0x4a: {  	_ =	shalt  }
0x4b: {  	_ =	shalt  }
0x4c: {  	_ =	shalt  }
0x4d: {  	_ =	shalt  }
0x4e: {  	_ =	shalt  }
0x4f: {  	_ =	shalt  }
0x50: {  	_ =	shalt  }
0x51: {  	_ =	shalt  }
0x52: {  	_ =	shalt  }
0x53: {  	_ =	shalt  }
0x54: {  	_ =	shalt  }
0x55: {  	_ =	shalt  }
0x56: {  	_ =	shalt  }
0x57: {  	_ =	shalt  }
0x58: {  	_ =	shalt  }
0x59: {  	_ =	shalt  }
0x5a: {  	_ =	shalt  }
0x5b: {  	_ =	shalt  }
0x5c: {  	_ =	shalt  }
0x5d: {  	_ =	shalt  }
0x5e: {  	_ =	shalt  }
0x5f: {  	_ =	shalt  }
0x60: {  	_ =	shalt  }
0x61: {  	_ =	shalt  }
0x62: {  	_ =	shalt  }
0x63: {  	_ =	shalt  }
0x64: {  	_ =	shalt  }
0x65: {  	_ =	shalt  }
0x66: {  	_ =	shalt  }
0x67: {  	_ =	shalt  }
0x68: {  	_ =	shalt  }
0x69: {  	_ =	shalt  }
0x6a: {  	_ =	shalt  }
0x6b: {  	_ =	shalt  }
0x6c: {  	_ =	shalt  }
0x6d: {  	_ =	shalt  }
0x6e: {  	_ =	shalt  }
0x6f: {  	_ =	shalt  }
0x70: {  	_ =	shalt  }
0x71: {  	_ =	shalt  }
0x72: {  	_ =	shalt  }
0x73: {  	_ =	shalt  }
0x74: {  	_ =	shalt  }
0x75: {  	_ =	shalt  }
0x76: {  	_ =	shalt  }
0x77: {  	_ =	shalt  }
0x78: {  	_ =	shalt  }
0x79: {  	_ =	shalt  }
0x7a: {  	_ =	shalt  }
0x7b: {  	_ =	shalt  }
0x7c: {  	_ =	shalt  }
0x7d: {  	_ =	shalt  }
0x7e: {  	_ =	shalt  }
0x7f: {  	_ =	shalt  }
0x80: {  	_ =	shalt  }
0x81: {  	_ =	shalt  }
0x82: {  	_ =	shalt  }
0x83: {  	_ =	shalt  }
0x84: {  	_ =	shalt  }
0x85: {  	_ =	shalt  }
0x86: {  	_ =	shalt  }
0x87: {  	_ =	shalt  }
.Lfunc_end0:
.L_simem_size_0:
called_computation_lowered:
.L_overlay_start_0:
0x88: {  	s2 =	sld [smem:$0x3FD9]  }
0x89: {  	s3 =	sld [smem:$0x3FFE];
	_ =	sdelay $0x1  }
0x8a: {  	s1 =	srdreg.scid  }
0x8b: {  	s0 =	sand.u32 $0x1, s1  }
0x8c: {  	s16 =	sshll.u32 s0, $0xA;
	s2 =	sadd.s32 s3, s2  }
0x8d: {  	s2 =	sadd.s32 s2, s16  }
0x8e: {  	[smem:$0x3FBA] =	sst s2  }
0x8f: {  	_ = 	snop  }
0x90: {  	(tm) =	ssettm $0x1  }
0x91: {  	s17 =	sld [smem:$0x3FFB];
	_ =	sdelay $0x3  }
0x92: {  	_ =	strace s17  }
0x93: {  	s2 =	sld [smem:$0x3FFC];
	_ =	sdelay $0x3  }
0x94: {  	_ =	strace s2  }
0x95: {  	s2 =	sld [smem:$0x3FFD];
	_ =	sdelay $0x3  }
0x96: {  	_ =	strace s2  }
0x97: {  	_ =	strace $0x8FFFFFFF  }
0x98: {  	s18 =	sld [smem:$0x3FDB];
	_ =	sdelay $0x1  }
0x99: {  	s19 =	simm.s32 $_scs_section_size  }
0x9a: {  	s4 =	simm.s32 $_size__tile_overlayer_lowered;
	s5 =	simm.s32 $_tile_overlayer_lowered  }
0x9b: {  	s22 =	simm.s32 $0x1BFF;
	s21 =	sshll.u32 s5, $0x1;
	s2 =	sadd.s32 s19, s18  }
0x9c: {  	s6 =	simm.s32 $0x0;
	s20 =	sshll.u32 s4, $0x1;
	s4 =	sadd.s32 s21, s2  }
0x9d: {  	[timem:s6], [sflag:s22] =	dma.local [hbm:s4], s20  }
0x9e: {  	_ =	swait.ge [sflag:s22], s20  }
0x9f: {  	s3 =	ssub.s32 $0x0, s20;
	[sflag:s22] =	ssyncset.done $0x0  }
0xa0: {  	[sflag:s22] =	ssyncadd.s32 s3;
	_ =	sdelay $0x1  }
0xa1: {  	s23 =	simm.s32 $0x1B8B  }
0xa2: {  	_ =	swait.ge [sflag:s23], $0x1  }
0xa3: {  	[sflag:s23] =	ssyncset.done $0x0  }
0xa4: {  	s25 =	simm.s32 $0x1B8E;
	s24 =	sld [smem:$0x3FFE];
	[sflag:s23] =	ssyncadd.s32 $0xFFFFFFFF  }
0xa5: {  	s26 =	simm.s32 $execute0_lowered;
	[smem:$0x3FD2] =	sst s25  }
0xa6: {  	s4 =	sshll.u32 s26, $0x1;
	_ =	strace $0x80000046;
	[dreg:$0x1] =	wrdreg $0xFFFFFFFF  }
0xa7: {  	s28 =	simm.s32 $_size_execute0_lowered;
	s2 =	sadd.s32 s2, s4;
	[dreg:$0x0] =	wrdreg $0x0  }
0xa8: {  	s4 =	sshll.u32 s28, $0x1;
	[dreg:$0x2] =	wrdreg s2  }
0xa9: {  	[dreg:$0x3] =	wrdreg s4  }
0xaa: {  	[dreg:$0x4] =	wrdreg $0xC0  }
0xab: {  	_ =	task [dreg:s6], $0x5FFFF  }
0xac: {  	[dreg:$0x1] =	wrdreg $0xFFFFFFFF  }
0xad: {  	[dreg:$0x0] =	wrdreg $0x60  }
0xae: {  	[dreg:$0x2] =	wrdreg s24  }
0xaf: {  	[dreg:$0x3] =	wrdreg $0x0  }
0xb0: {  	[dreg:$0x4] =	wrdreg $0x9  }
0xb1: {  	_ =	task.clear_ibuf [dreg:s6], $0x5FFFF;
	_ =	strace $0x90000046  }
0xb2: {  	s29 =	simm.s32 $0x9;
	_ =	strace $0x80000048  }
0xb3: {  	_ =	swait.ge [sflag:s29], $0x1  }
0xb4: {  	[sflag:s29] =	ssyncadd.s32 $0xFFFFFFFF  }
0xb5: {  	_ =	strace $0x90000048  }
0xb6: {  	_ =	sfence  }
0xb7: {  	s30 =	sld [smem:$0x0];
	_ =	sdelay $0x2  }
0xb8: {  	s31 =	sshll.u32 s1, $0xD;
	s1 =	sshrl.u32 s1, $0x2  }
0xb9: {  	s3 =	sand.u32 $0x4000, s31;
	s1 =	sadd.s32 s1, s30  }
0xba: {  	s0 =	sor.u32 s3, s0;
	s1 =	sshll.u32 s1, $0x11  }
0xbb: {  	s0 =	sor.u32 s1, s0  }
0xbc: {  	s0 =	sadd.s32 $0x8F2B, s0  }
0xbd: {  	[sflag:s0] =	ssyncadd.remote.s32 $0x1  }
0xbe: {  	_ =	sfence.sel $0xFFFF  }
0xbf: {  	[dreg:$0x0] =	wrdreg $0xFFFFFFFF;
	(pc) =	sbr.abs _section_cstart, $3  }
0xc0: {  	[dreg:$0x1] =	wrdreg $0xFFFFFFFF  }
0xc1: {  	_ =	task.clear_ibuf [dreg:s6], $0x2FFFF;
	_ =	strace $0x9FFFFFFF  }
0xc2: {  	(tm) =	ssettm $0x7FFFFFFF  }
0xc3: {  	_ =	shalt  }
tec
execute0_lowered:
.L_overlay_start_1:
0x0: {  	(tag) =	ssettag $0x1  }
0x1: {  	s0 =	srdreg.scid  }
0x2: {  	s4 =	stileid.u32;
	s3 =	rddreg [dreg:$0x0]  }
0x3: {  	s2 =	rddreg [dreg:$0x1];
	s6 =	simm.s32 $0x0;
	s13 =	simm.s32 $0x50  }
0x4: {  	s14 =	simm.s32 $0x9C40;
	s16 =	simm.s32 $0xA640;
	s18 =	simm.s32 $0xB040  }
0x5: {  	s20 =	simm.s32 $0xBA40;
	s22 =	simm.s32 $0xC440;
	s29 =	simm.s32 $0xE240  }
0x6: {  	s31 =	simm.s32 $0x9;
	s15 =	simm.s32 $0x2;
	s17 =	simm.s32 $0x3  }
0x7: {  	s19 =	simm.s32 $0x4;
	s21 =	simm.s32 $0x5;
	s28 =	simm.s32 $0x8  }
0x8: {  	s30 =	simm.s32 $0xB;
	s11 =	simm.s32 $0x10;
	s10 =	simm.s32 $0x0  }
0x9: {  	s0 =	sand.u32 $0x1, s0;
	s5 =	smul.u32 $0x9C40, s4;
	[smem:$0x7FF] =	sst s6  }
0xa: {  	s1 =	sshll.u32 s0, $0x4;
	s23 =	smul.u32 $0x9C400, s0;
	_ =	strace $0x80000047  }
0xb: {  	s0 =	ssub.s32 $0x2, s0;
	s1 =	sor.u32 s4, s1;
	s4 =	sadd.s32 $0x2600, s3  }
0xc: {  	s7 =	sshrl.u32 s0, $0x1;
	s24 =	sshrl.u32 s5, $0x1;
	s1 =	smul.u32 $0x2710, s1  }
0xd: {  	s6 =	sadd.s32 s5, s23;
	s0 =	ssub.s32 s0, s7;
	s5 =	sshrl.u32 s5, $0x4  }
0xe: {  	s23 =	simm.s32 $0x6;
	s7 =	simm.s32 $0xF;
	s5 =	sadd.s32 s4, s5  }
0xf: {  	s6 =	sshrl.u32 s6, $0x4;
	s0 =	smax.u32 s0, $0x1;
	[dreg:$0x5] =	wrdreg s5  }
0x10: {  	s1 =	sshrl.u32 s1, $0x3;
	[dreg:$0x8] =	wrdreg s0;
	s0 =	simm.s32 $0x1  }
0x11: {  	s1 =	sadd.s32 s1, s3;
	s3 =	sadd.s32 s6, s3;
	s6 =	sadd.s32 s24, s2  }
.Ltmp0:
0x12: {  	s25 =	sadd.s32 $0xC400, s1;
	[dreg:$0x4] =	wrdreg s6;
	(pc) =	sbr.rel .LBB2_1-.Ltmp0, $4  }
0x13: {  	s5 =	simm.s32 $0xD;
	s1 =	sadd.s32 $0x16040, s1;
	[dreg:$0x3] =	wrdreg s25  }
0x14: {  	s24 =	simm.s32 $0xCE40;
	s26 =	sadd.s32 $0x1FE00, s3;
	[dreg:$0x6] =	wrdreg s1  }
0x15: {  	s3 =	simm.s32 $0xC;
	s6 =	simm.s32 $0xE;
	[dreg:$0x7] =	wrdreg s26  }
0x16: {  	s26 =	simm.s32 $0xD840;
	s1 =	simm.s32 $0xA;
	s25 =	simm.s32 $0x7  }
.LBB2_4:
0x17: {  	_ =	swait.ge [sflag:s7], $0xA00  }
0x18: {  	[sflag:s7] =	ssyncset.done $0x0  }
0x19: {  	[sflag:s7] =	ssyncadd.s32 $0xFFFFF600  }
0x1a: {  	_ =	swait.ge [sflag:s11], $0xA00  }
0x1b: {  	[sflag:s11] =	ssyncset.done $0x0  }
0x1c: {  	[sflag:s11] =	ssyncadd.s32 $0xFFFFF600  }
0x1d: {  	_ =	swait.ge [sflag:s0], $0xA00  }
0x1e: {  	[sflag:s0] =	ssyncset.done $0x0  }
0x1f: {  	s8 =	simm.s32 $0x9AB0;
	[sflag:s0] =	ssyncadd.s32 $0xFFFFF600  }
0x20: {  	[spmem:s2] =	stream.indirect.scatter.add.bf16 [tilespmem:s14], [sflag:$0x9], $0x20, s8, s13, $0xb8;
	[tilespmem:$0xEC40] =	vst v63  }
0x21: {  	_ =	swait.ge [sflag:s15], $0xA00  }
0x22: {  	[sflag:s15] =	ssyncset.done $0x0  }
0x23: {  	s9 =	simm.s32 $0x9B00;
	[sflag:s15] =	ssyncadd.s32 $0xFFFFF600  }
0x24: {  	[spmem:s2] =	stream.indirect.scatter.add.bf16 [tilespmem:s16], [sflag:$0xA], $0x20, s9, s13, $0xb8;
	[tilespmem:$0xEC40] =	vst v63  }
0x25: {  	_ =	swait.ge [sflag:s17], $0xA00  }
0x26: {  	[sflag:s17] =	ssyncset.done $0x0  }
0x27: {  	s10 =	simm.s32 $0x9B50;
	[sflag:s17] =	ssyncadd.s32 $0xFFFFF600  }
0x28: {  	[spmem:s2] =	stream.indirect.scatter.add.bf16 [tilespmem:s18], [sflag:$0xB], $0x20, s10, s13, $0xb8;
	[tilespmem:$0xEC40] =	vst v63  }
0x29: {  	_ =	swait.ge [sflag:s19], $0xA00  }
0x2a: {  	[sflag:s19] =	ssyncset.done $0x0  }
0x2b: {  	s12 =	simm.s32 $0x9BA0;
	[sflag:s19] =	ssyncadd.s32 $0xFFFFF600  }
0x2c: {  	[spmem:s2] =	stream.indirect.scatter.add.bf16 [tilespmem:s20], [sflag:$0xC], $0x20, s12, s13, $0xb8;
	[tilespmem:$0xEC40] =	vst v63  }
0x2d: {  	_ =	swait.ge [sflag:s21], $0xA00  }
0x2e: {  	[sflag:s21] =	ssyncset.done $0x0  }
0x2f: {  	s9 =	simm.s32 $0x9BF0;
	[sflag:s21] =	ssyncadd.s32 $0xFFFFF600  }
0x30: {  	[spmem:s2] =	stream.indirect.scatter.add.bf16 [tilespmem:s22], [sflag:$0xD], $0x20, s9, s13, $0xb8;
	[tilespmem:$0xEC40] =	vst v63  }
0x31: {  	_ =	swait.ge [sflag:s31], $0xA00  }
0x32: {  	[sflag:s31] =	ssyncset.done $0x0  }
0x33: {  	[sflag:s31] =	ssyncadd.s32 $0xFFFFF600  }
0x34: {  	_ =	swait.ge [sflag:s1], $0xA00  }
0x35: {  	[sflag:s1] =	ssyncset.done $0x0  }
0x36: {  	[sflag:s1] =	ssyncadd.s32 $0xFFFFF600  }
0x37: {  	_ =	swait.ge [sflag:s30], $0xA00  }
0x38: {  	[sflag:s30] =	ssyncset.done $0x0  }
0x39: {  	[sflag:s30] =	ssyncadd.s32 $0xFFFFF600  }
0x3a: {  	_ =	swait.ge [sflag:s3], $0xA00  }
0x3b: {  	[sflag:s3] =	ssyncset.done $0x0  }
0x3c: {  	[sflag:s3] =	ssyncadd.s32 $0xFFFFF600  }
0x3d: {  	_ =	swait.ge [sflag:s5], $0xA00  }
0x3e: {  	[sflag:s5] =	ssyncset.done $0x0  }
0x3f: {  	[sflag:s5] =	ssyncadd.s32 $0xFFFFF600  }
0x40: {  	[bflag:$0x0] =	sbarrier.arrive $0xFFFF  }
0x41: {  	s10 =	rddreg [dreg:$0xa]  }
0x42: {  	s12 =	rddreg [dreg:$0xb]  }
0x43: {  	s8 =	simm.s32 $0x11;
	s9 =	sor.u32 $0x1C11, s10;
	s10 =	rddreg [dreg:$0x7]  }
0x44: {  	[hbm:s10], [sflag:s9] =	dma.local [spmem:s12], $0x9C4  }
0x45: {  	_ =	swait.ge [sflag:s8], $0x9C4  }
0x46: {  	s9 =	rddreg [dreg:$0x9]  }
0x47: {  	s12 =	rddreg [dreg:$0x8];
	s10 =	sadd.s32 $0x1, s9  }
0x48: {  	p0 =	sne.s32 s10, s12  }
.Ltmp1:
0x49: {  	_ = 	snop;
	(pc) =	sbr.rel @!p0 .LBB2_5-.Ltmp1, $3  }
0x4a: {  	_ =	sdelay $0x1  }
0x4b: {  	[sflag:s8] =	ssyncset.done $0x0  }
0x4c: {  	[sflag:s8] =	ssyncadd.s32 $0xFFFFF63C  }
.LBB2_1:
0x4d: {  	[dreg:$0x9] =	wrdreg s10;
	s8 =	simm.s32 $0x11  }
0x4e: {  	s10 =	simm.s32 $0x0;
	s9 =	rddreg [dreg:$0x3];
	s12 =	simm.s32 $0x4E20  }
0x4f: {  	[tilespmem:s12], [sflag:$0x11] =	stream.linear.gather [hbm4b:s9+s10], $0x2710, $0x38;
	[tilespmem:$0xEC40] =	vst v63  }
0x50: {  	_ =	swait.ge [sflag:s8], $0x2710  }
0x51: {  	[sflag:s8] =	ssyncset.done $0x0  }
0x52: {  	[sflag:s8] =	ssyncadd.s32 $0xFFFFD8F0  }
0x53: {  	[tilespmem:s14], [sflag:$0x1] =	stream.indirect.gather [hbm4b:s4+s13], $0x20, s12, s13, $0xb8;
	[tilespmem:$0xEC40] =	vst v63  }
0x54: {  	s12 =	simm.s32 $0x4E70  }
0x55: {  	[tilespmem:s16], [sflag:$0x2] =	stream.indirect.gather [hbm4b:s4+s13], $0x20, s12, s13, $0xb8;
	[tilespmem:$0xEC40] =	vst v63  }
0x56: {  	s9 =	simm.s32 $0x4EC0  }
0x57: {  	[tilespmem:s18], [sflag:$0x3] =	stream.indirect.gather [hbm4b:s4+s13], $0x20, s9, s13, $0xb8;
	[tilespmem:$0xEC40] =	vst v63  }
0x58: {  	s12 =	simm.s32 $0x4F10  }
0x59: {  	[tilespmem:s20], [sflag:$0x4] =	stream.indirect.gather [hbm4b:s4+s13], $0x20, s12, s13, $0xb8;
	[tilespmem:$0xEC40] =	vst v63  }
0x5a: {  	s9 =	simm.s32 $0x4F60  }
0x5b: {  	[tilespmem:s22], [sflag:$0x5] =	stream.indirect.gather [hbm4b:s4+s13], $0x20, s9, s13, $0xb8;
	[tilespmem:$0xEC40] =	vst v63  }
0x5c: {  	s12 =	simm.s32 $0x4FB0  }
0x5d: {  	[tilespmem:s24], [sflag:$0x6] =	stream.indirect.gather [hbm4b:s4+s13], $0x20, s12, s13, $0xb8;
	[tilespmem:$0xEC40] =	vst v63  }
0x5e: {  	s9 =	simm.s32 $0x5000  }
0x5f: {  	[tilespmem:s26], [sflag:$0x7] =	stream.indirect.gather [hbm4b:s4+s13], $0x20, s9, s13, $0xb8;
	[tilespmem:$0xEC40] =	vst v63  }
0x60: {  	s8 =	stileid.u32;
	s12 =	simm.s32 $0x5050  }
0x61: {  	[tilespmem:s29], [sflag:$0x8] =	stream.indirect.gather [hbm4b:s4+s13], $0x20, s12, s13, $0xb8;
	[tilespmem:$0xEC40] =	vst v63  }
0x62: {  	s12 =	sshll.u32 s8, $0x6;
	s8 =	rddreg [dreg:$0x4]  }
0x63: {  	[dreg:$0xa] =	wrdreg s12  }
0x64: {  	s9 =	sor.u32 $0x1C09, s12;
	s8 =	sshrl.u32 s8, $0x3;
	s12 =	rddreg [dreg:$0x5]  }
0x65: {  	[dreg:$0xb] =	wrdreg s8  }
0x66: {  	[spmem:s8], [sflag:s9] =	dma.local [hbm:s12], $0x9C4  }
0x67: {  	s12 =	simm.s32 $0x7530;
	s9 =	rddreg [dreg:$0x6]  }
0x68: {  	[tilespmem:s12], [sflag:$0xA] =	stream.linear.gather [hbm4b:s9+s10], $0x2710, $0x38;
	[tilespmem:$0xEC40] =	vst v63  }
0x69: {  	_ =	swait.ge [sflag:s31], $0x9C4  }
0x6a: {  	[sflag:s31] =	ssyncset.done $0x0  }
0x6b: {  	[sflag:s31] =	ssyncadd.s32 $0xFFFFF63C  }
0x6c: {  	_ =	swait.ge [sflag:s1], $0x2710  }
0x6d: {  	[sflag:s1] =	ssyncset.done $0x0  }
0x6e: {  	[sflag:s1] =	ssyncadd.s32 $0xFFFFD8F0  }
0x6f: {  	s12 =	simm.s32 $0x0;
	[bflag:$0x0] =	sbarrier.arrive $0xFFFF  }
.LBB2_2:
0x70: {  	_ =	swait.ge [sflag:s0], $0xA00  }
0x71: {  	s9 =	sshra.s32 s12, $0x2;
	[sflag:s0] =	ssyncset.done $0x0  }
0x72: {  	s10 =	sadd.s32 $0x7530, s9;
	[sflag:s0] =	ssyncadd.s32 $0xFFFFF600  }
0x73: {  	[spmem:s2] =	stream.indirect.scatter.add.bf16 [tilespmem:s14], [sflag:$0x9], $0x20, s10, s13, $0xb8;
	[tilespmem:$0xEC40] =	vst v63  }
0x74: {  	_ =	swait.ge [sflag:s15], $0xA00  }
0x75: {  	[sflag:s15] =	ssyncset.done $0x0  }
0x76: {  	s8 =	sadd.s32 $0x7580, s9;
	[sflag:s15] =	ssyncadd.s32 $0xFFFFF600  }
0x77: {  	[spmem:s2] =	stream.indirect.scatter.add.bf16 [tilespmem:s16], [sflag:$0xA], $0x20, s8, s13, $0xb8;
	[tilespmem:$0xEC40] =	vst v63  }
0x78: {  	_ =	swait.ge [sflag:s17], $0xA00  }
0x79: {  	[sflag:s17] =	ssyncset.done $0x0  }
0x7a: {  	s8 =	sadd.s32 $0x75D0, s9;
	[sflag:s17] =	ssyncadd.s32 $0xFFFFF600  }
0x7b: {  	[spmem:s2] =	stream.indirect.scatter.add.bf16 [tilespmem:s18], [sflag:$0xB], $0x20, s8, s13, $0xb8;
	[tilespmem:$0xEC40] =	vst v63  }
0x7c: {  	_ =	swait.ge [sflag:s19], $0xA00  }
0x7d: {  	[sflag:s19] =	ssyncset.done $0x0  }
0x7e: {  	s8 =	sadd.s32 $0x7620, s9;
	[sflag:s19] =	ssyncadd.s32 $0xFFFFF600  }
0x7f: {  	[spmem:s2] =	stream.indirect.scatter.add.bf16 [tilespmem:s20], [sflag:$0xC], $0x20, s8, s13, $0xb8;
	[tilespmem:$0xEC40] =	vst v63  }
0x80: {  	_ =	swait.ge [sflag:s21], $0xA00  }
0x81: {  	[sflag:s21] =	ssyncset.done $0x0  }
0x82: {  	s8 =	sadd.s32 $0x7670, s9;
	[sflag:s21] =	ssyncadd.s32 $0xFFFFF600  }
0x83: {  	[spmem:s2] =	stream.indirect.scatter.add.bf16 [tilespmem:s22], [sflag:$0xD], $0x20, s8, s13, $0xb8;
	[tilespmem:$0xEC40] =	vst v63  }
0x84: {  	_ =	swait.ge [sflag:s23], $0xA00  }
0x85: {  	[sflag:s23] =	ssyncset.done $0x0  }
0x86: {  	s8 =	sadd.s32 $0x76C0, s9;
	[sflag:s23] =	ssyncadd.s32 $0xFFFFF600  }
0x87: {  	[spmem:s2] =	stream.indirect.scatter.add.bf16 [tilespmem:s24], [sflag:$0xE], $0x20, s8, s13, $0xb8;
	[tilespmem:$0xEC40] =	vst v63  }
0x88: {  	_ =	swait.ge [sflag:s25], $0xA00  }
0x89: {  	[sflag:s25] =	ssyncset.done $0x0  }
0x8a: {  	s8 =	sadd.s32 $0x7710, s9;
	[sflag:s25] =	ssyncadd.s32 $0xFFFFF600  }
0x8b: {  	[spmem:s2] =	stream.indirect.scatter.add.bf16 [tilespmem:s26], [sflag:$0xF], $0x20, s8, s13, $0xb8;
	[tilespmem:$0xEC40] =	vst v63  }
0x8c: {  	_ =	swait.ge [sflag:s28], $0xA00  }
0x8d: {  	[sflag:s28] =	ssyncset.done $0x0  }
0x8e: {  	s8 =	sadd.s32 $0x7760, s9;
	[sflag:s28] =	ssyncadd.s32 $0xFFFFF600  }
0x8f: {  	[spmem:s2] =	stream.indirect.scatter.add.bf16 [tilespmem:s29], [sflag:$0x10], $0x20, s8, s13, $0xb8;
	[tilespmem:$0xEC40] =	vst v63  }
0x90: {  	_ =	swait.ge [sflag:s31], $0xA00  }
0x91: {  	[sflag:s31] =	ssyncset.done $0x0  }
0x92: {  	s8 =	sadd.s32 $0x50A0, s9;
	[sflag:s31] =	ssyncadd.s32 $0xFFFFF600  }
0x93: {  	[tilespmem:s14], [sflag:$0x1] =	stream.indirect.gather [hbm4b:s4+s13], $0x20, s8, s13, $0xb8;
	[tilespmem:$0xEC40] =	vst v63  }
0x94: {  	_ =	swait.ge [sflag:s1], $0xA00  }
0x95: {  	[sflag:s1] =	ssyncset.done $0x0  }
0x96: {  	s8 =	sadd.s32 $0x50F0, s9;
	[sflag:s1] =	ssyncadd.s32 $0xFFFFF600  }
0x97: {  	[tilespmem:s16], [sflag:$0x2] =	stream.indirect.gather [hbm4b:s4+s13], $0x20, s8, s13, $0xb8;
	[tilespmem:$0xEC40] =	vst v63  }
0x98: {  	_ =	swait.ge [sflag:s30], $0xA00  }
0x99: {  	[sflag:s30] =	ssyncset.done $0x0  }
0x9a: {  	s8 =	sadd.s32 $0x5140, s9;
	[sflag:s30] =	ssyncadd.s32 $0xFFFFF600  }
0x9b: {  	[tilespmem:s18], [sflag:$0x3] =	stream.indirect.gather [hbm4b:s4+s13], $0x20, s8, s13, $0xb8;
	[tilespmem:$0xEC40] =	vst v63  }
0x9c: {  	_ =	swait.ge [sflag:s3], $0xA00  }
0x9d: {  	[sflag:s3] =	ssyncset.done $0x0  }
0x9e: {  	s8 =	sadd.s32 $0x5190, s9;
	[sflag:s3] =	ssyncadd.s32 $0xFFFFF600  }
0x9f: {  	[tilespmem:s20], [sflag:$0x4] =	stream.indirect.gather [hbm4b:s4+s13], $0x20, s8, s13, $0xb8;
	[tilespmem:$0xEC40] =	vst v63  }
0xa0: {  	_ =	swait.ge [sflag:s5], $0xA00  }
0xa1: {  	p0 =	seq.s32 s12, $0x8C00;
	[sflag:s5] =	ssyncset.done $0x0  }
.Ltmp2:
0xa2: {  	s8 =	sadd.s32 $0x51E0, s9;
	[sflag:s5] =	ssyncadd.s32 $0xFFFFF600;
	(pc) =	sbr.rel @p0 .LBB2_4-.Ltmp2, $4  }
0xa3: {  	[tilespmem:s22], [sflag:$0x5] =	stream.indirect.gather [hbm4b:s4+s13], $0x20, s8, s13, $0xb8;
	[tilespmem:$0xEC40] =	vst v63  }
0xa4: {  	_ =	swait.ge [sflag:s6], $0xA00  }
0xa5: {  	[sflag:s6] =	ssyncset.done $0x0  }
0xa6: {  	[sflag:s6] =	ssyncadd.s32 $0xFFFFF600  }
0xa7: {  	s10 =	sadd.s32 $0x5230, s9  }
0xa8: {  	[tilespmem:s24], [sflag:$0x6] =	stream.indirect.gather [hbm4b:s4+s13], $0x20, s10, s13, $0xb8;
	[tilespmem:$0xEC40] =	vst v63  }
0xa9: {  	_ =	swait.ge [sflag:s7], $0xA00  }
0xaa: {  	[sflag:s7] =	ssyncset.done $0x0  }
0xab: {  	s8 =	sadd.s32 $0x5280, s9;
	[sflag:s7] =	ssyncadd.s32 $0xFFFFF600  }
0xac: {  	[tilespmem:s26], [sflag:$0x7] =	stream.indirect.gather [hbm4b:s4+s13], $0x20, s8, s13, $0xb8;
	[tilespmem:$0xEC40] =	vst v63  }
.Ltmp3:
0xad: {  	_ = 	snop;
	(pc) =	sbr.rel .LBB2_2-.Ltmp3, $4  }
0xae: {  	_ =	swait.ge [sflag:s11], $0xA00  }
0xaf: {  	[sflag:s11] =	ssyncset.done $0x0  }
0xb0: {  	s12 =	sadd.s32 $0xA00, s12;
	s10 =	sadd.s32 $0x52D0, s9;
	[sflag:s11] =	ssyncadd.s32 $0xFFFFF600  }
0xb1: {  	[tilespmem:s29], [sflag:$0x8] =	stream.indirect.gather [hbm4b:s4+s13], $0x20, s10, s13, $0xb8;
	[tilespmem:$0xEC40] =	vst v63  }
.LBB2_5:
0xb2: {  	_ =	sfence.sel $0x180000  }
0xb3: {  	[bflag:$0x0] =	sbarrier.arrive $0xFFFF  }
0xb4: {  	_ =	strace $0x90000047  }
0xb5: {  	s0 =	stileid.u32;
	[bflag:$0x2] =	sbarrier.arrive $0xFFFF  }
0xb6: {  	p0 =	sne.s32 s0, $0x0;
	s0 =	rddreg [dreg:$0x2]  }
0xb7: {  	s0 =	sadd.s32 @!p0 $0x100000, s0  }
0xb8: {  	[sflag:s0] =	ssyncadd.tile.s32 @!p0 $0x1;
	_ =	shalt  }
.Lfunc_end2:
_tile_overlayer_lowered:
.L_overlay_start_2:
0xb9: {  	(tag) =	ssettag $0x2  }
0xba: {  	s0 =	rddreg [dreg:$0x0];
	s2 =	stileid.u32  }
0xbb: {  	s1 =	rddreg [dreg:$0x1];
	p0 =	sne.s32 s2, $0x0  }
0xbc: {  	s3 =	rddreg [dreg:$0x2];
	[bflag:$0x3] =	sbarrier.arrive $0xFFFF;
	s2 =	simm.s32 @!p0 $0x1C11  }
0xbd: {  	[timem:s3], [sflag:s2] =	dma.local @!p0 [hbm:s0], s1  }
0xbe: {  	s0 =	simm.s32 @!p0 $0x11  }
0xbf: {  	_ =	swait.ge @!p0 [sflag:s0], s1  }
0xc0: {  	s1 =	ssub.s32 @!p0 $0x0, s1;
	[sflag:s0] =	ssyncset.done @!p0 $0x0  }
0xc1: {  	[sflag:s0] =	ssyncadd.s32 @!p0 s1  }
0xc2: {  	[bflag:$0x3] =	sbarrier.arrive $0xFFFF  }
0xc3: {  	_ =	shalt  }

</sc_bundles>
